<compile_context>
chip_gen: v7x
topology: tpu7x:2x2x1
jax: 0.10.2.dev20260603
libtpu: 0.0.44.dev20260713+nightly
codegen_flags: <defaults>
</compile_context>

<pallas_src>
import functools

import jax
import jax.numpy as jnp
from jax import lax
from jax.experimental import pallas as pl
from jax.experimental.pallas import tpu as pltpu
from jax.experimental.pallas import tpu_sc as plsc

N_NODES = 10000
N_EDGES = 320000
C_IN = 128
C_OUT = 128
HALF = 64

NUM_TILES = 16
NPAD = 10240
ROWS_PER_TILE = NPAD // NUM_TILES
EDGES_PER_TILE = N_EDGES // NUM_TILES
CHUNK = 80
NCHUNKS = EDGES_PER_TILE // CHUNK

_mesh = plsc.VectorSubcoreMesh(core_axis_name="c", subcore_axis_name="s")


@functools.partial(
    pl.kernel,
    mesh=_mesh,
    out_type=jax.ShapeDtypeStruct((2 * NPAD,), jnp.float32),
    scratch_types=[
        pltpu.VMEM_SHARED((NPAD,), jnp.float32),
        pltpu.VMEM((ROWS_PER_TILE,), jnp.float32),
        pltpu.VMEM((EDGES_PER_TILE,), jnp.int32),
        pltpu.VMEM((2, CHUNK), jnp.int32),
        pltpu.VMEM((CHUNK,), jnp.float32),
        pltpu.SemaphoreType.DMA,
        pltpu.SemaphoreType.DMA,
    ],
)
def _degrees_sc(ei_hbm, deg_hbm, deg_sh, zbuf, slab, win, ones,
                sem0, sem1):
    c = lax.axis_index("c")
    s = lax.axis_index("s")
    sems = (sem0, sem1)
    zero16 = jnp.zeros((16,), jnp.float32)
    one16 = jnp.ones((16,), jnp.float32)

    def _fill_z(i, carry):
        zbuf[pl.ds(i * 16, 16)] = zero16
        return carry
    lax.fori_loop(0, ROWS_PER_TILE // 16, _fill_z, 0)
    for j in range(CHUNK // 16):
        ones[pl.ds(j * 16, 16)] = one16

    pltpu.sync_copy(zbuf, deg_sh.at[pl.ds(s * ROWS_PER_TILE, ROWS_PER_TILE)])
    plsc.subcore_barrier()

    pltpu.sync_copy(
        ei_hbm.at[pl.ds(c * N_EDGES + s * EDGES_PER_TILE, EDGES_PER_TILE)],
        slab)

    def _fill_win(k, b):
        lo = k * CHUNK
        for j in range(CHUNK // 16):
            win[b, pl.ds(j * 16, 16)] = slab[pl.ds(lo + j * 16, 16)]

    def _issue(b):
        pltpu.async_copy(ones, deg_sh.at[win.at[b]], sems[b], add=True)

    def _wait(b):
        pltpu.make_async_copy(ones, deg_sh.at[win.at[b]], sems[b]).wait()

    for b in range(2):
        _fill_win(b, b)
        _issue(b)

    def _pair(p, carry):
        for b in range(2):
            k = 2 * p + b
            _wait(b)
            _fill_win(k, b)
            _issue(b)
        return carry
    lax.fori_loop(1, NCHUNKS // 2, _pair, 0)
    for b in range(2):
        _wait(b)

    plsc.subcore_barrier()
    pltpu.sync_copy(
        deg_sh.at[pl.ds(s * ROWS_PER_TILE, ROWS_PER_TILE)],
        deg_hbm.at[pl.ds(c * NPAD + s * ROWS_PER_TILE, ROWS_PER_TILE)])


def _h_body(x_ref, dout_ref, h_ref):
    d = dout_ref[...]
    norm = jnp.where(d > 0.0, lax.rsqrt(jnp.maximum(d, 1e-30)), 0.0)
    h_ref[...] = x_ref[...] * norm


def _h_tc(x, deg_out_col):
    bn = 2000
    return pl.pallas_call(
        _h_body,
        grid=(N_NODES // bn,),
        in_specs=[
            pl.BlockSpec((bn, C_IN), lambda i: (i, 0)),
            pl.BlockSpec((bn, 1), lambda i: (i, 0)),
        ],
        out_specs=pl.BlockSpec((bn, C_IN), lambda i: (i, 0)),
        out_shape=jax.ShapeDtypeStruct((N_NODES, C_IN), jnp.float32),
    )(x, deg_out_col)


CK = 64
EPT_SM = 19968
NC_SM = EPT_SM // CK
NC_BG = (N_EDGES - 15 * EPT_SM) // CK
NACC = 10112
ACC_ROWS_PER_TILE = NACC // NUM_TILES


@functools.partial(
    pl.kernel,
    mesh=_mesh,
    out_type=jax.ShapeDtypeStruct((2, NACC, C_IN), jnp.float32),
    scratch_types=[
        pltpu.VMEM_SHARED((NACC, C_IN), jnp.float32),
        pltpu.VMEM((2, CK), jnp.int32),
        pltpu.VMEM((2, CK), jnp.int32),
        pltpu.VMEM((2, CK), jnp.int32),
        pltpu.VMEM((2, CK, C_IN), jnp.float32),
        pltpu.VMEM((2, CK, C_IN), jnp.float32),
        pltpu.VMEM((2, CK, C_IN), jnp.float32),
        pltpu.SemaphoreType.DMA,
        pltpu.SemaphoreType.DMA,
        pltpu.SemaphoreType.DMA,
        pltpu.SemaphoreType.DMA,
        pltpu.SemaphoreType.DMA,
        pltpu.SemaphoreType.DMA,
        pltpu.SemaphoreType.DMA,
        pltpu.SemaphoreType.DMA,
    ],
)
def _aggregate_sc(ei_hbm, nz_hbm, h_hbm, acc_hbm,
                  acc_sh, swin, dwin, sidx, nz_buf, h_buf, stage,
                  sem_i0, sem_i1, sem_n0, sem_n1, sem_h0, sem_h1,
                  sem_s0, sem_s1):
    c = lax.axis_index("c")
    s = lax.axis_index("s")
    sem_i = (sem_i0, sem_i1)
    sem_n = (sem_n0, sem_n1)
    sem_h = (sem_h0, sem_h1)
    sem_s = (sem_s0, sem_s1)
    zero16 = jnp.zeros((16,), jnp.float32)
    coff = c * HALF
    tile_base = s * EPT_SM
    nc = jnp.where(s == NUM_TILES - 1, NC_BG, NC_SM)

    def _fill_z(i, carry):
        for u in range(C_IN // 16):
            stage[0, i, pl.ds(u * 16, 16)] = zero16
        return carry
    lax.fori_loop(0, CK, _fill_z, 0)
    arow = s * ACC_ROWS_PER_TILE
    for r in range(ACC_ROWS_PER_TILE // CK):
        pltpu.sync_copy(stage.at[0],
                        acc_sh.at[pl.ds(arow + r * CK, CK), :])
    rem = ACC_ROWS_PER_TILE % CK
    pltpu.sync_copy(
        stage.at[0, pl.ds(0, rem), :],
        acc_sh.at[pl.ds(arow + ACC_ROWS_PER_TILE - rem, rem), :])
    plsc.subcore_barrier()

    def _issue_idx(k, b):
        lo = tile_base + k * CK
        pltpu.async_copy(ei_hbm.at[pl.ds(lo, CK)], swin.at[b], sem_i[b])
        pltpu.async_copy(ei_hbm.at[pl.ds(N_EDGES + lo, CK)], dwin.at[b],
                         sem_i[b])

    def _wait_idx(b):
        pltpu.make_async_copy(ei_hbm.at[pl.ds(0, CK)],
                              swin.at[b], sem_i[b]).wait()
        pltpu.make_async_copy(ei_hbm.at[pl.ds(0, CK)],
                              dwin.at[b], sem_i[b]).wait()

    def _issue_gathers(k, b):
        pltpu.async_copy(nz_hbm.at[pl.ds(tile_base + k * CK, CK), :],
                         nz_buf.at[b], sem_n[b])
        pltpu.async_copy(h_hbm.at[swin.at[b]], h_buf.at[b], sem_h[b])

    def _wait_gathers(b):
        pltpu.make_async_copy(nz_hbm.at[pl.ds(0, CK), :],
                              nz_buf.at[b], sem_n[b]).wait()
        pltpu.make_async_copy(h_hbm.at[swin.at[b]], h_buf.at[b],
                              sem_h[b]).wait()

    def _compute(b):
        def _edge(i, carry2):
            for u in range(HALF // 16):
                v = nz_buf[b, i, pl.ds(coff + u * 16, 16)]
                w = jnp.maximum(v + 1.0, 0.0)
                stage[b, i, pl.ds(u * 16, 16)] = w
                hv = h_buf[b, i, pl.ds(coff + u * 16, 16)]
                stage[b, i, pl.ds(HALF + u * 16, 16)] = w * hv
            return carry2
        lax.fori_loop(0, CK, _edge, 0)

    def _issue_scatter(b):
        for j in range(CK // 32):
            sidx[b, pl.ds(j * 16, 16)] = dwin[b, pl.ds(j * 16, 16)]
        pltpu.async_copy(stage.at[b, pl.ds(0, CK // 2), :],
                         acc_sh.at[sidx.at[b, pl.ds(0, CK // 2)]], sem_s[b],
                         add=True)

    def _wait_scatter(b):
        pltpu.make_async_copy(stage.at[b, pl.ds(0, CK // 2), :],
                              acc_sh.at[sidx.at[b, pl.ds(0, CK // 2)]],
                              sem_s[b]).wait()

    def _body(k, b, first):
        _wait_idx(1 - b)
        _issue_gathers(k + 1, 1 - b)
        _wait_gathers(b)
        if not first:
            _wait_scatter(b)
        _compute(b)
        _issue_scatter(b)
        _issue_idx(k + 2, b)

    _issue_idx(0, 0)
    _issue_idx(1, 1)
    _wait_idx(0)
    _issue_gathers(0, 0)
    _body(0, 0, True)
    _body(1, 1, True)

    def _pair(p, carry):
        for b in range(2):
            _body(2 * p + b, b, False)
        return carry
    lax.fori_loop(1, nc // 2 - 1, _pair, 0)

    _wait_idx(1)
    _issue_gathers(nc - 1, 1)
    _wait_gathers(0)
    _wait_scatter(0)
    _compute(0)
    _issue_scatter(0)
    _wait_gathers(1)
    _wait_scatter(1)
    _compute(1)
    _issue_scatter(1)
    _wait_scatter(0)
    _wait_scatter(1)

    plsc.subcore_barrier()
    pltpu.sync_copy(
        acc_sh.at[pl.ds(arow, ACC_ROWS_PER_TILE), :],
        acc_hbm.at[c, pl.ds(arow, ACC_ROWS_PER_TILE), :])


def _out_body(acc_ref, din_ref, w_ref, b_ref, out_ref):
    s1 = jnp.concatenate([acc_ref[0, :, :HALF], acc_ref[1, :, :HALF]], axis=1)
    s2 = jnp.concatenate([acc_ref[0, :, HALF:], acc_ref[1, :, HALF:]], axis=1)
    d = din_ref[...]
    scale = jnp.where(s1 > 0.0,
                      jnp.sqrt(d) / jnp.where(s1 > 0.0, s1, 1.0), 0.0)
    pre = scale * s2
    out_ref[...] = (
        jnp.dot(pre, w_ref[...], preferred_element_type=jnp.float32)
        + b_ref[...])


def _out_tc(acc, deg_in_col, W, b2):
    bn = 2000
    return pl.pallas_call(
        _out_body,
        grid=(N_NODES // bn,),
        in_specs=[
            pl.BlockSpec((2, bn, C_IN), lambda i: (0, i, 0)),
            pl.BlockSpec((bn, 1), lambda i: (i, 0)),
            pl.BlockSpec((C_IN, C_OUT), lambda i: (0, 0)),
            pl.BlockSpec((1, C_OUT), lambda i: (0, 0)),
        ],
        out_specs=pl.BlockSpec((bn, C_OUT), lambda i: (i, 0)),
        out_shape=jax.ShapeDtypeStruct((N_NODES, C_OUT), jnp.float32),
    )(acc, deg_in_col, W, b2)


def kernel(x, edge_index, noise, W, b):
    ei32 = edge_index.astype(jnp.int32).reshape(2 * N_EDGES)
    degs = _degrees_sc(ei32).reshape(2, NPAD)
    deg_out_col = degs[0, :N_NODES].reshape(N_NODES, 1)
    deg_in_col = degs[1, :N_NODES].reshape(N_NODES, 1)
    h2 = _h_tc(x, deg_out_col)
    acc = _aggregate_sc(ei32, noise, h2)[:, :N_NODES, :]
    return _out_tc(acc, deg_in_col, W, b.reshape(1, C_OUT))

# --- scband reference (transcript-rebuilt; emitter-appended) ---
"""Pipeline reference for scband-stag-layer-13374528159850 (READ-ONLY COPY).

The authoritative reference and input builder live on the scoring server;
editing this copy changes nothing except your own understanding.
"""

import jax, jax.numpy as jnp
import numpy as np

N_NODES = 10000
N_EDGES = 320000
C_IN = 128
C_OUT = 128


def setup_inputs(seed: int = 0) -> dict:
    key = jax.random.key(seed)
    k1, k2, k3, k4 = jax.random.split(key, 4)
    x = jax.random.normal(k1, (N_NODES, C_IN), dtype=jnp.float32)
    edge_index = jax.random.randint(k2, (2, N_EDGES), 0, N_NODES).astype(jnp.int64)
    # reparametrized noise for q_a = Normal(1.0, 1.0): sample = 1.0 + 1.0 * eps
    noise = jax.random.normal(k3, (N_EDGES, C_IN), dtype=jnp.float32)
    W = jax.random.normal(k4, (C_IN, C_OUT), dtype=jnp.float32) * (1.0 / np.sqrt(C_IN))
    b = jnp.zeros((C_OUT,), dtype=jnp.float32)
    return {"x": x, "edge_index": edge_index, "noise": noise, "W": W, "b": b}


def reference(x, edge_index, noise, W, b):
    N = x.shape[0]
    src = edge_index[0]
    dst = edge_index[1]
    ones_e = jnp.ones(src.shape, dtype=jnp.float32)
    deg_in = jax.ops.segment_sum(ones_e, dst, num_segments=N)
    deg_out = jax.ops.segment_sum(ones_e, src, num_segments=N)

    # StagLayer.rsample_noise (_rsample_noise_r1): q_a=Normal(1,1) over [E, sample_dim]
    ew = 1.0 + noise
    # relu=True
    ew = jax.nn.relu(ew)
    # norm=True -> _in_norm: rescale so per-dst-node sum of edge weights == in-degree
    cur = jax.ops.segment_sum(ew, dst, num_segments=N)  # [N, C]
    desired = deg_in[:, None]
    cur_safe = jnp.where(cur != 0.0, cur, 1.0)
    node_scaling = jnp.where(cur != 0.0, desired / cur_safe, 0.0)
    ew = ew * node_scaling[dst]

    # base_layer: GraphConv(norm='both') with per-edge (per-channel) edge_weight
    norm_src = jnp.where(deg_out > 0, deg_out ** -0.5, 0.0)
    h = x * norm_src[:, None]
    msg = h[src] * ew  # gather + elementwise edge weighting
    agg = jax.ops.segment_sum(msg, dst, num_segments=N)  # scatter-add
    norm_dst = jnp.where(deg_in > 0, deg_in ** -0.5, 0.0)
    h = agg * norm_dst[:, None]
    return h @ W + b

if __name__ == "__main__":
    import jax
    _d = setup_inputs()
    print(jax.jit(kernel)(*tuple(_d.values())))

</pallas_src>

<mosaic_0001>
#map = affine_map<(d0, d1) -> (0)>
module attributes {stable_mosaic.version = 14 : i64} {
  func.func @_degrees_sc(%arg0: i32, %arg1: i32, %arg2: memref<640000xi32, #tpu.memory_space<hbm>>, %arg3: memref<20480xf32, #tpu.memory_space<hbm>>, %arg4: memref<10240xf32, #tpu.memory_space<vmem_shared>>, %arg5: memref<640xf32, #tpu.memory_space<vmem>>, %arg6: memref<20000xi32, #tpu.memory_space<vmem>>, %arg7: memref<2x80xi32, #tpu.memory_space<vmem>>, %arg8: memref<80xf32, #tpu.memory_space<vmem>>, %arg9: memref<!tpu.dma_semaphore, #tpu.memory_space<semaphore_mem>>, %arg10: memref<!tpu.dma_semaphore, #tpu.memory_space<semaphore_mem>>) attributes {dimension_semantics = [#tpu.dimension_semantics<core_parallel>, #tpu.dimension_semantics<subcore_parallel>], iteration_bounds = array<i64: 2, 16>, scalar_prefetch = 0 : i64, scratch_operands = 7 : i64, tpu.core_type = #tpu.core_type<sc_vector_subcore>, window_params = [{transform_indices = #map}, {transform_indices = #map}]} {
    %broadcast_in_dim3A = arith.constant 0.000000e+00 : f32
    %broadcast_in_dim3A_0 = vector.broadcast %broadcast_in_dim3A : f32 to vector<16xf32>
    %broadcast_in_dim3A_1 = arith.constant 1.000000e+00 : f32
    %broadcast_in_dim3A_2 = vector.broadcast %broadcast_in_dim3A_1 : f32 to vector<16xf32>
    %scan3A = arith.constant 0 : i32
    %scan3A_3 = arith.constant 0 : i32
    %scan3A_4 = arith.constant 40 : i32
    %scan3A_5 = arith.addi %scan3A_3, %scan3A_4 : i32
    %scan3A_6 = arith.constant 1 : i32
    scf.for %scan3A_157 = %scan3A_3 to %scan3A_5 step %scan3A_6  : i32 {
      %mul3A_158 = arith.constant 16 : i32
      %mul3A_159 = arith.muli %scan3A_157, %mul3A_158 : i32
      %swap3A_160 = arith.index_cast %mul3A_159 : i32 to index
      %swap3A_161 = tpu.vector_load %arg5[%swap3A_160] {strides = array<i32>} : memref<640xf32, #tpu.memory_space<vmem>>, vector<16xf32>,
      %swap3A_162 = vector.shape_cast %swap3A_161 : vector<16xf32> to vector<16xf32>
      %swap3A_163 = vector.shape_cast %broadcast_in_dim3A_0 : vector<16xf32> to vector<16xf32>
      tpu.vector_store %arg5[%swap3A_160], %swap3A_163 {strides = array<i32>} : memref<640xf32, #tpu.memory_space<vmem>>, vector<16xf32>,
    }
    %scan3A_7 = arith.constant 40 : i32
    %swap3A = arith.constant 0 : index
    %swap3A_8 = tpu.vector_load %arg8[%swap3A] {strides = array<i32>} : memref<80xf32, #tpu.memory_space<vmem>>, vector<16xf32>,
    %swap3A_9 = vector.shape_cast %swap3A_8 : vector<16xf32> to vector<16xf32>
    %swap3A_10 = vector.shape_cast %broadcast_in_dim3A_2 : vector<16xf32> to vector<16xf32>
    tpu.vector_store %arg8[%swap3A], %swap3A_10 {strides = array<i32>} : memref<80xf32, #tpu.memory_space<vmem>>, vector<16xf32>,
    %swap3A_11 = arith.constant 16 : index
    %swap3A_12 = tpu.vector_load %arg8[%swap3A_11] {strides = array<i32>} : memref<80xf32, #tpu.memory_space<vmem>>, vector<16xf32>,
    %swap3A_13 = vector.shape_cast %swap3A_12 : vector<16xf32> to vector<16xf32>
    %swap3A_14 = vector.shape_cast %broadcast_in_dim3A_2 : vector<16xf32> to vector<16xf32>
    tpu.vector_store %arg8[%swap3A_11], %swap3A_14 {strides = array<i32>} : memref<80xf32, #tpu.memory_space<vmem>>, vector<16xf32>,
    %swap3A_15 = arith.constant 32 : index
    %swap3A_16 = tpu.vector_load %arg8[%swap3A_15] {strides = array<i32>} : memref<80xf32, #tpu.memory_space<vmem>>, vector<16xf32>,
    %swap3A_17 = vector.shape_cast %swap3A_16 : vector<16xf32> to vector<16xf32>
    %swap3A_18 = vector.shape_cast %broadcast_in_dim3A_2 : vector<16xf32> to vector<16xf32>
    tpu.vector_store %arg8[%swap3A_15], %swap3A_18 {strides = array<i32>} : memref<80xf32, #tpu.memory_space<vmem>>, vector<16xf32>,
    %swap3A_19 = arith.constant 48 : index
    %swap3A_20 = tpu.vector_load %arg8[%swap3A_19] {strides = array<i32>} : memref<80xf32, #tpu.memory_space<vmem>>, vector<16xf32>,
    %swap3A_21 = vector.shape_cast %swap3A_20 : vector<16xf32> to vector<16xf32>
    %swap3A_22 = vector.shape_cast %broadcast_in_dim3A_2 : vector<16xf32> to vector<16xf32>
    tpu.vector_store %arg8[%swap3A_19], %swap3A_22 {strides = array<i32>} : memref<80xf32, #tpu.memory_space<vmem>>, vector<16xf32>,
    %swap3A_23 = arith.constant 64 : index
    %swap3A_24 = tpu.vector_load %arg8[%swap3A_23] {strides = array<i32>} : memref<80xf32, #tpu.memory_space<vmem>>, vector<16xf32>,
    %swap3A_25 = vector.shape_cast %swap3A_24 : vector<16xf32> to vector<16xf32>
    %swap3A_26 = vector.shape_cast %broadcast_in_dim3A_2 : vector<16xf32> to vector<16xf32>
    tpu.vector_store %arg8[%swap3A_23], %swap3A_26 {strides = array<i32>} : memref<80xf32, #tpu.memory_space<vmem>>, vector<16xf32>,
    %mul3A = arith.constant 640 : i32
    %mul3A_27 = arith.muli %arg1, %mul3A : i32
    "tpu.region"() ({
      %run_scoped3A = tpu.sem_alloc : memref<!tpu.dma_semaphore, #tpu.memory_space<semaphore_mem>>
      %dma_start3A_157 = tpu.memref_slice %arg4[%mul3A_27] : memref<10240xf32, #tpu.memory_space<vmem_shared>> -> memref<640xf32, #tpu.memory_space<vmem_shared>>
      %dma_start3A_158 = tpu.memref_slice %arg4[%mul3A_27] : memref<10240xf32, #tpu.memory_space<vmem_shared>> -> memref<640xf32, #tpu.memory_space<vmem_shared>>
      tpu.enqueue_dma source(%arg5 : memref<640xf32, #tpu.memory_space<vmem>>) target(%dma_start3A_158 : memref<640xf32, #tpu.memory_space<vmem_shared>>) target_semaphore(%run_scoped3A : memref<!tpu.dma_semaphore, #tpu.memory_space<semaphore_mem>>)
      %dma_wait3A_159 = tpu.memref_slice %arg4[%mul3A_27] : memref<10240xf32, #tpu.memory_space<vmem_shared>> -> memref<640xf32, #tpu.memory_space<vmem_shared>>
      %dma_wait3A_160 = tpu.memref_slice %arg4[%mul3A_27] : memref<10240xf32, #tpu.memory_space<vmem_shared>> -> memref<640xf32, #tpu.memory_space<vmem_shared>>
      tpu.wait_dma2 semaphore(%run_scoped3A : memref<!tpu.dma_semaphore, #tpu.memory_space<semaphore_mem>>) src(%arg5 : memref<640xf32, #tpu.memory_space<vmem>>) dst(%dma_wait3A_160 : memref<640xf32, #tpu.memory_space<vmem_shared>>)
      tpu.yield
    }) : () -> ()
    %barrier3A = arith.constant 0 : index
    tpu.barrier barrier_id(%barrier3A)
    %mul3A_28 = arith.constant 320000 : i32
    %mul3A_29 = arith.muli %arg0, %mul3A_28 : i32
    %mul3A_30 = arith.constant 20000 : i32
    %mul3A_31 = arith.muli %arg1, %mul3A_30 : i32
    %add3A = arith.addi %mul3A_29, %mul3A_31 : i32
    "tpu.region"() ({
      %run_scoped3A = tpu.sem_alloc : memref<!tpu.dma_semaphore, #tpu.memory_space<semaphore_mem>>
      %dma_start3A_157 = tpu.memref_slice %arg2[%add3A] : memref<640000xi32, #tpu.memory_space<hbm>> -> memref<20000xi32, #tpu.memory_space<hbm>>
      %dma_start3A_158 = tpu.memref_slice %arg2[%add3A] : memref<640000xi32, #tpu.memory_space<hbm>> -> memref<20000xi32, #tpu.memory_space<hbm>>
      tpu.enqueue_dma source(%dma_start3A_158 : memref<20000xi32, #tpu.memory_space<hbm>>) target(%arg6 : memref<20000xi32, #tpu.memory_space<vmem>>) target_semaphore(%run_scoped3A : memref<!tpu.dma_semaphore, #tpu.memory_space<semaphore_mem>>)
      %dma_wait3A_159 = tpu.memref_slice %arg2[%add3A] : memref<640000xi32, #tpu.memory_space<hbm>> -> memref<20000xi32, #tpu.memory_space<hbm>>
      %dma_wait3A_160 = tpu.memref_slice %arg2[%add3A] : memref<640000xi32, #tpu.memory_space<hbm>> -> memref<20000xi32, #tpu.memory_space<hbm>>
      tpu.wait_dma2 semaphore(%run_scoped3A : memref<!tpu.dma_semaphore, #tpu.memory_space<semaphore_mem>>) src(%dma_wait3A_160 : memref<20000xi32, #tpu.memory_space<hbm>>) dst(%arg6 : memref<20000xi32, #tpu.memory_space<vmem>>)
      tpu.yield
    }) : () -> ()
    %get3A = arith.constant 0 : index
    %get3A_32 = tpu.vector_load %arg6[%get3A] {strides = array<i32>} : memref<20000xi32, #tpu.memory_space<vmem>>, vector<16xi32>,
    %get3A_33 = vector.shape_cast %get3A_32 : vector<16xi32> to vector<16xi32>
    %swap3A_34 = arith.constant 0 : i32
    %swap3A_35 = arith.index_cast %swap3A_34 : i32 to index
    %swap3A_36 = arith.constant 0 : index
    %swap3A_37 = tpu.vector_load %arg7[%swap3A_35, %swap3A_36] {strides = array<i32>} : memref<2x80xi32, #tpu.memory_space<vmem>>, vector<1x16xi32>,
    %swap3A_38 = vector.shape_cast %swap3A_37 : vector<1x16xi32> to vector<16xi32>
    %swap3A_39 = vector.shape_cast %get3A_33 : vector<16xi32> to vector<1x16xi32>
    tpu.vector_store %arg7[%swap3A_35, %swap3A_36], %swap3A_39 {strides = array<i32>} : memref<2x80xi32, #tpu.memory_space<vmem>>, vector<1x16xi32>,
    %get3A_40 = arith.constant 16 : index
    %get3A_41 = tpu.vector_load %arg6[%get3A_40] {strides = array<i32>} : memref<20000xi32, #tpu.memory_space<vmem>>, vector<16xi32>,
    %get3A_42 = vector.shape_cast %get3A_41 : vector<16xi32> to vector<16xi32>
    %swap3A_43 = arith.constant 0 : i32
    %swap3A_44 = arith.index_cast %swap3A_43 : i32 to index
    %swap3A_45 = arith.constant 16 : index
    %swap3A_46 = tpu.vector_load %arg7[%swap3A_44, %swap3A_45] {strides = array<i32>} : memref<2x80xi32, #tpu.memory_space<vmem>>, vector<1x16xi32>,
    %swap3A_47 = vector.shape_cast %swap3A_46 : vector<1x16xi32> to vector<16xi32>
    %swap3A_48 = vector.shape_cast %get3A_42 : vector<16xi32> to vector<1x16xi32>
    tpu.vector_store %arg7[%swap3A_44, %swap3A_45], %swap3A_48 {strides = array<i32>} : memref<2x80xi32, #tpu.memory_space<vmem>>, vector<1x16xi32>,
    %get3A_49 = arith.constant 32 : index
    %get3A_50 = tpu.vector_load %arg6[%get3A_49] {strides = array<i32>} : memref<20000xi32, #tpu.memory_space<vmem>>, vector<16xi32>,
    %get3A_51 = vector.shape_cast %get3A_50 : vector<16xi32> to vector<16xi32>
    %swap3A_52 = arith.constant 0 : i32
    %swap3A_53 = arith.index_cast %swap3A_52 : i32 to index
    %swap3A_54 = arith.constant 32 : index
    %swap3A_55 = tpu.vector_load %arg7[%swap3A_53, %swap3A_54] {strides = array<i32>} : memref<2x80xi32, #tpu.memory_space<vmem>>, vector<1x16xi32>,
    %swap3A_56 = vector.shape_cast %swap3A_55 : vector<1x16xi32> to vector<16xi32>
    %swap3A_57 = vector.shape_cast %get3A_51 : vector<16xi32> to vector<1x16xi32>
    tpu.vector_store %arg7[%swap3A_53, %swap3A_54], %swap3A_57 {strides = array<i32>} : memref<2x80xi32, #tpu.memory_space<vmem>>, vector<1x16xi32>,
    %get3A_58 = arith.constant 48 : index
    %get3A_59 = tpu.vector_load %arg6[%get3A_58] {strides = array<i32>} : memref<20000xi32, #tpu.memory_space<vmem>>, vector<16xi32>,
    %get3A_60 = vector.shape_cast %get3A_59 : vector<16xi32> to vector<16xi32>
    %swap3A_61 = arith.constant 0 : i32
    %swap3A_62 = arith.index_cast %swap3A_61 : i32 to index
    %swap3A_63 = arith.constant 48 : index
    %swap3A_64 = tpu.vector_load %arg7[%swap3A_62, %swap3A_63] {strides = array<i32>} : memref<2x80xi32, #tpu.memory_space<vmem>>, vector<1x16xi32>,
    %swap3A_65 = vector.shape_cast %swap3A_64 : vector<1x16xi32> to vector<16xi32>
    %swap3A_66 = vector.shape_cast %get3A_60 : vector<16xi32> to vector<1x16xi32>
    tpu.vector_store %arg7[%swap3A_62, %swap3A_63], %swap3A_66 {strides = array<i32>} : memref<2x80xi32, #tpu.memory_space<vmem>>, vector<1x16xi32>,
    %get3A_67 = arith.constant 64 : index
    %get3A_68 = tpu.vector_load %arg6[%get3A_67] {strides = array<i32>} : memref<20000xi32, #tpu.memory_space<vmem>>, vector<16xi32>,
    %get3A_69 = vector.shape_cast %get3A_68 : vector<16xi32> to vector<16xi32>
    %swap3A_70 = arith.constant 0 : i32
    %swap3A_71 = arith.index_cast %swap3A_70 : i32 to index
    %swap3A_72 = arith.constant 64 : index
    %swap3A_73 = tpu.vector_load %arg7[%swap3A_71, %swap3A_72] {strides = array<i32>} : memref<2x80xi32, #tpu.memory_space<vmem>>, vector<1x16xi32>,
    %swap3A_74 = vector.shape_cast %swap3A_73 : vector<1x16xi32> to vector<16xi32>
    %swap3A_75 = vector.shape_cast %get3A_69 : vector<16xi32> to vector<1x16xi32>
    tpu.vector_store %arg7[%swap3A_71, %swap3A_72], %swap3A_75 {strides = array<i32>} : memref<2x80xi32, #tpu.memory_space<vmem>>, vector<1x16xi32>,
    %dma_start3A = arith.constant 0 : i32
    %dma_start3A_76 = arith.constant 0 : i32
    %dma_start3A_77 = tpu.memref_slice %arg7[%dma_start3A, %dma_start3A_76] : memref<2x80xi32, #tpu.memory_space<vmem>> -> memref<1x80xi32, #tpu.memory_space<vmem>>
    %dma_start3A_78 = tpu.memref_squeeze %dma_start3A_77 : memref<1x80xi32, #tpu.memory_space<vmem>> -> memref<80xi32, #tpu.memory_space<vmem>>
    %dma_start3A_79 = arith.constant 0 : i32
    %dma_start3A_80 = tpu.memref_slice %arg4[%dma_start3A_79] : memref<10240xf32, #tpu.memory_space<vmem_shared>> -> memref<10240xf32, #tpu.memory_space<vmem_shared>>
    tpu.enqueue_indirect_dma source(%arg8 : memref<80xf32, #tpu.memory_space<vmem>>) target(%dma_start3A_80 : memref<10240xf32, #tpu.memory_space<vmem_shared>>) offsets(%dma_start3A_78 : memref<80xi32, #tpu.memory_space<vmem>>) semaphore(%arg9 : memref<!tpu.dma_semaphore, #tpu.memory_space<semaphore_mem>>) {add = true}
    %get3A_81 = arith.constant 80 : index
    %get3A_82 = tpu.vector_load %arg6[%get3A_81] {strides = array<i32>} : memref<20000xi32, #tpu.memory_space<vmem>>, vector<16xi32>,
    %get3A_83 = vector.shape_cast %get3A_82 : vector<16xi32> to vector<16xi32>
    %swap3A_84 = arith.constant 1 : i32
    %swap3A_85 = arith.index_cast %swap3A_84 : i32 to index
    %swap3A_86 = arith.constant 0 : index
    %swap3A_87 = tpu.vector_load %arg7[%swap3A_85, %swap3A_86] {strides = array<i32>} : memref<2x80xi32, #tpu.memory_space<vmem>>, vector<1x16xi32>,
    %swap3A_88 = vector.shape_cast %swap3A_87 : vector<1x16xi32> to vector<16xi32>
    %swap3A_89 = vector.shape_cast %get3A_83 : vector<16xi32> to vector<1x16xi32>
    tpu.vector_store %arg7[%swap3A_85, %swap3A_86], %swap3A_89 {strides = array<i32>} : memref<2x80xi32, #tpu.memory_space<vmem>>, vector<1x16xi32>,
    %get3A_90 = arith.constant 96 : index
    %get3A_91 = tpu.vector_load %arg6[%get3A_90] {strides = array<i32>} : memref<20000xi32, #tpu.memory_space<vmem>>, vector<16xi32>,
    %get3A_92 = vector.shape_cast %get3A_91 : vector<16xi32> to vector<16xi32>
    %swap3A_93 = arith.constant 1 : i32
    %swap3A_94 = arith.index_cast %swap3A_93 : i32 to index
    %swap3A_95 = arith.constant 16 : index
    %swap3A_96 = tpu.vector_load %arg7[%swap3A_94, %swap3A_95] {strides = array<i32>} : memref<2x80xi32, #tpu.memory_space<vmem>>, vector<1x16xi32>,
    %swap3A_97 = vector.shape_cast %swap3A_96 : vector<1x16xi32> to vector<16xi32>
    %swap3A_98 = vector.shape_cast %get3A_92 : vector<16xi32> to vector<1x16xi32>
    tpu.vector_store %arg7[%swap3A_94, %swap3A_95], %swap3A_98 {strides = array<i32>} : memref<2x80xi32, #tpu.memory_space<vmem>>, vector<1x16xi32>,
    %get3A_99 = arith.constant 112 : index
    %get3A_100 = tpu.vector_load %arg6[%get3A_99] {strides = array<i32>} : memref<20000xi32, #tpu.memory_space<vmem>>, vector<16xi32>,
    %get3A_101 = vector.shape_cast %get3A_100 : vector<16xi32> to vector<16xi32>
    %swap3A_102 = arith.constant 1 : i32
    %swap3A_103 = arith.index_cast %swap3A_102 : i32 to index
    %swap3A_104 = arith.constant 32 : index
    %swap3A_105 = tpu.vector_load %arg7[%swap3A_103, %swap3A_104] {strides = array<i32>} : memref<2x80xi32, #tpu.memory_space<vmem>>, vector<1x16xi32>,
    %swap3A_106 = vector.shape_cast %swap3A_105 : vector<1x16xi32> to vector<16xi32>
    %swap3A_107 = vector.shape_cast %get3A_101 : vector<16xi32> to vector<1x16xi32>
    tpu.vector_store %arg7[%swap3A_103, %swap3A_104], %swap3A_107 {strides = array<i32>} : memref<2x80xi32, #tpu.memory_space<vmem>>, vector<1x16xi32>,
    %get3A_108 = arith.constant 128 : index
    %get3A_109 = tpu.vector_load %arg6[%get3A_108] {strides = array<i32>} : memref<20000xi32, #tpu.memory_space<vmem>>, vector<16xi32>,
    %get3A_110 = vector.shape_cast %get3A_109 : vector<16xi32> to vector<16xi32>
    %swap3A_111 = arith.constant 1 : i32
    %swap3A_112 = arith.index_cast %swap3A_111 : i32 to index
    %swap3A_113 = arith.constant 48 : index
    %swap3A_114 = tpu.vector_load %arg7[%swap3A_112, %swap3A_113] {strides = array<i32>} : memref<2x80xi32, #tpu.memory_space<vmem>>, vector<1x16xi32>,
    %swap3A_115 = vector.shape_cast %swap3A_114 : vector<1x16xi32> to vector<16xi32>
    %swap3A_116 = vector.shape_cast %get3A_110 : vector<16xi32> to vector<1x16xi32>
    tpu.vector_store %arg7[%swap3A_112, %swap3A_113], %swap3A_116 {strides = array<i32>} : memref<2x80xi32, #tpu.memory_space<vmem>>, vector<1x16xi32>,
    %get3A_117 = arith.constant 144 : index
    %get3A_118 = tpu.vector_load %arg6[%get3A_117] {strides = array<i32>} : memref<20000xi32, #tpu.memory_space<vmem>>, vector<16xi32>,
    %get3A_119 = vector.shape_cast %get3A_118 : vector<16xi32> to vector<16xi32>
    %swap3A_120 = arith.constant 1 : i32
    %swap3A_121 = arith.index_cast %swap3A_120 : i32 to index
    %swap3A_122 = arith.constant 64 : index
    %swap3A_123 = tpu.vector_load %arg7[%swap3A_121, %swap3A_122] {strides = array<i32>} : memref<2x80xi32, #tpu.memory_space<vmem>>, vector<1x16xi32>,
    %swap3A_124 = vector.shape_cast %swap3A_123 : vector<1x16xi32> to vector<16xi32>
    %swap3A_125 = vector.shape_cast %get3A_119 : vector<16xi32> to vector<1x16xi32>
    tpu.vector_store %arg7[%swap3A_121, %swap3A_122], %swap3A_125 {strides = array<i32>} : memref<2x80xi32, #tpu.memory_space<vmem>>, vector<1x16xi32>,
    %dma_start3A_126 = arith.constant 1 : i32
    %dma_start3A_127 = arith.constant 0 : i32
    %dma_start3A_128 = tpu.memref_slice %arg7[%dma_start3A_126, %dma_start3A_127] : memref<2x80xi32, #tpu.memory_space<vmem>> -> memref<1x80xi32, #tpu.memory_space<vmem>>
    %dma_start3A_129 = tpu.memref_squeeze %dma_start3A_128 : memref<1x80xi32, #tpu.memory_space<vmem>> -> memref<80xi32, #tpu.memory_space<vmem>>
    %dma_start3A_130 = arith.constant 0 : i32
    %dma_start3A_131 = tpu.memref_slice %arg4[%dma_start3A_130] : memref<10240xf32, #tpu.memory_space<vmem_shared>> -> memref<10240xf32, #tpu.memory_space<vmem_shared>>
    tpu.enqueue_indirect_dma source(%arg8 : memref<80xf32, #tpu.memory_space<vmem>>) target(%dma_start3A_131 : memref<10240xf32, #tpu.memory_space<vmem_shared>>) offsets(%dma_start3A_129 : memref<80xi32, #tpu.memory_space<vmem>>) semaphore(%arg10 : memref<!tpu.dma_semaphore, #tpu.memory_space<semaphore_mem>>) {add = true}
    %scan3A_132 = arith.constant 0 : i32
    %scan3A_133 = arith.constant 1 : i32
    %scan3A_134 = arith.constant 124 : i32
    %scan3A_135 = arith.addi %scan3A_133, %scan3A_134 : i32
    %scan3A_136 = arith.constant 1 : i32
    scf.for %scan3A_157 = %scan3A_133 to %scan3A_135 step %scan3A_136  : i32 {
      %mul3A_158 = arith.constant 2 : i32
      %mul3A_159 = arith.muli %mul3A_158, %scan3A_157 : i32
      %add3A_160 = arith.constant 0 : i32
      %add3A_161 = arith.addi %mul3A_159, %add3A_160 : i32
      %dma_wait3A_162 = arith.constant 0 : i32
      %dma_wait3A_163 = arith.constant 0 : i32
      %dma_wait3A_164 = tpu.memref_slice %arg7[%dma_wait3A_162, %dma_wait3A_163] : memref<2x80xi32, #tpu.memory_space<vmem>> -> memref<1x80xi32, #tpu.memory_space<vmem>>
      %dma_wait3A_165 = tpu.memref_squeeze %dma_wait3A_164 : memref<1x80xi32, #tpu.memory_space<vmem>> -> memref<80xi32, #tpu.memory_space<vmem>>
      %dma_wait3A_166 = arith.constant 0 : i32
      %dma_wait3A_167 = tpu.memref_slice %arg4[%dma_wait3A_166] : memref<10240xf32, #tpu.memory_space<vmem_shared>> -> memref<10240xf32, #tpu.memory_space<vmem_shared>>
      tpu.wait_indirect_dma semaphore(%arg9 : memref<!tpu.dma_semaphore, #tpu.memory_space<semaphore_mem>>) src(%arg8 : memref<80xf32, #tpu.memory_space<vmem>>) dst(%dma_wait3A_167 : memref<10240xf32, #tpu.memory_space<vmem_shared>>)
      %mul3A_168 = arith.constant 80 : i32
      %mul3A_169 = arith.muli %add3A_161, %mul3A_168 : i32
      %add3A_170 = arith.constant 0 : i32
      %add3A_171 = arith.addi %mul3A_169, %add3A_170 : i32
      %get3A_172 = arith.index_cast %add3A_171 : i32 to index
      %get3A_173 = tpu.vector_load %arg6[%get3A_172] {strides = array<i32>} : memref<20000xi32, #tpu.memory_space<vmem>>, vector<16xi32>,
      %get3A_174 = vector.shape_cast %get3A_173 : vector<16xi32> to vector<16xi32>
      %swap3A_175 = arith.constant 0 : i32
      %swap3A_176 = arith.index_cast %swap3A_175 : i32 to index
      %swap3A_177 = arith.constant 0 : index
      %swap3A_178 = tpu.vector_load %arg7[%swap3A_176, %swap3A_177] {strides = array<i32>} : memref<2x80xi32, #tpu.memory_space<vmem>>, vector<1x16xi32>,
      %swap3A_179 = vector.shape_cast %swap3A_178 : vector<1x16xi32> to vector<16xi32>
      %swap3A_180 = vector.shape_cast %get3A_174 : vector<16xi32> to vector<1x16xi32>
      tpu.vector_store %arg7[%swap3A_176, %swap3A_177], %swap3A_180 {strides = array<i32>} : memref<2x80xi32, #tpu.memory_space<vmem>>, vector<1x16xi32>,
      %add3A_181 = arith.constant 16 : i32
      %add3A_182 = arith.addi %mul3A_169, %add3A_181 : i32
      %get3A_183 = arith.index_cast %add3A_182 : i32 to index
      %get3A_184 = tpu.vector_load %arg6[%get3A_183] {strides = array<i32>} : memref<20000xi32, #tpu.memory_space<vmem>>, vector<16xi32>,
      %get3A_185 = vector.shape_cast %get3A_184 : vector<16xi32> to vector<16xi32>
      %swap3A_186 = arith.constant 0 : i32
      %swap3A_187 = arith.index_cast %swap3A_186 : i32 to index
      %swap3A_188 = arith.constant 16 : index
      %swap3A_189 = tpu.vector_load %arg7[%swap3A_187, %swap3A_188] {strides = array<i32>} : memref<2x80xi32, #tpu.memory_space<vmem>>, vector<1x16xi32>,
      %swap3A_190 = vector.shape_cast %swap3A_189 : vector<1x16xi32> to vector<16xi32>
      %swap3A_191 = vector.shape_cast %get3A_185 : vector<16xi32> to vector<1x16xi32>
      tpu.vector_store %arg7[%swap3A_187, %swap3A_188], %swap3A_191 {strides = array<i32>} : memref<2x80xi32, #tpu.memory_space<vmem>>, vector<1x16xi32>,
      %add3A_192 = arith.constant 32 : i32
      %add3A_193 = arith.addi %mul3A_169, %add3A_192 : i32
      %get3A_194 = arith.index_cast %add3A_193 : i32 to index
      %get3A_195 = tpu.vector_load %arg6[%get3A_194] {strides = array<i32>} : memref<20000xi32, #tpu.memory_space<vmem>>, vector<16xi32>,
      %get3A_196 = vector.shape_cast %get3A_195 : vector<16xi32> to vector<16xi32>
      %swap3A_197 = arith.constant 0 : i32
      %swap3A_198 = arith.index_cast %swap3A_197 : i32 to index
      %swap3A_199 = arith.constant 32 : index
      %swap3A_200 = tpu.vector_load %arg7[%swap3A_198, %swap3A_199] {strides = array<i32>} : memref<2x80xi32, #tpu.memory_space<vmem>>, vector<1x16xi32>,
      %swap3A_201 = vector.shape_cast %swap3A_200 : vector<1x16xi32> to vector<16xi32>
      %swap3A_202 = vector.shape_cast %get3A_196 : vector<16xi32> to vector<1x16xi32>
      tpu.vector_store %arg7[%swap3A_198, %swap3A_199], %swap3A_202 {strides = array<i32>} : memref<2x80xi32, #tpu.memory_space<vmem>>, vector<1x16xi32>,
      %add3A_203 = arith.constant 48 : i32
      %add3A_204 = arith.addi %mul3A_169, %add3A_203 : i32
      %get3A_205 = arith.index_cast %add3A_204 : i32 to index
      %get3A_206 = tpu.vector_load %arg6[%get3A_205] {strides = array<i32>} : memref<20000xi32, #tpu.memory_space<vmem>>, vector<16xi32>,
      %get3A_207 = vector.shape_cast %get3A_206 : vector<16xi32> to vector<16xi32>
      %swap3A_208 = arith.constant 0 : i32
      %swap3A_209 = arith.index_cast %swap3A_208 : i32 to index
      %swap3A_210 = arith.constant 48 : index
      %swap3A_211 = tpu.vector_load %arg7[%swap3A_209, %swap3A_210] {strides = array<i32>} : memref<2x80xi32, #tpu.memory_space<vmem>>, vector<1x16xi32>,
      %swap3A_212 = vector.shape_cast %swap3A_211 : vector<1x16xi32> to vector<16xi32>
      %swap3A_213 = vector.shape_cast %get3A_207 : vector<16xi32> to vector<1x16xi32>
      tpu.vector_store %arg7[%swap3A_209, %swap3A_210], %swap3A_213 {strides = array<i32>} : memref<2x80xi32, #tpu.memory_space<vmem>>, vector<1x16xi32>,
      %add3A_214 = arith.constant 64 : i32
      %add3A_215 = arith.addi %mul3A_169, %add3A_214 : i32
      %get3A_216 = arith.index_cast %add3A_215 : i32 to index
      %get3A_217 = tpu.vector_load %arg6[%get3A_216] {strides = array<i32>} : memref<20000xi32, #tpu.memory_space<vmem>>, vector<16xi32>,
      %get3A_218 = vector.shape_cast %get3A_217 : vector<16xi32> to vector<16xi32>
      %swap3A_219 = arith.constant 0 : i32
      %swap3A_220 = arith.index_cast %swap3A_219 : i32 to index
      %swap3A_221 = arith.constant 64 : index
      %swap3A_222 = tpu.vector_load %arg7[%swap3A_220, %swap3A_221] {strides = array<i32>} : memref<2x80xi32, #tpu.memory_space<vmem>>, vector<1x16xi32>,
      %swap3A_223 = vector.shape_cast %swap3A_222 : vector<1x16xi32> to vector<16xi32>
      %swap3A_224 = vector.shape_cast %get3A_218 : vector<16xi32> to vector<1x16xi32>
      tpu.vector_store %arg7[%swap3A_220, %swap3A_221], %swap3A_224 {strides = array<i32>} : memref<2x80xi32, #tpu.memory_space<vmem>>, vector<1x16xi32>,
      %dma_start3A_225 = arith.constant 0 : i32
      %dma_start3A_226 = arith.constant 0 : i32
      %dma_start3A_227 = tpu.memref_slice %arg7[%dma_start3A_225, %dma_start3A_226] : memref<2x80xi32, #tpu.memory_space<vmem>> -> memref<1x80xi32, #tpu.memory_space<vmem>>
      %dma_start3A_228 = tpu.memref_squeeze %dma_start3A_227 : memref<1x80xi32, #tpu.memory_space<vmem>> -> memref<80xi32, #tpu.memory_space<vmem>>
      %dma_start3A_229 = arith.constant 0 : i32
      %dma_start3A_230 = tpu.memref_slice %arg4[%dma_start3A_229] : memref<10240xf32, #tpu.memory_space<vmem_shared>> -> memref<10240xf32, #tpu.memory_space<vmem_shared>>
      tpu.enqueue_indirect_dma source(%arg8 : memref<80xf32, #tpu.memory_space<vmem>>) target(%dma_start3A_230 : memref<10240xf32, #tpu.memory_space<vmem_shared>>) offsets(%dma_start3A_228 : memref<80xi32, #tpu.memory_space<vmem>>) semaphore(%arg9 : memref<!tpu.dma_semaphore, #tpu.memory_space<semaphore_mem>>) {add = true}
      %mul3A_231 = arith.constant 2 : i32
      %mul3A_232 = arith.muli %mul3A_231, %scan3A_157 : i32
      %add3A_233 = arith.constant 1 : i32
      %add3A_234 = arith.addi %mul3A_232, %add3A_233 : i32
      %dma_wait3A_235 = arith.constant 1 : i32
      %dma_wait3A_236 = arith.constant 0 : i32
      %dma_wait3A_237 = tpu.memref_slice %arg7[%dma_wait3A_235, %dma_wait3A_236] : memref<2x80xi32, #tpu.memory_space<vmem>> -> memref<1x80xi32, #tpu.memory_space<vmem>>
      %dma_wait3A_238 = tpu.memref_squeeze %dma_wait3A_237 : memref<1x80xi32, #tpu.memory_space<vmem>> -> memref<80xi32, #tpu.memory_space<vmem>>
      %dma_wait3A_239 = arith.constant 0 : i32
      %dma_wait3A_240 = tpu.memref_slice %arg4[%dma_wait3A_239] : memref<10240xf32, #tpu.memory_space<vmem_shared>> -> memref<10240xf32, #tpu.memory_space<vmem_shared>>
      tpu.wait_indirect_dma semaphore(%arg10 : memref<!tpu.dma_semaphore, #tpu.memory_space<semaphore_mem>>) src(%arg8 : memref<80xf32, #tpu.memory_space<vmem>>) dst(%dma_wait3A_240 : memref<10240xf32, #tpu.memory_space<vmem_shared>>)
      %mul3A_241 = arith.constant 80 : i32
      %mul3A_242 = arith.muli %add3A_234, %mul3A_241 : i32
      %add3A_243 = arith.constant 0 : i32
      %add3A_244 = arith.addi %mul3A_242, %add3A_243 : i32
      %get3A_245 = arith.index_cast %add3A_244 : i32 to index
      %get3A_246 = tpu.vector_load %arg6[%get3A_245] {strides = array<i32>} : memref<20000xi32, #tpu.memory_space<vmem>>, vector<16xi32>,
      %get3A_247 = vector.shape_cast %get3A_246 : vector<16xi32> to vector<16xi32>
      %swap3A_248 = arith.constant 1 : i32
      %swap3A_249 = arith.index_cast %swap3A_248 : i32 to index
      %swap3A_250 = arith.constant 0 : index
      %swap3A_251 = tpu.vector_load %arg7[%swap3A_249, %swap3A_250] {strides = array<i32>} : memref<2x80xi32, #tpu.memory_space<vmem>>, vector<1x16xi32>,
      %swap3A_252 = vector.shape_cast %swap3A_251 : vector<1x16xi32> to vector<16xi32>
      %swap3A_253 = vector.shape_cast %get3A_247 : vector<16xi32> to vector<1x16xi32>
      tpu.vector_store %arg7[%swap3A_249, %swap3A_250], %swap3A_253 {strides = array<i32>} : memref<2x80xi32, #tpu.memory_space<vmem>>, vector<1x16xi32>,
      %add3A_254 = arith.constant 16 : i32
      %add3A_255 = arith.addi %mul3A_242, %add3A_254 : i32
      %get3A_256 = arith.index_cast %add3A_255 : i32 to index
      %get3A_257 = tpu.vector_load %arg6[%get3A_256] {strides = array<i32>} : memref<20000xi32, #tpu.memory_space<vmem>>, vector<16xi32>,
      %get3A_258 = vector.shape_cast %get3A_257 : vector<16xi32> to vector<16xi32>
      %swap3A_259 = arith.constant 1 : i32
      %swap3A_260 = arith.index_cast %swap3A_259 : i32 to index
      %swap3A_261 = arith.constant 16 : index
      %swap3A_262 = tpu.vector_load %arg7[%swap3A_260, %swap3A_261] {strides = array<i32>} : memref<2x80xi32, #tpu.memory_space<vmem>>, vector<1x16xi32>,
      %swap3A_263 = vector.shape_cast %swap3A_262 : vector<1x16xi32> to vector<16xi32>
      %swap3A_264 = vector.shape_cast %get3A_258 : vector<16xi32> to vector<1x16xi32>
      tpu.vector_store %arg7[%swap3A_260, %swap3A_261], %swap3A_264 {strides = array<i32>} : memref<2x80xi32, #tpu.memory_space<vmem>>, vector<1x16xi32>,
      %add3A_265 = arith.constant 32 : i32
      %add3A_266 = arith.addi %mul3A_242, %add3A_265 : i32
      %get3A_267 = arith.index_cast %add3A_266 : i32 to index
      %get3A_268 = tpu.vector_load %arg6[%get3A_267] {strides = array<i32>} : memref<20000xi32, #tpu.memory_space<vmem>>, vector<16xi32>,
      %get3A_269 = vector.shape_cast %get3A_268 : vector<16xi32> to vector<16xi32>
      %swap3A_270 = arith.constant 1 : i32
      %swap3A_271 = arith.index_cast %swap3A_270 : i32 to index
      %swap3A_272 = arith.constant 32 : index
      %swap3A_273 = tpu.vector_load %arg7[%swap3A_271, %swap3A_272] {strides = array<i32>} : memref<2x80xi32, #tpu.memory_space<vmem>>, vector<1x16xi32>,
      %swap3A_274 = vector.shape_cast %swap3A_273 : vector<1x16xi32> to vector<16xi32>
      %swap3A_275 = vector.shape_cast %get3A_269 : vector<16xi32> to vector<1x16xi32>
      tpu.vector_store %arg7[%swap3A_271, %swap3A_272], %swap3A_275 {strides = array<i32>} : memref<2x80xi32, #tpu.memory_space<vmem>>, vector<1x16xi32>,
      %add3A_276 = arith.constant 48 : i32
      %add3A_277 = arith.addi %mul3A_242, %add3A_276 : i32
      %get3A_278 = arith.index_cast %add3A_277 : i32 to index
      %get3A_279 = tpu.vector_load %arg6[%get3A_278] {strides = array<i32>} : memref<20000xi32, #tpu.memory_space<vmem>>, vector<16xi32>,
      %get3A_280 = vector.shape_cast %get3A_279 : vector<16xi32> to vector<16xi32>
      %swap3A_281 = arith.constant 1 : i32
      %swap3A_282 = arith.index_cast %swap3A_281 : i32 to index
      %swap3A_283 = arith.constant 48 : index
      %swap3A_284 = tpu.vector_load %arg7[%swap3A_282, %swap3A_283] {strides = array<i32>} : memref<2x80xi32, #tpu.memory_space<vmem>>, vector<1x16xi32>,
      %swap3A_285 = vector.shape_cast %swap3A_284 : vector<1x16xi32> to vector<16xi32>
      %swap3A_286 = vector.shape_cast %get3A_280 : vector<16xi32> to vector<1x16xi32>
      tpu.vector_store %arg7[%swap3A_282, %swap3A_283], %swap3A_286 {strides = array<i32>} : memref<2x80xi32, #tpu.memory_space<vmem>>, vector<1x16xi32>,
      %add3A_287 = arith.constant 64 : i32
      %add3A_288 = arith.addi %mul3A_242, %add3A_287 : i32
      %get3A_289 = arith.index_cast %add3A_288 : i32 to index
      %get3A_290 = tpu.vector_load %arg6[%get3A_289] {strides = array<i32>} : memref<20000xi32, #tpu.memory_space<vmem>>, vector<16xi32>,
      %get3A_291 = vector.shape_cast %get3A_290 : vector<16xi32> to vector<16xi32>
      %swap3A_292 = arith.constant 1 : i32
      %swap3A_293 = arith.index_cast %swap3A_292 : i32 to index
      %swap3A_294 = arith.constant 64 : index
      %swap3A_295 = tpu.vector_load %arg7[%swap3A_293, %swap3A_294] {strides = array<i32>} : memref<2x80xi32, #tpu.memory_space<vmem>>, vector<1x16xi32>,
      %swap3A_296 = vector.shape_cast %swap3A_295 : vector<1x16xi32> to vector<16xi32>
      %swap3A_297 = vector.shape_cast %get3A_291 : vector<16xi32> to vector<1x16xi32>
      tpu.vector_store %arg7[%swap3A_293, %swap3A_294], %swap3A_297 {strides = array<i32>} : memref<2x80xi32, #tpu.memory_space<vmem>>, vector<1x16xi32>,
      %dma_start3A_298 = arith.constant 1 : i32
      %dma_start3A_299 = arith.constant 0 : i32
      %dma_start3A_300 = tpu.memref_slice %arg7[%dma_start3A_298, %dma_start3A_299] : memref<2x80xi32, #tpu.memory_space<vmem>> -> memref<1x80xi32, #tpu.memory_space<vmem>>
      %dma_start3A_301 = tpu.memref_squeeze %dma_start3A_300 : memref<1x80xi32, #tpu.memory_space<vmem>> -> memref<80xi32, #tpu.memory_space<vmem>>
      %dma_start3A_302 = arith.constant 0 : i32
      %dma_start3A_303 = tpu.memref_slice %arg4[%dma_start3A_302] : memref<10240xf32, #tpu.memory_space<vmem_shared>> -> memref<10240xf32, #tpu.memory_space<vmem_shared>>
      tpu.enqueue_indirect_dma source(%arg8 : memref<80xf32, #tpu.memory_space<vmem>>) target(%dma_start3A_303 : memref<10240xf32, #tpu.memory_space<vmem_shared>>) offsets(%dma_start3A_301 : memref<80xi32, #tpu.memory_space<vmem>>) semaphore(%arg10 : memref<!tpu.dma_semaphore, #tpu.memory_space<semaphore_mem>>) {add = true}
    }
    %scan3A_137 = arith.constant 124 : i32
    %dma_wait3A = arith.constant 0 : i32
    %dma_wait3A_138 = arith.constant 0 : i32
    %dma_wait3A_139 = tpu.memref_slice %arg7[%dma_wait3A, %dma_wait3A_138] : memref<2x80xi32, #tpu.memory_space<vmem>> -> memref<1x80xi32, #tpu.memory_space<vmem>>
    %dma_wait3A_140 = tpu.memref_squeeze %dma_wait3A_139 : memref<1x80xi32, #tpu.memory_space<vmem>> -> memref<80xi32, #tpu.memory_space<vmem>>
    %dma_wait3A_141 = arith.constant 0 : i32
    %dma_wait3A_142 = tpu.memref_slice %arg4[%dma_wait3A_141] : memref<10240xf32, #tpu.memory_space<vmem_shared>> -> memref<10240xf32, #tpu.memory_space<vmem_shared>>
    tpu.wait_indirect_dma semaphore(%arg9 : memref<!tpu.dma_semaphore, #tpu.memory_space<semaphore_mem>>) src(%arg8 : memref<80xf32, #tpu.memory_space<vmem>>) dst(%dma_wait3A_142 : memref<10240xf32, #tpu.memory_space<vmem_shared>>)
    %dma_wait3A_143 = arith.constant 1 : i32
    %dma_wait3A_144 = arith.constant 0 : i32
    %dma_wait3A_145 = tpu.memref_slice %arg7[%dma_wait3A_143, %dma_wait3A_144] : memref<2x80xi32, #tpu.memory_space<vmem>> -> memref<1x80xi32, #tpu.memory_space<vmem>>
    %dma_wait3A_146 = tpu.memref_squeeze %dma_wait3A_145 : memref<1x80xi32, #tpu.memory_space<vmem>> -> memref<80xi32, #tpu.memory_space<vmem>>
    %dma_wait3A_147 = arith.constant 0 : i32
    %dma_wait3A_148 = tpu.memref_slice %arg4[%dma_wait3A_147] : memref<10240xf32, #tpu.memory_space<vmem_shared>> -> memref<10240xf32, #tpu.memory_space<vmem_shared>>
    tpu.wait_indirect_dma semaphore(%arg10 : memref<!tpu.dma_semaphore, #tpu.memory_space<semaphore_mem>>) src(%arg8 : memref<80xf32, #tpu.memory_space<vmem>>) dst(%dma_wait3A_148 : memref<10240xf32, #tpu.memory_space<vmem_shared>>)
    %barrier3A_149 = arith.constant 0 : index
    tpu.barrier barrier_id(%barrier3A_149)
    %mul3A_150 = arith.constant 640 : i32
    %mul3A_151 = arith.muli %arg1, %mul3A_150 : i32
    %mul3A_152 = arith.constant 10240 : i32
    %mul3A_153 = arith.muli %arg0, %mul3A_152 : i32
    %mul3A_154 = arith.constant 640 : i32
    %mul3A_155 = arith.muli %arg1, %mul3A_154 : i32
    %add3A_156 = arith.addi %mul3A_153, %mul3A_155 : i32
    "tpu.region"() ({
      %run_scoped3A = tpu.sem_alloc : memref<!tpu.dma_semaphore, #tpu.memory_space<semaphore_mem>>
      %dma_start3A_157 = tpu.memref_slice %arg3[%add3A_156] : memref<20480xf32, #tpu.memory_space<hbm>> -> memref<640xf32, #tpu.memory_space<hbm>>
      %dma_start3A_158 = tpu.memref_slice %arg4[%mul3A_151] : memref<10240xf32, #tpu.memory_space<vmem_shared>> -> memref<640xf32, #tpu.memory_space<vmem_shared>>
      tpu.enqueue_dma source(%dma_start3A_158 : memref<640xf32, #tpu.memory_space<vmem_shared>>) target(%dma_start3A_157 : memref<640xf32, #tpu.memory_space<hbm>>) target_semaphore(%run_scoped3A : memref<!tpu.dma_semaphore, #tpu.memory_space<semaphore_mem>>)
      %dma_wait3A_159 = tpu.memref_slice %arg3[%add3A_156] : memref<20480xf32, #tpu.memory_space<hbm>> -> memref<640xf32, #tpu.memory_space<hbm>>
      %dma_wait3A_160 = tpu.memref_slice %arg4[%mul3A_151] : memref<10240xf32, #tpu.memory_space<vmem_shared>> -> memref<640xf32, #tpu.memory_space<vmem_shared>>
      tpu.wait_dma2 semaphore(%run_scoped3A : memref<!tpu.dma_semaphore, #tpu.memory_space<semaphore_mem>>) src(%dma_wait3A_160 : memref<640xf32, #tpu.memory_space<vmem_shared>>) dst(%dma_wait3A_159 : memref<640xf32, #tpu.memory_space<hbm>>)
      tpu.yield
    }) : () -> ()
    return
  }
}

#map = affine_map<(d0, d1) -> (0)>
#map1 = affine_map<(d0, d1) -> (0, 0)>
#map2 = affine_map<(d0, d1) -> (0, 0, 0)>
module attributes {stable_mosaic.version = 14 : i64} {
  func.func @_aggregate_sc(%arg0: i32, %arg1: i32, %arg2: memref<640000xi32, #tpu.memory_space<hbm>>, %arg3: memref<320000x128xf32, #tpu.memory_space<hbm>>, %arg4: memref<10000x128xf32, #tpu.memory_space<hbm>>, %arg5: memref<2x10112x128xf32, #tpu.memory_space<hbm>>, %arg6: memref<10112x128xf32, #tpu.memory_space<vmem_shared>>, %arg7: memref<2x64xi32, #tpu.memory_space<vmem>>, %arg8: memref<2x64xi32, #tpu.memory_space<vmem>>, %arg9: memref<2x64xi32, #tpu.memory_space<vmem>>, %arg10: memref<2x64x128xf32, #tpu.memory_space<vmem>>, %arg11: memref<2x64x128xf32, #tpu.memory_space<vmem>>, %arg12: memref<2x64x128xf32, #tpu.memory_space<vmem>>, %arg13: memref<!tpu.dma_semaphore, #tpu.memory_space<semaphore_mem>>, %arg14: memref<!tpu.dma_semaphore, #tpu.memory_space<semaphore_mem>>, %arg15: memref<!tpu.dma_semaphore, #tpu.memory_space<semaphore_mem>>, %arg16: memref<!tpu.dma_semaphore, #tpu.memory_space<semaphore_mem>>, %arg17: memref<!tpu.dma_semaphore, #tpu.memory_space<semaphore_mem>>, %arg18: memref<!tpu.dma_semaphore, #tpu.memory_space<semaphore_mem>>, %arg19: memref<!tpu.dma_semaphore, #tpu.memory_space<semaphore_mem>>, %arg20: memref<!tpu.dma_semaphore, #tpu.memory_space<semaphore_mem>>) attributes {dimension_semantics = [#tpu.dimension_semantics<core_parallel>, #tpu.dimension_semantics<subcore_parallel>], iteration_bounds = array<i64: 2, 16>, scalar_prefetch = 0 : i64, scratch_operands = 15 : i64, tpu.core_type = #tpu.core_type<sc_vector_subcore>, window_params = [{transform_indices = #map}, {transform_indices = #map1}, {transform_indices = #map1}, {transform_indices = #map2}]} {
    %broadcast_in_dim3A = arith.constant 0.000000e+00 : f32
    %broadcast_in_dim3A_0 = vector.broadcast %broadcast_in_dim3A : f32 to vector<16xf32>
    %mul3A = arith.constant 64 : i32
    %mul3A_1 = arith.muli %arg0, %mul3A : i32
    %mul3A_2 = arith.constant 19968 : i32
    %mul3A_3 = arith.muli %arg1, %mul3A_2 : i32
    %eq3A = arith.constant 15 : i32
    %eq3A_4 = arith.cmpi eq, %arg1, %eq3A : i32
    %jit3A = arith.constant 320 : i32
    %jit3A_5 = arith.constant 312 : i32
    %select_n3A = arith.select %eq3A_4, %jit3A, %jit3A_5 : i32
    %scan3A = arith.constant 0 : i32
    %scan3A_6 = arith.constant 0 : i32
    %scan3A_7 = arith.constant 64 : i32
    %scan3A_8 = arith.addi %scan3A_6, %scan3A_7 : i32
    %scan3A_9 = arith.constant 1 : i32
    scf.for %scan3A_672 = %scan3A_6 to %scan3A_8 step %scan3A_9  : i32 {
      %swap3A_673 = arith.constant 0 : i32
      %swap3A_674 = arith.index_cast %swap3A_673 : i32 to index
      %swap3A_675 = arith.index_cast %scan3A_672 : i32 to index
      %swap3A_676 = arith.constant 0 : index
      %swap3A_677 = tpu.vector_load %arg12[%swap3A_674, %swap3A_675, %swap3A_676] {strides = array<i32>} : memref<2x64x128xf32, #tpu.memory_space<vmem>>, vector<1x1x16xf32>,
      %swap3A_678 = vector.shape_cast %swap3A_677 : vector<1x1x16xf32> to vector<16xf32>
      %swap3A_679 = vector.shape_cast %broadcast_in_dim3A_0 : vector<16xf32> to vector<1x1x16xf32>
      tpu.vector_store %arg12[%swap3A_674, %swap3A_675, %swap3A_676], %swap3A_679 {strides = array<i32>} : memref<2x64x128xf32, #tpu.memory_space<vmem>>, vector<1x1x16xf32>,
      %swap3A_680 = arith.constant 0 : i32
      %swap3A_681 = arith.index_cast %swap3A_680 : i32 to index
      %swap3A_682 = arith.index_cast %scan3A_672 : i32 to index
      %swap3A_683 = arith.constant 16 : index
      %swap3A_684 = tpu.vector_load %arg12[%swap3A_681, %swap3A_682, %swap3A_683] {strides = array<i32>} : memref<2x64x128xf32, #tpu.memory_space<vmem>>, vector<1x1x16xf32>,
      %swap3A_685 = vector.shape_cast %swap3A_684 : vector<1x1x16xf32> to vector<16xf32>
      %swap3A_686 = vector.shape_cast %broadcast_in_dim3A_0 : vector<16xf32> to vector<1x1x16xf32>
      tpu.vector_store %arg12[%swap3A_681, %swap3A_682, %swap3A_683], %swap3A_686 {strides = array<i32>} : memref<2x64x128xf32, #tpu.memory_space<vmem>>, vector<1x1x16xf32>,
      %swap3A_687 = arith.constant 0 : i32
      %swap3A_688 = arith.index_cast %swap3A_687 : i32 to index
      %swap3A_689 = arith.index_cast %scan3A_672 : i32 to index
      %swap3A_690 = arith.constant 32 : index
      %swap3A_691 = tpu.vector_load %arg12[%swap3A_688, %swap3A_689, %swap3A_690] {strides = array<i32>} : memref<2x64x128xf32, #tpu.memory_space<vmem>>, vector<1x1x16xf32>,
      %swap3A_692 = vector.shape_cast %swap3A_691 : vector<1x1x16xf32> to vector<16xf32>
      %swap3A_693 = vector.shape_cast %broadcast_in_dim3A_0 : vector<16xf32> to vector<1x1x16xf32>
      tpu.vector_store %arg12[%swap3A_688, %swap3A_689, %swap3A_690], %swap3A_693 {strides = array<i32>} : memref<2x64x128xf32, #tpu.memory_space<vmem>>, vector<1x1x16xf32>,
      %swap3A_694 = arith.constant 0 : i32
      %swap3A_695 = arith.index_cast %swap3A_694 : i32 to index
      %swap3A_696 = arith.index_cast %scan3A_672 : i32 to index
      %swap3A_697 = arith.constant 48 : index
      %swap3A_698 = tpu.vector_load %arg12[%swap3A_695, %swap3A_696, %swap3A_697] {strides = array<i32>} : memref<2x64x128xf32, #tpu.memory_space<vmem>>, vector<1x1x16xf32>,
      %swap3A_699 = vector.shape_cast %swap3A_698 : vector<1x1x16xf32> to vector<16xf32>
      %swap3A_700 = vector.shape_cast %broadcast_in_dim3A_0 : vector<16xf32> to vector<1x1x16xf32>
      tpu.vector_store %arg12[%swap3A_695, %swap3A_696, %swap3A_697], %swap3A_700 {strides = array<i32>} : memref<2x64x128xf32, #tpu.memory_space<vmem>>, vector<1x1x16xf32>,
      %swap3A_701 = arith.constant 0 : i32
      %swap3A_702 = arith.index_cast %swap3A_701 : i32 to index
      %swap3A_703 = arith.index_cast %scan3A_672 : i32 to index
      %swap3A_704 = arith.constant 64 : index
      %swap3A_705 = tpu.vector_load %arg12[%swap3A_702, %swap3A_703, %swap3A_704] {strides = array<i32>} : memref<2x64x128xf32, #tpu.memory_space<vmem>>, vector<1x1x16xf32>,
      %swap3A_706 = vector.shape_cast %swap3A_705 : vector<1x1x16xf32> to vector<16xf32>
      %swap3A_707 = vector.shape_cast %broadcast_in_dim3A_0 : vector<16xf32> to vector<1x1x16xf32>
      tpu.vector_store %arg12[%swap3A_702, %swap3A_703, %swap3A_704], %swap3A_707 {strides = array<i32>} : memref<2x64x128xf32, #tpu.memory_space<vmem>>, vector<1x1x16xf32>,
      %swap3A_708 = arith.constant 0 : i32
      %swap3A_709 = arith.index_cast %swap3A_708 : i32 to index
      %swap3A_710 = arith.index_cast %scan3A_672 : i32 to index
      %swap3A_711 = arith.constant 80 : index
      %swap3A_712 = tpu.vector_load %arg12[%swap3A_709, %swap3A_710, %swap3A_711] {strides = array<i32>} : memref<2x64x128xf32, #tpu.memory_space<vmem>>, vector<1x1x16xf32>,
      %swap3A_713 = vector.shape_cast %swap3A_712 : vector<1x1x16xf32> to vector<16xf32>
      %swap3A_714 = vector.shape_cast %broadcast_in_dim3A_0 : vector<16xf32> to vector<1x1x16xf32>
      tpu.vector_store %arg12[%swap3A_709, %swap3A_710, %swap3A_711], %swap3A_714 {strides = array<i32>} : memref<2x64x128xf32, #tpu.memory_space<vmem>>, vector<1x1x16xf32>,
      %swap3A_715 = arith.constant 0 : i32
      %swap3A_716 = arith.index_cast %swap3A_715 : i32 to index
      %swap3A_717 = arith.index_cast %scan3A_672 : i32 to index
      %swap3A_718 = arith.constant 96 : index
      %swap3A_719 = tpu.vector_load %arg12[%swap3A_716, %swap3A_717, %swap3A_718] {strides = array<i32>} : memref<2x64x128xf32, #tpu.memory_space<vmem>>, vector<1x1x16xf32>,
      %swap3A_720 = vector.shape_cast %swap3A_719 : vector<1x1x16xf32> to vector<16xf32>
      %swap3A_721 = vector.shape_cast %broadcast_in_dim3A_0 : vector<16xf32> to vector<1x1x16xf32>
      tpu.vector_store %arg12[%swap3A_716, %swap3A_717, %swap3A_718], %swap3A_721 {strides = array<i32>} : memref<2x64x128xf32, #tpu.memory_space<vmem>>, vector<1x1x16xf32>,
      %swap3A_722 = arith.constant 0 : i32
      %swap3A_723 = arith.index_cast %swap3A_722 : i32 to index
      %swap3A_724 = arith.index_cast %scan3A_672 : i32 to index
      %swap3A_725 = arith.constant 112 : index
      %swap3A_726 = tpu.vector_load %arg12[%swap3A_723, %swap3A_724, %swap3A_725] {strides = array<i32>} : memref<2x64x128xf32, #tpu.memory_space<vmem>>, vector<1x1x16xf32>,
      %swap3A_727 = vector.shape_cast %swap3A_726 : vector<1x1x16xf32> to vector<16xf32>
      %swap3A_728 = vector.shape_cast %broadcast_in_dim3A_0 : vector<16xf32> to vector<1x1x16xf32>
      tpu.vector_store %arg12[%swap3A_723, %swap3A_724, %swap3A_725], %swap3A_728 {strides = array<i32>} : memref<2x64x128xf32, #tpu.memory_space<vmem>>, vector<1x1x16xf32>,
    }
    %scan3A_10 = arith.constant 64 : i32
    %mul3A_11 = arith.constant 632 : i32
    %mul3A_12 = arith.muli %arg1, %mul3A_11 : i32
    %add3A = arith.constant 0 : i32
    %add3A_13 = arith.addi %mul3A_12, %add3A : i32
    %run_scoped3A = arith.constant 0 : i32
    "tpu.region"() ({
      %run_scoped3A_672 = tpu.sem_alloc : memref<!tpu.dma_semaphore, #tpu.memory_space<semaphore_mem>>
      %dma_start3A_673 = arith.constant 0 : i32
      %dma_start3A_674 = arith.constant 0 : i32
      %dma_start3A_675 = tpu.memref_slice %arg12[%run_scoped3A, %dma_start3A_673, %dma_start3A_674] : memref<2x64x128xf32, #tpu.memory_space<vmem>> -> memref<1x64x128xf32, #tpu.memory_space<vmem>>
      %dma_start3A_676 = tpu.memref_squeeze %dma_start3A_675 : memref<1x64x128xf32, #tpu.memory_space<vmem>> -> memref<64x128xf32, #tpu.memory_space<vmem>>
      %dma_start3A_677 = arith.constant 0 : i32
      %dma_start3A_678 = tpu.memref_slice %arg6[%add3A_13, %dma_start3A_677] : memref<10112x128xf32, #tpu.memory_space<vmem_shared>> -> memref<64x128xf32, #tpu.memory_space<vmem_shared>>
      %dma_start3A_679 = arith.constant 0 : i32
      %dma_start3A_680 = tpu.memref_slice %arg6[%add3A_13, %dma_start3A_679] : memref<10112x128xf32, #tpu.memory_space<vmem_shared>> -> memref<64x128xf32, #tpu.memory_space<vmem_shared>>
      %dma_start3A_681 = arith.constant 0 : i32
      %dma_start3A_682 = arith.constant 0 : i32
      %dma_start3A_683 = tpu.memref_slice %arg12[%run_scoped3A, %dma_start3A_681, %dma_start3A_682] : memref<2x64x128xf32, #tpu.memory_space<vmem>> -> memref<1x64x128xf32, #tpu.memory_space<vmem>>
      %dma_start3A_684 = tpu.memref_squeeze %dma_start3A_683 : memref<1x64x128xf32, #tpu.memory_space<vmem>> -> memref<64x128xf32, #tpu.memory_space<vmem>>
      tpu.enqueue_dma source(%dma_start3A_684 : memref<64x128xf32, #tpu.memory_space<vmem>>) target(%dma_start3A_680 : memref<64x128xf32, #tpu.memory_space<vmem_shared>>) target_semaphore(%run_scoped3A_672 : memref<!tpu.dma_semaphore, #tpu.memory_space<semaphore_mem>>)
      %dma_wait3A_685 = arith.constant 0 : i32
      %dma_wait3A_686 = arith.constant 0 : i32
      %dma_wait3A_687 = tpu.memref_slice %arg12[%run_scoped3A, %dma_wait3A_685, %dma_wait3A_686] : memref<2x64x128xf32, #tpu.memory_space<vmem>> -> memref<1x64x128xf32, #tpu.memory_space<vmem>>
      %dma_wait3A_688 = tpu.memref_squeeze %dma_wait3A_687 : memref<1x64x128xf32, #tpu.memory_space<vmem>> -> memref<64x128xf32, #tpu.memory_space<vmem>>
      %dma_wait3A_689 = arith.constant 0 : i32
      %dma_wait3A_690 = tpu.memref_slice %arg6[%add3A_13, %dma_wait3A_689] : memref<10112x128xf32, #tpu.memory_space<vmem_shared>> -> memref<64x128xf32, #tpu.memory_space<vmem_shared>>
      %dma_wait3A_691 = arith.constant 0 : i32
      %dma_wait3A_692 = tpu.memref_slice %arg6[%add3A_13, %dma_wait3A_691] : memref<10112x128xf32, #tpu.memory_space<vmem_shared>> -> memref<64x128xf32, #tpu.memory_space<vmem_shared>>
      %dma_wait3A_693 = arith.constant 0 : i32
      %dma_wait3A_694 = arith.constant 0 : i32
      %dma_wait3A_695 = tpu.memref_slice %arg12[%run_scoped3A, %dma_wait3A_693, %dma_wait3A_694] : memref<2x64x128xf32, #tpu.memory_space<vmem>> -> memref<1x64x128xf32, #tpu.memory_space<vmem>>
      %dma_wait3A_696 = tpu.memref_squeeze %dma_wait3A_695 : memref<1x64x128xf32, #tpu.memory_space<vmem>> -> memref<64x128xf32, #tpu.memory_space<vmem>>
      tpu.wait_dma2 semaphore(%run_scoped3A_672 : memref<!tpu.dma_semaphore, #tpu.memory_space<semaphore_mem>>) src(%dma_wait3A_696 : memref<64x128xf32, #tpu.memory_space<vmem>>) dst(%dma_wait3A_692 : memref<64x128xf32, #tpu.memory_space<vmem_shared>>)
      tpu.yield
    }) : () -> ()
    %add3A_14 = arith.constant 64 : i32
    %add3A_15 = arith.addi %mul3A_12, %add3A_14 : i32
    %run_scoped3A_16 = arith.constant 0 : i32
    "tpu.region"() ({
      %run_scoped3A_672 = tpu.sem_alloc : memref<!tpu.dma_semaphore, #tpu.memory_space<semaphore_mem>>
      %dma_start3A_673 = arith.constant 0 : i32
      %dma_start3A_674 = arith.constant 0 : i32
      %dma_start3A_675 = tpu.memref_slice %arg12[%run_scoped3A_16, %dma_start3A_673, %dma_start3A_674] : memref<2x64x128xf32, #tpu.memory_space<vmem>> -> memref<1x64x128xf32, #tpu.memory_space<vmem>>
      %dma_start3A_676 = tpu.memref_squeeze %dma_start3A_675 : memref<1x64x128xf32, #tpu.memory_space<vmem>> -> memref<64x128xf32, #tpu.memory_space<vmem>>
      %dma_start3A_677 = arith.constant 0 : i32
      %dma_start3A_678 = tpu.memref_slice %arg6[%add3A_15, %dma_start3A_677] : memref<10112x128xf32, #tpu.memory_space<vmem_shared>> -> memref<64x128xf32, #tpu.memory_space<vmem_shared>>
      %dma_start3A_679 = arith.constant 0 : i32
      %dma_start3A_680 = tpu.memref_slice %arg6[%add3A_15, %dma_start3A_679] : memref<10112x128xf32, #tpu.memory_space<vmem_shared>> -> memref<64x128xf32, #tpu.memory_space<vmem_shared>>
      %dma_start3A_681 = arith.constant 0 : i32
      %dma_start3A_682 = arith.constant 0 : i32
      %dma_start3A_683 = tpu.memref_slice %arg12[%run_scoped3A_16, %dma_start3A_681, %dma_start3A_682] : memref<2x64x128xf32, #tpu.memory_space<vmem>> -> memref<1x64x128xf32, #tpu.memory_space<vmem>>
      %dma_start3A_684 = tpu.memref_squeeze %dma_start3A_683 : memref<1x64x128xf32, #tpu.memory_space<vmem>> -> memref<64x128xf32, #tpu.memory_space<vmem>>
      tpu.enqueue_dma source(%dma_start3A_684 : memref<64x128xf32, #tpu.memory_space<vmem>>) target(%dma_start3A_680 : memref<64x128xf32, #tpu.memory_space<vmem_shared>>) target_semaphore(%run_scoped3A_672 : memref<!tpu.dma_semaphore, #tpu.memory_space<semaphore_mem>>)
      %dma_wait3A_685 = arith.constant 0 : i32
      %dma_wait3A_686 = arith.constant 0 : i32
      %dma_wait3A_687 = tpu.memref_slice %arg12[%run_scoped3A_16, %dma_wait3A_685, %dma_wait3A_686] : memref<2x64x128xf32, #tpu.memory_space<vmem>> -> memref<1x64x128xf32, #tpu.memory_space<vmem>>
      %dma_wait3A_688 = tpu.memref_squeeze %dma_wait3A_687 : memref<1x64x128xf32, #tpu.memory_space<vmem>> -> memref<64x128xf32, #tpu.memory_space<vmem>>
      %dma_wait3A_689 = arith.constant 0 : i32
      %dma_wait3A_690 = tpu.memref_slice %arg6[%add3A_15, %dma_wait3A_689] : memref<10112x128xf32, #tpu.memory_space<vmem_shared>> -> memref<64x128xf32, #tpu.memory_space<vmem_shared>>
      %dma_wait3A_691 = arith.constant 0 : i32
      %dma_wait3A_692 = tpu.memref_slice %arg6[%add3A_15, %dma_wait3A_691] : memref<10112x128xf32, #tpu.memory_space<vmem_shared>> -> memref<64x128xf32, #tpu.memory_space<vmem_shared>>
      %dma_wait3A_693 = arith.constant 0 : i32
      %dma_wait3A_694 = arith.constant 0 : i32
      %dma_wait3A_695 = tpu.memref_slice %arg12[%run_scoped3A_16, %dma_wait3A_693, %dma_wait3A_694] : memref<2x64x128xf32, #tpu.memory_space<vmem>> -> memref<1x64x128xf32, #tpu.memory_space<vmem>>
      %dma_wait3A_696 = tpu.memref_squeeze %dma_wait3A_695 : memref<1x64x128xf32, #tpu.memory_space<vmem>> -> memref<64x128xf32, #tpu.memory_space<vmem>>
      tpu.wait_dma2 semaphore(%run_scoped3A_672 : memref<!tpu.dma_semaphore, #tpu.memory_space<semaphore_mem>>) src(%dma_wait3A_696 : memref<64x128xf32, #tpu.memory_space<vmem>>) dst(%dma_wait3A_692 : memref<64x128xf32, #tpu.memory_space<vmem_shared>>)
      tpu.yield
    }) : () -> ()
    %add3A_17 = arith.constant 128 : i32
    %add3A_18 = arith.addi %mul3A_12, %add3A_17 : i32
    %run_scoped3A_19 = arith.constant 0 : i32
    "tpu.region"() ({
      %run_scoped3A_672 = tpu.sem_alloc : memref<!tpu.dma_semaphore, #tpu.memory_space<semaphore_mem>>
      %dma_start3A_673 = arith.constant 0 : i32
      %dma_start3A_674 = arith.constant 0 : i32
      %dma_start3A_675 = tpu.memref_slice %arg12[%run_scoped3A_19, %dma_start3A_673, %dma_start3A_674] : memref<2x64x128xf32, #tpu.memory_space<vmem>> -> memref<1x64x128xf32, #tpu.memory_space<vmem>>
      %dma_start3A_676 = tpu.memref_squeeze %dma_start3A_675 : memref<1x64x128xf32, #tpu.memory_space<vmem>> -> memref<64x128xf32, #tpu.memory_space<vmem>>
      %dma_start3A_677 = arith.constant 0 : i32
      %dma_start3A_678 = tpu.memref_slice %arg6[%add3A_18, %dma_start3A_677] : memref<10112x128xf32, #tpu.memory_space<vmem_shared>> -> memref<64x128xf32, #tpu.memory_space<vmem_shared>>
      %dma_start3A_679 = arith.constant 0 : i32
      %dma_start3A_680 = tpu.memref_slice %arg6[%add3A_18, %dma_start3A_679] : memref<10112x128xf32, #tpu.memory_space<vmem_shared>> -> memref<64x128xf32, #tpu.memory_space<vmem_shared>>
      %dma_start3A_681 = arith.constant 0 : i32
      %dma_start3A_682 = arith.constant 0 : i32
      %dma_start3A_683 = tpu.memref_slice %arg12[%run_scoped3A_19, %dma_start3A_681, %dma_start3A_682] : memref<2x64x128xf32, #tpu.memory_space<vmem>> -> memref<1x64x128xf32, #tpu.memory_space<vmem>>
      %dma_start3A_684 = tpu.memref_squeeze %dma_start3A_683 : memref<1x64x128xf32, #tpu.memory_space<vmem>> -> memref<64x128xf32, #tpu.memory_space<vmem>>
      tpu.enqueue_dma source(%dma_start3A_684 : memref<64x128xf32, #tpu.memory_space<vmem>>) target(%dma_start3A_680 : memref<64x128xf32, #tpu.memory_space<vmem_shared>>) target_semaphore(%run_scoped3A_672 : memref<!tpu.dma_semaphore, #tpu.memory_space<semaphore_mem>>)
      %dma_wait3A_685 = arith.constant 0 : i32
      %dma_wait3A_686 = arith.constant 0 : i32
      %dma_wait3A_687 = tpu.memref_slice %arg12[%run_scoped3A_19, %dma_wait3A_685, %dma_wait3A_686] : memref<2x64x128xf32, #tpu.memory_space<vmem>> -> memref<1x64x128xf32, #tpu.memory_space<vmem>>
      %dma_wait3A_688 = tpu.memref_squeeze %dma_wait3A_687 : memref<1x64x128xf32, #tpu.memory_space<vmem>> -> memref<64x128xf32, #tpu.memory_space<vmem>>
      %dma_wait3A_689 = arith.constant 0 : i32
      %dma_wait3A_690 = tpu.memref_slice %arg6[%add3A_18, %dma_wait3A_689] : memref<10112x128xf32, #tpu.memory_space<vmem_shared>> -> memref<64x128xf32, #tpu.memory_space<vmem_shared>>
      %dma_wait3A_691 = arith.constant 0 : i32
      %dma_wait3A_692 = tpu.memref_slice %arg6[%add3A_18, %dma_wait3A_691] : memref<10112x128xf32, #tpu.memory_space<vmem_shared>> -> memref<64x128xf32, #tpu.memory_space<vmem_shared>>
      %dma_wait3A_693 = arith.constant 0 : i32
      %dma_wait3A_694 = arith.constant 0 : i32
      %dma_wait3A_695 = tpu.memref_slice %arg12[%run_scoped3A_19, %dma_wait3A_693, %dma_wait3A_694] : memref<2x64x128xf32, #tpu.memory_space<vmem>> -> memref<1x64x128xf32, #tpu.memory_space<vmem>>
      %dma_wait3A_696 = tpu.memref_squeeze %dma_wait3A_695 : memref<1x64x128xf32, #tpu.memory_space<vmem>> -> memref<64x128xf32, #tpu.memory_space<vmem>>
      tpu.wait_dma2 semaphore(%run_scoped3A_672 : memref<!tpu.dma_semaphore, #tpu.memory_space<semaphore_mem>>) src(%dma_wait3A_696 : memref<64x128xf32, #tpu.memory_space<vmem>>) dst(%dma_wait3A_692 : memref<64x128xf32, #tpu.memory_space<vmem_shared>>)
      tpu.yield
    }) : () -> ()
    %add3A_20 = arith.constant 192 : i32
    %add3A_21 = arith.addi %mul3A_12, %add3A_20 : i32
    %run_scoped3A_22 = arith.constant 0 : i32
    "tpu.region"() ({
      %run_scoped3A_672 = tpu.sem_alloc : memref<!tpu.dma_semaphore, #tpu.memory_space<semaphore_mem>>
      %dma_start3A_673 = arith.constant 0 : i32
      %dma_start3A_674 = arith.constant 0 : i32
      %dma_start3A_675 = tpu.memref_slice %arg12[%run_scoped3A_22, %dma_start3A_673, %dma_start3A_674] : memref<2x64x128xf32, #tpu.memory_space<vmem>> -> memref<1x64x128xf32, #tpu.memory_space<vmem>>
      %dma_start3A_676 = tpu.memref_squeeze %dma_start3A_675 : memref<1x64x128xf32, #tpu.memory_space<vmem>> -> memref<64x128xf32, #tpu.memory_space<vmem>>
      %dma_start3A_677 = arith.constant 0 : i32
      %dma_start3A_678 = tpu.memref_slice %arg6[%add3A_21, %dma_start3A_677] : memref<10112x128xf32, #tpu.memory_space<vmem_shared>> -> memref<64x128xf32, #tpu.memory_space<vmem_shared>>
      %dma_start3A_679 = arith.constant 0 : i32
      %dma_start3A_680 = tpu.memref_slice %arg6[%add3A_21, %dma_start3A_679] : memref<10112x128xf32, #tpu.memory_space<vmem_shared>> -> memref<64x128xf32, #tpu.memory_space<vmem_shared>>
      %dma_start3A_681 = arith.constant 0 : i32
      %dma_start3A_682 = arith.constant 0 : i32
      %dma_start3A_683 = tpu.memref_slice %arg12[%run_scoped3A_22, %dma_start3A_681, %dma_start3A_682] : memref<2x64x128xf32, #tpu.memory_space<vmem>> -> memref<1x64x128xf32, #tpu.memory_space<vmem>>
      %dma_start3A_684 = tpu.memref_squeeze %dma_start3A_683 : memref<1x64x128xf32, #tpu.memory_space<vmem>> -> memref<64x128xf32, #tpu.memory_space<vmem>>
      tpu.enqueue_dma source(%dma_start3A_684 : memref<64x128xf32, #tpu.memory_space<vmem>>) target(%dma_start3A_680 : memref<64x128xf32, #tpu.memory_space<vmem_shared>>) target_semaphore(%run_scoped3A_672 : memref<!tpu.dma_semaphore, #tpu.memory_space<semaphore_mem>>)
      %dma_wait3A_685 = arith.constant 0 : i32
      %dma_wait3A_686 = arith.constant 0 : i32
      %dma_wait3A_687 = tpu.memref_slice %arg12[%run_scoped3A_22, %dma_wait3A_685, %dma_wait3A_686] : memref<2x64x128xf32, #tpu.memory_space<vmem>> -> memref<1x64x128xf32, #tpu.memory_space<vmem>>
      %dma_wait3A_688 = tpu.memref_squeeze %dma_wait3A_687 : memref<1x64x128xf32, #tpu.memory_space<vmem>> -> memref<64x128xf32, #tpu.memory_space<vmem>>
      %dma_wait3A_689 = arith.constant 0 : i32
      %dma_wait3A_690 = tpu.memref_slice %arg6[%add3A_21, %dma_wait3A_689] : memref<10112x128xf32, #tpu.memory_space<vmem_shared>> -> memref<64x128xf32, #tpu.memory_space<vmem_shared>>
      %dma_wait3A_691 = arith.constant 0 : i32
      %dma_wait3A_692 = tpu.memref_slice %arg6[%add3A_21, %dma_wait3A_691] : memref<10112x128xf32, #tpu.memory_space<vmem_shared>> -> memref<64x128xf32, #tpu.memory_space<vmem_shared>>
      %dma_wait3A_693 = arith.constant 0 : i32
      %dma_wait3A_694 = arith.constant 0 : i32
      %dma_wait3A_695 = tpu.memref_slice %arg12[%run_scoped3A_22, %dma_wait3A_693, %dma_wait3A_694] : memref<2x64x128xf32, #tpu.memory_space<vmem>> -> memref<1x64x128xf32, #tpu.memory_space<vmem>>
      %dma_wait3A_696 = tpu.memref_squeeze %dma_wait3A_695 : memref<1x64x128xf32, #tpu.memory_space<vmem>> -> memref<64x128xf32, #tpu.memory_space<vmem>>
      tpu.wait_dma2 semaphore(%run_scoped3A_672 : memref<!tpu.dma_semaphore, #tpu.memory_space<semaphore_mem>>) src(%dma_wait3A_696 : memref<64x128xf32, #tpu.memory_space<vmem>>) dst(%dma_wait3A_692 : memref<64x128xf32, #tpu.memory_space<vmem_shared>>)
      tpu.yield
    }) : () -> ()
    %add3A_23 = arith.constant 256 : i32
    %add3A_24 = arith.addi %mul3A_12, %add3A_23 : i32
    %run_scoped3A_25 = arith.constant 0 : i32
    "tpu.region"() ({
      %run_scoped3A_672 = tpu.sem_alloc : memref<!tpu.dma_semaphore, #tpu.memory_space<semaphore_mem>>
      %dma_start3A_673 = arith.constant 0 : i32
      %dma_start3A_674 = arith.constant 0 : i32
      %dma_start3A_675 = tpu.memref_slice %arg12[%run_scoped3A_25, %dma_start3A_673, %dma_start3A_674] : memref<2x64x128xf32, #tpu.memory_space<vmem>> -> memref<1x64x128xf32, #tpu.memory_space<vmem>>
      %dma_start3A_676 = tpu.memref_squeeze %dma_start3A_675 : memref<1x64x128xf32, #tpu.memory_space<vmem>> -> memref<64x128xf32, #tpu.memory_space<vmem>>
      %dma_start3A_677 = arith.constant 0 : i32
      %dma_start3A_678 = tpu.memref_slice %arg6[%add3A_24, %dma_start3A_677] : memref<10112x128xf32, #tpu.memory_space<vmem_shared>> -> memref<64x128xf32, #tpu.memory_space<vmem_shared>>
      %dma_start3A_679 = arith.constant 0 : i32
      %dma_start3A_680 = tpu.memref_slice %arg6[%add3A_24, %dma_start3A_679] : memref<10112x128xf32, #tpu.memory_space<vmem_shared>> -> memref<64x128xf32, #tpu.memory_space<vmem_shared>>
      %dma_start3A_681 = arith.constant 0 : i32
      %dma_start3A_682 = arith.constant 0 : i32
      %dma_start3A_683 = tpu.memref_slice %arg12[%run_scoped3A_25, %dma_start3A_681, %dma_start3A_682] : memref<2x64x128xf32, #tpu.memory_space<vmem>> -> memref<1x64x128xf32, #tpu.memory_space<vmem>>
      %dma_start3A_684 = tpu.memref_squeeze %dma_start3A_683 : memref<1x64x128xf32, #tpu.memory_space<vmem>> -> memref<64x128xf32, #tpu.memory_space<vmem>>
      tpu.enqueue_dma source(%dma_start3A_684 : memref<64x128xf32, #tpu.memory_space<vmem>>) target(%dma_start3A_680 : memref<64x128xf32, #tpu.memory_space<vmem_shared>>) target_semaphore(%run_scoped3A_672 : memref<!tpu.dma_semaphore, #tpu.memory_space<semaphore_mem>>)
      %dma_wait3A_685 = arith.constant 0 : i32
      %dma_wait3A_686 = arith.constant 0 : i32
      %dma_wait3A_687 = tpu.memref_slice %arg12[%run_scoped3A_25, %dma_wait3A_685, %dma_wait3A_686] : memref<2x64x128xf32, #tpu.memory_space<vmem>> -> memref<1x64x128xf32, #tpu.memory_space<vmem>>
      %dma_wait3A_688 = tpu.memref_squeeze %dma_wait3A_687 : memref<1x64x128xf32, #tpu.memory_space<vmem>> -> memref<64x128xf32, #tpu.memory_space<vmem>>
      %dma_wait3A_689 = arith.constant 0 : i32
      %dma_wait3A_690 = tpu.memref_slice %arg6[%add3A_24, %dma_wait3A_689] : memref<10112x128xf32, #tpu.memory_space<vmem_shared>> -> memref<64x128xf32, #tpu.memory_space<vmem_shared>>
      %dma_wait3A_691 = arith.constant 0 : i32
      %dma_wait3A_692 = tpu.memref_slice %arg6[%add3A_24, %dma_wait3A_691] : memref<10112x128xf32, #tpu.memory_space<vmem_shared>> -> memref<64x128xf32, #tpu.memory_space<vmem_shared>>
      %dma_wait3A_693 = arith.constant 0 : i32
      %dma_wait3A_694 = arith.constant 0 : i32
      %dma_wait3A_695 = tpu.memref_slice %arg12[%run_scoped3A_25, %dma_wait3A_693, %dma_wait3A_694] : memref<2x64x128xf32, #tpu.memory_space<vmem>> -> memref<1x64x128xf32, #tpu.memory_space<vmem>>
      %dma_wait3A_696 = tpu.memref_squeeze %dma_wait3A_695 : memref<1x64x128xf32, #tpu.memory_space<vmem>> -> memref<64x128xf32, #tpu.memory_space<vmem>>
      tpu.wait_dma2 semaphore(%run_scoped3A_672 : memref<!tpu.dma_semaphore, #tpu.memory_space<semaphore_mem>>) src(%dma_wait3A_696 : memref<64x128xf32, #tpu.memory_space<vmem>>) dst(%dma_wait3A_692 : memref<64x128xf32, #tpu.memory_space<vmem_shared>>)
      tpu.yield
    }) : () -> ()
    %add3A_26 = arith.constant 320 : i32
    %add3A_27 = arith.addi %mul3A_12, %add3A_26 : i32
    %run_scoped3A_28 = arith.constant 0 : i32
    "tpu.region"() ({
      %run_scoped3A_672 = tpu.sem_alloc : memref<!tpu.dma_semaphore, #tpu.memory_space<semaphore_mem>>
      %dma_start3A_673 = arith.constant 0 : i32
      %dma_start3A_674 = arith.constant 0 : i32
      %dma_start3A_675 = tpu.memref_slice %arg12[%run_scoped3A_28, %dma_start3A_673, %dma_start3A_674] : memref<2x64x128xf32, #tpu.memory_space<vmem>> -> memref<1x64x128xf32, #tpu.memory_space<vmem>>
      %dma_start3A_676 = tpu.memref_squeeze %dma_start3A_675 : memref<1x64x128xf32, #tpu.memory_space<vmem>> -> memref<64x128xf32, #tpu.memory_space<vmem>>
      %dma_start3A_677 = arith.constant 0 : i32
      %dma_start3A_678 = tpu.memref_slice %arg6[%add3A_27, %dma_start3A_677] : memref<10112x128xf32, #tpu.memory_space<vmem_shared>> -> memref<64x128xf32, #tpu.memory_space<vmem_shared>>
      %dma_start3A_679 = arith.constant 0 : i32
      %dma_start3A_680 = tpu.memref_slice %arg6[%add3A_27, %dma_start3A_679] : memref<10112x128xf32, #tpu.memory_space<vmem_shared>> -> memref<64x128xf32, #tpu.memory_space<vmem_shared>>
      %dma_start3A_681 = arith.constant 0 : i32
      %dma_start3A_682 = arith.constant 0 : i32
      %dma_start3A_683 = tpu.memref_slice %arg12[%run_scoped3A_28, %dma_start3A_681, %dma_start3A_682] : memref<2x64x128xf32, #tpu.memory_space<vmem>> -> memref<1x64x128xf32, #tpu.memory_space<vmem>>
      %dma_start3A_684 = tpu.memref_squeeze %dma_start3A_683 : memref<1x64x128xf32, #tpu.memory_space<vmem>> -> memref<64x128xf32, #tpu.memory_space<vmem>>
      tpu.enqueue_dma source(%dma_start3A_684 : memref<64x128xf32, #tpu.memory_space<vmem>>) target(%dma_start3A_680 : memref<64x128xf32, #tpu.memory_space<vmem_shared>>) target_semaphore(%run_scoped3A_672 : memref<!tpu.dma_semaphore, #tpu.memory_space<semaphore_mem>>)
      %dma_wait3A_685 = arith.constant 0 : i32
      %dma_wait3A_686 = arith.constant 0 : i32
      %dma_wait3A_687 = tpu.memref_slice %arg12[%run_scoped3A_28, %dma_wait3A_685, %dma_wait3A_686] : memref<2x64x128xf32, #tpu.memory_space<vmem>> -> memref<1x64x128xf32, #tpu.memory_space<vmem>>
      %dma_wait3A_688 = tpu.memref_squeeze %dma_wait3A_687 : memref<1x64x128xf32, #tpu.memory_space<vmem>> -> memref<64x128xf32, #tpu.memory_space<vmem>>
      %dma_wait3A_689 = arith.constant 0 : i32
      %dma_wait3A_690 = tpu.memref_slice %arg6[%add3A_27, %dma_wait3A_689] : memref<10112x128xf32, #tpu.memory_space<vmem_shared>> -> memref<64x128xf32, #tpu.memory_space<vmem_shared>>
      %dma_wait3A_691 = arith.constant 0 : i32
      %dma_wait3A_692 = tpu.memref_slice %arg6[%add3A_27, %dma_wait3A_691] : memref<10112x128xf32, #tpu.memory_space<vmem_shared>> -> memref<64x128xf32, #tpu.memory_space<vmem_shared>>
      %dma_wait3A_693 = arith.constant 0 : i32
      %dma_wait3A_694 = arith.constant 0 : i32
      %dma_wait3A_695 = tpu.memref_slice %arg12[%run_scoped3A_28, %dma_wait3A_693, %dma_wait3A_694] : memref<2x64x128xf32, #tpu.memory_space<vmem>> -> memref<1x64x128xf32, #tpu.memory_space<vmem>>
      %dma_wait3A_696 = tpu.memref_squeeze %dma_wait3A_695 : memref<1x64x128xf32, #tpu.memory_space<vmem>> -> memref<64x128xf32, #tpu.memory_space<vmem>>
      tpu.wait_dma2 semaphore(%run_scoped3A_672 : memref<!tpu.dma_semaphore, #tpu.memory_space<semaphore_mem>>) src(%dma_wait3A_696 : memref<64x128xf32, #tpu.memory_space<vmem>>) dst(%dma_wait3A_692 : memref<64x128xf32, #tpu.memory_space<vmem_shared>>)
      tpu.yield
    }) : () -> ()
    %add3A_29 = arith.constant 384 : i32
    %add3A_30 = arith.addi %mul3A_12, %add3A_29 : i32
    %run_scoped3A_31 = arith.constant 0 : i32
    "tpu.region"() ({
      %run_scoped3A_672 = tpu.sem_alloc : memref<!tpu.dma_semaphore, #tpu.memory_space<semaphore_mem>>
      %dma_start3A_673 = arith.constant 0 : i32
      %dma_start3A_674 = arith.constant 0 : i32
      %dma_start3A_675 = tpu.memref_slice %arg12[%run_scoped3A_31, %dma_start3A_673, %dma_start3A_674] : memref<2x64x128xf32, #tpu.memory_space<vmem>> -> memref<1x64x128xf32, #tpu.memory_space<vmem>>
      %dma_start3A_676 = tpu.memref_squeeze %dma_start3A_675 : memref<1x64x128xf32, #tpu.memory_space<vmem>> -> memref<64x128xf32, #tpu.memory_space<vmem>>
      %dma_start3A_677 = arith.constant 0 : i32
      %dma_start3A_678 = tpu.memref_slice %arg6[%add3A_30, %dma_start3A_677] : memref<10112x128xf32, #tpu.memory_space<vmem_shared>> -> memref<64x128xf32, #tpu.memory_space<vmem_shared>>
      %dma_start3A_679 = arith.constant 0 : i32
      %dma_start3A_680 = tpu.memref_slice %arg6[%add3A_30, %dma_start3A_679] : memref<10112x128xf32, #tpu.memory_space<vmem_shared>> -> memref<64x128xf32, #tpu.memory_space<vmem_shared>>
      %dma_start3A_681 = arith.constant 0 : i32
      %dma_start3A_682 = arith.constant 0 : i32
      %dma_start3A_683 = tpu.memref_slice %arg12[%run_scoped3A_31, %dma_start3A_681, %dma_start3A_682] : memref<2x64x128xf32, #tpu.memory_space<vmem>> -> memref<1x64x128xf32, #tpu.memory_space<vmem>>
      %dma_start3A_684 = tpu.memref_squeeze %dma_start3A_683 : memref<1x64x128xf32, #tpu.memory_space<vmem>> -> memref<64x128xf32, #tpu.memory_space<vmem>>
      tpu.enqueue_dma source(%dma_start3A_684 : memref<64x128xf32, #tpu.memory_space<vmem>>) target(%dma_start3A_680 : memref<64x128xf32, #tpu.memory_space<vmem_shared>>) target_semaphore(%run_scoped3A_672 : memref<!tpu.dma_semaphore, #tpu.memory_space<semaphore_mem>>)
      %dma_wait3A_685 = arith.constant 0 : i32
      %dma_wait3A_686 = arith.constant 0 : i32
      %dma_wait3A_687 = tpu.memref_slice %arg12[%run_scoped3A_31, %dma_wait3A_685, %dma_wait3A_686] : memref<2x64x128xf32, #tpu.memory_space<vmem>> -> memref<1x64x128xf32, #tpu.memory_space<vmem>>
      %dma_wait3A_688 = tpu.memref_squeeze %dma_wait3A_687 : memref<1x64x128xf32, #tpu.memory_space<vmem>> -> memref<64x128xf32, #tpu.memory_space<vmem>>
      %dma_wait3A_689 = arith.constant 0 : i32
      %dma_wait3A_690 = tpu.memref_slice %arg6[%add3A_30, %dma_wait3A_689] : memref<10112x128xf32, #tpu.memory_space<vmem_shared>> -> memref<64x128xf32, #tpu.memory_space<vmem_shared>>
      %dma_wait3A_691 = arith.constant 0 : i32
      %dma_wait3A_692 = tpu.memref_slice %arg6[%add3A_30, %dma_wait3A_691] : memref<10112x128xf32, #tpu.memory_space<vmem_shared>> -> memref<64x128xf32, #tpu.memory_space<vmem_shared>>
      %dma_wait3A_693 = arith.constant 0 : i32
      %dma_wait3A_694 = arith.constant 0 : i32
      %dma_wait3A_695 = tpu.memref_slice %arg12[%run_scoped3A_31, %dma_wait3A_693, %dma_wait3A_694] : memref<2x64x128xf32, #tpu.memory_space<vmem>> -> memref<1x64x128xf32, #tpu.memory_space<vmem>>
      %dma_wait3A_696 = tpu.memref_squeeze %dma_wait3A_695 : memref<1x64x128xf32, #tpu.memory_space<vmem>> -> memref<64x128xf32, #tpu.memory_space<vmem>>
      tpu.wait_dma2 semaphore(%run_scoped3A_672 : memref<!tpu.dma_semaphore, #tpu.memory_space<semaphore_mem>>) src(%dma_wait3A_696 : memref<64x128xf32, #tpu.memory_space<vmem>>) dst(%dma_wait3A_692 : memref<64x128xf32, #tpu.memory_space<vmem_shared>>)
      tpu.yield
    }) : () -> ()
    %add3A_32 = arith.constant 448 : i32
    %add3A_33 = arith.addi %mul3A_12, %add3A_32 : i32
    %run_scoped3A_34 = arith.constant 0 : i32
    "tpu.region"() ({
      %run_scoped3A_672 = tpu.sem_alloc : memref<!tpu.dma_semaphore, #tpu.memory_space<semaphore_mem>>
      %dma_start3A_673 = arith.constant 0 : i32
      %dma_start3A_674 = arith.constant 0 : i32
      %dma_start3A_675 = tpu.memref_slice %arg12[%run_scoped3A_34, %dma_start3A_673, %dma_start3A_674] : memref<2x64x128xf32, #tpu.memory_space<vmem>> -> memref<1x64x128xf32, #tpu.memory_space<vmem>>
      %dma_start3A_676 = tpu.memref_squeeze %dma_start3A_675 : memref<1x64x128xf32, #tpu.memory_space<vmem>> -> memref<64x128xf32, #tpu.memory_space<vmem>>
      %dma_start3A_677 = arith.constant 0 : i32
      %dma_start3A_678 = tpu.memref_slice %arg6[%add3A_33, %dma_start3A_677] : memref<10112x128xf32, #tpu.memory_space<vmem_shared>> -> memref<64x128xf32, #tpu.memory_space<vmem_shared>>
      %dma_start3A_679 = arith.constant 0 : i32
      %dma_start3A_680 = tpu.memref_slice %arg6[%add3A_33, %dma_start3A_679] : memref<10112x128xf32, #tpu.memory_space<vmem_shared>> -> memref<64x128xf32, #tpu.memory_space<vmem_shared>>
      %dma_start3A_681 = arith.constant 0 : i32
      %dma_start3A_682 = arith.constant 0 : i32
      %dma_start3A_683 = tpu.memref_slice %arg12[%run_scoped3A_34, %dma_start3A_681, %dma_start3A_682] : memref<2x64x128xf32, #tpu.memory_space<vmem>> -> memref<1x64x128xf32, #tpu.memory_space<vmem>>
      %dma_start3A_684 = tpu.memref_squeeze %dma_start3A_683 : memref<1x64x128xf32, #tpu.memory_space<vmem>> -> memref<64x128xf32, #tpu.memory_space<vmem>>
      tpu.enqueue_dma source(%dma_start3A_684 : memref<64x128xf32, #tpu.memory_space<vmem>>) target(%dma_start3A_680 : memref<64x128xf32, #tpu.memory_space<vmem_shared>>) target_semaphore(%run_scoped3A_672 : memref<!tpu.dma_semaphore, #tpu.memory_space<semaphore_mem>>)
      %dma_wait3A_685 = arith.constant 0 : i32
      %dma_wait3A_686 = arith.constant 0 : i32
      %dma_wait3A_687 = tpu.memref_slice %arg12[%run_scoped3A_34, %dma_wait3A_685, %dma_wait3A_686] : memref<2x64x128xf32, #tpu.memory_space<vmem>> -> memref<1x64x128xf32, #tpu.memory_space<vmem>>
      %dma_wait3A_688 = tpu.memref_squeeze %dma_wait3A_687 : memref<1x64x128xf32, #tpu.memory_space<vmem>> -> memref<64x128xf32, #tpu.memory_space<vmem>>
      %dma_wait3A_689 = arith.constant 0 : i32
      %dma_wait3A_690 = tpu.memref_slice %arg6[%add3A_33, %dma_wait3A_689] : memref<10112x128xf32, #tpu.memory_space<vmem_shared>> -> memref<64x128xf32, #tpu.memory_space<vmem_shared>>
      %dma_wait3A_691 = arith.constant 0 : i32
      %dma_wait3A_692 = tpu.memref_slice %arg6[%add3A_33, %dma_wait3A_691] : memref<10112x128xf32, #tpu.memory_space<vmem_shared>> -> memref<64x128xf32, #tpu.memory_space<vmem_shared>>
      %dma_wait3A_693 = arith.constant 0 : i32
      %dma_wait3A_694 = arith.constant 0 : i32
      %dma_wait3A_695 = tpu.memref_slice %arg12[%run_scoped3A_34, %dma_wait3A_693, %dma_wait3A_694] : memref<2x64x128xf32, #tpu.memory_space<vmem>> -> memref<1x64x128xf32, #tpu.memory_space<vmem>>
      %dma_wait3A_696 = tpu.memref_squeeze %dma_wait3A_695 : memref<1x64x128xf32, #tpu.memory_space<vmem>> -> memref<64x128xf32, #tpu.memory_space<vmem>>
      tpu.wait_dma2 semaphore(%run_scoped3A_672 : memref<!tpu.dma_semaphore, #tpu.memory_space<semaphore_mem>>) src(%dma_wait3A_696 : memref<64x128xf32, #tpu.memory_space<vmem>>) dst(%dma_wait3A_692 : memref<64x128xf32, #tpu.memory_space<vmem_shared>>)
      tpu.yield
    }) : () -> ()
    %add3A_35 = arith.constant 512 : i32
    %add3A_36 = arith.addi %mul3A_12, %add3A_35 : i32
    %run_scoped3A_37 = arith.constant 0 : i32
    "tpu.region"() ({
      %run_scoped3A_672 = tpu.sem_alloc : memref<!tpu.dma_semaphore, #tpu.memory_space<semaphore_mem>>
      %dma_start3A_673 = arith.constant 0 : i32
      %dma_start3A_674 = arith.constant 0 : i32
      %dma_start3A_675 = tpu.memref_slice %arg12[%run_scoped3A_37, %dma_start3A_673, %dma_start3A_674] : memref<2x64x128xf32, #tpu.memory_space<vmem>> -> memref<1x64x128xf32, #tpu.memory_space<vmem>>
      %dma_start3A_676 = tpu.memref_squeeze %dma_start3A_675 : memref<1x64x128xf32, #tpu.memory_space<vmem>> -> memref<64x128xf32, #tpu.memory_space<vmem>>
      %dma_start3A_677 = arith.constant 0 : i32
      %dma_start3A_678 = tpu.memref_slice %arg6[%add3A_36, %dma_start3A_677] : memref<10112x128xf32, #tpu.memory_space<vmem_shared>> -> memref<64x128xf32, #tpu.memory_space<vmem_shared>>
      %dma_start3A_679 = arith.constant 0 : i32
      %dma_start3A_680 = tpu.memref_slice %arg6[%add3A_36, %dma_start3A_679] : memref<10112x128xf32, #tpu.memory_space<vmem_shared>> -> memref<64x128xf32, #tpu.memory_space<vmem_shared>>
      %dma_start3A_681 = arith.constant 0 : i32
      %dma_start3A_682 = arith.constant 0 : i32
      %dma_start3A_683 = tpu.memref_slice %arg12[%run_scoped3A_37, %dma_start3A_681, %dma_start3A_682] : memref<2x64x128xf32, #tpu.memory_space<vmem>> -> memref<1x64x128xf32, #tpu.memory_space<vmem>>
      %dma_start3A_684 = tpu.memref_squeeze %dma_start3A_683 : memref<1x64x128xf32, #tpu.memory_space<vmem>> -> memref<64x128xf32, #tpu.memory_space<vmem>>
      tpu.enqueue_dma source(%dma_start3A_684 : memref<64x128xf32, #tpu.memory_space<vmem>>) target(%dma_start3A_680 : memref<64x128xf32, #tpu.memory_space<vmem_shared>>) target_semaphore(%run_scoped3A_672 : memref<!tpu.dma_semaphore, #tpu.memory_space<semaphore_mem>>)
      %dma_wait3A_685 = arith.constant 0 : i32
      %dma_wait3A_686 = arith.constant 0 : i32
      %dma_wait3A_687 = tpu.memref_slice %arg12[%run_scoped3A_37, %dma_wait3A_685, %dma_wait3A_686] : memref<2x64x128xf32, #tpu.memory_space<vmem>> -> memref<1x64x128xf32, #tpu.memory_space<vmem>>
      %dma_wait3A_688 = tpu.memref_squeeze %dma_wait3A_687 : memref<1x64x128xf32, #tpu.memory_space<vmem>> -> memref<64x128xf32, #tpu.memory_space<vmem>>
      %dma_wait3A_689 = arith.constant 0 : i32
      %dma_wait3A_690 = tpu.memref_slice %arg6[%add3A_36, %dma_wait3A_689] : memref<10112x128xf32, #tpu.memory_space<vmem_shared>> -> memref<64x128xf32, #tpu.memory_space<vmem_shared>>
      %dma_wait3A_691 = arith.constant 0 : i32
      %dma_wait3A_692 = tpu.memref_slice %arg6[%add3A_36, %dma_wait3A_691] : memref<10112x128xf32, #tpu.memory_space<vmem_shared>> -> memref<64x128xf32, #tpu.memory_space<vmem_shared>>
      %dma_wait3A_693 = arith.constant 0 : i32
      %dma_wait3A_694 = arith.constant 0 : i32
      %dma_wait3A_695 = tpu.memref_slice %arg12[%run_scoped3A_37, %dma_wait3A_693, %dma_wait3A_694] : memref<2x64x128xf32, #tpu.memory_space<vmem>> -> memref<1x64x128xf32, #tpu.memory_space<vmem>>
      %dma_wait3A_696 = tpu.memref_squeeze %dma_wait3A_695 : memref<1x64x128xf32, #tpu.memory_space<vmem>> -> memref<64x128xf32, #tpu.memory_space<vmem>>
      tpu.wait_dma2 semaphore(%run_scoped3A_672 : memref<!tpu.dma_semaphore, #tpu.memory_space<semaphore_mem>>) src(%dma_wait3A_696 : memref<64x128xf32, #tpu.memory_space<vmem>>) dst(%dma_wait3A_692 : memref<64x128xf32, #tpu.memory_space<vmem_shared>>)
      tpu.yield
    }) : () -> ()
    %add3A_38 = arith.constant 632 : i32
    %add3A_39 = arith.addi %mul3A_12, %add3A_38 : i32
    %sub3A = arith.constant 56 : i32
    %sub3A_40 = arith.subi %add3A_39, %sub3A : i32
    %run_scoped3A_41 = arith.constant 0 : i32
    "tpu.region"() ({
      %run_scoped3A_672 = tpu.sem_alloc : memref<!tpu.dma_semaphore, #tpu.memory_space<semaphore_mem>>
      %dma_start3A_673 = arith.constant 0 : i32
      %dma_start3A_674 = arith.constant 0 : i32
      %dma_start3A_675 = tpu.memref_slice %arg12[%run_scoped3A_41, %dma_start3A_673, %dma_start3A_674] : memref<2x64x128xf32, #tpu.memory_space<vmem>> -> memref<1x56x128xf32, #tpu.memory_space<vmem>>
      %dma_start3A_676 = tpu.memref_squeeze %dma_start3A_675 : memref<1x56x128xf32, #tpu.memory_space<vmem>> -> memref<56x128xf32, #tpu.memory_space<vmem>>
      %dma_start3A_677 = arith.constant 0 : i32
      %dma_start3A_678 = tpu.memref_slice %arg6[%sub3A_40, %dma_start3A_677] : memref<10112x128xf32, #tpu.memory_space<vmem_shared>> -> memref<56x128xf32, #tpu.memory_space<vmem_shared>>
      %dma_start3A_679 = arith.constant 0 : i32
      %dma_start3A_680 = tpu.memref_slice %arg6[%sub3A_40, %dma_start3A_679] : memref<10112x128xf32, #tpu.memory_space<vmem_shared>> -> memref<56x128xf32, #tpu.memory_space<vmem_shared>>
      %dma_start3A_681 = arith.constant 0 : i32
      %dma_start3A_682 = arith.constant 0 : i32
      %dma_start3A_683 = tpu.memref_slice %arg12[%run_scoped3A_41, %dma_start3A_681, %dma_start3A_682] : memref<2x64x128xf32, #tpu.memory_space<vmem>> -> memref<1x56x128xf32, #tpu.memory_space<vmem>>
      %dma_start3A_684 = tpu.memref_squeeze %dma_start3A_683 : memref<1x56x128xf32, #tpu.memory_space<vmem>> -> memref<56x128xf32, #tpu.memory_space<vmem>>
      tpu.enqueue_dma source(%dma_start3A_684 : memref<56x128xf32, #tpu.memory_space<vmem>>) target(%dma_start3A_680 : memref<56x128xf32, #tpu.memory_space<vmem_shared>>) target_semaphore(%run_scoped3A_672 : memref<!tpu.dma_semaphore, #tpu.memory_space<semaphore_mem>>)
      %dma_wait3A_685 = arith.constant 0 : i32
      %dma_wait3A_686 = arith.constant 0 : i32
      %dma_wait3A_687 = tpu.memref_slice %arg12[%run_scoped3A_41, %dma_wait3A_685, %dma_wait3A_686] : memref<2x64x128xf32, #tpu.memory_space<vmem>> -> memref<1x56x128xf32, #tpu.memory_space<vmem>>
      %dma_wait3A_688 = tpu.memref_squeeze %dma_wait3A_687 : memref<1x56x128xf32, #tpu.memory_space<vmem>> -> memref<56x128xf32, #tpu.memory_space<vmem>>
      %dma_wait3A_689 = arith.constant 0 : i32
      %dma_wait3A_690 = tpu.memref_slice %arg6[%sub3A_40, %dma_wait3A_689] : memref<10112x128xf32, #tpu.memory_space<vmem_shared>> -> memref<56x128xf32, #tpu.memory_space<vmem_shared>>
      %dma_wait3A_691 = arith.constant 0 : i32
      %dma_wait3A_692 = tpu.memref_slice %arg6[%sub3A_40, %dma_wait3A_691] : memref<10112x128xf32, #tpu.memory_space<vmem_shared>> -> memref<56x128xf32, #tpu.memory_space<vmem_shared>>
      %dma_wait3A_693 = arith.constant 0 : i32
      %dma_wait3A_694 = arith.constant 0 : i32
      %dma_wait3A_695 = tpu.memref_slice %arg12[%run_scoped3A_41, %dma_wait3A_693, %dma_wait3A_694] : memref<2x64x128xf32, #tpu.memory_space<vmem>> -> memref<1x56x128xf32, #tpu.memory_space<vmem>>
      %dma_wait3A_696 = tpu.memref_squeeze %dma_wait3A_695 : memref<1x56x128xf32, #tpu.memory_space<vmem>> -> memref<56x128xf32, #tpu.memory_space<vmem>>
      tpu.wait_dma2 semaphore(%run_scoped3A_672 : memref<!tpu.dma_semaphore, #tpu.memory_space<semaphore_mem>>) src(%dma_wait3A_696 : memref<56x128xf32, #tpu.memory_space<vmem>>) dst(%dma_wait3A_692 : memref<56x128xf32, #tpu.memory_space<vmem_shared>>)
      tpu.yield
    }) : () -> ()
    %barrier3A = arith.constant 0 : index
    tpu.barrier barrier_id(%barrier3A)
    %add3A_42 = arith.constant 0 : i32
    %add3A_43 = arith.addi %mul3A_3, %add3A_42 : i32
    %dma_start3A = arith.constant 0 : i32
    %dma_start3A_44 = arith.constant 0 : i32
    %dma_start3A_45 = tpu.memref_slice %arg7[%dma_start3A, %dma_start3A_44] : memref<2x64xi32, #tpu.memory_space<vmem>> -> memref<1x64xi32, #tpu.memory_space<vmem>>
    %dma_start3A_46 = tpu.memref_squeeze %dma_start3A_45 : memref<1x64xi32, #tpu.memory_space<vmem>> -> memref<64xi32, #tpu.memory_space<vmem>>
    %dma_start3A_47 = tpu.memref_slice %arg2[%add3A_43] : memref<640000xi32, #tpu.memory_space<hbm>> -> memref<64xi32, #tpu.memory_space<hbm>>
    %dma_start3A_48 = arith.constant 0 : i32
    %dma_start3A_49 = tpu.memref_slice %arg7[%dma_start3A, %dma_start3A_48] : memref<2x64xi32, #tpu.memory_space<vmem>> -> memref<1x64xi32, #tpu.memory_space<vmem>>
    %dma_start3A_50 = tpu.memref_squeeze %dma_start3A_49 : memref<1x64xi32, #tpu.memory_space<vmem>> -> memref<64xi32, #tpu.memory_space<vmem>>
    %dma_start3A_51 = tpu.memref_slice %arg2[%add3A_43] : memref<640000xi32, #tpu.memory_space<hbm>> -> memref<64xi32, #tpu.memory_space<hbm>>
    tpu.enqueue_dma source(%dma_start3A_51 : memref<64xi32, #tpu.memory_space<hbm>>) target(%dma_start3A_50 : memref<64xi32, #tpu.memory_space<vmem>>) target_semaphore(%arg13 : memref<!tpu.dma_semaphore, #tpu.memory_space<semaphore_mem>>)
    %add3A_52 = arith.constant 320000 : i32
    %add3A_53 = arith.addi %add3A_52, %add3A_43 : i32
    %dma_start3A_54 = arith.constant 0 : i32
    %dma_start3A_55 = arith.constant 0 : i32
    %dma_start3A_56 = tpu.memref_slice %arg8[%dma_start3A_54, %dma_start3A_55] : memref<2x64xi32, #tpu.memory_space<vmem>> -> memref<1x64xi32, #tpu.memory_space<vmem>>
    %dma_start3A_57 = tpu.memref_squeeze %dma_start3A_56 : memref<1x64xi32, #tpu.memory_space<vmem>> -> memref<64xi32, #tpu.memory_space<vmem>>
    %dma_start3A_58 = tpu.memref_slice %arg2[%add3A_53] : memref<640000xi32, #tpu.memory_space<hbm>> -> memref<64xi32, #tpu.memory_space<hbm>>
    %dma_start3A_59 = arith.constant 0 : i32
    %dma_start3A_60 = tpu.memref_slice %arg8[%dma_start3A_54, %dma_start3A_59] : memref<2x64xi32, #tpu.memory_space<vmem>> -> memref<1x64xi32, #tpu.memory_space<vmem>>
    %dma_start3A_61 = tpu.memref_squeeze %dma_start3A_60 : memref<1x64xi32, #tpu.memory_space<vmem>> -> memref<64xi32, #tpu.memory_space<vmem>>
    %dma_start3A_62 = tpu.memref_slice %arg2[%add3A_53] : memref<640000xi32, #tpu.memory_space<hbm>> -> memref<64xi32, #tpu.memory_space<hbm>>
    tpu.enqueue_dma source(%dma_start3A_62 : memref<64xi32, #tpu.memory_space<hbm>>) target(%dma_start3A_61 : memref<64xi32, #tpu.memory_space<vmem>>) target_semaphore(%arg13 : memref<!tpu.dma_semaphore, #tpu.memory_space<semaphore_mem>>)
    %add3A_63 = arith.constant 64 : i32
    %add3A_64 = arith.addi %mul3A_3, %add3A_63 : i32
    %dma_start3A_65 = arith.constant 1 : i32
    %dma_start3A_66 = arith.constant 0 : i32
    %dma_start3A_67 = tpu.memref_slice %arg7[%dma_start3A_65, %dma_start3A_66] : memref<2x64xi32, #tpu.memory_space<vmem>> -> memref<1x64xi32, #tpu.memory_space<vmem>>
    %dma_start3A_68 = tpu.memref_squeeze %dma_start3A_67 : memref<1x64xi32, #tpu.memory_space<vmem>> -> memref<64xi32, #tpu.memory_space<vmem>>
    %dma_start3A_69 = tpu.memref_slice %arg2[%add3A_64] : memref<640000xi32, #tpu.memory_space<hbm>> -> memref<64xi32, #tpu.memory_space<hbm>>
    %dma_start3A_70 = arith.constant 0 : i32
    %dma_start3A_71 = tpu.memref_slice %arg7[%dma_start3A_65, %dma_start3A_70] : memref<2x64xi32, #tpu.memory_space<vmem>> -> memref<1x64xi32, #tpu.memory_space<vmem>>
    %dma_start3A_72 = tpu.memref_squeeze %dma_start3A_71 : memref<1x64xi32, #tpu.memory_space<vmem>> -> memref<64xi32, #tpu.memory_space<vmem>>
    %dma_start3A_73 = tpu.memref_slice %arg2[%add3A_64] : memref<640000xi32, #tpu.memory_space<hbm>> -> memref<64xi32, #tpu.memory_space<hbm>>
    tpu.enqueue_dma source(%dma_start3A_73 : memref<64xi32, #tpu.memory_space<hbm>>) target(%dma_start3A_72 : memref<64xi32, #tpu.memory_space<vmem>>) target_semaphore(%arg14 : memref<!tpu.dma_semaphore, #tpu.memory_space<semaphore_mem>>)
    %add3A_74 = arith.constant 320000 : i32
    %add3A_75 = arith.addi %add3A_74, %add3A_64 : i32
    %dma_start3A_76 = arith.constant 1 : i32
    %dma_start3A_77 = arith.constant 0 : i32
    %dma_start3A_78 = tpu.memref_slice %arg8[%dma_start3A_76, %dma_start3A_77] : memref<2x64xi32, #tpu.memory_space<vmem>> -> memref<1x64xi32, #tpu.memory_space<vmem>>
    %dma_start3A_79 = tpu.memref_squeeze %dma_start3A_78 : memref<1x64xi32, #tpu.memory_space<vmem>> -> memref<64xi32, #tpu.memory_space<vmem>>
    %dma_start3A_80 = tpu.memref_slice %arg2[%add3A_75] : memref<640000xi32, #tpu.memory_space<hbm>> -> memref<64xi32, #tpu.memory_space<hbm>>
    %dma_start3A_81 = arith.constant 0 : i32
    %dma_start3A_82 = tpu.memref_slice %arg8[%dma_start3A_76, %dma_start3A_81] : memref<2x64xi32, #tpu.memory_space<vmem>> -> memref<1x64xi32, #tpu.memory_space<vmem>>
    %dma_start3A_83 = tpu.memref_squeeze %dma_start3A_82 : memref<1x64xi32, #tpu.memory_space<vmem>> -> memref<64xi32, #tpu.memory_space<vmem>>
    %dma_start3A_84 = tpu.memref_slice %arg2[%add3A_75] : memref<640000xi32, #tpu.memory_space<hbm>> -> memref<64xi32, #tpu.memory_space<hbm>>
    tpu.enqueue_dma source(%dma_start3A_84 : memref<64xi32, #tpu.memory_space<hbm>>) target(%dma_start3A_83 : memref<64xi32, #tpu.memory_space<vmem>>) target_semaphore(%arg14 : memref<!tpu.dma_semaphore, #tpu.memory_space<semaphore_mem>>)
    %dma_wait3A = arith.constant 0 : i32
    %dma_wait3A_85 = arith.constant 0 : i32
    %dma_wait3A_86 = tpu.memref_slice %arg7[%dma_wait3A, %dma_wait3A_85] : memref<2x64xi32, #tpu.memory_space<vmem>> -> memref<1x64xi32, #tpu.memory_space<vmem>>
    %dma_wait3A_87 = tpu.memref_squeeze %dma_wait3A_86 : memref<1x64xi32, #tpu.memory_space<vmem>> -> memref<64xi32, #tpu.memory_space<vmem>>
    %dma_wait3A_88 = arith.constant 0 : i32
    %dma_wait3A_89 = tpu.memref_slice %arg2[%dma_wait3A_88] : memref<640000xi32, #tpu.memory_space<hbm>> -> memref<64xi32, #tpu.memory_space<hbm>>
    %dma_wait3A_90 = arith.constant 0 : i32
    %dma_wait3A_91 = tpu.memref_slice %arg7[%dma_wait3A, %dma_wait3A_90] : memref<2x64xi32, #tpu.memory_space<vmem>> -> memref<1x64xi32, #tpu.memory_space<vmem>>
    %dma_wait3A_92 = tpu.memref_squeeze %dma_wait3A_91 : memref<1x64xi32, #tpu.memory_space<vmem>> -> memref<64xi32, #tpu.memory_space<vmem>>
    %dma_wait3A_93 = arith.constant 0 : i32
    %dma_wait3A_94 = tpu.memref_slice %arg2[%dma_wait3A_93] : memref<640000xi32, #tpu.memory_space<hbm>> -> memref<64xi32, #tpu.memory_space<hbm>>
    tpu.wait_dma2 semaphore(%arg13 : memref<!tpu.dma_semaphore, #tpu.memory_space<semaphore_mem>>) src(%dma_wait3A_94 : memref<64xi32, #tpu.memory_space<hbm>>) dst(%dma_wait3A_92 : memref<64xi32, #tpu.memory_space<vmem>>)
    %dma_wait3A_95 = arith.constant 0 : i32
    %dma_wait3A_96 = arith.constant 0 : i32
    %dma_wait3A_97 = tpu.memref_slice %arg8[%dma_wait3A_95, %dma_wait3A_96] : memref<2x64xi32, #tpu.memory_space<vmem>> -> memref<1x64xi32, #tpu.memory_space<vmem>>
    %dma_wait3A_98 = tpu.memref_squeeze %dma_wait3A_97 : memref<1x64xi32, #tpu.memory_space<vmem>> -> memref<64xi32, #tpu.memory_space<vmem>>
    %dma_wait3A_99 = arith.constant 0 : i32
    %dma_wait3A_100 = tpu.memref_slice %arg2[%dma_wait3A_99] : memref<640000xi32, #tpu.memory_space<hbm>> -> memref<64xi32, #tpu.memory_space<hbm>>
    %dma_wait3A_101 = arith.constant 0 : i32
    %dma_wait3A_102 = tpu.memref_slice %arg8[%dma_wait3A_95, %dma_wait3A_101] : memref<2x64xi32, #tpu.memory_space<vmem>> -> memref<1x64xi32, #tpu.memory_space<vmem>>
    %dma_wait3A_103 = tpu.memref_squeeze %dma_wait3A_102 : memref<1x64xi32, #tpu.memory_space<vmem>> -> memref<64xi32, #tpu.memory_space<vmem>>
    %dma_wait3A_104 = arith.constant 0 : i32
    %dma_wait3A_105 = tpu.memref_slice %arg2[%dma_wait3A_104] : memref<640000xi32, #tpu.memory_space<hbm>> -> memref<64xi32, #tpu.memory_space<hbm>>
    tpu.wait_dma2 semaphore(%arg13 : memref<!tpu.dma_semaphore, #tpu.memory_space<semaphore_mem>>) src(%dma_wait3A_105 : memref<64xi32, #tpu.memory_space<hbm>>) dst(%dma_wait3A_103 : memref<64xi32, #tpu.memory_space<vmem>>)
    %add3A_106 = arith.constant 0 : i32
    %add3A_107 = arith.addi %mul3A_3, %add3A_106 : i32
    %dma_start3A_108 = arith.constant 0 : i32
    %dma_start3A_109 = arith.constant 0 : i32
    %dma_start3A_110 = arith.constant 0 : i32
    %dma_start3A_111 = tpu.memref_slice %arg10[%dma_start3A_108, %dma_start3A_109, %dma_start3A_110] : memref<2x64x128xf32, #tpu.memory_space<vmem>> -> memref<1x64x128xf32, #tpu.memory_space<vmem>>
    %dma_start3A_112 = tpu.memref_squeeze %dma_start3A_111 : memref<1x64x128xf32, #tpu.memory_space<vmem>> -> memref<64x128xf32, #tpu.memory_space<vmem>>
    %dma_start3A_113 = arith.constant 0 : i32
    %dma_start3A_114 = tpu.memref_slice %arg3[%add3A_107, %dma_start3A_113] : memref<320000x128xf32, #tpu.memory_space<hbm>> -> memref<64x128xf32, #tpu.memory_space<hbm>>
    %dma_start3A_115 = arith.constant 0 : i32
    %dma_start3A_116 = arith.constant 0 : i32
    %dma_start3A_117 = tpu.memref_slice %arg10[%dma_start3A_108, %dma_start3A_115, %dma_start3A_116] : memref<2x64x128xf32, #tpu.memory_space<vmem>> -> memref<1x64x128xf32, #tpu.memory_space<vmem>>
    %dma_start3A_118 = tpu.memref_squeeze %dma_start3A_117 : memref<1x64x128xf32, #tpu.memory_space<vmem>> -> memref<64x128xf32, #tpu.memory_space<vmem>>
    %dma_start3A_119 = arith.constant 0 : i32
    %dma_start3A_120 = tpu.memref_slice %arg3[%add3A_107, %dma_start3A_119] : memref<320000x128xf32, #tpu.memory_space<hbm>> -> memref<64x128xf32, #tpu.memory_space<hbm>>
    tpu.enqueue_dma source(%dma_start3A_120 : memref<64x128xf32, #tpu.memory_space<hbm>>) target(%dma_start3A_118 : memref<64x128xf32, #tpu.memory_space<vmem>>) target_semaphore(%arg15 : memref<!tpu.dma_semaphore, #tpu.memory_space<semaphore_mem>>)
    %dma_start3A_121 = arith.constant 0 : i32
    %dma_start3A_122 = arith.constant 0 : i32
    %dma_start3A_123 = arith.constant 0 : i32
    %dma_start3A_124 = arith.constant 0 : i32
    %dma_start3A_125 = tpu.memref_slice %arg11[%dma_start3A_122, %dma_start3A_123, %dma_start3A_124] : memref<2x64x128xf32, #tpu.memory_space<vmem>> -> memref<1x64x128xf32, #tpu.memory_space<vmem>>
    %dma_start3A_126 = tpu.memref_squeeze %dma_start3A_125 : memref<1x64x128xf32, #tpu.memory_space<vmem>> -> memref<64x128xf32, #tpu.memory_space<vmem>>
    %dma_start3A_127 = arith.constant 0 : i32
    %dma_start3A_128 = tpu.memref_slice %arg7[%dma_start3A_121, %dma_start3A_127] : memref<2x64xi32, #tpu.memory_space<vmem>> -> memref<1x64xi32, #tpu.memory_space<vmem>>
    %dma_start3A_129 = tpu.memref_squeeze %dma_start3A_128 : memref<1x64xi32, #tpu.memory_space<vmem>> -> memref<64xi32, #tpu.memory_space<vmem>>
    %dma_start3A_130 = arith.constant 0 : i32
    %dma_start3A_131 = arith.constant 0 : i32
    %dma_start3A_132 = tpu.memref_slice %arg4[%dma_start3A_130, %dma_start3A_131] : memref<10000x128xf32, #tpu.memory_space<hbm>> -> memref<10000x128xf32, #tpu.memory_space<hbm>>
    tpu.enqueue_indirect_dma source(%dma_start3A_132 : memref<10000x128xf32, #tpu.memory_space<hbm>>) target(%dma_start3A_126 : memref<64x128xf32, #tpu.memory_space<vmem>>) offsets(%dma_start3A_129 : memref<64xi32, #tpu.memory_space<vmem>>) semaphore(%arg17 : memref<!tpu.dma_semaphore, #tpu.memory_space<semaphore_mem>>)
    %dma_wait3A_133 = arith.constant 1 : i32
    %dma_wait3A_134 = arith.constant 0 : i32
    %dma_wait3A_135 = tpu.memref_slice %arg7[%dma_wait3A_133, %dma_wait3A_134] : memref<2x64xi32, #tpu.memory_space<vmem>> -> memref<1x64xi32, #tpu.memory_space<vmem>>
    %dma_wait3A_136 = tpu.memref_squeeze %dma_wait3A_135 : memref<1x64xi32, #tpu.memory_space<vmem>> -> memref<64xi32, #tpu.memory_space<vmem>>
    %dma_wait3A_137 = arith.constant 0 : i32
    %dma_wait3A_138 = tpu.memref_slice %arg2[%dma_wait3A_137] : memref<640000xi32, #tpu.memory_space<hbm>> -> memref<64xi32, #tpu.memory_space<hbm>>
    %dma_wait3A_139 = arith.constant 0 : i32
    %dma_wait3A_140 = tpu.memref_slice %arg7[%dma_wait3A_133, %dma_wait3A_139] : memref<2x64xi32, #tpu.memory_space<vmem>> -> memref<1x64xi32, #tpu.memory_space<vmem>>
    %dma_wait3A_141 = tpu.memref_squeeze %dma_wait3A_140 : memref<1x64xi32, #tpu.memory_space<vmem>> -> memref<64xi32, #tpu.memory_space<vmem>>
    %dma_wait3A_142 = arith.constant 0 : i32
    %dma_wait3A_143 = tpu.memref_slice %arg2[%dma_wait3A_142] : memref<640000xi32, #tpu.memory_space<hbm>> -> memref<64xi32, #tpu.memory_space<hbm>>
    tpu.wait_dma2 semaphore(%arg14 : memref<!tpu.dma_semaphore, #tpu.memory_space<semaphore_mem>>) src(%dma_wait3A_143 : memref<64xi32, #tpu.memory_space<hbm>>) dst(%dma_wait3A_141 : memref<64xi32, #tpu.memory_space<vmem>>)
    %dma_wait3A_144 = arith.constant 1 : i32
    %dma_wait3A_145 = arith.constant 0 : i32
    %dma_wait3A_146 = tpu.memref_slice %arg8[%dma_wait3A_144, %dma_wait3A_145] : memref<2x64xi32, #tpu.memory_space<vmem>> -> memref<1x64xi32, #tpu.memory_space<vmem>>
    %dma_wait3A_147 = tpu.memref_squeeze %dma_wait3A_146 : memref<1x64xi32, #tpu.memory_space<vmem>> -> memref<64xi32, #tpu.memory_space<vmem>>
    %dma_wait3A_148 = arith.constant 0 : i32
    %dma_wait3A_149 = tpu.memref_slice %arg2[%dma_wait3A_148] : memref<640000xi32, #tpu.memory_space<hbm>> -> memref<64xi32, #tpu.memory_space<hbm>>
    %dma_wait3A_150 = arith.constant 0 : i32
    %dma_wait3A_151 = tpu.memref_slice %arg8[%dma_wait3A_144, %dma_wait3A_150] : memref<2x64xi32, #tpu.memory_space<vmem>> -> memref<1x64xi32, #tpu.memory_space<vmem>>
    %dma_wait3A_152 = tpu.memref_squeeze %dma_wait3A_151 : memref<1x64xi32, #tpu.memory_space<vmem>> -> memref<64xi32, #tpu.memory_space<vmem>>
    %dma_wait3A_153 = arith.constant 0 : i32
    %dma_wait3A_154 = tpu.memref_slice %arg2[%dma_wait3A_153] : memref<640000xi32, #tpu.memory_space<hbm>> -> memref<64xi32, #tpu.memory_space<hbm>>
    tpu.wait_dma2 semaphore(%arg14 : memref<!tpu.dma_semaphore, #tpu.memory_space<semaphore_mem>>) src(%dma_wait3A_154 : memref<64xi32, #tpu.memory_space<hbm>>) dst(%dma_wait3A_152 : memref<64xi32, #tpu.memory_space<vmem>>)
    %add3A_155 = arith.constant 64 : i32
    %add3A_156 = arith.addi %mul3A_3, %add3A_155 : i32
    %dma_start3A_157 = arith.constant 1 : i32
    %dma_start3A_158 = arith.constant 0 : i32
    %dma_start3A_159 = arith.constant 0 : i32
    %dma_start3A_160 = tpu.memref_slice %arg10[%dma_start3A_157, %dma_start3A_158, %dma_start3A_159] : memref<2x64x128xf32, #tpu.memory_space<vmem>> -> memref<1x64x128xf32, #tpu.memory_space<vmem>>
    %dma_start3A_161 = tpu.memref_squeeze %dma_start3A_160 : memref<1x64x128xf32, #tpu.memory_space<vmem>> -> memref<64x128xf32, #tpu.memory_space<vmem>>
    %dma_start3A_162 = arith.constant 0 : i32
    %dma_start3A_163 = tpu.memref_slice %arg3[%add3A_156, %dma_start3A_162] : memref<320000x128xf32, #tpu.memory_space<hbm>> -> memref<64x128xf32, #tpu.memory_space<hbm>>
    %dma_start3A_164 = arith.constant 0 : i32
    %dma_start3A_165 = arith.constant 0 : i32
    %dma_start3A_166 = tpu.memref_slice %arg10[%dma_start3A_157, %dma_start3A_164, %dma_start3A_165] : memref<2x64x128xf32, #tpu.memory_space<vmem>> -> memref<1x64x128xf32, #tpu.memory_space<vmem>>
    %dma_start3A_167 = tpu.memref_squeeze %dma_start3A_166 : memref<1x64x128xf32, #tpu.memory_space<vmem>> -> memref<64x128xf32, #tpu.memory_space<vmem>>
    %dma_start3A_168 = arith.constant 0 : i32
    %dma_start3A_169 = tpu.memref_slice %arg3[%add3A_156, %dma_start3A_168] : memref<320000x128xf32, #tpu.memory_space<hbm>> -> memref<64x128xf32, #tpu.memory_space<hbm>>
    tpu.enqueue_dma source(%dma_start3A_169 : memref<64x128xf32, #tpu.memory_space<hbm>>) target(%dma_start3A_167 : memref<64x128xf32, #tpu.memory_space<vmem>>) target_semaphore(%arg16 : memref<!tpu.dma_semaphore, #tpu.memory_space<semaphore_mem>>)
    %dma_start3A_170 = arith.constant 1 : i32
    %dma_start3A_171 = arith.constant 1 : i32
    %dma_start3A_172 = arith.constant 0 : i32
    %dma_start3A_173 = arith.constant 0 : i32
    %dma_start3A_174 = tpu.memref_slice %arg11[%dma_start3A_171, %dma_start3A_172, %dma_start3A_173] : memref<2x64x128xf32, #tpu.memory_space<vmem>> -> memref<1x64x128xf32, #tpu.memory_space<vmem>>
    %dma_start3A_175 = tpu.memref_squeeze %dma_start3A_174 : memref<1x64x128xf32, #tpu.memory_space<vmem>> -> memref<64x128xf32, #tpu.memory_space<vmem>>
    %dma_start3A_176 = arith.constant 0 : i32
    %dma_start3A_177 = tpu.memref_slice %arg7[%dma_start3A_170, %dma_start3A_176] : memref<2x64xi32, #tpu.memory_space<vmem>> -> memref<1x64xi32, #tpu.memory_space<vmem>>
    %dma_start3A_178 = tpu.memref_squeeze %dma_start3A_177 : memref<1x64xi32, #tpu.memory_space<vmem>> -> memref<64xi32, #tpu.memory_space<vmem>>
    %dma_start3A_179 = arith.constant 0 : i32
    %dma_start3A_180 = arith.constant 0 : i32
    %dma_start3A_181 = tpu.memref_slice %arg4[%dma_start3A_179, %dma_start3A_180] : memref<10000x128xf32, #tpu.memory_space<hbm>> -> memref<10000x128xf32, #tpu.memory_space<hbm>>
    tpu.enqueue_indirect_dma source(%dma_start3A_181 : memref<10000x128xf32, #tpu.memory_space<hbm>>) target(%dma_start3A_175 : memref<64x128xf32, #tpu.memory_space<vmem>>) offsets(%dma_start3A_178 : memref<64xi32, #tpu.memory_space<vmem>>) semaphore(%arg18 : memref<!tpu.dma_semaphore, #tpu.memory_space<semaphore_mem>>)
    %dma_wait3A_182 = arith.constant 0 : i32
    %dma_wait3A_183 = arith.constant 0 : i32
    %dma_wait3A_184 = arith.constant 0 : i32
    %dma_wait3A_185 = tpu.memref_slice %arg10[%dma_wait3A_182, %dma_wait3A_183, %dma_wait3A_184] : memref<2x64x128xf32, #tpu.memory_space<vmem>> -> memref<1x64x128xf32, #tpu.memory_space<vmem>>
    %dma_wait3A_186 = tpu.memref_squeeze %dma_wait3A_185 : memref<1x64x128xf32, #tpu.memory_space<vmem>> -> memref<64x128xf32, #tpu.memory_space<vmem>>
    %dma_wait3A_187 = arith.constant 0 : i32
    %dma_wait3A_188 = arith.constant 0 : i32
    %dma_wait3A_189 = tpu.memref_slice %arg3[%dma_wait3A_187, %dma_wait3A_188] : memref<320000x128xf32, #tpu.memory_space<hbm>> -> memref<64x128xf32, #tpu.memory_space<hbm>>
    %dma_wait3A_190 = arith.constant 0 : i32
    %dma_wait3A_191 = arith.constant 0 : i32
    %dma_wait3A_192 = tpu.memref_slice %arg10[%dma_wait3A_182, %dma_wait3A_190, %dma_wait3A_191] : memref<2x64x128xf32, #tpu.memory_space<vmem>> -> memref<1x64x128xf32, #tpu.memory_space<vmem>>
    %dma_wait3A_193 = tpu.memref_squeeze %dma_wait3A_192 : memref<1x64x128xf32, #tpu.memory_space<vmem>> -> memref<64x128xf32, #tpu.memory_space<vmem>>
    %dma_wait3A_194 = arith.constant 0 : i32
    %dma_wait3A_195 = arith.constant 0 : i32
    %dma_wait3A_196 = tpu.memref_slice %arg3[%dma_wait3A_194, %dma_wait3A_195] : memref<320000x128xf32, #tpu.memory_space<hbm>> -> memref<64x128xf32, #tpu.memory_space<hbm>>
    tpu.wait_dma2 semaphore(%arg15 : memref<!tpu.dma_semaphore, #tpu.memory_space<semaphore_mem>>) src(%dma_wait3A_196 : memref<64x128xf32, #tpu.memory_space<hbm>>) dst(%dma_wait3A_193 : memref<64x128xf32, #tpu.memory_space<vmem>>)
    %dma_wait3A_197 = arith.constant 0 : i32
    %dma_wait3A_198 = arith.constant 0 : i32
    %dma_wait3A_199 = arith.constant 0 : i32
    %dma_wait3A_200 = arith.constant 0 : i32
    %dma_wait3A_201 = tpu.memref_slice %arg11[%dma_wait3A_198, %dma_wait3A_199, %dma_wait3A_200] : memref<2x64x128xf32, #tpu.memory_space<vmem>> -> memref<1x64x128xf32, #tpu.memory_space<vmem>>
    %dma_wait3A_202 = tpu.memref_squeeze %dma_wait3A_201 : memref<1x64x128xf32, #tpu.memory_space<vmem>> -> memref<64x128xf32, #tpu.memory_space<vmem>>
    %dma_wait3A_203 = arith.constant 0 : i32
    %dma_wait3A_204 = tpu.memref_slice %arg7[%dma_wait3A_197, %dma_wait3A_203] : memref<2x64xi32, #tpu.memory_space<vmem>> -> memref<1x64xi32, #tpu.memory_space<vmem>>
    %dma_wait3A_205 = tpu.memref_squeeze %dma_wait3A_204 : memref<1x64xi32, #tpu.memory_space<vmem>> -> memref<64xi32, #tpu.memory_space<vmem>>
    %dma_wait3A_206 = arith.constant 0 : i32
    %dma_wait3A_207 = arith.constant 0 : i32
    %dma_wait3A_208 = tpu.memref_slice %arg4[%dma_wait3A_206, %dma_wait3A_207] : memref<10000x128xf32, #tpu.memory_space<hbm>> -> memref<10000x128xf32, #tpu.memory_space<hbm>>
    tpu.wait_indirect_dma semaphore(%arg17 : memref<!tpu.dma_semaphore, #tpu.memory_space<semaphore_mem>>) src(%dma_wait3A_208 : memref<10000x128xf32, #tpu.memory_space<hbm>>) dst(%dma_wait3A_202 : memref<64x128xf32, #tpu.memory_space<vmem>>)
    %scan3A_209 = arith.constant 0 : i32
    %scan3A_210 = arith.constant 0 : i32
    %scan3A_211 = arith.constant 64 : i32
    %scan3A_212 = arith.addi %scan3A_210, %scan3A_211 : i32
    %scan3A_213 = arith.constant 1 : i32
    scf.for %scan3A_672 = %scan3A_210 to %scan3A_212 step %scan3A_213  : i32 {
      %add3A_673 = arith.constant 0 : i32
      %add3A_674 = arith.addi %mul3A_1, %add3A_673 : i32
      %get3A_675 = arith.constant 0 : i32
      %get3A_676 = arith.index_cast %get3A_675 : i32 to index
      %get3A_677 = arith.index_cast %scan3A_672 : i32 to index
      %get3A_678 = arith.index_cast %add3A_674 : i32 to index
      %get3A_679 = tpu.vector_load %arg10[%get3A_676, %get3A_677, %get3A_678] {strides = array<i32>} : memref<2x64x128xf32, #tpu.memory_space<vmem>>, vector<1x1x16xf32>,
      %get3A_680 = vector.shape_cast %get3A_679 : vector<1x1x16xf32> to vector<16xf32>
      %add3A_681 = arith.constant 1.000000e+00 : f32
      %add3A_682 = vector.broadcast %add3A_681 : f32 to vector<16xf32>
      %add3A_683 = arith.addf %get3A_680, %add3A_682 : vector<16xf32>
      %max3A = arith.constant 0.000000e+00 : f32
      %max3A_684 = vector.broadcast %max3A : f32 to vector<16xf32>
      %max3A_685 = arith.maximumf %add3A_683, %max3A_684 : vector<16xf32>
      %swap3A_686 = arith.constant 0 : i32
      %swap3A_687 = arith.index_cast %swap3A_686 : i32 to index
      %swap3A_688 = arith.index_cast %scan3A_672 : i32 to index
      %swap3A_689 = arith.constant 0 : index
      %swap3A_690 = tpu.vector_load %arg12[%swap3A_687, %swap3A_688, %swap3A_689] {strides = array<i32>} : memref<2x64x128xf32, #tpu.memory_space<vmem>>, vector<1x1x16xf32>,
      %swap3A_691 = vector.shape_cast %swap3A_690 : vector<1x1x16xf32> to vector<16xf32>
      %swap3A_692 = vector.shape_cast %max3A_685 : vector<16xf32> to vector<1x1x16xf32>
      tpu.vector_store %arg12[%swap3A_687, %swap3A_688, %swap3A_689], %swap3A_692 {strides = array<i32>} : memref<2x64x128xf32, #tpu.memory_space<vmem>>, vector<1x1x16xf32>,
      %add3A_693 = arith.constant 0 : i32
      %add3A_694 = arith.addi %mul3A_1, %add3A_693 : i32
      %get3A_695 = arith.constant 0 : i32
      %get3A_696 = arith.index_cast %get3A_695 : i32 to index
      %get3A_697 = arith.index_cast %scan3A_672 : i32 to index
      %get3A_698 = arith.index_cast %add3A_694 : i32 to index
      %get3A_699 = tpu.vector_load %arg11[%get3A_696, %get3A_697, %get3A_698] {strides = array<i32>} : memref<2x64x128xf32, #tpu.memory_space<vmem>>, vector<1x1x16xf32>,
      %get3A_700 = vector.shape_cast %get3A_699 : vector<1x1x16xf32> to vector<16xf32>
      %mul3A_701 = arith.mulf %max3A_685, %get3A_700 : vector<16xf32>
      %swap3A_702 = arith.constant 0 : i32
      %swap3A_703 = arith.index_cast %swap3A_702 : i32 to index
      %swap3A_704 = arith.index_cast %scan3A_672 : i32 to index
      %swap3A_705 = arith.constant 64 : index
      %swap3A_706 = tpu.vector_load %arg12[%swap3A_703, %swap3A_704, %swap3A_705] {strides = array<i32>} : memref<2x64x128xf32, #tpu.memory_space<vmem>>, vector<1x1x16xf32>,
      %swap3A_707 = vector.shape_cast %swap3A_706 : vector<1x1x16xf32> to vector<16xf32>
      %swap3A_708 = vector.shape_cast %mul3A_701 : vector<16xf32> to vector<1x1x16xf32>
      tpu.vector_store %arg12[%swap3A_703, %swap3A_704, %swap3A_705], %swap3A_708 {strides = array<i32>} : memref<2x64x128xf32, #tpu.memory_space<vmem>>, vector<1x1x16xf32>,
      %add3A_709 = arith.constant 16 : i32
      %add3A_710 = arith.addi %mul3A_1, %add3A_709 : i32
      %get3A_711 = arith.constant 0 : i32
      %get3A_712 = arith.index_cast %get3A_711 : i32 to index
      %get3A_713 = arith.index_cast %scan3A_672 : i32 to index
      %get3A_714 = arith.index_cast %add3A_710 : i32 to index
      %get3A_715 = tpu.vector_load %arg10[%get3A_712, %get3A_713, %get3A_714] {strides = array<i32>} : memref<2x64x128xf32, #tpu.memory_space<vmem>>, vector<1x1x16xf32>,
      %get3A_716 = vector.shape_cast %get3A_715 : vector<1x1x16xf32> to vector<16xf32>
      %add3A_717 = arith.constant 1.000000e+00 : f32
      %add3A_718 = vector.broadcast %add3A_717 : f32 to vector<16xf32>
      %add3A_719 = arith.addf %get3A_716, %add3A_718 : vector<16xf32>
      %max3A_720 = arith.constant 0.000000e+00 : f32
      %max3A_721 = vector.broadcast %max3A_720 : f32 to vector<16xf32>
      %max3A_722 = arith.maximumf %add3A_719, %max3A_721 : vector<16xf32>
      %swap3A_723 = arith.constant 0 : i32
      %swap3A_724 = arith.index_cast %swap3A_723 : i32 to index
      %swap3A_725 = arith.index_cast %scan3A_672 : i32 to index
      %swap3A_726 = arith.constant 16 : index
      %swap3A_727 = tpu.vector_load %arg12[%swap3A_724, %swap3A_725, %swap3A_726] {strides = array<i32>} : memref<2x64x128xf32, #tpu.memory_space<vmem>>, vector<1x1x16xf32>,
      %swap3A_728 = vector.shape_cast %swap3A_727 : vector<1x1x16xf32> to vector<16xf32>
      %swap3A_729 = vector.shape_cast %max3A_722 : vector<16xf32> to vector<1x1x16xf32>
      tpu.vector_store %arg12[%swap3A_724, %swap3A_725, %swap3A_726], %swap3A_729 {strides = array<i32>} : memref<2x64x128xf32, #tpu.memory_space<vmem>>, vector<1x1x16xf32>,
      %add3A_730 = arith.constant 16 : i32
      %add3A_731 = arith.addi %mul3A_1, %add3A_730 : i32
      %get3A_732 = arith.constant 0 : i32
      %get3A_733 = arith.index_cast %get3A_732 : i32 to index
      %get3A_734 = arith.index_cast %scan3A_672 : i32 to index
      %get3A_735 = arith.index_cast %add3A_731 : i32 to index
      %get3A_736 = tpu.vector_load %arg11[%get3A_733, %get3A_734, %get3A_735] {strides = array<i32>} : memref<2x64x128xf32, #tpu.memory_space<vmem>>, vector<1x1x16xf32>,
      %get3A_737 = vector.shape_cast %get3A_736 : vector<1x1x16xf32> to vector<16xf32>
      %mul3A_738 = arith.mulf %max3A_722, %get3A_737 : vector<16xf32>
      %swap3A_739 = arith.constant 0 : i32
      %swap3A_740 = arith.index_cast %swap3A_739 : i32 to index
      %swap3A_741 = arith.index_cast %scan3A_672 : i32 to index
      %swap3A_742 = arith.constant 80 : index
      %swap3A_743 = tpu.vector_load %arg12[%swap3A_740, %swap3A_741, %swap3A_742] {strides = array<i32>} : memref<2x64x128xf32, #tpu.memory_space<vmem>>, vector<1x1x16xf32>,
      %swap3A_744 = vector.shape_cast %swap3A_743 : vector<1x1x16xf32> to vector<16xf32>
      %swap3A_745 = vector.shape_cast %mul3A_738 : vector<16xf32> to vector<1x1x16xf32>
      tpu.vector_store %arg12[%swap3A_740, %swap3A_741, %swap3A_742], %swap3A_745 {strides = array<i32>} : memref<2x64x128xf32, #tpu.memory_space<vmem>>, vector<1x1x16xf32>,
      %add3A_746 = arith.constant 32 : i32
      %add3A_747 = arith.addi %mul3A_1, %add3A_746 : i32
      %get3A_748 = arith.constant 0 : i32
      %get3A_749 = arith.index_cast %get3A_748 : i32 to index
      %get3A_750 = arith.index_cast %scan3A_672 : i32 to index
      %get3A_751 = arith.index_cast %add3A_747 : i32 to index
      %get3A_752 = tpu.vector_load %arg10[%get3A_749, %get3A_750, %get3A_751] {strides = array<i32>} : memref<2x64x128xf32, #tpu.memory_space<vmem>>, vector<1x1x16xf32>,
      %get3A_753 = vector.shape_cast %get3A_752 : vector<1x1x16xf32> to vector<16xf32>
      %add3A_754 = arith.constant 1.000000e+00 : f32
      %add3A_755 = vector.broadcast %add3A_754 : f32 to vector<16xf32>
      %add3A_756 = arith.addf %get3A_753, %add3A_755 : vector<16xf32>
      %max3A_757 = arith.constant 0.000000e+00 : f32
      %max3A_758 = vector.broadcast %max3A_757 : f32 to vector<16xf32>
      %max3A_759 = arith.maximumf %add3A_756, %max3A_758 : vector<16xf32>
      %swap3A_760 = arith.constant 0 : i32
      %swap3A_761 = arith.index_cast %swap3A_760 : i32 to index
      %swap3A_762 = arith.index_cast %scan3A_672 : i32 to index
      %swap3A_763 = arith.constant 32 : index
      %swap3A_764 = tpu.vector_load %arg12[%swap3A_761, %swap3A_762, %swap3A_763] {strides = array<i32>} : memref<2x64x128xf32, #tpu.memory_space<vmem>>, vector<1x1x16xf32>,
      %swap3A_765 = vector.shape_cast %swap3A_764 : vector<1x1x16xf32> to vector<16xf32>
      %swap3A_766 = vector.shape_cast %max3A_759 : vector<16xf32> to vector<1x1x16xf32>
      tpu.vector_store %arg12[%swap3A_761, %swap3A_762, %swap3A_763], %swap3A_766 {strides = array<i32>} : memref<2x64x128xf32, #tpu.memory_space<vmem>>, vector<1x1x16xf32>,
      %add3A_767 = arith.constant 32 : i32
      %add3A_768 = arith.addi %mul3A_1, %add3A_767 : i32
      %get3A_769 = arith.constant 0 : i32
      %get3A_770 = arith.index_cast %get3A_769 : i32 to index
      %get3A_771 = arith.index_cast %scan3A_672 : i32 to index
      %get3A_772 = arith.index_cast %add3A_768 : i32 to index
      %get3A_773 = tpu.vector_load %arg11[%get3A_770, %get3A_771, %get3A_772] {strides = array<i32>} : memref<2x64x128xf32, #tpu.memory_space<vmem>>, vector<1x1x16xf32>,
      %get3A_774 = vector.shape_cast %get3A_773 : vector<1x1x16xf32> to vector<16xf32>
      %mul3A_775 = arith.mulf %max3A_759, %get3A_774 : vector<16xf32>
      %swap3A_776 = arith.constant 0 : i32
      %swap3A_777 = arith.index_cast %swap3A_776 : i32 to index
      %swap3A_778 = arith.index_cast %scan3A_672 : i32 to index
      %swap3A_779 = arith.constant 96 : index
      %swap3A_780 = tpu.vector_load %arg12[%swap3A_777, %swap3A_778, %swap3A_779] {strides = array<i32>} : memref<2x64x128xf32, #tpu.memory_space<vmem>>, vector<1x1x16xf32>,
      %swap3A_781 = vector.shape_cast %swap3A_780 : vector<1x1x16xf32> to vector<16xf32>
      %swap3A_782 = vector.shape_cast %mul3A_775 : vector<16xf32> to vector<1x1x16xf32>
      tpu.vector_store %arg12[%swap3A_777, %swap3A_778, %swap3A_779], %swap3A_782 {strides = array<i32>} : memref<2x64x128xf32, #tpu.memory_space<vmem>>, vector<1x1x16xf32>,
      %add3A_783 = arith.constant 48 : i32
      %add3A_784 = arith.addi %mul3A_1, %add3A_783 : i32
      %get3A_785 = arith.constant 0 : i32
      %get3A_786 = arith.index_cast %get3A_785 : i32 to index
      %get3A_787 = arith.index_cast %scan3A_672 : i32 to index
      %get3A_788 = arith.index_cast %add3A_784 : i32 to index
      %get3A_789 = tpu.vector_load %arg10[%get3A_786, %get3A_787, %get3A_788] {strides = array<i32>} : memref<2x64x128xf32, #tpu.memory_space<vmem>>, vector<1x1x16xf32>,
      %get3A_790 = vector.shape_cast %get3A_789 : vector<1x1x16xf32> to vector<16xf32>
      %add3A_791 = arith.constant 1.000000e+00 : f32
      %add3A_792 = vector.broadcast %add3A_791 : f32 to vector<16xf32>
      %add3A_793 = arith.addf %get3A_790, %add3A_792 : vector<16xf32>
      %max3A_794 = arith.constant 0.000000e+00 : f32
      %max3A_795 = vector.broadcast %max3A_794 : f32 to vector<16xf32>
      %max3A_796 = arith.maximumf %add3A_793, %max3A_795 : vector<16xf32>
      %swap3A_797 = arith.constant 0 : i32
      %swap3A_798 = arith.index_cast %swap3A_797 : i32 to index
      %swap3A_799 = arith.index_cast %scan3A_672 : i32 to index
      %swap3A_800 = arith.constant 48 : index
      %swap3A_801 = tpu.vector_load %arg12[%swap3A_798, %swap3A_799, %swap3A_800] {strides = array<i32>} : memref<2x64x128xf32, #tpu.memory_space<vmem>>, vector<1x1x16xf32>,
      %swap3A_802 = vector.shape_cast %swap3A_801 : vector<1x1x16xf32> to vector<16xf32>
      %swap3A_803 = vector.shape_cast %max3A_796 : vector<16xf32> to vector<1x1x16xf32>
      tpu.vector_store %arg12[%swap3A_798, %swap3A_799, %swap3A_800], %swap3A_803 {strides = array<i32>} : memref<2x64x128xf32, #tpu.memory_space<vmem>>, vector<1x1x16xf32>,
      %add3A_804 = arith.constant 48 : i32
      %add3A_805 = arith.addi %mul3A_1, %add3A_804 : i32
      %get3A_806 = arith.constant 0 : i32
      %get3A_807 = arith.index_cast %get3A_806 : i32 to index
      %get3A_808 = arith.index_cast %scan3A_672 : i32 to index
      %get3A_809 = arith.index_cast %add3A_805 : i32 to index
      %get3A_810 = tpu.vector_load %arg11[%get3A_807, %get3A_808, %get3A_809] {strides = array<i32>} : memref<2x64x128xf32, #tpu.memory_space<vmem>>, vector<1x1x16xf32>,
      %get3A_811 = vector.shape_cast %get3A_810 : vector<1x1x16xf32> to vector<16xf32>
      %mul3A_812 = arith.mulf %max3A_796, %get3A_811 : vector<16xf32>
      %swap3A_813 = arith.constant 0 : i32
      %swap3A_814 = arith.index_cast %swap3A_813 : i32 to index
      %swap3A_815 = arith.index_cast %scan3A_672 : i32 to index
      %swap3A_816 = arith.constant 112 : index
      %swap3A_817 = tpu.vector_load %arg12[%swap3A_814, %swap3A_815, %swap3A_816] {strides = array<i32>} : memref<2x64x128xf32, #tpu.memory_space<vmem>>, vector<1x1x16xf32>,
      %swap3A_818 = vector.shape_cast %swap3A_817 : vector<1x1x16xf32> to vector<16xf32>
      %swap3A_819 = vector.shape_cast %mul3A_812 : vector<16xf32> to vector<1x1x16xf32>
      tpu.vector_store %arg12[%swap3A_814, %swap3A_815, %swap3A_816], %swap3A_819 {strides = array<i32>} : memref<2x64x128xf32, #tpu.memory_space<vmem>>, vector<1x1x16xf32>,
    }
    %scan3A_214 = arith.constant 64 : i32
    %get3A = arith.constant 0 : i32
    %get3A_215 = arith.index_cast %get3A : i32 to index
    %get3A_216 = arith.constant 0 : index
    %get3A_217 = tpu.vector_load %arg8[%get3A_215, %get3A_216] {strides = array<i32>} : memref<2x64xi32, #tpu.memory_space<vmem>>, vector<1x16xi32>,
    %get3A_218 = vector.shape_cast %get3A_217 : vector<1x16xi32> to vector<16xi32>
    %swap3A = arith.constant 0 : i32
    %swap3A_219 = arith.index_cast %swap3A : i32 to index
    %swap3A_220 = arith.constant 0 : index
    %swap3A_221 = tpu.vector_load %arg9[%swap3A_219, %swap3A_220] {strides = array<i32>} : memref<2x64xi32, #tpu.memory_space<vmem>>, vector<1x16xi32>,
    %swap3A_222 = vector.shape_cast %swap3A_221 : vector<1x16xi32> to vector<16xi32>
    %swap3A_223 = vector.shape_cast %get3A_218 : vector<16xi32> to vector<1x16xi32>
    tpu.vector_store %arg9[%swap3A_219, %swap3A_220], %swap3A_223 {strides = array<i32>} : memref<2x64xi32, #tpu.memory_space<vmem>>, vector<1x16xi32>,
    %get3A_224 = arith.constant 0 : i32
    %get3A_225 = arith.index_cast %get3A_224 : i32 to index
    %get3A_226 = arith.constant 16 : index
    %get3A_227 = tpu.vector_load %arg8[%get3A_225, %get3A_226] {strides = array<i32>} : memref<2x64xi32, #tpu.memory_space<vmem>>, vector<1x16xi32>,
    %get3A_228 = vector.shape_cast %get3A_227 : vector<1x16xi32> to vector<16xi32>
    %swap3A_229 = arith.constant 0 : i32
    %swap3A_230 = arith.index_cast %swap3A_229 : i32 to index
    %swap3A_231 = arith.constant 16 : index
    %swap3A_232 = tpu.vector_load %arg9[%swap3A_230, %swap3A_231] {strides = array<i32>} : memref<2x64xi32, #tpu.memory_space<vmem>>, vector<1x16xi32>,
    %swap3A_233 = vector.shape_cast %swap3A_232 : vector<1x16xi32> to vector<16xi32>
    %swap3A_234 = vector.shape_cast %get3A_228 : vector<16xi32> to vector<1x16xi32>
    tpu.vector_store %arg9[%swap3A_230, %swap3A_231], %swap3A_234 {strides = array<i32>} : memref<2x64xi32, #tpu.memory_space<vmem>>, vector<1x16xi32>,
    %dma_start3A_235 = arith.constant 0 : i32
    %dma_start3A_236 = arith.constant 0 : i32
    %dma_start3A_237 = arith.constant 0 : i32
    %dma_start3A_238 = arith.constant 0 : i32
    %dma_start3A_239 = tpu.memref_slice %arg12[%dma_start3A_235, %dma_start3A_237, %dma_start3A_238] : memref<2x64x128xf32, #tpu.memory_space<vmem>> -> memref<1x32x128xf32, #tpu.memory_space<vmem>>
    %dma_start3A_240 = tpu.memref_squeeze %dma_start3A_239 : memref<1x32x128xf32, #tpu.memory_space<vmem>> -> memref<32x128xf32, #tpu.memory_space<vmem>>
    %dma_start3A_241 = arith.constant 0 : i32
    %dma_start3A_242 = tpu.memref_slice %arg9[%dma_start3A_236, %dma_start3A_241] : memref<2x64xi32, #tpu.memory_space<vmem>> -> memref<1x32xi32, #tpu.memory_space<vmem>>
    %dma_start3A_243 = tpu.memref_squeeze %dma_start3A_242 : memref<1x32xi32, #tpu.memory_space<vmem>> -> memref<32xi32, #tpu.memory_space<vmem>>
    %dma_start3A_244 = arith.constant 0 : i32
    %dma_start3A_245 = arith.constant 0 : i32
    %dma_start3A_246 = tpu.memref_slice %arg6[%dma_start3A_244, %dma_start3A_245] : memref<10112x128xf32, #tpu.memory_space<vmem_shared>> -> memref<10112x128xf32, #tpu.memory_space<vmem_shared>>
    tpu.enqueue_indirect_dma source(%dma_start3A_240 : memref<32x128xf32, #tpu.memory_space<vmem>>) target(%dma_start3A_246 : memref<10112x128xf32, #tpu.memory_space<vmem_shared>>) offsets(%dma_start3A_243 : memref<32xi32, #tpu.memory_space<vmem>>) semaphore(%arg19 : memref<!tpu.dma_semaphore, #tpu.memory_space<semaphore_mem>>) {add = true}
    %add3A_247 = arith.constant 128 : i32
    %add3A_248 = arith.addi %mul3A_3, %add3A_247 : i32
    %dma_start3A_249 = arith.constant 0 : i32
    %dma_start3A_250 = arith.constant 0 : i32
    %dma_start3A_251 = tpu.memref_slice %arg7[%dma_start3A_249, %dma_start3A_250] : memref<2x64xi32, #tpu.memory_space<vmem>> -> memref<1x64xi32, #tpu.memory_space<vmem>>
    %dma_start3A_252 = tpu.memref_squeeze %dma_start3A_251 : memref<1x64xi32, #tpu.memory_space<vmem>> -> memref<64xi32, #tpu.memory_space<vmem>>
    %dma_start3A_253 = tpu.memref_slice %arg2[%add3A_248] : memref<640000xi32, #tpu.memory_space<hbm>> -> memref<64xi32, #tpu.memory_space<hbm>>
    %dma_start3A_254 = arith.constant 0 : i32
    %dma_start3A_255 = tpu.memref_slice %arg7[%dma_start3A_249, %dma_start3A_254] : memref<2x64xi32, #tpu.memory_space<vmem>> -> memref<1x64xi32, #tpu.memory_space<vmem>>
    %dma_start3A_256 = tpu.memref_squeeze %dma_start3A_255 : memref<1x64xi32, #tpu.memory_space<vmem>> -> memref<64xi32, #tpu.memory_space<vmem>>
    %dma_start3A_257 = tpu.memref_slice %arg2[%add3A_248] : memref<640000xi32, #tpu.memory_space<hbm>> -> memref<64xi32, #tpu.memory_space<hbm>>
    tpu.enqueue_dma source(%dma_start3A_257 : memref<64xi32, #tpu.memory_space<hbm>>) target(%dma_start3A_256 : memref<64xi32, #tpu.memory_space<vmem>>) target_semaphore(%arg13 : memref<!tpu.dma_semaphore, #tpu.memory_space<semaphore_mem>>)
    %add3A_258 = arith.constant 320000 : i32
    %add3A_259 = arith.addi %add3A_258, %add3A_248 : i32
    %dma_start3A_260 = arith.constant 0 : i32
    %dma_start3A_261 = arith.constant 0 : i32
    %dma_start3A_262 = tpu.memref_slice %arg8[%dma_start3A_260, %dma_start3A_261] : memref<2x64xi32, #tpu.memory_space<vmem>> -> memref<1x64xi32, #tpu.memory_space<vmem>>
    %dma_start3A_263 = tpu.memref_squeeze %dma_start3A_262 : memref<1x64xi32, #tpu.memory_space<vmem>> -> memref<64xi32, #tpu.memory_space<vmem>>
    %dma_start3A_264 = tpu.memref_slice %arg2[%add3A_259] : memref<640000xi32, #tpu.memory_space<hbm>> -> memref<64xi32, #tpu.memory_space<hbm>>
    %dma_start3A_265 = arith.constant 0 : i32
    %dma_start3A_266 = tpu.memref_slice %arg8[%dma_start3A_260, %dma_start3A_265] : memref<2x64xi32, #tpu.memory_space<vmem>> -> memref<1x64xi32, #tpu.memory_space<vmem>>
    %dma_start3A_267 = tpu.memref_squeeze %dma_start3A_266 : memref<1x64xi32, #tpu.memory_space<vmem>> -> memref<64xi32, #tpu.memory_space<vmem>>
    %dma_start3A_268 = tpu.memref_slice %arg2[%add3A_259] : memref<640000xi32, #tpu.memory_space<hbm>> -> memref<64xi32, #tpu.memory_space<hbm>>
    tpu.enqueue_dma source(%dma_start3A_268 : memref<64xi32, #tpu.memory_space<hbm>>) target(%dma_start3A_267 : memref<64xi32, #tpu.memory_space<vmem>>) target_semaphore(%arg13 : memref<!tpu.dma_semaphore, #tpu.memory_space<semaphore_mem>>)
    %dma_wait3A_269 = arith.constant 0 : i32
    %dma_wait3A_270 = arith.constant 0 : i32
    %dma_wait3A_271 = tpu.memref_slice %arg7[%dma_wait3A_269, %dma_wait3A_270] : memref<2x64xi32, #tpu.memory_space<vmem>> -> memref<1x64xi32, #tpu.memory_space<vmem>>
    %dma_wait3A_272 = tpu.memref_squeeze %dma_wait3A_271 : memref<1x64xi32, #tpu.memory_space<vmem>> -> memref<64xi32, #tpu.memory_space<vmem>>
    %dma_wait3A_273 = arith.constant 0 : i32
    %dma_wait3A_274 = tpu.memref_slice %arg2[%dma_wait3A_273] : memref<640000xi32, #tpu.memory_space<hbm>> -> memref<64xi32, #tpu.memory_space<hbm>>
    %dma_wait3A_275 = arith.constant 0 : i32
    %dma_wait3A_276 = tpu.memref_slice %arg7[%dma_wait3A_269, %dma_wait3A_275] : memref<2x64xi32, #tpu.memory_space<vmem>> -> memref<1x64xi32, #tpu.memory_space<vmem>>
    %dma_wait3A_277 = tpu.memref_squeeze %dma_wait3A_276 : memref<1x64xi32, #tpu.memory_space<vmem>> -> memref<64xi32, #tpu.memory_space<vmem>>
    %dma_wait3A_278 = arith.constant 0 : i32
    %dma_wait3A_279 = tpu.memref_slice %arg2[%dma_wait3A_278] : memref<640000xi32, #tpu.memory_space<hbm>> -> memref<64xi32, #tpu.memory_space<hbm>>
    tpu.wait_dma2 semaphore(%arg13 : memref<!tpu.dma_semaphore, #tpu.memory_space<semaphore_mem>>) src(%dma_wait3A_279 : memref<64xi32, #tpu.memory_space<hbm>>) dst(%dma_wait3A_277 : memref<64xi32, #tpu.memory_space<vmem>>)
    %dma_wait3A_280 = arith.constant 0 : i32
    %dma_wait3A_281 = arith.constant 0 : i32
    %dma_wait3A_282 = tpu.memref_slice %arg8[%dma_wait3A_280, %dma_wait3A_281] : memref<2x64xi32, #tpu.memory_space<vmem>> -> memref<1x64xi32, #tpu.memory_space<vmem>>
    %dma_wait3A_283 = tpu.memref_squeeze %dma_wait3A_282 : memref<1x64xi32, #tpu.memory_space<vmem>> -> memref<64xi32, #tpu.memory_space<vmem>>
    %dma_wait3A_284 = arith.constant 0 : i32
    %dma_wait3A_285 = tpu.memref_slice %arg2[%dma_wait3A_284] : memref<640000xi32, #tpu.memory_space<hbm>> -> memref<64xi32, #tpu.memory_space<hbm>>
    %dma_wait3A_286 = arith.constant 0 : i32
    %dma_wait3A_287 = tpu.memref_slice %arg8[%dma_wait3A_280, %dma_wait3A_286] : memref<2x64xi32, #tpu.memory_space<vmem>> -> memref<1x64xi32, #tpu.memory_space<vmem>>
    %dma_wait3A_288 = tpu.memref_squeeze %dma_wait3A_287 : memref<1x64xi32, #tpu.memory_space<vmem>> -> memref<64xi32, #tpu.memory_space<vmem>>
    %dma_wait3A_289 = arith.constant 0 : i32
    %dma_wait3A_290 = tpu.memref_slice %arg2[%dma_wait3A_289] : memref<640000xi32, #tpu.memory_space<hbm>> -> memref<64xi32, #tpu.memory_space<hbm>>
    tpu.wait_dma2 semaphore(%arg13 : memref<!tpu.dma_semaphore, #tpu.memory_space<semaphore_mem>>) src(%dma_wait3A_290 : memref<64xi32, #tpu.memory_space<hbm>>) dst(%dma_wait3A_288 : memref<64xi32, #tpu.memory_space<vmem>>)
    %add3A_291 = arith.constant 128 : i32
    %add3A_292 = arith.addi %mul3A_3, %add3A_291 : i32
    %dma_start3A_293 = arith.constant 0 : i32
    %dma_start3A_294 = arith.constant 0 : i32
    %dma_start3A_295 = arith.constant 0 : i32
    %dma_start3A_296 = tpu.memref_slice %arg10[%dma_start3A_293, %dma_start3A_294, %dma_start3A_295] : memref<2x64x128xf32, #tpu.memory_space<vmem>> -> memref<1x64x128xf32, #tpu.memory_space<vmem>>
    %dma_start3A_297 = tpu.memref_squeeze %dma_start3A_296 : memref<1x64x128xf32, #tpu.memory_space<vmem>> -> memref<64x128xf32, #tpu.memory_space<vmem>>
    %dma_start3A_298 = arith.constant 0 : i32
    %dma_start3A_299 = tpu.memref_slice %arg3[%add3A_292, %dma_start3A_298] : memref<320000x128xf32, #tpu.memory_space<hbm>> -> memref<64x128xf32, #tpu.memory_space<hbm>>
    %dma_start3A_300 = arith.constant 0 : i32
    %dma_start3A_301 = arith.constant 0 : i32
    %dma_start3A_302 = tpu.memref_slice %arg10[%dma_start3A_293, %dma_start3A_300, %dma_start3A_301] : memref<2x64x128xf32, #tpu.memory_space<vmem>> -> memref<1x64x128xf32, #tpu.memory_space<vmem>>
    %dma_start3A_303 = tpu.memref_squeeze %dma_start3A_302 : memref<1x64x128xf32, #tpu.memory_space<vmem>> -> memref<64x128xf32, #tpu.memory_space<vmem>>
    %dma_start3A_304 = arith.constant 0 : i32
    %dma_start3A_305 = tpu.memref_slice %arg3[%add3A_292, %dma_start3A_304] : memref<320000x128xf32, #tpu.memory_space<hbm>> -> memref<64x128xf32, #tpu.memory_space<hbm>>
    tpu.enqueue_dma source(%dma_start3A_305 : memref<64x128xf32, #tpu.memory_space<hbm>>) target(%dma_start3A_303 : memref<64x128xf32, #tpu.memory_space<vmem>>) target_semaphore(%arg15 : memref<!tpu.dma_semaphore, #tpu.memory_space<semaphore_mem>>)
    %dma_start3A_306 = arith.constant 0 : i32
    %dma_start3A_307 = arith.constant 0 : i32
    %dma_start3A_308 = arith.constant 0 : i32
    %dma_start3A_309 = arith.constant 0 : i32
    %dma_start3A_310 = tpu.memref_slice %arg11[%dma_start3A_307, %dma_start3A_308, %dma_start3A_309] : memref<2x64x128xf32, #tpu.memory_space<vmem>> -> memref<1x64x128xf32, #tpu.memory_space<vmem>>
    %dma_start3A_311 = tpu.memref_squeeze %dma_start3A_310 : memref<1x64x128xf32, #tpu.memory_space<vmem>> -> memref<64x128xf32, #tpu.memory_space<vmem>>
    %dma_start3A_312 = arith.constant 0 : i32
    %dma_start3A_313 = tpu.memref_slice %arg7[%dma_start3A_306, %dma_start3A_312] : memref<2x64xi32, #tpu.memory_space<vmem>> -> memref<1x64xi32, #tpu.memory_space<vmem>>
    %dma_start3A_314 = tpu.memref_squeeze %dma_start3A_313 : memref<1x64xi32, #tpu.memory_space<vmem>> -> memref<64xi32, #tpu.memory_space<vmem>>
    %dma_start3A_315 = arith.constant 0 : i32
    %dma_start3A_316 = arith.constant 0 : i32
    %dma_start3A_317 = tpu.memref_slice %arg4[%dma_start3A_315, %dma_start3A_316] : memref<10000x128xf32, #tpu.memory_space<hbm>> -> memref<10000x128xf32, #tpu.memory_space<hbm>>
    tpu.enqueue_indirect_dma source(%dma_start3A_317 : memref<10000x128xf32, #tpu.memory_space<hbm>>) target(%dma_start3A_311 : memref<64x128xf32, #tpu.memory_space<vmem>>) offsets(%dma_start3A_314 : memref<64xi32, #tpu.memory_space<vmem>>) semaphore(%arg17 : memref<!tpu.dma_semaphore, #tpu.memory_space<semaphore_mem>>)
    %dma_wait3A_318 = arith.constant 1 : i32
    %dma_wait3A_319 = arith.constant 0 : i32
    %dma_wait3A_320 = arith.constant 0 : i32
    %dma_wait3A_321 = tpu.memref_slice %arg10[%dma_wait3A_318, %dma_wait3A_319, %dma_wait3A_320] : memref<2x64x128xf32, #tpu.memory_space<vmem>> -> memref<1x64x128xf32, #tpu.memory_space<vmem>>
    %dma_wait3A_322 = tpu.memref_squeeze %dma_wait3A_321 : memref<1x64x128xf32, #tpu.memory_space<vmem>> -> memref<64x128xf32, #tpu.memory_space<vmem>>
    %dma_wait3A_323 = arith.constant 0 : i32
    %dma_wait3A_324 = arith.constant 0 : i32
    %dma_wait3A_325 = tpu.memref_slice %arg3[%dma_wait3A_323, %dma_wait3A_324] : memref<320000x128xf32, #tpu.memory_space<hbm>> -> memref<64x128xf32, #tpu.memory_space<hbm>>
    %dma_wait3A_326 = arith.constant 0 : i32
    %dma_wait3A_327 = arith.constant 0 : i32
    %dma_wait3A_328 = tpu.memref_slice %arg10[%dma_wait3A_318, %dma_wait3A_326, %dma_wait3A_327] : memref<2x64x128xf32, #tpu.memory_space<vmem>> -> memref<1x64x128xf32, #tpu.memory_space<vmem>>
    %dma_wait3A_329 = tpu.memref_squeeze %dma_wait3A_328 : memref<1x64x128xf32, #tpu.memory_space<vmem>> -> memref<64x128xf32, #tpu.memory_space<vmem>>
    %dma_wait3A_330 = arith.constant 0 : i32
    %dma_wait3A_331 = arith.constant 0 : i32
    %dma_wait3A_332 = tpu.memref_slice %arg3[%dma_wait3A_330, %dma_wait3A_331] : memref<320000x128xf32, #tpu.memory_space<hbm>> -> memref<64x128xf32, #tpu.memory_space<hbm>>
    tpu.wait_dma2 semaphore(%arg16 : memref<!tpu.dma_semaphore, #tpu.memory_space<semaphore_mem>>) src(%dma_wait3A_332 : memref<64x128xf32, #tpu.memory_space<hbm>>) dst(%dma_wait3A_329 : memref<64x128xf32, #tpu.memory_space<vmem>>)
    %dma_wait3A_333 = arith.constant 1 : i32
    %dma_wait3A_334 = arith.constant 1 : i32
    %dma_wait3A_335 = arith.constant 0 : i32
    %dma_wait3A_336 = arith.constant 0 : i32
    %dma_wait3A_337 = tpu.memref_slice %arg11[%dma_wait3A_334, %dma_wait3A_335, %dma_wait3A_336] : memref<2x64x128xf32, #tpu.memory_space<vmem>> -> memref<1x64x128xf32, #tpu.memory_space<vmem>>
    %dma_wait3A_338 = tpu.memref_squeeze %dma_wait3A_337 : memref<1x64x128xf32, #tpu.memory_space<vmem>> -> memref<64x128xf32, #tpu.memory_space<vmem>>
    %dma_wait3A_339 = arith.constant 0 : i32
    %dma_wait3A_340 = tpu.memref_slice %arg7[%dma_wait3A_333, %dma_wait3A_339] : memref<2x64xi32, #tpu.memory_space<vmem>> -> memref<1x64xi32, #tpu.memory_space<vmem>>
    %dma_wait3A_341 = tpu.memref_squeeze %dma_wait3A_340 : memref<1x64xi32, #tpu.memory_space<vmem>> -> memref<64xi32, #tpu.memory_space<vmem>>
    %dma_wait3A_342 = arith.constant 0 : i32
    %dma_wait3A_343 = arith.constant 0 : i32
    %dma_wait3A_344 = tpu.memref_slice %arg4[%dma_wait3A_342, %dma_wait3A_343] : memref<10000x128xf32, #tpu.memory_space<hbm>> -> memref<10000x128xf32, #tpu.memory_space<hbm>>
    tpu.wait_indirect_dma semaphore(%arg18 : memref<!tpu.dma_semaphore, #tpu.memory_space<semaphore_mem>>) src(%dma_wait3A_344 : memref<10000x128xf32, #tpu.memory_space<hbm>>) dst(%dma_wait3A_338 : memref<64x128xf32, #tpu.memory_space<vmem>>)
    %scan3A_345 = arith.constant 0 : i32
    %scan3A_346 = arith.constant 0 : i32
    %scan3A_347 = arith.constant 64 : i32
    %scan3A_348 = arith.addi %scan3A_346, %scan3A_347 : i32
    %scan3A_349 = arith.constant 1 : i32
    scf.for %scan3A_672 = %scan3A_346 to %scan3A_348 step %scan3A_349  : i32 {
      %add3A_673 = arith.constant 0 : i32
      %add3A_674 = arith.addi %mul3A_1, %add3A_673 : i32
      %get3A_675 = arith.constant 1 : i32
      %get3A_676 = arith.index_cast %get3A_675 : i32 to index
      %get3A_677 = arith.index_cast %scan3A_672 : i32 to index
      %get3A_678 = arith.index_cast %add3A_674 : i32 to index
      %get3A_679 = tpu.vector_load %arg10[%get3A_676, %get3A_677, %get3A_678] {strides = array<i32>} : memref<2x64x128xf32, #tpu.memory_space<vmem>>, vector<1x1x16xf32>,
      %get3A_680 = vector.shape_cast %get3A_679 : vector<1x1x16xf32> to vector<16xf32>
      %add3A_681 = arith.constant 1.000000e+00 : f32
      %add3A_682 = vector.broadcast %add3A_681 : f32 to vector<16xf32>
      %add3A_683 = arith.addf %get3A_680, %add3A_682 : vector<16xf32>
      %max3A = arith.constant 0.000000e+00 : f32
      %max3A_684 = vector.broadcast %max3A : f32 to vector<16xf32>
      %max3A_685 = arith.maximumf %add3A_683, %max3A_684 : vector<16xf32>
      %swap3A_686 = arith.constant 1 : i32
      %swap3A_687 = arith.index_cast %swap3A_686 : i32 to index
      %swap3A_688 = arith.index_cast %scan3A_672 : i32 to index
      %swap3A_689 = arith.constant 0 : index
      %swap3A_690 = tpu.vector_load %arg12[%swap3A_687, %swap3A_688, %swap3A_689] {strides = array<i32>} : memref<2x64x128xf32, #tpu.memory_space<vmem>>, vector<1x1x16xf32>,
      %swap3A_691 = vector.shape_cast %swap3A_690 : vector<1x1x16xf32> to vector<16xf32>
      %swap3A_692 = vector.shape_cast %max3A_685 : vector<16xf32> to vector<1x1x16xf32>
      tpu.vector_store %arg12[%swap3A_687, %swap3A_688, %swap3A_689], %swap3A_692 {strides = array<i32>} : memref<2x64x128xf32, #tpu.memory_space<vmem>>, vector<1x1x16xf32>,
      %add3A_693 = arith.constant 0 : i32
      %add3A_694 = arith.addi %mul3A_1, %add3A_693 : i32
      %get3A_695 = arith.constant 1 : i32
      %get3A_696 = arith.index_cast %get3A_695 : i32 to index
      %get3A_697 = arith.index_cast %scan3A_672 : i32 to index
      %get3A_698 = arith.index_cast %add3A_694 : i32 to index
      %get3A_699 = tpu.vector_load %arg11[%get3A_696, %get3A_697, %get3A_698] {strides = array<i32>} : memref<2x64x128xf32, #tpu.memory_space<vmem>>, vector<1x1x16xf32>,
      %get3A_700 = vector.shape_cast %get3A_699 : vector<1x1x16xf32> to vector<16xf32>
      %mul3A_701 = arith.mulf %max3A_685, %get3A_700 : vector<16xf32>
      %swap3A_702 = arith.constant 1 : i32
      %swap3A_703 = arith.index_cast %swap3A_702 : i32 to index
      %swap3A_704 = arith.index_cast %scan3A_672 : i32 to index
      %swap3A_705 = arith.constant 64 : index
      %swap3A_706 = tpu.vector_load %arg12[%swap3A_703, %swap3A_704, %swap3A_705] {strides = array<i32>} : memref<2x64x128xf32, #tpu.memory_space<vmem>>, vector<1x1x16xf32>,
      %swap3A_707 = vector.shape_cast %swap3A_706 : vector<1x1x16xf32> to vector<16xf32>
      %swap3A_708 = vector.shape_cast %mul3A_701 : vector<16xf32> to vector<1x1x16xf32>
      tpu.vector_store %arg12[%swap3A_703, %swap3A_704, %swap3A_705], %swap3A_708 {strides = array<i32>} : memref<2x64x128xf32, #tpu.memory_space<vmem>>, vector<1x1x16xf32>,
      %add3A_709 = arith.constant 16 : i32
      %add3A_710 = arith.addi %mul3A_1, %add3A_709 : i32
      %get3A_711 = arith.constant 1 : i32
      %get3A_712 = arith.index_cast %get3A_711 : i32 to index
      %get3A_713 = arith.index_cast %scan3A_672 : i32 to index
      %get3A_714 = arith.index_cast %add3A_710 : i32 to index
      %get3A_715 = tpu.vector_load %arg10[%get3A_712, %get3A_713, %get3A_714] {strides = array<i32>} : memref<2x64x128xf32, #tpu.memory_space<vmem>>, vector<1x1x16xf32>,
      %get3A_716 = vector.shape_cast %get3A_715 : vector<1x1x16xf32> to vector<16xf32>
      %add3A_717 = arith.constant 1.000000e+00 : f32
      %add3A_718 = vector.broadcast %add3A_717 : f32 to vector<16xf32>
      %add3A_719 = arith.addf %get3A_716, %add3A_718 : vector<16xf32>
      %max3A_720 = arith.constant 0.000000e+00 : f32
      %max3A_721 = vector.broadcast %max3A_720 : f32 to vector<16xf32>
      %max3A_722 = arith.maximumf %add3A_719, %max3A_721 : vector<16xf32>
      %swap3A_723 = arith.constant 1 : i32
      %swap3A_724 = arith.index_cast %swap3A_723 : i32 to index
      %swap3A_725 = arith.index_cast %scan3A_672 : i32 to index
      %swap3A_726 = arith.constant 16 : index
      %swap3A_727 = tpu.vector_load %arg12[%swap3A_724, %swap3A_725, %swap3A_726] {strides = array<i32>} : memref<2x64x128xf32, #tpu.memory_space<vmem>>, vector<1x1x16xf32>,
      %swap3A_728 = vector.shape_cast %swap3A_727 : vector<1x1x16xf32> to vector<16xf32>
      %swap3A_729 = vector.shape_cast %max3A_722 : vector<16xf32> to vector<1x1x16xf32>
      tpu.vector_store %arg12[%swap3A_724, %swap3A_725, %swap3A_726], %swap3A_729 {strides = array<i32>} : memref<2x64x128xf32, #tpu.memory_space<vmem>>, vector<1x1x16xf32>,
      %add3A_730 = arith.constant 16 : i32
      %add3A_731 = arith.addi %mul3A_1, %add3A_730 : i32
      %get3A_732 = arith.constant 1 : i32
      %get3A_733 = arith.index_cast %get3A_732 : i32 to index
      %get3A_734 = arith.index_cast %scan3A_672 : i32 to index
      %get3A_735 = arith.index_cast %add3A_731 : i32 to index
      %get3A_736 = tpu.vector_load %arg11[%get3A_733, %get3A_734, %get3A_735] {strides = array<i32>} : memref<2x64x128xf32, #tpu.memory_space<vmem>>, vector<1x1x16xf32>,
      %get3A_737 = vector.shape_cast %get3A_736 : vector<1x1x16xf32> to vector<16xf32>
      %mul3A_738 = arith.mulf %max3A_722, %get3A_737 : vector<16xf32>
      %swap3A_739 = arith.constant 1 : i32
      %swap3A_740 = arith.index_cast %swap3A_739 : i32 to index
      %swap3A_741 = arith.index_cast %scan3A_672 : i32 to index
      %swap3A_742 = arith.constant 80 : index
      %swap3A_743 = tpu.vector_load %arg12[%swap3A_740, %swap3A_741, %swap3A_742] {strides = array<i32>} : memref<2x64x128xf32, #tpu.memory_space<vmem>>, vector<1x1x16xf32>,
      %swap3A_744 = vector.shape_cast %swap3A_743 : vector<1x1x16xf32> to vector<16xf32>
      %swap3A_745 = vector.shape_cast %mul3A_738 : vector<16xf32> to vector<1x1x16xf32>
      tpu.vector_store %arg12[%swap3A_740, %swap3A_741, %swap3A_742], %swap3A_745 {strides = array<i32>} : memref<2x64x128xf32, #tpu.memory_space<vmem>>, vector<1x1x16xf32>,
      %add3A_746 = arith.constant 32 : i32
      %add3A_747 = arith.addi %mul3A_1, %add3A_746 : i32
      %get3A_748 = arith.constant 1 : i32
      %get3A_749 = arith.index_cast %get3A_748 : i32 to index
      %get3A_750 = arith.index_cast %scan3A_672 : i32 to index
      %get3A_751 = arith.index_cast %add3A_747 : i32 to index
      %get3A_752 = tpu.vector_load %arg10[%get3A_749, %get3A_750, %get3A_751] {strides = array<i32>} : memref<2x64x128xf32, #tpu.memory_space<vmem>>, vector<1x1x16xf32>,
      %get3A_753 = vector.shape_cast %get3A_752 : vector<1x1x16xf32> to vector<16xf32>
      %add3A_754 = arith.constant 1.000000e+00 : f32
      %add3A_755 = vector.broadcast %add3A_754 : f32 to vector<16xf32>
      %add3A_756 = arith.addf %get3A_753, %add3A_755 : vector<16xf32>
      %max3A_757 = arith.constant 0.000000e+00 : f32
      %max3A_758 = vector.broadcast %max3A_757 : f32 to vector<16xf32>
      %max3A_759 = arith.maximumf %add3A_756, %max3A_758 : vector<16xf32>
      %swap3A_760 = arith.constant 1 : i32
      %swap3A_761 = arith.index_cast %swap3A_760 : i32 to index
      %swap3A_762 = arith.index_cast %scan3A_672 : i32 to index
      %swap3A_763 = arith.constant 32 : index
      %swap3A_764 = tpu.vector_load %arg12[%swap3A_761, %swap3A_762, %swap3A_763] {strides = array<i32>} : memref<2x64x128xf32, #tpu.memory_space<vmem>>, vector<1x1x16xf32>,
      %swap3A_765 = vector.shape_cast %swap3A_764 : vector<1x1x16xf32> to vector<16xf32>
      %swap3A_766 = vector.shape_cast %max3A_759 : vector<16xf32> to vector<1x1x16xf32>
      tpu.vector_store %arg12[%swap3A_761, %swap3A_762, %swap3A_763], %swap3A_766 {strides = array<i32>} : memref<2x64x128xf32, #tpu.memory_space<vmem>>, vector<1x1x16xf32>,
      %add3A_767 = arith.constant 32 : i32
      %add3A_768 = arith.addi %mul3A_1, %add3A_767 : i32
      %get3A_769 = arith.constant 1 : i32
      %get3A_770 = arith.index_cast %get3A_769 : i32 to index
      %get3A_771 = arith.index_cast %scan3A_672 : i32 to index
      %get3A_772 = arith.index_cast %add3A_768 : i32 to index
      %get3A_773 = tpu.vector_load %arg11[%get3A_770, %get3A_771, %get3A_772] {strides = array<i32>} : memref<2x64x128xf32, #tpu.memory_space<vmem>>, vector<1x1x16xf32>,
      %get3A_774 = vector.shape_cast %get3A_773 : vector<1x1x16xf32> to vector<16xf32>
      %mul3A_775 = arith.mulf %max3A_759, %get3A_774 : vector<16xf32>
      %swap3A_776 = arith.constant 1 : i32
      %swap3A_777 = arith.index_cast %swap3A_776 : i32 to index
      %swap3A_778 = arith.index_cast %scan3A_672 : i32 to index
      %swap3A_779 = arith.constant 96 : index
      %swap3A_780 = tpu.vector_load %arg12[%swap3A_777, %swap3A_778, %swap3A_779] {strides = array<i32>} : memref<2x64x128xf32, #tpu.memory_space<vmem>>, vector<1x1x16xf32>,
      %swap3A_781 = vector.shape_cast %swap3A_780 : vector<1x1x16xf32> to vector<16xf32>
      %swap3A_782 = vector.shape_cast %mul3A_775 : vector<16xf32> to vector<1x1x16xf32>
      tpu.vector_store %arg12[%swap3A_777, %swap3A_778, %swap3A_779], %swap3A_782 {strides = array<i32>} : memref<2x64x128xf32, #tpu.memory_space<vmem>>, vector<1x1x16xf32>,
      %add3A_783 = arith.constant 48 : i32
      %add3A_784 = arith.addi %mul3A_1, %add3A_783 : i32
      %get3A_785 = arith.constant 1 : i32
      %get3A_786 = arith.index_cast %get3A_785 : i32 to index
      %get3A_787 = arith.index_cast %scan3A_672 : i32 to index
      %get3A_788 = arith.index_cast %add3A_784 : i32 to index
      %get3A_789 = tpu.vector_load %arg10[%get3A_786, %get3A_787, %get3A_788] {strides = array<i32>} : memref<2x64x128xf32, #tpu.memory_space<vmem>>, vector<1x1x16xf32>,
      %get3A_790 = vector.shape_cast %get3A_789 : vector<1x1x16xf32> to vector<16xf32>
      %add3A_791 = arith.constant 1.000000e+00 : f32
      %add3A_792 = vector.broadcast %add3A_791 : f32 to vector<16xf32>
      %add3A_793 = arith.addf %get3A_790, %add3A_792 : vector<16xf32>
      %max3A_794 = arith.constant 0.000000e+00 : f32
      %max3A_795 = vector.broadcast %max3A_794 : f32 to vector<16xf32>
      %max3A_796 = arith.maximumf %add3A_793, %max3A_795 : vector<16xf32>
      %swap3A_797 = arith.constant 1 : i32
      %swap3A_798 = arith.index_cast %swap3A_797 : i32 to index
      %swap3A_799 = arith.index_cast %scan3A_672 : i32 to index
      %swap3A_800 = arith.constant 48 : index
      %swap3A_801 = tpu.vector_load %arg12[%swap3A_798, %swap3A_799, %swap3A_800] {strides = array<i32>} : memref<2x64x128xf32, #tpu.memory_space<vmem>>, vector<1x1x16xf32>,
      %swap3A_802 = vector.shape_cast %swap3A_801 : vector<1x1x16xf32> to vector<16xf32>
      %swap3A_803 = vector.shape_cast %max3A_796 : vector<16xf32> to vector<1x1x16xf32>
      tpu.vector_store %arg12[%swap3A_798, %swap3A_799, %swap3A_800], %swap3A_803 {strides = array<i32>} : memref<2x64x128xf32, #tpu.memory_space<vmem>>, vector<1x1x16xf32>,
      %add3A_804 = arith.constant 48 : i32
      %add3A_805 = arith.addi %mul3A_1, %add3A_804 : i32
      %get3A_806 = arith.constant 1 : i32
      %get3A_807 = arith.index_cast %get3A_806 : i32 to index
      %get3A_808 = arith.index_cast %scan3A_672 : i32 to index
      %get3A_809 = arith.index_cast %add3A_805 : i32 to index
      %get3A_810 = tpu.vector_load %arg11[%get3A_807, %get3A_808, %get3A_809] {strides = array<i32>} : memref<2x64x128xf32, #tpu.memory_space<vmem>>, vector<1x1x16xf32>,
      %get3A_811 = vector.shape_cast %get3A_810 : vector<1x1x16xf32> to vector<16xf32>
      %mul3A_812 = arith.mulf %max3A_796, %get3A_811 : vector<16xf32>
      %swap3A_813 = arith.constant 1 : i32
      %swap3A_814 = arith.index_cast %swap3A_813 : i32 to index
      %swap3A_815 = arith.index_cast %scan3A_672 : i32 to index
      %swap3A_816 = arith.constant 112 : index
      %swap3A_817 = tpu.vector_load %arg12[%swap3A_814, %swap3A_815, %swap3A_816] {strides = array<i32>} : memref<2x64x128xf32, #tpu.memory_space<vmem>>, vector<1x1x16xf32>,
      %swap3A_818 = vector.shape_cast %swap3A_817 : vector<1x1x16xf32> to vector<16xf32>
      %swap3A_819 = vector.shape_cast %mul3A_812 : vector<16xf32> to vector<1x1x16xf32>
      tpu.vector_store %arg12[%swap3A_814, %swap3A_815, %swap3A_816], %swap3A_819 {strides = array<i32>} : memref<2x64x128xf32, #tpu.memory_space<vmem>>, vector<1x1x16xf32>,
    }
    %scan3A_350 = arith.constant 64 : i32
    %get3A_351 = arith.constant 1 : i32
    %get3A_352 = arith.index_cast %get3A_351 : i32 to index
    %get3A_353 = arith.constant 0 : index
    %get3A_354 = tpu.vector_load %arg8[%get3A_352, %get3A_353] {strides = array<i32>} : memref<2x64xi32, #tpu.memory_space<vmem>>, vector<1x16xi32>,
    %get3A_355 = vector.shape_cast %get3A_354 : vector<1x16xi32> to vector<16xi32>
    %swap3A_356 = arith.constant 1 : i32
    %swap3A_357 = arith.index_cast %swap3A_356 : i32 to index
    %swap3A_358 = arith.constant 0 : index
    %swap3A_359 = tpu.vector_load %arg9[%swap3A_357, %swap3A_358] {strides = array<i32>} : memref<2x64xi32, #tpu.memory_space<vmem>>, vector<1x16xi32>,
    %swap3A_360 = vector.shape_cast %swap3A_359 : vector<1x16xi32> to vector<16xi32>
    %swap3A_361 = vector.shape_cast %get3A_355 : vector<16xi32> to vector<1x16xi32>
    tpu.vector_store %arg9[%swap3A_357, %swap3A_358], %swap3A_361 {strides = array<i32>} : memref<2x64xi32, #tpu.memory_space<vmem>>, vector<1x16xi32>,
    %get3A_362 = arith.constant 1 : i32
    %get3A_363 = arith.index_cast %get3A_362 : i32 to index
    %get3A_364 = arith.constant 16 : index
    %get3A_365 = tpu.vector_load %arg8[%get3A_363, %get3A_364] {strides = array<i32>} : memref<2x64xi32, #tpu.memory_space<vmem>>, vector<1x16xi32>,
    %get3A_366 = vector.shape_cast %get3A_365 : vector<1x16xi32> to vector<16xi32>
    %swap3A_367 = arith.constant 1 : i32
    %swap3A_368 = arith.index_cast %swap3A_367 : i32 to index
    %swap3A_369 = arith.constant 16 : index
    %swap3A_370 = tpu.vector_load %arg9[%swap3A_368, %swap3A_369] {strides = array<i32>} : memref<2x64xi32, #tpu.memory_space<vmem>>, vector<1x16xi32>,
    %swap3A_371 = vector.shape_cast %swap3A_370 : vector<1x16xi32> to vector<16xi32>
    %swap3A_372 = vector.shape_cast %get3A_366 : vector<16xi32> to vector<1x16xi32>
    tpu.vector_store %arg9[%swap3A_368, %swap3A_369], %swap3A_372 {strides = array<i32>} : memref<2x64xi32, #tpu.memory_space<vmem>>, vector<1x16xi32>,
    %dma_start3A_373 = arith.constant 1 : i32
    %dma_start3A_374 = arith.constant 1 : i32
    %dma_start3A_375 = arith.constant 0 : i32
    %dma_start3A_376 = arith.constant 0 : i32
    %dma_start3A_377 = tpu.memref_slice %arg12[%dma_start3A_373, %dma_start3A_375, %dma_start3A_376] : memref<2x64x128xf32, #tpu.memory_space<vmem>> -> memref<1x32x128xf32, #tpu.memory_space<vmem>>
    %dma_start3A_378 = tpu.memref_squeeze %dma_start3A_377 : memref<1x32x128xf32, #tpu.memory_space<vmem>> -> memref<32x128xf32, #tpu.memory_space<vmem>>
    %dma_start3A_379 = arith.constant 0 : i32
    %dma_start3A_380 = tpu.memref_slice %arg9[%dma_start3A_374, %dma_start3A_379] : memref<2x64xi32, #tpu.memory_space<vmem>> -> memref<1x32xi32, #tpu.memory_space<vmem>>
    %dma_start3A_381 = tpu.memref_squeeze %dma_start3A_380 : memref<1x32xi32, #tpu.memory_space<vmem>> -> memref<32xi32, #tpu.memory_space<vmem>>
    %dma_start3A_382 = arith.constant 0 : i32
    %dma_start3A_383 = arith.constant 0 : i32
    %dma_start3A_384 = tpu.memref_slice %arg6[%dma_start3A_382, %dma_start3A_383] : memref<10112x128xf32, #tpu.memory_space<vmem_shared>> -> memref<10112x128xf32, #tpu.memory_space<vmem_shared>>
    tpu.enqueue_indirect_dma source(%dma_start3A_378 : memref<32x128xf32, #tpu.memory_space<vmem>>) target(%dma_start3A_384 : memref<10112x128xf32, #tpu.memory_space<vmem_shared>>) offsets(%dma_start3A_381 : memref<32xi32, #tpu.memory_space<vmem>>) semaphore(%arg20 : memref<!tpu.dma_semaphore, #tpu.memory_space<semaphore_mem>>) {add = true}
    %add3A_385 = arith.constant 192 : i32
    %add3A_386 = arith.addi %mul3A_3, %add3A_385 : i32
    %dma_start3A_387 = arith.constant 1 : i32
    %dma_start3A_388 = arith.constant 0 : i32
    %dma_start3A_389 = tpu.memref_slice %arg7[%dma_start3A_387, %dma_start3A_388] : memref<2x64xi32, #tpu.memory_space<vmem>> -> memref<1x64xi32, #tpu.memory_space<vmem>>
    %dma_start3A_390 = tpu.memref_squeeze %dma_start3A_389 : memref<1x64xi32, #tpu.memory_space<vmem>> -> memref<64xi32, #tpu.memory_space<vmem>>
    %dma_start3A_391 = tpu.memref_slice %arg2[%add3A_386] : memref<640000xi32, #tpu.memory_space<hbm>> -> memref<64xi32, #tpu.memory_space<hbm>>
    %dma_start3A_392 = arith.constant 0 : i32
    %dma_start3A_393 = tpu.memref_slice %arg7[%dma_start3A_387, %dma_start3A_392] : memref<2x64xi32, #tpu.memory_space<vmem>> -> memref<1x64xi32, #tpu.memory_space<vmem>>
    %dma_start3A_394 = tpu.memref_squeeze %dma_start3A_393 : memref<1x64xi32, #tpu.memory_space<vmem>> -> memref<64xi32, #tpu.memory_space<vmem>>
    %dma_start3A_395 = tpu.memref_slice %arg2[%add3A_386] : memref<640000xi32, #tpu.memory_space<hbm>> -> memref<64xi32, #tpu.memory_space<hbm>>
    tpu.enqueue_dma source(%dma_start3A_395 : memref<64xi32, #tpu.memory_space<hbm>>) target(%dma_start3A_394 : memref<64xi32, #tpu.memory_space<vmem>>) target_semaphore(%arg14 : memref<!tpu.dma_semaphore, #tpu.memory_space<semaphore_mem>>)
    %add3A_396 = arith.constant 320000 : i32
    %add3A_397 = arith.addi %add3A_396, %add3A_386 : i32
    %dma_start3A_398 = arith.constant 1 : i32
    %dma_start3A_399 = arith.constant 0 : i32
    %dma_start3A_400 = tpu.memref_slice %arg8[%dma_start3A_398, %dma_start3A_399] : memref<2x64xi32, #tpu.memory_space<vmem>> -> memref<1x64xi32, #tpu.memory_space<vmem>>
    %dma_start3A_401 = tpu.memref_squeeze %dma_start3A_400 : memref<1x64xi32, #tpu.memory_space<vmem>> -> memref<64xi32, #tpu.memory_space<vmem>>
    %dma_start3A_402 = tpu.memref_slice %arg2[%add3A_397] : memref<640000xi32, #tpu.memory_space<hbm>> -> memref<64xi32, #tpu.memory_space<hbm>>
    %dma_start3A_403 = arith.constant 0 : i32
    %dma_start3A_404 = tpu.memref_slice %arg8[%dma_start3A_398, %dma_start3A_403] : memref<2x64xi32, #tpu.memory_space<vmem>> -> memref<1x64xi32, #tpu.memory_space<vmem>>
    %dma_start3A_405 = tpu.memref_squeeze %dma_start3A_404 : memref<1x64xi32, #tpu.memory_space<vmem>> -> memref<64xi32, #tpu.memory_space<vmem>>
    %dma_start3A_406 = tpu.memref_slice %arg2[%add3A_397] : memref<640000xi32, #tpu.memory_space<hbm>> -> memref<64xi32, #tpu.memory_space<hbm>>
    tpu.enqueue_dma source(%dma_start3A_406 : memref<64xi32, #tpu.memory_space<hbm>>) target(%dma_start3A_405 : memref<64xi32, #tpu.memory_space<vmem>>) target_semaphore(%arg14 : memref<!tpu.dma_semaphore, #tpu.memory_space<semaphore_mem>>)
    %jit3A_407 = arith.constant 2 : i32
    %div3A = arith.divsi %select_n3A, %jit3A_407 : i32
    %sign3A = arith.constant 0 : i32
    %sign3A_408 = arith.cmpi sgt, %select_n3A, %sign3A : i32
    %sign3A_409 = arith.extui %sign3A_408 : i1 to i32
    %sign3A_410 = arith.constant 0 : i32
    %sign3A_411 = arith.cmpi slt, %select_n3A, %sign3A_410 : i32
    %sign3A_412 = arith.extui %sign3A_411 : i1 to i32
    %sign3A_413 = arith.subi %sign3A_409, %sign3A_412 : i32
    %sign3A_414 = arith.constant 0 : i32
    %sign3A_415 = arith.cmpi sgt, %jit3A_407, %sign3A_414 : i32
    %sign3A_416 = arith.extui %sign3A_415 : i1 to i32
    %sign3A_417 = arith.constant 0 : i32
    %sign3A_418 = arith.cmpi slt, %jit3A_407, %sign3A_417 : i32
    %sign3A_419 = arith.extui %sign3A_418 : i1 to i32
    %sign3A_420 = arith.subi %sign3A_416, %sign3A_419 : i32
    %ne3A = arith.cmpi ne, %sign3A_413, %sign3A_420 : i32
    %rem3A = arith.remsi %select_n3A, %jit3A_407 : i32
    %ne3A_421 = arith.constant 0 : i32
    %ne3A_422 = arith.cmpi ne, %rem3A, %ne3A_421 : i32
    %and3A = arith.andi %ne3A, %ne3A_422 : i1
    %sub3A_423 = arith.constant 1 : i32
    %sub3A_424 = arith.subi %div3A, %sub3A_423 : i32
    %select_n3A_425 = arith.select %and3A, %sub3A_424, %div3A : i32
    %sub3A_426 = arith.constant 1 : i32
    %sub3A_427 = arith.subi %select_n3A_425, %sub3A_426 : i32
    %while3A = arith.constant 0 : i32
    %while3A_428 = arith.constant 1 : i32
    %while3A_429 = arith.subi %sub3A_427, %while3A_428 : i32
    %while3A_430 = arith.addi %while3A_428, %while3A_429 : i32
    %while3A_431 = arith.constant 1 : i32
    %while3A_432 = arith.divsi %while3A_429, %while3A_431 : i32
    %while3A_433 = arith.muli %while3A_432, %while3A_431 : i32
    %while3A_434 = arith.addi %while3A_428, %while3A_433 : i32
    %while3A_435 = arith.constant 1 : i32
    scf.for %while3A_672 = %while3A_428 to %while3A_434 step %while3A_435  : i32 {
      %mul3A_673 = arith.constant 2 : i32
      %mul3A_674 = arith.muli %mul3A_673, %while3A_672 : i32
      %add3A_675 = arith.constant 0 : i32
      %add3A_676 = arith.addi %mul3A_674, %add3A_675 : i32
      %dma_wait3A_677 = arith.constant 1 : i32
      %dma_wait3A_678 = arith.constant 0 : i32
      %dma_wait3A_679 = tpu.memref_slice %arg7[%dma_wait3A_677, %dma_wait3A_678] : memref<2x64xi32, #tpu.memory_space<vmem>> -> memref<1x64xi32, #tpu.memory_space<vmem>>
      %dma_wait3A_680 = tpu.memref_squeeze %dma_wait3A_679 : memref<1x64xi32, #tpu.memory_space<vmem>> -> memref<64xi32, #tpu.memory_space<vmem>>
      %dma_wait3A_681 = arith.constant 0 : i32
      %dma_wait3A_682 = tpu.memref_slice %arg2[%dma_wait3A_681] : memref<640000xi32, #tpu.memory_space<hbm>> -> memref<64xi32, #tpu.memory_space<hbm>>
      %dma_wait3A_683 = arith.constant 0 : i32
      %dma_wait3A_684 = tpu.memref_slice %arg7[%dma_wait3A_677, %dma_wait3A_683] : memref<2x64xi32, #tpu.memory_space<vmem>> -> memref<1x64xi32, #tpu.memory_space<vmem>>
      %dma_wait3A_685 = tpu.memref_squeeze %dma_wait3A_684 : memref<1x64xi32, #tpu.memory_space<vmem>> -> memref<64xi32, #tpu.memory_space<vmem>>
      %dma_wait3A_686 = arith.constant 0 : i32
      %dma_wait3A_687 = tpu.memref_slice %arg2[%dma_wait3A_686] : memref<640000xi32, #tpu.memory_space<hbm>> -> memref<64xi32, #tpu.memory_space<hbm>>
      tpu.wait_dma2 semaphore(%arg14 : memref<!tpu.dma_semaphore, #tpu.memory_space<semaphore_mem>>) src(%dma_wait3A_687 : memref<64xi32, #tpu.memory_space<hbm>>) dst(%dma_wait3A_685 : memref<64xi32, #tpu.memory_space<vmem>>)
      %dma_wait3A_688 = arith.constant 1 : i32
      %dma_wait3A_689 = arith.constant 0 : i32
      %dma_wait3A_690 = tpu.memref_slice %arg8[%dma_wait3A_688, %dma_wait3A_689] : memref<2x64xi32, #tpu.memory_space<vmem>> -> memref<1x64xi32, #tpu.memory_space<vmem>>
      %dma_wait3A_691 = tpu.memref_squeeze %dma_wait3A_690 : memref<1x64xi32, #tpu.memory_space<vmem>> -> memref<64xi32, #tpu.memory_space<vmem>>
      %dma_wait3A_692 = arith.constant 0 : i32
      %dma_wait3A_693 = tpu.memref_slice %arg2[%dma_wait3A_692] : memref<640000xi32, #tpu.memory_space<hbm>> -> memref<64xi32, #tpu.memory_space<hbm>>
      %dma_wait3A_694 = arith.constant 0 : i32
      %dma_wait3A_695 = tpu.memref_slice %arg8[%dma_wait3A_688, %dma_wait3A_694] : memref<2x64xi32, #tpu.memory_space<vmem>> -> memref<1x64xi32, #tpu.memory_space<vmem>>
      %dma_wait3A_696 = tpu.memref_squeeze %dma_wait3A_695 : memref<1x64xi32, #tpu.memory_space<vmem>> -> memref<64xi32, #tpu.memory_space<vmem>>
      %dma_wait3A_697 = arith.constant 0 : i32
      %dma_wait3A_698 = tpu.memref_slice %arg2[%dma_wait3A_697] : memref<640000xi32, #tpu.memory_space<hbm>> -> memref<64xi32, #tpu.memory_space<hbm>>
      tpu.wait_dma2 semaphore(%arg14 : memref<!tpu.dma_semaphore, #tpu.memory_space<semaphore_mem>>) src(%dma_wait3A_698 : memref<64xi32, #tpu.memory_space<hbm>>) dst(%dma_wait3A_696 : memref<64xi32, #tpu.memory_space<vmem>>)
      %add3A_699 = arith.constant 1 : i32
      %add3A_700 = arith.addi %add3A_676, %add3A_699 : i32
      %mul3A_701 = arith.constant 64 : i32
      %mul3A_702 = arith.muli %add3A_700, %mul3A_701 : i32
      %add3A_703 = arith.addi %mul3A_3, %mul3A_702 : i32
      %dma_start3A_704 = arith.constant 1 : i32
      %dma_start3A_705 = arith.constant 0 : i32
      %dma_start3A_706 = arith.constant 0 : i32
      %dma_start3A_707 = tpu.memref_slice %arg10[%dma_start3A_704, %dma_start3A_705, %dma_start3A_706] : memref<2x64x128xf32, #tpu.memory_space<vmem>> -> memref<1x64x128xf32, #tpu.memory_space<vmem>>
      %dma_start3A_708 = tpu.memref_squeeze %dma_start3A_707 : memref<1x64x128xf32, #tpu.memory_space<vmem>> -> memref<64x128xf32, #tpu.memory_space<vmem>>
      %dma_start3A_709 = arith.constant 0 : i32
      %dma_start3A_710 = tpu.memref_slice %arg3[%add3A_703, %dma_start3A_709] : memref<320000x128xf32, #tpu.memory_space<hbm>> -> memref<64x128xf32, #tpu.memory_space<hbm>>
      %dma_start3A_711 = arith.constant 0 : i32
      %dma_start3A_712 = arith.constant 0 : i32
      %dma_start3A_713 = tpu.memref_slice %arg10[%dma_start3A_704, %dma_start3A_711, %dma_start3A_712] : memref<2x64x128xf32, #tpu.memory_space<vmem>> -> memref<1x64x128xf32, #tpu.memory_space<vmem>>
      %dma_start3A_714 = tpu.memref_squeeze %dma_start3A_713 : memref<1x64x128xf32, #tpu.memory_space<vmem>> -> memref<64x128xf32, #tpu.memory_space<vmem>>
      %dma_start3A_715 = arith.constant 0 : i32
      %dma_start3A_716 = tpu.memref_slice %arg3[%add3A_703, %dma_start3A_715] : memref<320000x128xf32, #tpu.memory_space<hbm>> -> memref<64x128xf32, #tpu.memory_space<hbm>>
      tpu.enqueue_dma source(%dma_start3A_716 : memref<64x128xf32, #tpu.memory_space<hbm>>) target(%dma_start3A_714 : memref<64x128xf32, #tpu.memory_space<vmem>>) target_semaphore(%arg16 : memref<!tpu.dma_semaphore, #tpu.memory_space<semaphore_mem>>)
      %dma_start3A_717 = arith.constant 1 : i32
      %dma_start3A_718 = arith.constant 1 : i32
      %dma_start3A_719 = arith.constant 0 : i32
      %dma_start3A_720 = arith.constant 0 : i32
      %dma_start3A_721 = tpu.memref_slice %arg11[%dma_start3A_718, %dma_start3A_719, %dma_start3A_720] : memref<2x64x128xf32, #tpu.memory_space<vmem>> -> memref<1x64x128xf32, #tpu.memory_space<vmem>>
      %dma_start3A_722 = tpu.memref_squeeze %dma_start3A_721 : memref<1x64x128xf32, #tpu.memory_space<vmem>> -> memref<64x128xf32, #tpu.memory_space<vmem>>
      %dma_start3A_723 = arith.constant 0 : i32
      %dma_start3A_724 = tpu.memref_slice %arg7[%dma_start3A_717, %dma_start3A_723] : memref<2x64xi32, #tpu.memory_space<vmem>> -> memref<1x64xi32, #tpu.memory_space<vmem>>
      %dma_start3A_725 = tpu.memref_squeeze %dma_start3A_724 : memref<1x64xi32, #tpu.memory_space<vmem>> -> memref<64xi32, #tpu.memory_space<vmem>>
      %dma_start3A_726 = arith.constant 0 : i32
      %dma_start3A_727 = arith.constant 0 : i32
      %dma_start3A_728 = tpu.memref_slice %arg4[%dma_start3A_726, %dma_start3A_727] : memref<10000x128xf32, #tpu.memory_space<hbm>> -> memref<10000x128xf32, #tpu.memory_space<hbm>>
      tpu.enqueue_indirect_dma source(%dma_start3A_728 : memref<10000x128xf32, #tpu.memory_space<hbm>>) target(%dma_start3A_722 : memref<64x128xf32, #tpu.memory_space<vmem>>) offsets(%dma_start3A_725 : memref<64xi32, #tpu.memory_space<vmem>>) semaphore(%arg18 : memref<!tpu.dma_semaphore, #tpu.memory_space<semaphore_mem>>)
      %dma_wait3A_729 = arith.constant 0 : i32
      %dma_wait3A_730 = arith.constant 0 : i32
      %dma_wait3A_731 = arith.constant 0 : i32
      %dma_wait3A_732 = tpu.memref_slice %arg10[%dma_wait3A_729, %dma_wait3A_730, %dma_wait3A_731] : memref<2x64x128xf32, #tpu.memory_space<vmem>> -> memref<1x64x128xf32, #tpu.memory_space<vmem>>
      %dma_wait3A_733 = tpu.memref_squeeze %dma_wait3A_732 : memref<1x64x128xf32, #tpu.memory_space<vmem>> -> memref<64x128xf32, #tpu.memory_space<vmem>>
      %dma_wait3A_734 = arith.constant 0 : i32
      %dma_wait3A_735 = arith.constant 0 : i32
      %dma_wait3A_736 = tpu.memref_slice %arg3[%dma_wait3A_734, %dma_wait3A_735] : memref<320000x128xf32, #tpu.memory_space<hbm>> -> memref<64x128xf32, #tpu.memory_space<hbm>>
      %dma_wait3A_737 = arith.constant 0 : i32
      %dma_wait3A_738 = arith.constant 0 : i32
      %dma_wait3A_739 = tpu.memref_slice %arg10[%dma_wait3A_729, %dma_wait3A_737, %dma_wait3A_738] : memref<2x64x128xf32, #tpu.memory_space<vmem>> -> memref<1x64x128xf32, #tpu.memory_space<vmem>>
      %dma_wait3A_740 = tpu.memref_squeeze %dma_wait3A_739 : memref<1x64x128xf32, #tpu.memory_space<vmem>> -> memref<64x128xf32, #tpu.memory_space<vmem>>
      %dma_wait3A_741 = arith.constant 0 : i32
      %dma_wait3A_742 = arith.constant 0 : i32
      %dma_wait3A_743 = tpu.memref_slice %arg3[%dma_wait3A_741, %dma_wait3A_742] : memref<320000x128xf32, #tpu.memory_space<hbm>> -> memref<64x128xf32, #tpu.memory_space<hbm>>
      tpu.wait_dma2 semaphore(%arg15 : memref<!tpu.dma_semaphore, #tpu.memory_space<semaphore_mem>>) src(%dma_wait3A_743 : memref<64x128xf32, #tpu.memory_space<hbm>>) dst(%dma_wait3A_740 : memref<64x128xf32, #tpu.memory_space<vmem>>)
      %dma_wait3A_744 = arith.constant 0 : i32
      %dma_wait3A_745 = arith.constant 0 : i32
      %dma_wait3A_746 = arith.constant 0 : i32
      %dma_wait3A_747 = arith.constant 0 : i32
      %dma_wait3A_748 = tpu.memref_slice %arg11[%dma_wait3A_745, %dma_wait3A_746, %dma_wait3A_747] : memref<2x64x128xf32, #tpu.memory_space<vmem>> -> memref<1x64x128xf32, #tpu.memory_space<vmem>>
      %dma_wait3A_749 = tpu.memref_squeeze %dma_wait3A_748 : memref<1x64x128xf32, #tpu.memory_space<vmem>> -> memref<64x128xf32, #tpu.memory_space<vmem>>
      %dma_wait3A_750 = arith.constant 0 : i32
      %dma_wait3A_751 = tpu.memref_slice %arg7[%dma_wait3A_744, %dma_wait3A_750] : memref<2x64xi32, #tpu.memory_space<vmem>> -> memref<1x64xi32, #tpu.memory_space<vmem>>
      %dma_wait3A_752 = tpu.memref_squeeze %dma_wait3A_751 : memref<1x64xi32, #tpu.memory_space<vmem>> -> memref<64xi32, #tpu.memory_space<vmem>>
      %dma_wait3A_753 = arith.constant 0 : i32
      %dma_wait3A_754 = arith.constant 0 : i32
      %dma_wait3A_755 = tpu.memref_slice %arg4[%dma_wait3A_753, %dma_wait3A_754] : memref<10000x128xf32, #tpu.memory_space<hbm>> -> memref<10000x128xf32, #tpu.memory_space<hbm>>
      tpu.wait_indirect_dma semaphore(%arg17 : memref<!tpu.dma_semaphore, #tpu.memory_space<semaphore_mem>>) src(%dma_wait3A_755 : memref<10000x128xf32, #tpu.memory_space<hbm>>) dst(%dma_wait3A_749 : memref<64x128xf32, #tpu.memory_space<vmem>>)
      %dma_wait3A_756 = arith.constant 0 : i32
      %dma_wait3A_757 = arith.constant 0 : i32
      %dma_wait3A_758 = arith.constant 0 : i32
      %dma_wait3A_759 = arith.constant 0 : i32
      %dma_wait3A_760 = tpu.memref_slice %arg12[%dma_wait3A_756, %dma_wait3A_758, %dma_wait3A_759] : memref<2x64x128xf32, #tpu.memory_space<vmem>> -> memref<1x32x128xf32, #tpu.memory_space<vmem>>
      %dma_wait3A_761 = tpu.memref_squeeze %dma_wait3A_760 : memref<1x32x128xf32, #tpu.memory_space<vmem>> -> memref<32x128xf32, #tpu.memory_space<vmem>>
      %dma_wait3A_762 = arith.constant 0 : i32
      %dma_wait3A_763 = tpu.memref_slice %arg9[%dma_wait3A_757, %dma_wait3A_762] : memref<2x64xi32, #tpu.memory_space<vmem>> -> memref<1x32xi32, #tpu.memory_space<vmem>>
      %dma_wait3A_764 = tpu.memref_squeeze %dma_wait3A_763 : memref<1x32xi32, #tpu.memory_space<vmem>> -> memref<32xi32, #tpu.memory_space<vmem>>
      %dma_wait3A_765 = arith.constant 0 : i32
      %dma_wait3A_766 = arith.constant 0 : i32
      %dma_wait3A_767 = tpu.memref_slice %arg6[%dma_wait3A_765, %dma_wait3A_766] : memref<10112x128xf32, #tpu.memory_space<vmem_shared>> -> memref<10112x128xf32, #tpu.memory_space<vmem_shared>>
      tpu.wait_indirect_dma semaphore(%arg19 : memref<!tpu.dma_semaphore, #tpu.memory_space<semaphore_mem>>) src(%dma_wait3A_761 : memref<32x128xf32, #tpu.memory_space<vmem>>) dst(%dma_wait3A_767 : memref<10112x128xf32, #tpu.memory_space<vmem_shared>>)
      %scan3A_768 = arith.constant 0 : i32
      %scan3A_769 = arith.constant 0 : i32
      %scan3A_770 = arith.constant 64 : i32
      %scan3A_771 = arith.addi %scan3A_769, %scan3A_770 : i32
      %scan3A_772 = arith.constant 1 : i32
      scf.for %scan3A_993 = %scan3A_769 to %scan3A_771 step %scan3A_772  : i32 {
        %add3A_994 = arith.constant 0 : i32
        %add3A_995 = arith.addi %mul3A_1, %add3A_994 : i32
        %get3A_996 = arith.constant 0 : i32
        %get3A_997 = arith.index_cast %get3A_996 : i32 to index
        %get3A_998 = arith.index_cast %scan3A_993 : i32 to index
        %get3A_999 = arith.index_cast %add3A_995 : i32 to index
        %get3A_1000 = tpu.vector_load %arg10[%get3A_997, %get3A_998, %get3A_999] {strides = array<i32>} : memref<2x64x128xf32, #tpu.memory_space<vmem>>, vector<1x1x16xf32>,
        %get3A_1001 = vector.shape_cast %get3A_1000 : vector<1x1x16xf32> to vector<16xf32>
        %add3A_1002 = arith.constant 1.000000e+00 : f32
        %add3A_1003 = vector.broadcast %add3A_1002 : f32 to vector<16xf32>
        %add3A_1004 = arith.addf %get3A_1001, %add3A_1003 : vector<16xf32>
        %max3A = arith.constant 0.000000e+00 : f32
        %max3A_1005 = vector.broadcast %max3A : f32 to vector<16xf32>
        %max3A_1006 = arith.maximumf %add3A_1004, %max3A_1005 : vector<16xf32>
        %swap3A_1007 = arith.constant 0 : i32
        %swap3A_1008 = arith.index_cast %swap3A_1007 : i32 to index
        %swap3A_1009 = arith.index_cast %scan3A_993 : i32 to index
        %swap3A_1010 = arith.constant 0 : index
        %swap3A_1011 = tpu.vector_load %arg12[%swap3A_1008, %swap3A_1009, %swap3A_1010] {strides = array<i32>} : memref<2x64x128xf32, #tpu.memory_space<vmem>>, vector<1x1x16xf32>,
        %swap3A_1012 = vector.shape_cast %swap3A_1011 : vector<1x1x16xf32> to vector<16xf32>
        %swap3A_1013 = vector.shape_cast %max3A_1006 : vector<16xf32> to vector<1x1x16xf32>
        tpu.vector_store %arg12[%swap3A_1008, %swap3A_1009, %swap3A_1010], %swap3A_1013 {strides = array<i32>} : memref<2x64x128xf32, #tpu.memory_space<vmem>>, vector<1x1x16xf32>,
        %add3A_1014 = arith.constant 0 : i32
        %add3A_1015 = arith.addi %mul3A_1, %add3A_1014 : i32
        %get3A_1016 = arith.constant 0 : i32
        %get3A_1017 = arith.index_cast %get3A_1016 : i32 to index
        %get3A_1018 = arith.index_cast %scan3A_993 : i32 to index
        %get3A_1019 = arith.index_cast %add3A_1015 : i32 to index
        %get3A_1020 = tpu.vector_load %arg11[%get3A_1017, %get3A_1018, %get3A_1019] {strides = array<i32>} : memref<2x64x128xf32, #tpu.memory_space<vmem>>, vector<1x1x16xf32>,
        %get3A_1021 = vector.shape_cast %get3A_1020 : vector<1x1x16xf32> to vector<16xf32>
        %mul3A_1022 = arith.mulf %max3A_1006, %get3A_1021 : vector<16xf32>
        %swap3A_1023 = arith.constant 0 : i32
        %swap3A_1024 = arith.index_cast %swap3A_1023 : i32 to index
        %swap3A_1025 = arith.index_cast %scan3A_993 : i32 to index
        %swap3A_1026 = arith.constant 64 : index
        %swap3A_1027 = tpu.vector_load %arg12[%swap3A_1024, %swap3A_1025, %swap3A_1026] {strides = array<i32>} : memref<2x64x128xf32, #tpu.memory_space<vmem>>, vector<1x1x16xf32>,
        %swap3A_1028 = vector.shape_cast %swap3A_1027 : vector<1x1x16xf32> to vector<16xf32>
        %swap3A_1029 = vector.shape_cast %mul3A_1022 : vector<16xf32> to vector<1x1x16xf32>
        tpu.vector_store %arg12[%swap3A_1024, %swap3A_1025, %swap3A_1026], %swap3A_1029 {strides = array<i32>} : memref<2x64x128xf32, #tpu.memory_space<vmem>>, vector<1x1x16xf32>,
        %add3A_1030 = arith.constant 16 : i32
        %add3A_1031 = arith.addi %mul3A_1, %add3A_1030 : i32
        %get3A_1032 = arith.constant 0 : i32
        %get3A_1033 = arith.index_cast %get3A_1032 : i32 to index
        %get3A_1034 = arith.index_cast %scan3A_993 : i32 to index
        %get3A_1035 = arith.index_cast %add3A_1031 : i32 to index
        %get3A_1036 = tpu.vector_load %arg10[%get3A_1033, %get3A_1034, %get3A_1035] {strides = array<i32>} : memref<2x64x128xf32, #tpu.memory_space<vmem>>, vector<1x1x16xf32>,
        %get3A_1037 = vector.shape_cast %get3A_1036 : vector<1x1x16xf32> to vector<16xf32>
        %add3A_1038 = arith.constant 1.000000e+00 : f32
        %add3A_1039 = vector.broadcast %add3A_1038 : f32 to vector<16xf32>
        %add3A_1040 = arith.addf %get3A_1037, %add3A_1039 : vector<16xf32>
        %max3A_1041 = arith.constant 0.000000e+00 : f32
        %max3A_1042 = vector.broadcast %max3A_1041 : f32 to vector<16xf32>
        %max3A_1043 = arith.maximumf %add3A_1040, %max3A_1042 : vector<16xf32>
        %swap3A_1044 = arith.constant 0 : i32
        %swap3A_1045 = arith.index_cast %swap3A_1044 : i32 to index
        %swap3A_1046 = arith.index_cast %scan3A_993 : i32 to index
        %swap3A_1047 = arith.constant 16 : index
        %swap3A_1048 = tpu.vector_load %arg12[%swap3A_1045, %swap3A_1046, %swap3A_1047] {strides = array<i32>} : memref<2x64x128xf32, #tpu.memory_space<vmem>>, vector<1x1x16xf32>,
        %swap3A_1049 = vector.shape_cast %swap3A_1048 : vector<1x1x16xf32> to vector<16xf32>
        %swap3A_1050 = vector.shape_cast %max3A_1043 : vector<16xf32> to vector<1x1x16xf32>
        tpu.vector_store %arg12[%swap3A_1045, %swap3A_1046, %swap3A_1047], %swap3A_1050 {strides = array<i32>} : memref<2x64x128xf32, #tpu.memory_space<vmem>>, vector<1x1x16xf32>,
        %add3A_1051 = arith.constant 16 : i32
        %add3A_1052 = arith.addi %mul3A_1, %add3A_1051 : i32
        %get3A_1053 = arith.constant 0 : i32
        %get3A_1054 = arith.index_cast %get3A_1053 : i32 to index
        %get3A_1055 = arith.index_cast %scan3A_993 : i32 to index
        %get3A_1056 = arith.index_cast %add3A_1052 : i32 to index
        %get3A_1057 = tpu.vector_load %arg11[%get3A_1054, %get3A_1055, %get3A_1056] {strides = array<i32>} : memref<2x64x128xf32, #tpu.memory_space<vmem>>, vector<1x1x16xf32>,
        %get3A_1058 = vector.shape_cast %get3A_1057 : vector<1x1x16xf32> to vector<16xf32>
        %mul3A_1059 = arith.mulf %max3A_1043, %get3A_1058 : vector<16xf32>
        %swap3A_1060 = arith.constant 0 : i32
        %swap3A_1061 = arith.index_cast %swap3A_1060 : i32 to index
        %swap3A_1062 = arith.index_cast %scan3A_993 : i32 to index
        %swap3A_1063 = arith.constant 80 : index
        %swap3A_1064 = tpu.vector_load %arg12[%swap3A_1061, %swap3A_1062, %swap3A_1063] {strides = array<i32>} : memref<2x64x128xf32, #tpu.memory_space<vmem>>, vector<1x1x16xf32>,
        %swap3A_1065 = vector.shape_cast %swap3A_1064 : vector<1x1x16xf32> to vector<16xf32>
        %swap3A_1066 = vector.shape_cast %mul3A_1059 : vector<16xf32> to vector<1x1x16xf32>
        tpu.vector_store %arg12[%swap3A_1061, %swap3A_1062, %swap3A_1063], %swap3A_1066 {strides = array<i32>} : memref<2x64x128xf32, #tpu.memory_space<vmem>>, vector<1x1x16xf32>,
        %add3A_1067 = arith.constant 32 : i32
        %add3A_1068 = arith.addi %mul3A_1, %add3A_1067 : i32
        %get3A_1069 = arith.constant 0 : i32
        %get3A_1070 = arith.index_cast %get3A_1069 : i32 to index
        %get3A_1071 = arith.index_cast %scan3A_993 : i32 to index
        %get3A_1072 = arith.index_cast %add3A_1068 : i32 to index
        %get3A_1073 = tpu.vector_load %arg10[%get3A_1070, %get3A_1071, %get3A_1072] {strides = array<i32>} : memref<2x64x128xf32, #tpu.memory_space<vmem>>, vector<1x1x16xf32>,
        %get3A_1074 = vector.shape_cast %get3A_1073 : vector<1x1x16xf32> to vector<16xf32>
        %add3A_1075 = arith.constant 1.000000e+00 : f32
        %add3A_1076 = vector.broadcast %add3A_1075 : f32 to vector<16xf32>
        %add3A_1077 = arith.addf %get3A_1074, %add3A_1076 : vector<16xf32>
        %max3A_1078 = arith.constant 0.000000e+00 : f32
        %max3A_1079 = vector.broadcast %max3A_1078 : f32 to vector<16xf32>
        %max3A_1080 = arith.maximumf %add3A_1077, %max3A_1079 : vector<16xf32>
        %swap3A_1081 = arith.constant 0 : i32
        %swap3A_1082 = arith.index_cast %swap3A_1081 : i32 to index
        %swap3A_1083 = arith.index_cast %scan3A_993 : i32 to index
        %swap3A_1084 = arith.constant 32 : index
        %swap3A_1085 = tpu.vector_load %arg12[%swap3A_1082, %swap3A_1083, %swap3A_1084] {strides = array<i32>} : memref<2x64x128xf32, #tpu.memory_space<vmem>>, vector<1x1x16xf32>,
        %swap3A_1086 = vector.shape_cast %swap3A_1085 : vector<1x1x16xf32> to vector<16xf32>
        %swap3A_1087 = vector.shape_cast %max3A_1080 : vector<16xf32> to vector<1x1x16xf32>
        tpu.vector_store %arg12[%swap3A_1082, %swap3A_1083, %swap3A_1084], %swap3A_1087 {strides = array<i32>} : memref<2x64x128xf32, #tpu.memory_space<vmem>>, vector<1x1x16xf32>,
        %add3A_1088 = arith.constant 32 : i32
        %add3A_1089 = arith.addi %mul3A_1, %add3A_1088 : i32
        %get3A_1090 = arith.constant 0 : i32
        %get3A_1091 = arith.index_cast %get3A_1090 : i32 to index
        %get3A_1092 = arith.index_cast %scan3A_993 : i32 to index
        %get3A_1093 = arith.index_cast %add3A_1089 : i32 to index
        %get3A_1094 = tpu.vector_load %arg11[%get3A_1091, %get3A_1092, %get3A_1093] {strides = array<i32>} : memref<2x64x128xf32, #tpu.memory_space<vmem>>, vector<1x1x16xf32>,
        %get3A_1095 = vector.shape_cast %get3A_1094 : vector<1x1x16xf32> to vector<16xf32>
        %mul3A_1096 = arith.mulf %max3A_1080, %get3A_1095 : vector<16xf32>
        %swap3A_1097 = arith.constant 0 : i32
        %swap3A_1098 = arith.index_cast %swap3A_1097 : i32 to index
        %swap3A_1099 = arith.index_cast %scan3A_993 : i32 to index
        %swap3A_1100 = arith.constant 96 : index
        %swap3A_1101 = tpu.vector_load %arg12[%swap3A_1098, %swap3A_1099, %swap3A_1100] {strides = array<i32>} : memref<2x64x128xf32, #tpu.memory_space<vmem>>, vector<1x1x16xf32>,
        %swap3A_1102 = vector.shape_cast %swap3A_1101 : vector<1x1x16xf32> to vector<16xf32>
        %swap3A_1103 = vector.shape_cast %mul3A_1096 : vector<16xf32> to vector<1x1x16xf32>
        tpu.vector_store %arg12[%swap3A_1098, %swap3A_1099, %swap3A_1100], %swap3A_1103 {strides = array<i32>} : memref<2x64x128xf32, #tpu.memory_space<vmem>>, vector<1x1x16xf32>,
        %add3A_1104 = arith.constant 48 : i32
        %add3A_1105 = arith.addi %mul3A_1, %add3A_1104 : i32
        %get3A_1106 = arith.constant 0 : i32
        %get3A_1107 = arith.index_cast %get3A_1106 : i32 to index
        %get3A_1108 = arith.index_cast %scan3A_993 : i32 to index
        %get3A_1109 = arith.index_cast %add3A_1105 : i32 to index
        %get3A_1110 = tpu.vector_load %arg10[%get3A_1107, %get3A_1108, %get3A_1109] {strides = array<i32>} : memref<2x64x128xf32, #tpu.memory_space<vmem>>, vector<1x1x16xf32>,
        %get3A_1111 = vector.shape_cast %get3A_1110 : vector<1x1x16xf32> to vector<16xf32>
        %add3A_1112 = arith.constant 1.000000e+00 : f32
        %add3A_1113 = vector.broadcast %add3A_1112 : f32 to vector<16xf32>
        %add3A_1114 = arith.addf %get3A_1111, %add3A_1113 : vector<16xf32>
        %max3A_1115 = arith.constant 0.000000e+00 : f32
        %max3A_1116 = vector.broadcast %max3A_1115 : f32 to vector<16xf32>
        %max3A_1117 = arith.maximumf %add3A_1114, %max3A_1116 : vector<16xf32>
        %swap3A_1118 = arith.constant 0 : i32
        %swap3A_1119 = arith.index_cast %swap3A_1118 : i32 to index
        %swap3A_1120 = arith.index_cast %scan3A_993 : i32 to index
        %swap3A_1121 = arith.constant 48 : index
        %swap3A_1122 = tpu.vector_load %arg12[%swap3A_1119, %swap3A_1120, %swap3A_1121] {strides = array<i32>} : memref<2x64x128xf32, #tpu.memory_space<vmem>>, vector<1x1x16xf32>,
        %swap3A_1123 = vector.shape_cast %swap3A_1122 : vector<1x1x16xf32> to vector<16xf32>
        %swap3A_1124 = vector.shape_cast %max3A_1117 : vector<16xf32> to vector<1x1x16xf32>
        tpu.vector_store %arg12[%swap3A_1119, %swap3A_1120, %swap3A_1121], %swap3A_1124 {strides = array<i32>} : memref<2x64x128xf32, #tpu.memory_space<vmem>>, vector<1x1x16xf32>,
        %add3A_1125 = arith.constant 48 : i32
        %add3A_1126 = arith.addi %mul3A_1, %add3A_1125 : i32
        %get3A_1127 = arith.constant 0 : i32
        %get3A_1128 = arith.index_cast %get3A_1127 : i32 to index
        %get3A_1129 = arith.index_cast %scan3A_993 : i32 to index
        %get3A_1130 = arith.index_cast %add3A_1126 : i32 to index
        %get3A_1131 = tpu.vector_load %arg11[%get3A_1128, %get3A_1129, %get3A_1130] {strides = array<i32>} : memref<2x64x128xf32, #tpu.memory_space<vmem>>, vector<1x1x16xf32>,
        %get3A_1132 = vector.shape_cast %get3A_1131 : vector<1x1x16xf32> to vector<16xf32>
        %mul3A_1133 = arith.mulf %max3A_1117, %get3A_1132 : vector<16xf32>
        %swap3A_1134 = arith.constant 0 : i32
        %swap3A_1135 = arith.index_cast %swap3A_1134 : i32 to index
        %swap3A_1136 = arith.index_cast %scan3A_993 : i32 to index
        %swap3A_1137 = arith.constant 112 : index
        %swap3A_1138 = tpu.vector_load %arg12[%swap3A_1135, %swap3A_1136, %swap3A_1137] {strides = array<i32>} : memref<2x64x128xf32, #tpu.memory_space<vmem>>, vector<1x1x16xf32>,
        %swap3A_1139 = vector.shape_cast %swap3A_1138 : vector<1x1x16xf32> to vector<16xf32>
        %swap3A_1140 = vector.shape_cast %mul3A_1133 : vector<16xf32> to vector<1x1x16xf32>
        tpu.vector_store %arg12[%swap3A_1135, %swap3A_1136, %swap3A_1137], %swap3A_1140 {strides = array<i32>} : memref<2x64x128xf32, #tpu.memory_space<vmem>>, vector<1x1x16xf32>,
      }
      %scan3A_773 = arith.constant 64 : i32
      %get3A_774 = arith.constant 0 : i32
      %get3A_775 = arith.index_cast %get3A_774 : i32 to index
      %get3A_776 = arith.constant 0 : index
      %get3A_777 = tpu.vector_load %arg8[%get3A_775, %get3A_776] {strides = array<i32>} : memref<2x64xi32, #tpu.memory_space<vmem>>, vector<1x16xi32>,
      %get3A_778 = vector.shape_cast %get3A_777 : vector<1x16xi32> to vector<16xi32>
      %swap3A_779 = arith.constant 0 : i32
      %swap3A_780 = arith.index_cast %swap3A_779 : i32 to index
      %swap3A_781 = arith.constant 0 : index
      %swap3A_782 = tpu.vector_load %arg9[%swap3A_780, %swap3A_781] {strides = array<i32>} : memref<2x64xi32, #tpu.memory_space<vmem>>, vector<1x16xi32>,
      %swap3A_783 = vector.shape_cast %swap3A_782 : vector<1x16xi32> to vector<16xi32>
      %swap3A_784 = vector.shape_cast %get3A_778 : vector<16xi32> to vector<1x16xi32>
      tpu.vector_store %arg9[%swap3A_780, %swap3A_781], %swap3A_784 {strides = array<i32>} : memref<2x64xi32, #tpu.memory_space<vmem>>, vector<1x16xi32>,
      %get3A_785 = arith.constant 0 : i32
      %get3A_786 = arith.index_cast %get3A_785 : i32 to index
      %get3A_787 = arith.constant 16 : index
      %get3A_788 = tpu.vector_load %arg8[%get3A_786, %get3A_787] {strides = array<i32>} : memref<2x64xi32, #tpu.memory_space<vmem>>, vector<1x16xi32>,
      %get3A_789 = vector.shape_cast %get3A_788 : vector<1x16xi32> to vector<16xi32>
      %swap3A_790 = arith.constant 0 : i32
      %swap3A_791 = arith.index_cast %swap3A_790 : i32 to index
      %swap3A_792 = arith.constant 16 : index
      %swap3A_793 = tpu.vector_load %arg9[%swap3A_791, %swap3A_792] {strides = array<i32>} : memref<2x64xi32, #tpu.memory_space<vmem>>, vector<1x16xi32>,
      %swap3A_794 = vector.shape_cast %swap3A_793 : vector<1x16xi32> to vector<16xi32>
      %swap3A_795 = vector.shape_cast %get3A_789 : vector<16xi32> to vector<1x16xi32>
      tpu.vector_store %arg9[%swap3A_791, %swap3A_792], %swap3A_795 {strides = array<i32>} : memref<2x64xi32, #tpu.memory_space<vmem>>, vector<1x16xi32>,
      %dma_start3A_796 = arith.constant 0 : i32
      %dma_start3A_797 = arith.constant 0 : i32
      %dma_start3A_798 = arith.constant 0 : i32
      %dma_start3A_799 = arith.constant 0 : i32
      %dma_start3A_800 = tpu.memref_slice %arg12[%dma_start3A_796, %dma_start3A_798, %dma_start3A_799] : memref<2x64x128xf32, #tpu.memory_space<vmem>> -> memref<1x32x128xf32, #tpu.memory_space<vmem>>
      %dma_start3A_801 = tpu.memref_squeeze %dma_start3A_800 : memref<1x32x128xf32, #tpu.memory_space<vmem>> -> memref<32x128xf32, #tpu.memory_space<vmem>>
      %dma_start3A_802 = arith.constant 0 : i32
      %dma_start3A_803 = tpu.memref_slice %arg9[%dma_start3A_797, %dma_start3A_802] : memref<2x64xi32, #tpu.memory_space<vmem>> -> memref<1x32xi32, #tpu.memory_space<vmem>>
      %dma_start3A_804 = tpu.memref_squeeze %dma_start3A_803 : memref<1x32xi32, #tpu.memory_space<vmem>> -> memref<32xi32, #tpu.memory_space<vmem>>
      %dma_start3A_805 = arith.constant 0 : i32
      %dma_start3A_806 = arith.constant 0 : i32
      %dma_start3A_807 = tpu.memref_slice %arg6[%dma_start3A_805, %dma_start3A_806] : memref<10112x128xf32, #tpu.memory_space<vmem_shared>> -> memref<10112x128xf32, #tpu.memory_space<vmem_shared>>
      tpu.enqueue_indirect_dma source(%dma_start3A_801 : memref<32x128xf32, #tpu.memory_space<vmem>>) target(%dma_start3A_807 : memref<10112x128xf32, #tpu.memory_space<vmem_shared>>) offsets(%dma_start3A_804 : memref<32xi32, #tpu.memory_space<vmem>>) semaphore(%arg19 : memref<!tpu.dma_semaphore, #tpu.memory_space<semaphore_mem>>) {add = true}
      %add3A_808 = arith.constant 2 : i32
      %add3A_809 = arith.addi %add3A_676, %add3A_808 : i32
      %mul3A_810 = arith.constant 64 : i32
      %mul3A_811 = arith.muli %add3A_809, %mul3A_810 : i32
      %add3A_812 = arith.addi %mul3A_3, %mul3A_811 : i32
      %dma_start3A_813 = arith.constant 0 : i32
      %dma_start3A_814 = arith.constant 0 : i32
      %dma_start3A_815 = tpu.memref_slice %arg7[%dma_start3A_813, %dma_start3A_814] : memref<2x64xi32, #tpu.memory_space<vmem>> -> memref<1x64xi32, #tpu.memory_space<vmem>>
      %dma_start3A_816 = tpu.memref_squeeze %dma_start3A_815 : memref<1x64xi32, #tpu.memory_space<vmem>> -> memref<64xi32, #tpu.memory_space<vmem>>
      %dma_start3A_817 = tpu.memref_slice %arg2[%add3A_812] : memref<640000xi32, #tpu.memory_space<hbm>> -> memref<64xi32, #tpu.memory_space<hbm>>
      %dma_start3A_818 = arith.constant 0 : i32
      %dma_start3A_819 = tpu.memref_slice %arg7[%dma_start3A_813, %dma_start3A_818] : memref<2x64xi32, #tpu.memory_space<vmem>> -> memref<1x64xi32, #tpu.memory_space<vmem>>
      %dma_start3A_820 = tpu.memref_squeeze %dma_start3A_819 : memref<1x64xi32, #tpu.memory_space<vmem>> -> memref<64xi32, #tpu.memory_space<vmem>>
      %dma_start3A_821 = tpu.memref_slice %arg2[%add3A_812] : memref<640000xi32, #tpu.memory_space<hbm>> -> memref<64xi32, #tpu.memory_space<hbm>>
      tpu.enqueue_dma source(%dma_start3A_821 : memref<64xi32, #tpu.memory_space<hbm>>) target(%dma_start3A_820 : memref<64xi32, #tpu.memory_space<vmem>>) target_semaphore(%arg13 : memref<!tpu.dma_semaphore, #tpu.memory_space<semaphore_mem>>)
      %add3A_822 = arith.constant 320000 : i32
      %add3A_823 = arith.addi %add3A_822, %add3A_812 : i32
      %dma_start3A_824 = arith.constant 0 : i32
      %dma_start3A_825 = arith.constant 0 : i32
      %dma_start3A_826 = tpu.memref_slice %arg8[%dma_start3A_824, %dma_start3A_825] : memref<2x64xi32, #tpu.memory_space<vmem>> -> memref<1x64xi32, #tpu.memory_space<vmem>>
      %dma_start3A_827 = tpu.memref_squeeze %dma_start3A_826 : memref<1x64xi32, #tpu.memory_space<vmem>> -> memref<64xi32, #tpu.memory_space<vmem>>
      %dma_start3A_828 = tpu.memref_slice %arg2[%add3A_823] : memref<640000xi32, #tpu.memory_space<hbm>> -> memref<64xi32, #tpu.memory_space<hbm>>
      %dma_start3A_829 = arith.constant 0 : i32
      %dma_start3A_830 = tpu.memref_slice %arg8[%dma_start3A_824, %dma_start3A_829] : memref<2x64xi32, #tpu.memory_space<vmem>> -> memref<1x64xi32, #tpu.memory_space<vmem>>
      %dma_start3A_831 = tpu.memref_squeeze %dma_start3A_830 : memref<1x64xi32, #tpu.memory_space<vmem>> -> memref<64xi32, #tpu.memory_space<vmem>>
      %dma_start3A_832 = tpu.memref_slice %arg2[%add3A_823] : memref<640000xi32, #tpu.memory_space<hbm>> -> memref<64xi32, #tpu.memory_space<hbm>>
      tpu.enqueue_dma source(%dma_start3A_832 : memref<64xi32, #tpu.memory_space<hbm>>) target(%dma_start3A_831 : memref<64xi32, #tpu.memory_space<vmem>>) target_semaphore(%arg13 : memref<!tpu.dma_semaphore, #tpu.memory_space<semaphore_mem>>)
      %mul3A_833 = arith.constant 2 : i32
      %mul3A_834 = arith.muli %mul3A_833, %while3A_672 : i32
      %add3A_835 = arith.constant 1 : i32
      %add3A_836 = arith.addi %mul3A_834, %add3A_835 : i32
      %dma_wait3A_837 = arith.constant 0 : i32
      %dma_wait3A_838 = arith.constant 0 : i32
      %dma_wait3A_839 = tpu.memref_slice %arg7[%dma_wait3A_837, %dma_wait3A_838] : memref<2x64xi32, #tpu.memory_space<vmem>> -> memref<1x64xi32, #tpu.memory_space<vmem>>
      %dma_wait3A_840 = tpu.memref_squeeze %dma_wait3A_839 : memref<1x64xi32, #tpu.memory_space<vmem>> -> memref<64xi32, #tpu.memory_space<vmem>>
      %dma_wait3A_841 = arith.constant 0 : i32
      %dma_wait3A_842 = tpu.memref_slice %arg2[%dma_wait3A_841] : memref<640000xi32, #tpu.memory_space<hbm>> -> memref<64xi32, #tpu.memory_space<hbm>>
      %dma_wait3A_843 = arith.constant 0 : i32
      %dma_wait3A_844 = tpu.memref_slice %arg7[%dma_wait3A_837, %dma_wait3A_843] : memref<2x64xi32, #tpu.memory_space<vmem>> -> memref<1x64xi32, #tpu.memory_space<vmem>>
      %dma_wait3A_845 = tpu.memref_squeeze %dma_wait3A_844 : memref<1x64xi32, #tpu.memory_space<vmem>> -> memref<64xi32, #tpu.memory_space<vmem>>
      %dma_wait3A_846 = arith.constant 0 : i32
      %dma_wait3A_847 = tpu.memref_slice %arg2[%dma_wait3A_846] : memref<640000xi32, #tpu.memory_space<hbm>> -> memref<64xi32, #tpu.memory_space<hbm>>
      tpu.wait_dma2 semaphore(%arg13 : memref<!tpu.dma_semaphore, #tpu.memory_space<semaphore_mem>>) src(%dma_wait3A_847 : memref<64xi32, #tpu.memory_space<hbm>>) dst(%dma_wait3A_845 : memref<64xi32, #tpu.memory_space<vmem>>)
      %dma_wait3A_848 = arith.constant 0 : i32
      %dma_wait3A_849 = arith.constant 0 : i32
      %dma_wait3A_850 = tpu.memref_slice %arg8[%dma_wait3A_848, %dma_wait3A_849] : memref<2x64xi32, #tpu.memory_space<vmem>> -> memref<1x64xi32, #tpu.memory_space<vmem>>
      %dma_wait3A_851 = tpu.memref_squeeze %dma_wait3A_850 : memref<1x64xi32, #tpu.memory_space<vmem>> -> memref<64xi32, #tpu.memory_space<vmem>>
      %dma_wait3A_852 = arith.constant 0 : i32
      %dma_wait3A_853 = tpu.memref_slice %arg2[%dma_wait3A_852] : memref<640000xi32, #tpu.memory_space<hbm>> -> memref<64xi32, #tpu.memory_space<hbm>>
      %dma_wait3A_854 = arith.constant 0 : i32
      %dma_wait3A_855 = tpu.memref_slice %arg8[%dma_wait3A_848, %dma_wait3A_854] : memref<2x64xi32, #tpu.memory_space<vmem>> -> memref<1x64xi32, #tpu.memory_space<vmem>>
      %dma_wait3A_856 = tpu.memref_squeeze %dma_wait3A_855 : memref<1x64xi32, #tpu.memory_space<vmem>> -> memref<64xi32, #tpu.memory_space<vmem>>
      %dma_wait3A_857 = arith.constant 0 : i32
      %dma_wait3A_858 = tpu.memref_slice %arg2[%dma_wait3A_857] : memref<640000xi32, #tpu.memory_space<hbm>> -> memref<64xi32, #tpu.memory_space<hbm>>
      tpu.wait_dma2 semaphore(%arg13 : memref<!tpu.dma_semaphore, #tpu.memory_space<semaphore_mem>>) src(%dma_wait3A_858 : memref<64xi32, #tpu.memory_space<hbm>>) dst(%dma_wait3A_856 : memref<64xi32, #tpu.memory_space<vmem>>)
      %add3A_859 = arith.constant 1 : i32
      %add3A_860 = arith.addi %add3A_836, %add3A_859 : i32
      %mul3A_861 = arith.constant 64 : i32
      %mul3A_862 = arith.muli %add3A_860, %mul3A_861 : i32
      %add3A_863 = arith.addi %mul3A_3, %mul3A_862 : i32
      %dma_start3A_864 = arith.constant 0 : i32
      %dma_start3A_865 = arith.constant 0 : i32
      %dma_start3A_866 = arith.constant 0 : i32
      %dma_start3A_867 = tpu.memref_slice %arg10[%dma_start3A_864, %dma_start3A_865, %dma_start3A_866] : memref<2x64x128xf32, #tpu.memory_space<vmem>> -> memref<1x64x128xf32, #tpu.memory_space<vmem>>
      %dma_start3A_868 = tpu.memref_squeeze %dma_start3A_867 : memref<1x64x128xf32, #tpu.memory_space<vmem>> -> memref<64x128xf32, #tpu.memory_space<vmem>>
      %dma_start3A_869 = arith.constant 0 : i32
      %dma_start3A_870 = tpu.memref_slice %arg3[%add3A_863, %dma_start3A_869] : memref<320000x128xf32, #tpu.memory_space<hbm>> -> memref<64x128xf32, #tpu.memory_space<hbm>>
      %dma_start3A_871 = arith.constant 0 : i32
      %dma_start3A_872 = arith.constant 0 : i32
      %dma_start3A_873 = tpu.memref_slice %arg10[%dma_start3A_864, %dma_start3A_871, %dma_start3A_872] : memref<2x64x128xf32, #tpu.memory_space<vmem>> -> memref<1x64x128xf32, #tpu.memory_space<vmem>>
      %dma_start3A_874 = tpu.memref_squeeze %dma_start3A_873 : memref<1x64x128xf32, #tpu.memory_space<vmem>> -> memref<64x128xf32, #tpu.memory_space<vmem>>
      %dma_start3A_875 = arith.constant 0 : i32
      %dma_start3A_876 = tpu.memref_slice %arg3[%add3A_863, %dma_start3A_875] : memref<320000x128xf32, #tpu.memory_space<hbm>> -> memref<64x128xf32, #tpu.memory_space<hbm>>
      tpu.enqueue_dma source(%dma_start3A_876 : memref<64x128xf32, #tpu.memory_space<hbm>>) target(%dma_start3A_874 : memref<64x128xf32, #tpu.memory_space<vmem>>) target_semaphore(%arg15 : memref<!tpu.dma_semaphore, #tpu.memory_space<semaphore_mem>>)
      %dma_start3A_877 = arith.constant 0 : i32
      %dma_start3A_878 = arith.constant 0 : i32
      %dma_start3A_879 = arith.constant 0 : i32
      %dma_start3A_880 = arith.constant 0 : i32
      %dma_start3A_881 = tpu.memref_slice %arg11[%dma_start3A_878, %dma_start3A_879, %dma_start3A_880] : memref<2x64x128xf32, #tpu.memory_space<vmem>> -> memref<1x64x128xf32, #tpu.memory_space<vmem>>
      %dma_start3A_882 = tpu.memref_squeeze %dma_start3A_881 : memref<1x64x128xf32, #tpu.memory_space<vmem>> -> memref<64x128xf32, #tpu.memory_space<vmem>>
      %dma_start3A_883 = arith.constant 0 : i32
      %dma_start3A_884 = tpu.memref_slice %arg7[%dma_start3A_877, %dma_start3A_883] : memref<2x64xi32, #tpu.memory_space<vmem>> -> memref<1x64xi32, #tpu.memory_space<vmem>>
      %dma_start3A_885 = tpu.memref_squeeze %dma_start3A_884 : memref<1x64xi32, #tpu.memory_space<vmem>> -> memref<64xi32, #tpu.memory_space<vmem>>
      %dma_start3A_886 = arith.constant 0 : i32
      %dma_start3A_887 = arith.constant 0 : i32
      %dma_start3A_888 = tpu.memref_slice %arg4[%dma_start3A_886, %dma_start3A_887] : memref<10000x128xf32, #tpu.memory_space<hbm>> -> memref<10000x128xf32, #tpu.memory_space<hbm>>
      tpu.enqueue_indirect_dma source(%dma_start3A_888 : memref<10000x128xf32, #tpu.memory_space<hbm>>) target(%dma_start3A_882 : memref<64x128xf32, #tpu.memory_space<vmem>>) offsets(%dma_start3A_885 : memref<64xi32, #tpu.memory_space<vmem>>) semaphore(%arg17 : memref<!tpu.dma_semaphore, #tpu.memory_space<semaphore_mem>>)
      %dma_wait3A_889 = arith.constant 1 : i32
      %dma_wait3A_890 = arith.constant 0 : i32
      %dma_wait3A_891 = arith.constant 0 : i32
      %dma_wait3A_892 = tpu.memref_slice %arg10[%dma_wait3A_889, %dma_wait3A_890, %dma_wait3A_891] : memref<2x64x128xf32, #tpu.memory_space<vmem>> -> memref<1x64x128xf32, #tpu.memory_space<vmem>>
      %dma_wait3A_893 = tpu.memref_squeeze %dma_wait3A_892 : memref<1x64x128xf32, #tpu.memory_space<vmem>> -> memref<64x128xf32, #tpu.memory_space<vmem>>
      %dma_wait3A_894 = arith.constant 0 : i32
      %dma_wait3A_895 = arith.constant 0 : i32
      %dma_wait3A_896 = tpu.memref_slice %arg3[%dma_wait3A_894, %dma_wait3A_895] : memref<320000x128xf32, #tpu.memory_space<hbm>> -> memref<64x128xf32, #tpu.memory_space<hbm>>
      %dma_wait3A_897 = arith.constant 0 : i32
      %dma_wait3A_898 = arith.constant 0 : i32
      %dma_wait3A_899 = tpu.memref_slice %arg10[%dma_wait3A_889, %dma_wait3A_897, %dma_wait3A_898] : memref<2x64x128xf32, #tpu.memory_space<vmem>> -> memref<1x64x128xf32, #tpu.memory_space<vmem>>
      %dma_wait3A_900 = tpu.memref_squeeze %dma_wait3A_899 : memref<1x64x128xf32, #tpu.memory_space<vmem>> -> memref<64x128xf32, #tpu.memory_space<vmem>>
      %dma_wait3A_901 = arith.constant 0 : i32
      %dma_wait3A_902 = arith.constant 0 : i32
      %dma_wait3A_903 = tpu.memref_slice %arg3[%dma_wait3A_901, %dma_wait3A_902] : memref<320000x128xf32, #tpu.memory_space<hbm>> -> memref<64x128xf32, #tpu.memory_space<hbm>>
      tpu.wait_dma2 semaphore(%arg16 : memref<!tpu.dma_semaphore, #tpu.memory_space<semaphore_mem>>) src(%dma_wait3A_903 : memref<64x128xf32, #tpu.memory_space<hbm>>) dst(%dma_wait3A_900 : memref<64x128xf32, #tpu.memory_space<vmem>>)
      %dma_wait3A_904 = arith.constant 1 : i32
      %dma_wait3A_905 = arith.constant 1 : i32
      %dma_wait3A_906 = arith.constant 0 : i32
      %dma_wait3A_907 = arith.constant 0 : i32
      %dma_wait3A_908 = tpu.memref_slice %arg11[%dma_wait3A_905, %dma_wait3A_906, %dma_wait3A_907] : memref<2x64x128xf32, #tpu.memory_space<vmem>> -> memref<1x64x128xf32, #tpu.memory_space<vmem>>
      %dma_wait3A_909 = tpu.memref_squeeze %dma_wait3A_908 : memref<1x64x128xf32, #tpu.memory_space<vmem>> -> memref<64x128xf32, #tpu.memory_space<vmem>>
      %dma_wait3A_910 = arith.constant 0 : i32
      %dma_wait3A_911 = tpu.memref_slice %arg7[%dma_wait3A_904, %dma_wait3A_910] : memref<2x64xi32, #tpu.memory_space<vmem>> -> memref<1x64xi32, #tpu.memory_space<vmem>>
      %dma_wait3A_912 = tpu.memref_squeeze %dma_wait3A_911 : memref<1x64xi32, #tpu.memory_space<vmem>> -> memref<64xi32, #tpu.memory_space<vmem>>
      %dma_wait3A_913 = arith.constant 0 : i32
      %dma_wait3A_914 = arith.constant 0 : i32
      %dma_wait3A_915 = tpu.memref_slice %arg4[%dma_wait3A_913, %dma_wait3A_914] : memref<10000x128xf32, #tpu.memory_space<hbm>> -> memref<10000x128xf32, #tpu.memory_space<hbm>>
      tpu.wait_indirect_dma semaphore(%arg18 : memref<!tpu.dma_semaphore, #tpu.memory_space<semaphore_mem>>) src(%dma_wait3A_915 : memref<10000x128xf32, #tpu.memory_space<hbm>>) dst(%dma_wait3A_909 : memref<64x128xf32, #tpu.memory_space<vmem>>)
      %dma_wait3A_916 = arith.constant 1 : i32
      %dma_wait3A_917 = arith.constant 1 : i32
      %dma_wait3A_918 = arith.constant 0 : i32
      %dma_wait3A_919 = arith.constant 0 : i32
      %dma_wait3A_920 = tpu.memref_slice %arg12[%dma_wait3A_916, %dma_wait3A_918, %dma_wait3A_919] : memref<2x64x128xf32, #tpu.memory_space<vmem>> -> memref<1x32x128xf32, #tpu.memory_space<vmem>>
      %dma_wait3A_921 = tpu.memref_squeeze %dma_wait3A_920 : memref<1x32x128xf32, #tpu.memory_space<vmem>> -> memref<32x128xf32, #tpu.memory_space<vmem>>
      %dma_wait3A_922 = arith.constant 0 : i32
      %dma_wait3A_923 = tpu.memref_slice %arg9[%dma_wait3A_917, %dma_wait3A_922] : memref<2x64xi32, #tpu.memory_space<vmem>> -> memref<1x32xi32, #tpu.memory_space<vmem>>
      %dma_wait3A_924 = tpu.memref_squeeze %dma_wait3A_923 : memref<1x32xi32, #tpu.memory_space<vmem>> -> memref<32xi32, #tpu.memory_space<vmem>>
      %dma_wait3A_925 = arith.constant 0 : i32
      %dma_wait3A_926 = arith.constant 0 : i32
      %dma_wait3A_927 = tpu.memref_slice %arg6[%dma_wait3A_925, %dma_wait3A_926] : memref<10112x128xf32, #tpu.memory_space<vmem_shared>> -> memref<10112x128xf32, #tpu.memory_space<vmem_shared>>
      tpu.wait_indirect_dma semaphore(%arg20 : memref<!tpu.dma_semaphore, #tpu.memory_space<semaphore_mem>>) src(%dma_wait3A_921 : memref<32x128xf32, #tpu.memory_space<vmem>>) dst(%dma_wait3A_927 : memref<10112x128xf32, #tpu.memory_space<vmem_shared>>)
      %scan3A_928 = arith.constant 0 : i32
      %scan3A_929 = arith.constant 0 : i32
      %scan3A_930 = arith.constant 64 : i32
      %scan3A_931 = arith.addi %scan3A_929, %scan3A_930 : i32
      %scan3A_932 = arith.constant 1 : i32
      scf.for %scan3A_993 = %scan3A_929 to %scan3A_931 step %scan3A_932  : i32 {
        %add3A_994 = arith.constant 0 : i32
        %add3A_995 = arith.addi %mul3A_1, %add3A_994 : i32
        %get3A_996 = arith.constant 1 : i32
        %get3A_997 = arith.index_cast %get3A_996 : i32 to index
        %get3A_998 = arith.index_cast %scan3A_993 : i32 to index
        %get3A_999 = arith.index_cast %add3A_995 : i32 to index
        %get3A_1000 = tpu.vector_load %arg10[%get3A_997, %get3A_998, %get3A_999] {strides = array<i32>} : memref<2x64x128xf32, #tpu.memory_space<vmem>>, vector<1x1x16xf32>,
        %get3A_1001 = vector.shape_cast %get3A_1000 : vector<1x1x16xf32> to vector<16xf32>
        %add3A_1002 = arith.constant 1.000000e+00 : f32
        %add3A_1003 = vector.broadcast %add3A_1002 : f32 to vector<16xf32>
        %add3A_1004 = arith.addf %get3A_1001, %add3A_1003 : vector<16xf32>
        %max3A = arith.constant 0.000000e+00 : f32
        %max3A_1005 = vector.broadcast %max3A : f32 to vector<16xf32>
        %max3A_1006 = arith.maximumf %add3A_1004, %max3A_1005 : vector<16xf32>
        %swap3A_1007 = arith.constant 1 : i32
        %swap3A_1008 = arith.index_cast %swap3A_1007 : i32 to index
        %swap3A_1009 = arith.index_cast %scan3A_993 : i32 to index
        %swap3A_1010 = arith.constant 0 : index
        %swap3A_1011 = tpu.vector_load %arg12[%swap3A_1008, %swap3A_1009, %swap3A_1010] {strides = array<i32>} : memref<2x64x128xf32, #tpu.memory_space<vmem>>, vector<1x1x16xf32>,
        %swap3A_1012 = vector.shape_cast %swap3A_1011 : vector<1x1x16xf32> to vector<16xf32>
        %swap3A_1013 = vector.shape_cast %max3A_1006 : vector<16xf32> to vector<1x1x16xf32>
        tpu.vector_store %arg12[%swap3A_1008, %swap3A_1009, %swap3A_1010], %swap3A_1013 {strides = array<i32>} : memref<2x64x128xf32, #tpu.memory_space<vmem>>, vector<1x1x16xf32>,
        %add3A_1014 = arith.constant 0 : i32
        %add3A_1015 = arith.addi %mul3A_1, %add3A_1014 : i32
        %get3A_1016 = arith.constant 1 : i32
        %get3A_1017 = arith.index_cast %get3A_1016 : i32 to index
        %get3A_1018 = arith.index_cast %scan3A_993 : i32 to index
        %get3A_1019 = arith.index_cast %add3A_1015 : i32 to index
        %get3A_1020 = tpu.vector_load %arg11[%get3A_1017, %get3A_1018, %get3A_1019] {strides = array<i32>} : memref<2x64x128xf32, #tpu.memory_space<vmem>>, vector<1x1x16xf32>,
        %get3A_1021 = vector.shape_cast %get3A_1020 : vector<1x1x16xf32> to vector<16xf32>
        %mul3A_1022 = arith.mulf %max3A_1006, %get3A_1021 : vector<16xf32>
        %swap3A_1023 = arith.constant 1 : i32
        %swap3A_1024 = arith.index_cast %swap3A_1023 : i32 to index
        %swap3A_1025 = arith.index_cast %scan3A_993 : i32 to index
        %swap3A_1026 = arith.constant 64 : index
        %swap3A_1027 = tpu.vector_load %arg12[%swap3A_1024, %swap3A_1025, %swap3A_1026] {strides = array<i32>} : memref<2x64x128xf32, #tpu.memory_space<vmem>>, vector<1x1x16xf32>,
        %swap3A_1028 = vector.shape_cast %swap3A_1027 : vector<1x1x16xf32> to vector<16xf32>
        %swap3A_1029 = vector.shape_cast %mul3A_1022 : vector<16xf32> to vector<1x1x16xf32>
        tpu.vector_store %arg12[%swap3A_1024, %swap3A_1025, %swap3A_1026], %swap3A_1029 {strides = array<i32>} : memref<2x64x128xf32, #tpu.memory_space<vmem>>, vector<1x1x16xf32>,
        %add3A_1030 = arith.constant 16 : i32
        %add3A_1031 = arith.addi %mul3A_1, %add3A_1030 : i32
        %get3A_1032 = arith.constant 1 : i32
        %get3A_1033 = arith.index_cast %get3A_1032 : i32 to index
        %get3A_1034 = arith.index_cast %scan3A_993 : i32 to index
        %get3A_1035 = arith.index_cast %add3A_1031 : i32 to index
        %get3A_1036 = tpu.vector_load %arg10[%get3A_1033, %get3A_1034, %get3A_1035] {strides = array<i32>} : memref<2x64x128xf32, #tpu.memory_space<vmem>>, vector<1x1x16xf32>,
        %get3A_1037 = vector.shape_cast %get3A_1036 : vector<1x1x16xf32> to vector<16xf32>
        %add3A_1038 = arith.constant 1.000000e+00 : f32
        %add3A_1039 = vector.broadcast %add3A_1038 : f32 to vector<16xf32>
        %add3A_1040 = arith.addf %get3A_1037, %add3A_1039 : vector<16xf32>
        %max3A_1041 = arith.constant 0.000000e+00 : f32
        %max3A_1042 = vector.broadcast %max3A_1041 : f32 to vector<16xf32>
        %max3A_1043 = arith.maximumf %add3A_1040, %max3A_1042 : vector<16xf32>
        %swap3A_1044 = arith.constant 1 : i32
        %swap3A_1045 = arith.index_cast %swap3A_1044 : i32 to index
        %swap3A_1046 = arith.index_cast %scan3A_993 : i32 to index
        %swap3A_1047 = arith.constant 16 : index
        %swap3A_1048 = tpu.vector_load %arg12[%swap3A_1045, %swap3A_1046, %swap3A_1047] {strides = array<i32>} : memref<2x64x128xf32, #tpu.memory_space<vmem>>, vector<1x1x16xf32>,
        %swap3A_1049 = vector.shape_cast %swap3A_1048 : vector<1x1x16xf32> to vector<16xf32>
        %swap3A_1050 = vector.shape_cast %max3A_1043 : vector<16xf32> to vector<1x1x16xf32>
        tpu.vector_store %arg12[%swap3A_1045, %swap3A_1046, %swap3A_1047], %swap3A_1050 {strides = array<i32>} : memref<2x64x128xf32, #tpu.memory_space<vmem>>, vector<1x1x16xf32>,
        %add3A_1051 = arith.constant 16 : i32
        %add3A_1052 = arith.addi %mul3A_1, %add3A_1051 : i32
        %get3A_1053 = arith.constant 1 : i32
        %get3A_1054 = arith.index_cast %get3A_1053 : i32 to index
        %get3A_1055 = arith.index_cast %scan3A_993 : i32 to index
        %get3A_1056 = arith.index_cast %add3A_1052 : i32 to index
        %get3A_1057 = tpu.vector_load %arg11[%get3A_1054, %get3A_1055, %get3A_1056] {strides = array<i32>} : memref<2x64x128xf32, #tpu.memory_space<vmem>>, vector<1x1x16xf32>,
        %get3A_1058 = vector.shape_cast %get3A_1057 : vector<1x1x16xf32> to vector<16xf32>
        %mul3A_1059 = arith.mulf %max3A_1043, %get3A_1058 : vector<16xf32>
        %swap3A_1060 = arith.constant 1 : i32
        %swap3A_1061 = arith.index_cast %swap3A_1060 : i32 to index
        %swap3A_1062 = arith.index_cast %scan3A_993 : i32 to index
        %swap3A_1063 = arith.constant 80 : index
        %swap3A_1064 = tpu.vector_load %arg12[%swap3A_1061, %swap3A_1062, %swap3A_1063] {strides = array<i32>} : memref<2x64x128xf32, #tpu.memory_space<vmem>>, vector<1x1x16xf32>,
        %swap3A_1065 = vector.shape_cast %swap3A_1064 : vector<1x1x16xf32> to vector<16xf32>
        %swap3A_1066 = vector.shape_cast %mul3A_1059 : vector<16xf32> to vector<1x1x16xf32>
        tpu.vector_store %arg12[%swap3A_1061, %swap3A_1062, %swap3A_1063], %swap3A_1066 {strides = array<i32>} : memref<2x64x128xf32, #tpu.memory_space<vmem>>, vector<1x1x16xf32>,
        %add3A_1067 = arith.constant 32 : i32
        %add3A_1068 = arith.addi %mul3A_1, %add3A_1067 : i32
        %get3A_1069 = arith.constant 1 : i32
        %get3A_1070 = arith.index_cast %get3A_1069 : i32 to index
        %get3A_1071 = arith.index_cast %scan3A_993 : i32 to index
        %get3A_1072 = arith.index_cast %add3A_1068 : i32 to index
        %get3A_1073 = tpu.vector_load %arg10[%get3A_1070, %get3A_1071, %get3A_1072] {strides = array<i32>} : memref<2x64x128xf32, #tpu.memory_space<vmem>>, vector<1x1x16xf32>,
        %get3A_1074 = vector.shape_cast %get3A_1073 : vector<1x1x16xf32> to vector<16xf32>
        %add3A_1075 = arith.constant 1.000000e+00 : f32
        %add3A_1076 = vector.broadcast %add3A_1075 : f32 to vector<16xf32>
        %add3A_1077 = arith.addf %get3A_1074, %add3A_1076 : vector<16xf32>
        %max3A_1078 = arith.constant 0.000000e+00 : f32
        %max3A_1079 = vector.broadcast %max3A_1078 : f32 to vector<16xf32>
        %max3A_1080 = arith.maximumf %add3A_1077, %max3A_1079 : vector<16xf32>
        %swap3A_1081 = arith.constant 1 : i32
        %swap3A_1082 = arith.index_cast %swap3A_1081 : i32 to index
        %swap3A_1083 = arith.index_cast %scan3A_993 : i32 to index
        %swap3A_1084 = arith.constant 32 : index
        %swap3A_1085 = tpu.vector_load %arg12[%swap3A_1082, %swap3A_1083, %swap3A_1084] {strides = array<i32>} : memref<2x64x128xf32, #tpu.memory_space<vmem>>, vector<1x1x16xf32>,
        %swap3A_1086 = vector.shape_cast %swap3A_1085 : vector<1x1x16xf32> to vector<16xf32>
        %swap3A_1087 = vector.shape_cast %max3A_1080 : vector<16xf32> to vector<1x1x16xf32>
        tpu.vector_store %arg12[%swap3A_1082, %swap3A_1083, %swap3A_1084], %swap3A_1087 {strides = array<i32>} : memref<2x64x128xf32, #tpu.memory_space<vmem>>, vector<1x1x16xf32>,
        %add3A_1088 = arith.constant 32 : i32
        %add3A_1089 = arith.addi %mul3A_1, %add3A_1088 : i32
        %get3A_1090 = arith.constant 1 : i32
        %get3A_1091 = arith.index_cast %get3A_1090 : i32 to index
        %get3A_1092 = arith.index_cast %scan3A_993 : i32 to index
        %get3A_1093 = arith.index_cast %add3A_1089 : i32 to index
        %get3A_1094 = tpu.vector_load %arg11[%get3A_1091, %get3A_1092, %get3A_1093] {strides = array<i32>} : memref<2x64x128xf32, #tpu.memory_space<vmem>>, vector<1x1x16xf32>,
        %get3A_1095 = vector.shape_cast %get3A_1094 : vector<1x1x16xf32> to vector<16xf32>
        %mul3A_1096 = arith.mulf %max3A_1080, %get3A_1095 : vector<16xf32>
        %swap3A_1097 = arith.constant 1 : i32
        %swap3A_1098 = arith.index_cast %swap3A_1097 : i32 to index
        %swap3A_1099 = arith.index_cast %scan3A_993 : i32 to index
        %swap3A_1100 = arith.constant 96 : index
        %swap3A_1101 = tpu.vector_load %arg12[%swap3A_1098, %swap3A_1099, %swap3A_1100] {strides = array<i32>} : memref<2x64x128xf32, #tpu.memory_space<vmem>>, vector<1x1x16xf32>,
        %swap3A_1102 = vector.shape_cast %swap3A_1101 : vector<1x1x16xf32> to vector<16xf32>
        %swap3A_1103 = vector.shape_cast %mul3A_1096 : vector<16xf32> to vector<1x1x16xf32>
        tpu.vector_store %arg12[%swap3A_1098, %swap3A_1099, %swap3A_1100], %swap3A_1103 {strides = array<i32>} : memref<2x64x128xf32, #tpu.memory_space<vmem>>, vector<1x1x16xf32>,
        %add3A_1104 = arith.constant 48 : i32
        %add3A_1105 = arith.addi %mul3A_1, %add3A_1104 : i32
        %get3A_1106 = arith.constant 1 : i32
        %get3A_1107 = arith.index_cast %get3A_1106 : i32 to index
        %get3A_1108 = arith.index_cast %scan3A_993 : i32 to index
        %get3A_1109 = arith.index_cast %add3A_1105 : i32 to index
        %get3A_1110 = tpu.vector_load %arg10[%get3A_1107, %get3A_1108, %get3A_1109] {strides = array<i32>} : memref<2x64x128xf32, #tpu.memory_space<vmem>>, vector<1x1x16xf32>,
        %get3A_1111 = vector.shape_cast %get3A_1110 : vector<1x1x16xf32> to vector<16xf32>
        %add3A_1112 = arith.constant 1.000000e+00 : f32
        %add3A_1113 = vector.broadcast %add3A_1112 : f32 to vector<16xf32>
        %add3A_1114 = arith.addf %get3A_1111, %add3A_1113 : vector<16xf32>
        %max3A_1115 = arith.constant 0.000000e+00 : f32
        %max3A_1116 = vector.broadcast %max3A_1115 : f32 to vector<16xf32>
        %max3A_1117 = arith.maximumf %add3A_1114, %max3A_1116 : vector<16xf32>
        %swap3A_1118 = arith.constant 1 : i32
        %swap3A_1119 = arith.index_cast %swap3A_1118 : i32 to index
        %swap3A_1120 = arith.index_cast %scan3A_993 : i32 to index
        %swap3A_1121 = arith.constant 48 : index
        %swap3A_1122 = tpu.vector_load %arg12[%swap3A_1119, %swap3A_1120, %swap3A_1121] {strides = array<i32>} : memref<2x64x128xf32, #tpu.memory_space<vmem>>, vector<1x1x16xf32>,
        %swap3A_1123 = vector.shape_cast %swap3A_1122 : vector<1x1x16xf32> to vector<16xf32>
        %swap3A_1124 = vector.shape_cast %max3A_1117 : vector<16xf32> to vector<1x1x16xf32>
        tpu.vector_store %arg12[%swap3A_1119, %swap3A_1120, %swap3A_1121], %swap3A_1124 {strides = array<i32>} : memref<2x64x128xf32, #tpu.memory_space<vmem>>, vector<1x1x16xf32>,
        %add3A_1125 = arith.constant 48 : i32
        %add3A_1126 = arith.addi %mul3A_1, %add3A_1125 : i32
        %get3A_1127 = arith.constant 1 : i32
        %get3A_1128 = arith.index_cast %get3A_1127 : i32 to index
        %get3A_1129 = arith.index_cast %scan3A_993 : i32 to index
        %get3A_1130 = arith.index_cast %add3A_1126 : i32 to index
        %get3A_1131 = tpu.vector_load %arg11[%get3A_1128, %get3A_1129, %get3A_1130] {strides = array<i32>} : memref<2x64x128xf32, #tpu.memory_space<vmem>>, vector<1x1x16xf32>,
        %get3A_1132 = vector.shape_cast %get3A_1131 : vector<1x1x16xf32> to vector<16xf32>
        %mul3A_1133 = arith.mulf %max3A_1117, %get3A_1132 : vector<16xf32>
        %swap3A_1134 = arith.constant 1 : i32
        %swap3A_1135 = arith.index_cast %swap3A_1134 : i32 to index
        %swap3A_1136 = arith.index_cast %scan3A_993 : i32 to index
        %swap3A_1137 = arith.constant 112 : index
        %swap3A_1138 = tpu.vector_load %arg12[%swap3A_1135, %swap3A_1136, %swap3A_1137] {strides = array<i32>} : memref<2x64x128xf32, #tpu.memory_space<vmem>>, vector<1x1x16xf32>,
        %swap3A_1139 = vector.shape_cast %swap3A_1138 : vector<1x1x16xf32> to vector<16xf32>
        %swap3A_1140 = vector.shape_cast %mul3A_1133 : vector<16xf32> to vector<1x1x16xf32>
        tpu.vector_store %arg12[%swap3A_1135, %swap3A_1136, %swap3A_1137], %swap3A_1140 {strides = array<i32>} : memref<2x64x128xf32, #tpu.memory_space<vmem>>, vector<1x1x16xf32>,
      }
      %scan3A_933 = arith.constant 64 : i32
      %get3A_934 = arith.constant 1 : i32
      %get3A_935 = arith.index_cast %get3A_934 : i32 to index
      %get3A_936 = arith.constant 0 : index
      %get3A_937 = tpu.vector_load %arg8[%get3A_935, %get3A_936] {strides = array<i32>} : memref<2x64xi32, #tpu.memory_space<vmem>>, vector<1x16xi32>,
      %get3A_938 = vector.shape_cast %get3A_937 : vector<1x16xi32> to vector<16xi32>
      %swap3A_939 = arith.constant 1 : i32
      %swap3A_940 = arith.index_cast %swap3A_939 : i32 to index
      %swap3A_941 = arith.constant 0 : index
      %swap3A_942 = tpu.vector_load %arg9[%swap3A_940, %swap3A_941] {strides = array<i32>} : memref<2x64xi32, #tpu.memory_space<vmem>>, vector<1x16xi32>,
      %swap3A_943 = vector.shape_cast %swap3A_942 : vector<1x16xi32> to vector<16xi32>
      %swap3A_944 = vector.shape_cast %get3A_938 : vector<16xi32> to vector<1x16xi32>
      tpu.vector_store %arg9[%swap3A_940, %swap3A_941], %swap3A_944 {strides = array<i32>} : memref<2x64xi32, #tpu.memory_space<vmem>>, vector<1x16xi32>,
      %get3A_945 = arith.constant 1 : i32
      %get3A_946 = arith.index_cast %get3A_945 : i32 to index
      %get3A_947 = arith.constant 16 : index
      %get3A_948 = tpu.vector_load %arg8[%get3A_946, %get3A_947] {strides = array<i32>} : memref<2x64xi32, #tpu.memory_space<vmem>>, vector<1x16xi32>,
      %get3A_949 = vector.shape_cast %get3A_948 : vector<1x16xi32> to vector<16xi32>
      %swap3A_950 = arith.constant 1 : i32
      %swap3A_951 = arith.index_cast %swap3A_950 : i32 to index
      %swap3A_952 = arith.constant 16 : index
      %swap3A_953 = tpu.vector_load %arg9[%swap3A_951, %swap3A_952] {strides = array<i32>} : memref<2x64xi32, #tpu.memory_space<vmem>>, vector<1x16xi32>,
      %swap3A_954 = vector.shape_cast %swap3A_953 : vector<1x16xi32> to vector<16xi32>
      %swap3A_955 = vector.shape_cast %get3A_949 : vector<16xi32> to vector<1x16xi32>
      tpu.vector_store %arg9[%swap3A_951, %swap3A_952], %swap3A_955 {strides = array<i32>} : memref<2x64xi32, #tpu.memory_space<vmem>>, vector<1x16xi32>,
      %dma_start3A_956 = arith.constant 1 : i32
      %dma_start3A_957 = arith.constant 1 : i32
      %dma_start3A_958 = arith.constant 0 : i32
      %dma_start3A_959 = arith.constant 0 : i32
      %dma_start3A_960 = tpu.memref_slice %arg12[%dma_start3A_956, %dma_start3A_958, %dma_start3A_959] : memref<2x64x128xf32, #tpu.memory_space<vmem>> -> memref<1x32x128xf32, #tpu.memory_space<vmem>>
      %dma_start3A_961 = tpu.memref_squeeze %dma_start3A_960 : memref<1x32x128xf32, #tpu.memory_space<vmem>> -> memref<32x128xf32, #tpu.memory_space<vmem>>
      %dma_start3A_962 = arith.constant 0 : i32
      %dma_start3A_963 = tpu.memref_slice %arg9[%dma_start3A_957, %dma_start3A_962] : memref<2x64xi32, #tpu.memory_space<vmem>> -> memref<1x32xi32, #tpu.memory_space<vmem>>
      %dma_start3A_964 = tpu.memref_squeeze %dma_start3A_963 : memref<1x32xi32, #tpu.memory_space<vmem>> -> memref<32xi32, #tpu.memory_space<vmem>>
      %dma_start3A_965 = arith.constant 0 : i32
      %dma_start3A_966 = arith.constant 0 : i32
      %dma_start3A_967 = tpu.memref_slice %arg6[%dma_start3A_965, %dma_start3A_966] : memref<10112x128xf32, #tpu.memory_space<vmem_shared>> -> memref<10112x128xf32, #tpu.memory_space<vmem_shared>>
      tpu.enqueue_indirect_dma source(%dma_start3A_961 : memref<32x128xf32, #tpu.memory_space<vmem>>) target(%dma_start3A_967 : memref<10112x128xf32, #tpu.memory_space<vmem_shared>>) offsets(%dma_start3A_964 : memref<32xi32, #tpu.memory_space<vmem>>) semaphore(%arg20 : memref<!tpu.dma_semaphore, #tpu.memory_space<semaphore_mem>>) {add = true}
      %add3A_968 = arith.constant 2 : i32
      %add3A_969 = arith.addi %add3A_836, %add3A_968 : i32
      %mul3A_970 = arith.constant 64 : i32
      %mul3A_971 = arith.muli %add3A_969, %mul3A_970 : i32
      %add3A_972 = arith.addi %mul3A_3, %mul3A_971 : i32
      %dma_start3A_973 = arith.constant 1 : i32
      %dma_start3A_974 = arith.constant 0 : i32
      %dma_start3A_975 = tpu.memref_slice %arg7[%dma_start3A_973, %dma_start3A_974] : memref<2x64xi32, #tpu.memory_space<vmem>> -> memref<1x64xi32, #tpu.memory_space<vmem>>
      %dma_start3A_976 = tpu.memref_squeeze %dma_start3A_975 : memref<1x64xi32, #tpu.memory_space<vmem>> -> memref<64xi32, #tpu.memory_space<vmem>>
      %dma_start3A_977 = tpu.memref_slice %arg2[%add3A_972] : memref<640000xi32, #tpu.memory_space<hbm>> -> memref<64xi32, #tpu.memory_space<hbm>>
      %dma_start3A_978 = arith.constant 0 : i32
      %dma_start3A_979 = tpu.memref_slice %arg7[%dma_start3A_973, %dma_start3A_978] : memref<2x64xi32, #tpu.memory_space<vmem>> -> memref<1x64xi32, #tpu.memory_space<vmem>>
      %dma_start3A_980 = tpu.memref_squeeze %dma_start3A_979 : memref<1x64xi32, #tpu.memory_space<vmem>> -> memref<64xi32, #tpu.memory_space<vmem>>
      %dma_start3A_981 = tpu.memref_slice %arg2[%add3A_972] : memref<640000xi32, #tpu.memory_space<hbm>> -> memref<64xi32, #tpu.memory_space<hbm>>
      tpu.enqueue_dma source(%dma_start3A_981 : memref<64xi32, #tpu.memory_space<hbm>>) target(%dma_start3A_980 : memref<64xi32, #tpu.memory_space<vmem>>) target_semaphore(%arg14 : memref<!tpu.dma_semaphore, #tpu.memory_space<semaphore_mem>>)
      %add3A_982 = arith.constant 320000 : i32
      %add3A_983 = arith.addi %add3A_982, %add3A_972 : i32
      %dma_start3A_984 = arith.constant 1 : i32
      %dma_start3A_985 = arith.constant 0 : i32
      %dma_start3A_986 = tpu.memref_slice %arg8[%dma_start3A_984, %dma_start3A_985] : memref<2x64xi32, #tpu.memory_space<vmem>> -> memref<1x64xi32, #tpu.memory_space<vmem>>
      %dma_start3A_987 = tpu.memref_squeeze %dma_start3A_986 : memref<1x64xi32, #tpu.memory_space<vmem>> -> memref<64xi32, #tpu.memory_space<vmem>>
      %dma_start3A_988 = tpu.memref_slice %arg2[%add3A_983] : memref<640000xi32, #tpu.memory_space<hbm>> -> memref<64xi32, #tpu.memory_space<hbm>>
      %dma_start3A_989 = arith.constant 0 : i32
      %dma_start3A_990 = tpu.memref_slice %arg8[%dma_start3A_984, %dma_start3A_989] : memref<2x64xi32, #tpu.memory_space<vmem>> -> memref<1x64xi32, #tpu.memory_space<vmem>>
      %dma_start3A_991 = tpu.memref_squeeze %dma_start3A_990 : memref<1x64xi32, #tpu.memory_space<vmem>> -> memref<64xi32, #tpu.memory_space<vmem>>
      %dma_start3A_992 = tpu.memref_slice %arg2[%add3A_983] : memref<640000xi32, #tpu.memory_space<hbm>> -> memref<64xi32, #tpu.memory_space<hbm>>
      tpu.enqueue_dma source(%dma_start3A_992 : memref<64xi32, #tpu.memory_space<hbm>>) target(%dma_start3A_991 : memref<64xi32, #tpu.memory_space<vmem>>) target_semaphore(%arg14 : memref<!tpu.dma_semaphore, #tpu.memory_space<semaphore_mem>>)
    }
    %while3A_436 = arith.constant 1 : i32
    scf.for %while3A_672 = %while3A_434 to %while3A_430 step %while3A_436  : i32 {
      %mul3A_673 = arith.constant 2 : i32
      %mul3A_674 = arith.muli %mul3A_673, %while3A_672 : i32
      %add3A_675 = arith.constant 0 : i32
      %add3A_676 = arith.addi %mul3A_674, %add3A_675 : i32
      %dma_wait3A_677 = arith.constant 1 : i32
      %dma_wait3A_678 = arith.constant 0 : i32
      %dma_wait3A_679 = tpu.memref_slice %arg7[%dma_wait3A_677, %dma_wait3A_678] : memref<2x64xi32, #tpu.memory_space<vmem>> -> memref<1x64xi32, #tpu.memory_space<vmem>>
      %dma_wait3A_680 = tpu.memref_squeeze %dma_wait3A_679 : memref<1x64xi32, #tpu.memory_space<vmem>> -> memref<64xi32, #tpu.memory_space<vmem>>
      %dma_wait3A_681 = arith.constant 0 : i32
      %dma_wait3A_682 = tpu.memref_slice %arg2[%dma_wait3A_681] : memref<640000xi32, #tpu.memory_space<hbm>> -> memref<64xi32, #tpu.memory_space<hbm>>
      %dma_wait3A_683 = arith.constant 0 : i32
      %dma_wait3A_684 = tpu.memref_slice %arg7[%dma_wait3A_677, %dma_wait3A_683] : memref<2x64xi32, #tpu.memory_space<vmem>> -> memref<1x64xi32, #tpu.memory_space<vmem>>
      %dma_wait3A_685 = tpu.memref_squeeze %dma_wait3A_684 : memref<1x64xi32, #tpu.memory_space<vmem>> -> memref<64xi32, #tpu.memory_space<vmem>>
      %dma_wait3A_686 = arith.constant 0 : i32
      %dma_wait3A_687 = tpu.memref_slice %arg2[%dma_wait3A_686] : memref<640000xi32, #tpu.memory_space<hbm>> -> memref<64xi32, #tpu.memory_space<hbm>>
      tpu.wait_dma2 semaphore(%arg14 : memref<!tpu.dma_semaphore, #tpu.memory_space<semaphore_mem>>) src(%dma_wait3A_687 : memref<64xi32, #tpu.memory_space<hbm>>) dst(%dma_wait3A_685 : memref<64xi32, #tpu.memory_space<vmem>>)
      %dma_wait3A_688 = arith.constant 1 : i32
      %dma_wait3A_689 = arith.constant 0 : i32
      %dma_wait3A_690 = tpu.memref_slice %arg8[%dma_wait3A_688, %dma_wait3A_689] : memref<2x64xi32, #tpu.memory_space<vmem>> -> memref<1x64xi32, #tpu.memory_space<vmem>>
      %dma_wait3A_691 = tpu.memref_squeeze %dma_wait3A_690 : memref<1x64xi32, #tpu.memory_space<vmem>> -> memref<64xi32, #tpu.memory_space<vmem>>
      %dma_wait3A_692 = arith.constant 0 : i32
      %dma_wait3A_693 = tpu.memref_slice %arg2[%dma_wait3A_692] : memref<640000xi32, #tpu.memory_space<hbm>> -> memref<64xi32, #tpu.memory_space<hbm>>
      %dma_wait3A_694 = arith.constant 0 : i32
      %dma_wait3A_695 = tpu.memref_slice %arg8[%dma_wait3A_688, %dma_wait3A_694] : memref<2x64xi32, #tpu.memory_space<vmem>> -> memref<1x64xi32, #tpu.memory_space<vmem>>
      %dma_wait3A_696 = tpu.memref_squeeze %dma_wait3A_695 : memref<1x64xi32, #tpu.memory_space<vmem>> -> memref<64xi32, #tpu.memory_space<vmem>>
      %dma_wait3A_697 = arith.constant 0 : i32
      %dma_wait3A_698 = tpu.memref_slice %arg2[%dma_wait3A_697] : memref<640000xi32, #tpu.memory_space<hbm>> -> memref<64xi32, #tpu.memory_space<hbm>>
      tpu.wait_dma2 semaphore(%arg14 : memref<!tpu.dma_semaphore, #tpu.memory_space<semaphore_mem>>) src(%dma_wait3A_698 : memref<64xi32, #tpu.memory_space<hbm>>) dst(%dma_wait3A_696 : memref<64xi32, #tpu.memory_space<vmem>>)
      %add3A_699 = arith.constant 1 : i32
      %add3A_700 = arith.addi %add3A_676, %add3A_699 : i32
      %mul3A_701 = arith.constant 64 : i32
      %mul3A_702 = arith.muli %add3A_700, %mul3A_701 : i32
      %add3A_703 = arith.addi %mul3A_3, %mul3A_702 : i32
      %dma_start3A_704 = arith.constant 1 : i32
      %dma_start3A_705 = arith.constant 0 : i32
      %dma_start3A_706 = arith.constant 0 : i32
      %dma_start3A_707 = tpu.memref_slice %arg10[%dma_start3A_704, %dma_start3A_705, %dma_start3A_706] : memref<2x64x128xf32, #tpu.memory_space<vmem>> -> memref<1x64x128xf32, #tpu.memory_space<vmem>>
      %dma_start3A_708 = tpu.memref_squeeze %dma_start3A_707 : memref<1x64x128xf32, #tpu.memory_space<vmem>> -> memref<64x128xf32, #tpu.memory_space<vmem>>
      %dma_start3A_709 = arith.constant 0 : i32
      %dma_start3A_710 = tpu.memref_slice %arg3[%add3A_703, %dma_start3A_709] : memref<320000x128xf32, #tpu.memory_space<hbm>> -> memref<64x128xf32, #tpu.memory_space<hbm>>
      %dma_start3A_711 = arith.constant 0 : i32
      %dma_start3A_712 = arith.constant 0 : i32
      %dma_start3A_713 = tpu.memref_slice %arg10[%dma_start3A_704, %dma_start3A_711, %dma_start3A_712] : memref<2x64x128xf32, #tpu.memory_space<vmem>> -> memref<1x64x128xf32, #tpu.memory_space<vmem>>
      %dma_start3A_714 = tpu.memref_squeeze %dma_start3A_713 : memref<1x64x128xf32, #tpu.memory_space<vmem>> -> memref<64x128xf32, #tpu.memory_space<vmem>>
      %dma_start3A_715 = arith.constant 0 : i32
      %dma_start3A_716 = tpu.memref_slice %arg3[%add3A_703, %dma_start3A_715] : memref<320000x128xf32, #tpu.memory_space<hbm>> -> memref<64x128xf32, #tpu.memory_space<hbm>>
      tpu.enqueue_dma source(%dma_start3A_716 : memref<64x128xf32, #tpu.memory_space<hbm>>) target(%dma_start3A_714 : memref<64x128xf32, #tpu.memory_space<vmem>>) target_semaphore(%arg16 : memref<!tpu.dma_semaphore, #tpu.memory_space<semaphore_mem>>)
      %dma_start3A_717 = arith.constant 1 : i32
      %dma_start3A_718 = arith.constant 1 : i32
      %dma_start3A_719 = arith.constant 0 : i32
      %dma_start3A_720 = arith.constant 0 : i32
      %dma_start3A_721 = tpu.memref_slice %arg11[%dma_start3A_718, %dma_start3A_719, %dma_start3A_720] : memref<2x64x128xf32, #tpu.memory_space<vmem>> -> memref<1x64x128xf32, #tpu.memory_space<vmem>>
      %dma_start3A_722 = tpu.memref_squeeze %dma_start3A_721 : memref<1x64x128xf32, #tpu.memory_space<vmem>> -> memref<64x128xf32, #tpu.memory_space<vmem>>
      %dma_start3A_723 = arith.constant 0 : i32
      %dma_start3A_724 = tpu.memref_slice %arg7[%dma_start3A_717, %dma_start3A_723] : memref<2x64xi32, #tpu.memory_space<vmem>> -> memref<1x64xi32, #tpu.memory_space<vmem>>
      %dma_start3A_725 = tpu.memref_squeeze %dma_start3A_724 : memref<1x64xi32, #tpu.memory_space<vmem>> -> memref<64xi32, #tpu.memory_space<vmem>>
      %dma_start3A_726 = arith.constant 0 : i32
      %dma_start3A_727 = arith.constant 0 : i32
      %dma_start3A_728 = tpu.memref_slice %arg4[%dma_start3A_726, %dma_start3A_727] : memref<10000x128xf32, #tpu.memory_space<hbm>> -> memref<10000x128xf32, #tpu.memory_space<hbm>>
      tpu.enqueue_indirect_dma source(%dma_start3A_728 : memref<10000x128xf32, #tpu.memory_space<hbm>>) target(%dma_start3A_722 : memref<64x128xf32, #tpu.memory_space<vmem>>) offsets(%dma_start3A_725 : memref<64xi32, #tpu.memory_space<vmem>>) semaphore(%arg18 : memref<!tpu.dma_semaphore, #tpu.memory_space<semaphore_mem>>)
      %dma_wait3A_729 = arith.constant 0 : i32
      %dma_wait3A_730 = arith.constant 0 : i32
      %dma_wait3A_731 = arith.constant 0 : i32
      %dma_wait3A_732 = tpu.memref_slice %arg10[%dma_wait3A_729, %dma_wait3A_730, %dma_wait3A_731] : memref<2x64x128xf32, #tpu.memory_space<vmem>> -> memref<1x64x128xf32, #tpu.memory_space<vmem>>
      %dma_wait3A_733 = tpu.memref_squeeze %dma_wait3A_732 : memref<1x64x128xf32, #tpu.memory_space<vmem>> -> memref<64x128xf32, #tpu.memory_space<vmem>>
      %dma_wait3A_734 = arith.constant 0 : i32
      %dma_wait3A_735 = arith.constant 0 : i32
      %dma_wait3A_736 = tpu.memref_slice %arg3[%dma_wait3A_734, %dma_wait3A_735] : memref<320000x128xf32, #tpu.memory_space<hbm>> -> memref<64x128xf32, #tpu.memory_space<hbm>>
      %dma_wait3A_737 = arith.constant 0 : i32
      %dma_wait3A_738 = arith.constant 0 : i32
      %dma_wait3A_739 = tpu.memref_slice %arg10[%dma_wait3A_729, %dma_wait3A_737, %dma_wait3A_738] : memref<2x64x128xf32, #tpu.memory_space<vmem>> -> memref<1x64x128xf32, #tpu.memory_space<vmem>>
      %dma_wait3A_740 = tpu.memref_squeeze %dma_wait3A_739 : memref<1x64x128xf32, #tpu.memory_space<vmem>> -> memref<64x128xf32, #tpu.memory_space<vmem>>
      %dma_wait3A_741 = arith.constant 0 : i32
      %dma_wait3A_742 = arith.constant 0 : i32
      %dma_wait3A_743 = tpu.memref_slice %arg3[%dma_wait3A_741, %dma_wait3A_742] : memref<320000x128xf32, #tpu.memory_space<hbm>> -> memref<64x128xf32, #tpu.memory_space<hbm>>
      tpu.wait_dma2 semaphore(%arg15 : memref<!tpu.dma_semaphore, #tpu.memory_space<semaphore_mem>>) src(%dma_wait3A_743 : memref<64x128xf32, #tpu.memory_space<hbm>>) dst(%dma_wait3A_740 : memref<64x128xf32, #tpu.memory_space<vmem>>)
      %dma_wait3A_744 = arith.constant 0 : i32
      %dma_wait3A_745 = arith.constant 0 : i32
      %dma_wait3A_746 = arith.constant 0 : i32
      %dma_wait3A_747 = arith.constant 0 : i32
      %dma_wait3A_748 = tpu.memref_slice %arg11[%dma_wait3A_745, %dma_wait3A_746, %dma_wait3A_747] : memref<2x64x128xf32, #tpu.memory_space<vmem>> -> memref<1x64x128xf32, #tpu.memory_space<vmem>>
      %dma_wait3A_749 = tpu.memref_squeeze %dma_wait3A_748 : memref<1x64x128xf32, #tpu.memory_space<vmem>> -> memref<64x128xf32, #tpu.memory_space<vmem>>
      %dma_wait3A_750 = arith.constant 0 : i32
      %dma_wait3A_751 = tpu.memref_slice %arg7[%dma_wait3A_744, %dma_wait3A_750] : memref<2x64xi32, #tpu.memory_space<vmem>> -> memref<1x64xi32, #tpu.memory_space<vmem>>
      %dma_wait3A_752 = tpu.memref_squeeze %dma_wait3A_751 : memref<1x64xi32, #tpu.memory_space<vmem>> -> memref<64xi32, #tpu.memory_space<vmem>>
      %dma_wait3A_753 = arith.constant 0 : i32
      %dma_wait3A_754 = arith.constant 0 : i32
      %dma_wait3A_755 = tpu.memref_slice %arg4[%dma_wait3A_753, %dma_wait3A_754] : memref<10000x128xf32, #tpu.memory_space<hbm>> -> memref<10000x128xf32, #tpu.memory_space<hbm>>
      tpu.wait_indirect_dma semaphore(%arg17 : memref<!tpu.dma_semaphore, #tpu.memory_space<semaphore_mem>>) src(%dma_wait3A_755 : memref<10000x128xf32, #tpu.memory_space<hbm>>) dst(%dma_wait3A_749 : memref<64x128xf32, #tpu.memory_space<vmem>>)
      %dma_wait3A_756 = arith.constant 0 : i32
      %dma_wait3A_757 = arith.constant 0 : i32
      %dma_wait3A_758 = arith.constant 0 : i32
      %dma_wait3A_759 = arith.constant 0 : i32
      %dma_wait3A_760 = tpu.memref_slice %arg12[%dma_wait3A_756, %dma_wait3A_758, %dma_wait3A_759] : memref<2x64x128xf32, #tpu.memory_space<vmem>> -> memref<1x32x128xf32, #tpu.memory_space<vmem>>
      %dma_wait3A_761 = tpu.memref_squeeze %dma_wait3A_760 : memref<1x32x128xf32, #tpu.memory_space<vmem>> -> memref<32x128xf32, #tpu.memory_space<vmem>>
      %dma_wait3A_762 = arith.constant 0 : i32
      %dma_wait3A_763 = tpu.memref_slice %arg9[%dma_wait3A_757, %dma_wait3A_762] : memref<2x64xi32, #tpu.memory_space<vmem>> -> memref<1x32xi32, #tpu.memory_space<vmem>>
      %dma_wait3A_764 = tpu.memref_squeeze %dma_wait3A_763 : memref<1x32xi32, #tpu.memory_space<vmem>> -> memref<32xi32, #tpu.memory_space<vmem>>
      %dma_wait3A_765 = arith.constant 0 : i32
      %dma_wait3A_766 = arith.constant 0 : i32
      %dma_wait3A_767 = tpu.memref_slice %arg6[%dma_wait3A_765, %dma_wait3A_766] : memref<10112x128xf32, #tpu.memory_space<vmem_shared>> -> memref<10112x128xf32, #tpu.memory_space<vmem_shared>>
      tpu.wait_indirect_dma semaphore(%arg19 : memref<!tpu.dma_semaphore, #tpu.memory_space<semaphore_mem>>) src(%dma_wait3A_761 : memref<32x128xf32, #tpu.memory_space<vmem>>) dst(%dma_wait3A_767 : memref<10112x128xf32, #tpu.memory_space<vmem_shared>>)
      %scan3A_768 = arith.constant 0 : i32
      %scan3A_769 = arith.constant 0 : i32
      %scan3A_770 = arith.constant 64 : i32
      %scan3A_771 = arith.addi %scan3A_769, %scan3A_770 : i32
      %scan3A_772 = arith.constant 1 : i32
      scf.for %scan3A_993 = %scan3A_769 to %scan3A_771 step %scan3A_772  : i32 {
        %add3A_994 = arith.constant 0 : i32
        %add3A_995 = arith.addi %mul3A_1, %add3A_994 : i32
        %get3A_996 = arith.constant 0 : i32
        %get3A_997 = arith.index_cast %get3A_996 : i32 to index
        %get3A_998 = arith.index_cast %scan3A_993 : i32 to index
        %get3A_999 = arith.index_cast %add3A_995 : i32 to index
        %get3A_1000 = tpu.vector_load %arg10[%get3A_997, %get3A_998, %get3A_999] {strides = array<i32>} : memref<2x64x128xf32, #tpu.memory_space<vmem>>, vector<1x1x16xf32>,
        %get3A_1001 = vector.shape_cast %get3A_1000 : vector<1x1x16xf32> to vector<16xf32>
        %add3A_1002 = arith.constant 1.000000e+00 : f32
        %add3A_1003 = vector.broadcast %add3A_1002 : f32 to vector<16xf32>
        %add3A_1004 = arith.addf %get3A_1001, %add3A_1003 : vector<16xf32>
        %max3A = arith.constant 0.000000e+00 : f32
        %max3A_1005 = vector.broadcast %max3A : f32 to vector<16xf32>
        %max3A_1006 = arith.maximumf %add3A_1004, %max3A_1005 : vector<16xf32>
        %swap3A_1007 = arith.constant 0 : i32
        %swap3A_1008 = arith.index_cast %swap3A_1007 : i32 to index
        %swap3A_1009 = arith.index_cast %scan3A_993 : i32 to index
        %swap3A_1010 = arith.constant 0 : index
        %swap3A_1011 = tpu.vector_load %arg12[%swap3A_1008, %swap3A_1009, %swap3A_1010] {strides = array<i32>} : memref<2x64x128xf32, #tpu.memory_space<vmem>>, vector<1x1x16xf32>,
        %swap3A_1012 = vector.shape_cast %swap3A_1011 : vector<1x1x16xf32> to vector<16xf32>
        %swap3A_1013 = vector.shape_cast %max3A_1006 : vector<16xf32> to vector<1x1x16xf32>
        tpu.vector_store %arg12[%swap3A_1008, %swap3A_1009, %swap3A_1010], %swap3A_1013 {strides = array<i32>} : memref<2x64x128xf32, #tpu.memory_space<vmem>>, vector<1x1x16xf32>,
        %add3A_1014 = arith.constant 0 : i32
        %add3A_1015 = arith.addi %mul3A_1, %add3A_1014 : i32
        %get3A_1016 = arith.constant 0 : i32
        %get3A_1017 = arith.index_cast %get3A_1016 : i32 to index
        %get3A_1018 = arith.index_cast %scan3A_993 : i32 to index
        %get3A_1019 = arith.index_cast %add3A_1015 : i32 to index
        %get3A_1020 = tpu.vector_load %arg11[%get3A_1017, %get3A_1018, %get3A_1019] {strides = array<i32>} : memref<2x64x128xf32, #tpu.memory_space<vmem>>, vector<1x1x16xf32>,
        %get3A_1021 = vector.shape_cast %get3A_1020 : vector<1x1x16xf32> to vector<16xf32>
        %mul3A_1022 = arith.mulf %max3A_1006, %get3A_1021 : vector<16xf32>
        %swap3A_1023 = arith.constant 0 : i32
        %swap3A_1024 = arith.index_cast %swap3A_1023 : i32 to index
        %swap3A_1025 = arith.index_cast %scan3A_993 : i32 to index
        %swap3A_1026 = arith.constant 64 : index
        %swap3A_1027 = tpu.vector_load %arg12[%swap3A_1024, %swap3A_1025, %swap3A_1026] {strides = array<i32>} : memref<2x64x128xf32, #tpu.memory_space<vmem>>, vector<1x1x16xf32>,
        %swap3A_1028 = vector.shape_cast %swap3A_1027 : vector<1x1x16xf32> to vector<16xf32>
        %swap3A_1029 = vector.shape_cast %mul3A_1022 : vector<16xf32> to vector<1x1x16xf32>
        tpu.vector_store %arg12[%swap3A_1024, %swap3A_1025, %swap3A_1026], %swap3A_1029 {strides = array<i32>} : memref<2x64x128xf32, #tpu.memory_space<vmem>>, vector<1x1x16xf32>,
        %add3A_1030 = arith.constant 16 : i32
        %add3A_1031 = arith.addi %mul3A_1, %add3A_1030 : i32
        %get3A_1032 = arith.constant 0 : i32
        %get3A_1033 = arith.index_cast %get3A_1032 : i32 to index
        %get3A_1034 = arith.index_cast %scan3A_993 : i32 to index
        %get3A_1035 = arith.index_cast %add3A_1031 : i32 to index
        %get3A_1036 = tpu.vector_load %arg10[%get3A_1033, %get3A_1034, %get3A_1035] {strides = array<i32>} : memref<2x64x128xf32, #tpu.memory_space<vmem>>, vector<1x1x16xf32>,
        %get3A_1037 = vector.shape_cast %get3A_1036 : vector<1x1x16xf32> to vector<16xf32>
        %add3A_1038 = arith.constant 1.000000e+00 : f32
        %add3A_1039 = vector.broadcast %add3A_1038 : f32 to vector<16xf32>
        %add3A_1040 = arith.addf %get3A_1037, %add3A_1039 : vector<16xf32>
        %max3A_1041 = arith.constant 0.000000e+00 : f32
        %max3A_1042 = vector.broadcast %max3A_1041 : f32 to vector<16xf32>
        %max3A_1043 = arith.maximumf %add3A_1040, %max3A_1042 : vector<16xf32>
        %swap3A_1044 = arith.constant 0 : i32
        %swap3A_1045 = arith.index_cast %swap3A_1044 : i32 to index
        %swap3A_1046 = arith.index_cast %scan3A_993 : i32 to index
        %swap3A_1047 = arith.constant 16 : index
        %swap3A_1048 = tpu.vector_load %arg12[%swap3A_1045, %swap3A_1046, %swap3A_1047] {strides = array<i32>} : memref<2x64x128xf32, #tpu.memory_space<vmem>>, vector<1x1x16xf32>,
        %swap3A_1049 = vector.shape_cast %swap3A_1048 : vector<1x1x16xf32> to vector<16xf32>
        %swap3A_1050 = vector.shape_cast %max3A_1043 : vector<16xf32> to vector<1x1x16xf32>
        tpu.vector_store %arg12[%swap3A_1045, %swap3A_1046, %swap3A_1047], %swap3A_1050 {strides = array<i32>} : memref<2x64x128xf32, #tpu.memory_space<vmem>>, vector<1x1x16xf32>,
        %add3A_1051 = arith.constant 16 : i32
        %add3A_1052 = arith.addi %mul3A_1, %add3A_1051 : i32
        %get3A_1053 = arith.constant 0 : i32
        %get3A_1054 = arith.index_cast %get3A_1053 : i32 to index
        %get3A_1055 = arith.index_cast %scan3A_993 : i32 to index
        %get3A_1056 = arith.index_cast %add3A_1052 : i32 to index
        %get3A_1057 = tpu.vector_load %arg11[%get3A_1054, %get3A_1055, %get3A_1056] {strides = array<i32>} : memref<2x64x128xf32, #tpu.memory_space<vmem>>, vector<1x1x16xf32>,
        %get3A_1058 = vector.shape_cast %get3A_1057 : vector<1x1x16xf32> to vector<16xf32>
        %mul3A_1059 = arith.mulf %max3A_1043, %get3A_1058 : vector<16xf32>
        %swap3A_1060 = arith.constant 0 : i32
        %swap3A_1061 = arith.index_cast %swap3A_1060 : i32 to index
        %swap3A_1062 = arith.index_cast %scan3A_993 : i32 to index
        %swap3A_1063 = arith.constant 80 : index
        %swap3A_1064 = tpu.vector_load %arg12[%swap3A_1061, %swap3A_1062, %swap3A_1063] {strides = array<i32>} : memref<2x64x128xf32, #tpu.memory_space<vmem>>, vector<1x1x16xf32>,
        %swap3A_1065 = vector.shape_cast %swap3A_1064 : vector<1x1x16xf32> to vector<16xf32>
        %swap3A_1066 = vector.shape_cast %mul3A_1059 : vector<16xf32> to vector<1x1x16xf32>
        tpu.vector_store %arg12[%swap3A_1061, %swap3A_1062, %swap3A_1063], %swap3A_1066 {strides = array<i32>} : memref<2x64x128xf32, #tpu.memory_space<vmem>>, vector<1x1x16xf32>,
        %add3A_1067 = arith.constant 32 : i32
        %add3A_1068 = arith.addi %mul3A_1, %add3A_1067 : i32
        %get3A_1069 = arith.constant 0 : i32
        %get3A_1070 = arith.index_cast %get3A_1069 : i32 to index
        %get3A_1071 = arith.index_cast %scan3A_993 : i32 to index
        %get3A_1072 = arith.index_cast %add3A_1068 : i32 to index
        %get3A_1073 = tpu.vector_load %arg10[%get3A_1070, %get3A_1071, %get3A_1072] {strides = array<i32>} : memref<2x64x128xf32, #tpu.memory_space<vmem>>, vector<1x1x16xf32>,
        %get3A_1074 = vector.shape_cast %get3A_1073 : vector<1x1x16xf32> to vector<16xf32>
        %add3A_1075 = arith.constant 1.000000e+00 : f32
        %add3A_1076 = vector.broadcast %add3A_1075 : f32 to vector<16xf32>
        %add3A_1077 = arith.addf %get3A_1074, %add3A_1076 : vector<16xf32>
        %max3A_1078 = arith.constant 0.000000e+00 : f32
        %max3A_1079 = vector.broadcast %max3A_1078 : f32 to vector<16xf32>
        %max3A_1080 = arith.maximumf %add3A_1077, %max3A_1079 : vector<16xf32>
        %swap3A_1081 = arith.constant 0 : i32
        %swap3A_1082 = arith.index_cast %swap3A_1081 : i32 to index
        %swap3A_1083 = arith.index_cast %scan3A_993 : i32 to index
        %swap3A_1084 = arith.constant 32 : index
        %swap3A_1085 = tpu.vector_load %arg12[%swap3A_1082, %swap3A_1083, %swap3A_1084] {strides = array<i32>} : memref<2x64x128xf32, #tpu.memory_space<vmem>>, vector<1x1x16xf32>,
        %swap3A_1086 = vector.shape_cast %swap3A_1085 : vector<1x1x16xf32> to vector<16xf32>
        %swap3A_1087 = vector.shape_cast %max3A_1080 : vector<16xf32> to vector<1x1x16xf32>
        tpu.vector_store %arg12[%swap3A_1082, %swap3A_1083, %swap3A_1084], %swap3A_1087 {strides = array<i32>} : memref<2x64x128xf32, #tpu.memory_space<vmem>>, vector<1x1x16xf32>,
        %add3A_1088 = arith.constant 32 : i32
        %add3A_1089 = arith.addi %mul3A_1, %add3A_1088 : i32
        %get3A_1090 = arith.constant 0 : i32
        %get3A_1091 = arith.index_cast %get3A_1090 : i32 to index
        %get3A_1092 = arith.index_cast %scan3A_993 : i32 to index
        %get3A_1093 = arith.index_cast %add3A_1089 : i32 to index
        %get3A_1094 = tpu.vector_load %arg11[%get3A_1091, %get3A_1092, %get3A_1093] {strides = array<i32>} : memref<2x64x128xf32, #tpu.memory_space<vmem>>, vector<1x1x16xf32>,
        %get3A_1095 = vector.shape_cast %get3A_1094 : vector<1x1x16xf32> to vector<16xf32>
        %mul3A_1096 = arith.mulf %max3A_1080, %get3A_1095 : vector<16xf32>
        %swap3A_1097 = arith.constant 0 : i32
        %swap3A_1098 = arith.index_cast %swap3A_1097 : i32 to index
        %swap3A_1099 = arith.index_cast %scan3A_993 : i32 to index
        %swap3A_1100 = arith.constant 96 : index
        %swap3A_1101 = tpu.vector_load %arg12[%swap3A_1098, %swap3A_1099, %swap3A_1100] {strides = array<i32>} : memref<2x64x128xf32, #tpu.memory_space<vmem>>, vector<1x1x16xf32>,
        %swap3A_1102 = vector.shape_cast %swap3A_1101 : vector<1x1x16xf32> to vector<16xf32>
        %swap3A_1103 = vector.shape_cast %mul3A_1096 : vector<16xf32> to vector<1x1x16xf32>
        tpu.vector_store %arg12[%swap3A_1098, %swap3A_1099, %swap3A_1100], %swap3A_1103 {strides = array<i32>} : memref<2x64x128xf32, #tpu.memory_space<vmem>>, vector<1x1x16xf32>,
        %add3A_1104 = arith.constant 48 : i32
        %add3A_1105 = arith.addi %mul3A_1, %add3A_1104 : i32
        %get3A_1106 = arith.constant 0 : i32
        %get3A_1107 = arith.index_cast %get3A_1106 : i32 to index
        %get3A_1108 = arith.index_cast %scan3A_993 : i32 to index
        %get3A_1109 = arith.index_cast %add3A_1105 : i32 to index
        %get3A_1110 = tpu.vector_load %arg10[%get3A_1107, %get3A_1108, %get3A_1109] {strides = array<i32>} : memref<2x64x128xf32, #tpu.memory_space<vmem>>, vector<1x1x16xf32>,
        %get3A_1111 = vector.shape_cast %get3A_1110 : vector<1x1x16xf32> to vector<16xf32>
        %add3A_1112 = arith.constant 1.000000e+00 : f32
        %add3A_1113 = vector.broadcast %add3A_1112 : f32 to vector<16xf32>
        %add3A_1114 = arith.addf %get3A_1111, %add3A_1113 : vector<16xf32>
        %max3A_1115 = arith.constant 0.000000e+00 : f32
        %max3A_1116 = vector.broadcast %max3A_1115 : f32 to vector<16xf32>
        %max3A_1117 = arith.maximumf %add3A_1114, %max3A_1116 : vector<16xf32>
        %swap3A_1118 = arith.constant 0 : i32
        %swap3A_1119 = arith.index_cast %swap3A_1118 : i32 to index
        %swap3A_1120 = arith.index_cast %scan3A_993 : i32 to index
        %swap3A_1121 = arith.constant 48 : index
        %swap3A_1122 = tpu.vector_load %arg12[%swap3A_1119, %swap3A_1120, %swap3A_1121] {strides = array<i32>} : memref<2x64x128xf32, #tpu.memory_space<vmem>>, vector<1x1x16xf32>,
        %swap3A_1123 = vector.shape_cast %swap3A_1122 : vector<1x1x16xf32> to vector<16xf32>
        %swap3A_1124 = vector.shape_cast %max3A_1117 : vector<16xf32> to vector<1x1x16xf32>
        tpu.vector_store %arg12[%swap3A_1119, %swap3A_1120, %swap3A_1121], %swap3A_1124 {strides = array<i32>} : memref<2x64x128xf32, #tpu.memory_space<vmem>>, vector<1x1x16xf32>,
        %add3A_1125 = arith.constant 48 : i32
        %add3A_1126 = arith.addi %mul3A_1, %add3A_1125 : i32
        %get3A_1127 = arith.constant 0 : i32
        %get3A_1128 = arith.index_cast %get3A_1127 : i32 to index
        %get3A_1129 = arith.index_cast %scan3A_993 : i32 to index
        %get3A_1130 = arith.index_cast %add3A_1126 : i32 to index
        %get3A_1131 = tpu.vector_load %arg11[%get3A_1128, %get3A_1129, %get3A_1130] {strides = array<i32>} : memref<2x64x128xf32, #tpu.memory_space<vmem>>, vector<1x1x16xf32>,
        %get3A_1132 = vector.shape_cast %get3A_1131 : vector<1x1x16xf32> to vector<16xf32>
        %mul3A_1133 = arith.mulf %max3A_1117, %get3A_1132 : vector<16xf32>
        %swap3A_1134 = arith.constant 0 : i32
        %swap3A_1135 = arith.index_cast %swap3A_1134 : i32 to index
        %swap3A_1136 = arith.index_cast %scan3A_993 : i32 to index
        %swap3A_1137 = arith.constant 112 : index
        %swap3A_1138 = tpu.vector_load %arg12[%swap3A_1135, %swap3A_1136, %swap3A_1137] {strides = array<i32>} : memref<2x64x128xf32, #tpu.memory_space<vmem>>, vector<1x1x16xf32>,
        %swap3A_1139 = vector.shape_cast %swap3A_1138 : vector<1x1x16xf32> to vector<16xf32>
        %swap3A_1140 = vector.shape_cast %mul3A_1133 : vector<16xf32> to vector<1x1x16xf32>
        tpu.vector_store %arg12[%swap3A_1135, %swap3A_1136, %swap3A_1137], %swap3A_1140 {strides = array<i32>} : memref<2x64x128xf32, #tpu.memory_space<vmem>>, vector<1x1x16xf32>,
      }
      %scan3A_773 = arith.constant 64 : i32
      %get3A_774 = arith.constant 0 : i32
      %get3A_775 = arith.index_cast %get3A_774 : i32 to index
      %get3A_776 = arith.constant 0 : index
      %get3A_777 = tpu.vector_load %arg8[%get3A_775, %get3A_776] {strides = array<i32>} : memref<2x64xi32, #tpu.memory_space<vmem>>, vector<1x16xi32>,
      %get3A_778 = vector.shape_cast %get3A_777 : vector<1x16xi32> to vector<16xi32>
      %swap3A_779 = arith.constant 0 : i32
      %swap3A_780 = arith.index_cast %swap3A_779 : i32 to index
      %swap3A_781 = arith.constant 0 : index
      %swap3A_782 = tpu.vector_load %arg9[%swap3A_780, %swap3A_781] {strides = array<i32>} : memref<2x64xi32, #tpu.memory_space<vmem>>, vector<1x16xi32>,
      %swap3A_783 = vector.shape_cast %swap3A_782 : vector<1x16xi32> to vector<16xi32>
      %swap3A_784 = vector.shape_cast %get3A_778 : vector<16xi32> to vector<1x16xi32>
      tpu.vector_store %arg9[%swap3A_780, %swap3A_781], %swap3A_784 {strides = array<i32>} : memref<2x64xi32, #tpu.memory_space<vmem>>, vector<1x16xi32>,
      %get3A_785 = arith.constant 0 : i32
      %get3A_786 = arith.index_cast %get3A_785 : i32 to index
      %get3A_787 = arith.constant 16 : index
      %get3A_788 = tpu.vector_load %arg8[%get3A_786, %get3A_787] {strides = array<i32>} : memref<2x64xi32, #tpu.memory_space<vmem>>, vector<1x16xi32>,
      %get3A_789 = vector.shape_cast %get3A_788 : vector<1x16xi32> to vector<16xi32>
      %swap3A_790 = arith.constant 0 : i32
      %swap3A_791 = arith.index_cast %swap3A_790 : i32 to index
      %swap3A_792 = arith.constant 16 : index
      %swap3A_793 = tpu.vector_load %arg9[%swap3A_791, %swap3A_792] {strides = array<i32>} : memref<2x64xi32, #tpu.memory_space<vmem>>, vector<1x16xi32>,
      %swap3A_794 = vector.shape_cast %swap3A_793 : vector<1x16xi32> to vector<16xi32>
      %swap3A_795 = vector.shape_cast %get3A_789 : vector<16xi32> to vector<1x16xi32>
      tpu.vector_store %arg9[%swap3A_791, %swap3A_792], %swap3A_795 {strides = array<i32>} : memref<2x64xi32, #tpu.memory_space<vmem>>, vector<1x16xi32>,
      %dma_start3A_796 = arith.constant 0 : i32
      %dma_start3A_797 = arith.constant 0 : i32
      %dma_start3A_798 = arith.constant 0 : i32
      %dma_start3A_799 = arith.constant 0 : i32
      %dma_start3A_800 = tpu.memref_slice %arg12[%dma_start3A_796, %dma_start3A_798, %dma_start3A_799] : memref<2x64x128xf32, #tpu.memory_space<vmem>> -> memref<1x32x128xf32, #tpu.memory_space<vmem>>
      %dma_start3A_801 = tpu.memref_squeeze %dma_start3A_800 : memref<1x32x128xf32, #tpu.memory_space<vmem>> -> memref<32x128xf32, #tpu.memory_space<vmem>>
      %dma_start3A_802 = arith.constant 0 : i32
      %dma_start3A_803 = tpu.memref_slice %arg9[%dma_start3A_797, %dma_start3A_802] : memref<2x64xi32, #tpu.memory_space<vmem>> -> memref<1x32xi32, #tpu.memory_space<vmem>>
      %dma_start3A_804 = tpu.memref_squeeze %dma_start3A_803 : memref<1x32xi32, #tpu.memory_space<vmem>> -> memref<32xi32, #tpu.memory_space<vmem>>
      %dma_start3A_805 = arith.constant 0 : i32
      %dma_start3A_806 = arith.constant 0 : i32
      %dma_start3A_807 = tpu.memref_slice %arg6[%dma_start3A_805, %dma_start3A_806] : memref<10112x128xf32, #tpu.memory_space<vmem_shared>> -> memref<10112x128xf32, #tpu.memory_space<vmem_shared>>
      tpu.enqueue_indirect_dma source(%dma_start3A_801 : memref<32x128xf32, #tpu.memory_space<vmem>>) target(%dma_start3A_807 : memref<10112x128xf32, #tpu.memory_space<vmem_shared>>) offsets(%dma_start3A_804 : memref<32xi32, #tpu.memory_space<vmem>>) semaphore(%arg19 : memref<!tpu.dma_semaphore, #tpu.memory_space<semaphore_mem>>) {add = true}
      %add3A_808 = arith.constant 2 : i32
      %add3A_809 = arith.addi %add3A_676, %add3A_808 : i32
      %mul3A_810 = arith.constant 64 : i32
      %mul3A_811 = arith.muli %add3A_809, %mul3A_810 : i32
      %add3A_812 = arith.addi %mul3A_3, %mul3A_811 : i32
      %dma_start3A_813 = arith.constant 0 : i32
      %dma_start3A_814 = arith.constant 0 : i32
      %dma_start3A_815 = tpu.memref_slice %arg7[%dma_start3A_813, %dma_start3A_814] : memref<2x64xi32, #tpu.memory_space<vmem>> -> memref<1x64xi32, #tpu.memory_space<vmem>>
      %dma_start3A_816 = tpu.memref_squeeze %dma_start3A_815 : memref<1x64xi32, #tpu.memory_space<vmem>> -> memref<64xi32, #tpu.memory_space<vmem>>
      %dma_start3A_817 = tpu.memref_slice %arg2[%add3A_812] : memref<640000xi32, #tpu.memory_space<hbm>> -> memref<64xi32, #tpu.memory_space<hbm>>
      %dma_start3A_818 = arith.constant 0 : i32
      %dma_start3A_819 = tpu.memref_slice %arg7[%dma_start3A_813, %dma_start3A_818] : memref<2x64xi32, #tpu.memory_space<vmem>> -> memref<1x64xi32, #tpu.memory_space<vmem>>
      %dma_start3A_820 = tpu.memref_squeeze %dma_start3A_819 : memref<1x64xi32, #tpu.memory_space<vmem>> -> memref<64xi32, #tpu.memory_space<vmem>>
      %dma_start3A_821 = tpu.memref_slice %arg2[%add3A_812] : memref<640000xi32, #tpu.memory_space<hbm>> -> memref<64xi32, #tpu.memory_space<hbm>>
      tpu.enqueue_dma source(%dma_start3A_821 : memref<64xi32, #tpu.memory_space<hbm>>) target(%dma_start3A_820 : memref<64xi32, #tpu.memory_space<vmem>>) target_semaphore(%arg13 : memref<!tpu.dma_semaphore, #tpu.memory_space<semaphore_mem>>)
      %add3A_822 = arith.constant 320000 : i32
      %add3A_823 = arith.addi %add3A_822, %add3A_812 : i32
      %dma_start3A_824 = arith.constant 0 : i32
      %dma_start3A_825 = arith.constant 0 : i32
      %dma_start3A_826 = tpu.memref_slice %arg8[%dma_start3A_824, %dma_start3A_825] : memref<2x64xi32, #tpu.memory_space<vmem>> -> memref<1x64xi32, #tpu.memory_space<vmem>>
      %dma_start3A_827 = tpu.memref_squeeze %dma_start3A_826 : memref<1x64xi32, #tpu.memory_space<vmem>> -> memref<64xi32, #tpu.memory_space<vmem>>
      %dma_start3A_828 = tpu.memref_slice %arg2[%add3A_823] : memref<640000xi32, #tpu.memory_space<hbm>> -> memref<64xi32, #tpu.memory_space<hbm>>
      %dma_start3A_829 = arith.constant 0 : i32
      %dma_start3A_830 = tpu.memref_slice %arg8[%dma_start3A_824, %dma_start3A_829] : memref<2x64xi32, #tpu.memory_space<vmem>> -> memref<1x64xi32, #tpu.memory_space<vmem>>
      %dma_start3A_831 = tpu.memref_squeeze %dma_start3A_830 : memref<1x64xi32, #tpu.memory_space<vmem>> -> memref<64xi32, #tpu.memory_space<vmem>>
      %dma_start3A_832 = tpu.memref_slice %arg2[%add3A_823] : memref<640000xi32, #tpu.memory_space<hbm>> -> memref<64xi32, #tpu.memory_space<hbm>>
      tpu.enqueue_dma source(%dma_start3A_832 : memref<64xi32, #tpu.memory_space<hbm>>) target(%dma_start3A_831 : memref<64xi32, #tpu.memory_space<vmem>>) target_semaphore(%arg13 : memref<!tpu.dma_semaphore, #tpu.memory_space<semaphore_mem>>)
      %mul3A_833 = arith.constant 2 : i32
      %mul3A_834 = arith.muli %mul3A_833, %while3A_672 : i32
      %add3A_835 = arith.constant 1 : i32
      %add3A_836 = arith.addi %mul3A_834, %add3A_835 : i32
      %dma_wait3A_837 = arith.constant 0 : i32
      %dma_wait3A_838 = arith.constant 0 : i32
      %dma_wait3A_839 = tpu.memref_slice %arg7[%dma_wait3A_837, %dma_wait3A_838] : memref<2x64xi32, #tpu.memory_space<vmem>> -> memref<1x64xi32, #tpu.memory_space<vmem>>
      %dma_wait3A_840 = tpu.memref_squeeze %dma_wait3A_839 : memref<1x64xi32, #tpu.memory_space<vmem>> -> memref<64xi32, #tpu.memory_space<vmem>>
      %dma_wait3A_841 = arith.constant 0 : i32
      %dma_wait3A_842 = tpu.memref_slice %arg2[%dma_wait3A_841] : memref<640000xi32, #tpu.memory_space<hbm>> -> memref<64xi32, #tpu.memory_space<hbm>>
      %dma_wait3A_843 = arith.constant 0 : i32
      %dma_wait3A_844 = tpu.memref_slice %arg7[%dma_wait3A_837, %dma_wait3A_843] : memref<2x64xi32, #tpu.memory_space<vmem>> -> memref<1x64xi32, #tpu.memory_space<vmem>>
      %dma_wait3A_845 = tpu.memref_squeeze %dma_wait3A_844 : memref<1x64xi32, #tpu.memory_space<vmem>> -> memref<64xi32, #tpu.memory_space<vmem>>
      %dma_wait3A_846 = arith.constant 0 : i32
      %dma_wait3A_847 = tpu.memref_slice %arg2[%dma_wait3A_846] : memref<640000xi32, #tpu.memory_space<hbm>> -> memref<64xi32, #tpu.memory_space<hbm>>
      tpu.wait_dma2 semaphore(%arg13 : memref<!tpu.dma_semaphore, #tpu.memory_space<semaphore_mem>>) src(%dma_wait3A_847 : memref<64xi32, #tpu.memory_space<hbm>>) dst(%dma_wait3A_845 : memref<64xi32, #tpu.memory_space<vmem>>)
      %dma_wait3A_848 = arith.constant 0 : i32
      %dma_wait3A_849 = arith.constant 0 : i32
      %dma_wait3A_850 = tpu.memref_slice %arg8[%dma_wait3A_848, %dma_wait3A_849] : memref<2x64xi32, #tpu.memory_space<vmem>> -> memref<1x64xi32, #tpu.memory_space<vmem>>
      %dma_wait3A_851 = tpu.memref_squeeze %dma_wait3A_850 : memref<1x64xi32, #tpu.memory_space<vmem>> -> memref<64xi32, #tpu.memory_space<vmem>>
      %dma_wait3A_852 = arith.constant 0 : i32
      %dma_wait3A_853 = tpu.memref_slice %arg2[%dma_wait3A_852] : memref<640000xi32, #tpu.memory_space<hbm>> -> memref<64xi32, #tpu.memory_space<hbm>>
      %dma_wait3A_854 = arith.constant 0 : i32
      %dma_wait3A_855 = tpu.memref_slice %arg8[%dma_wait3A_848, %dma_wait3A_854] : memref<2x64xi32, #tpu.memory_space<vmem>> -> memref<1x64xi32, #tpu.memory_space<vmem>>
      %dma_wait3A_856 = tpu.memref_squeeze %dma_wait3A_855 : memref<1x64xi32, #tpu.memory_space<vmem>> -> memref<64xi32, #tpu.memory_space<vmem>>
      %dma_wait3A_857 = arith.constant 0 : i32
      %dma_wait3A_858 = tpu.memref_slice %arg2[%dma_wait3A_857] : memref<640000xi32, #tpu.memory_space<hbm>> -> memref<64xi32, #tpu.memory_space<hbm>>
      tpu.wait_dma2 semaphore(%arg13 : memref<!tpu.dma_semaphore, #tpu.memory_space<semaphore_mem>>) src(%dma_wait3A_858 : memref<64xi32, #tpu.memory_space<hbm>>) dst(%dma_wait3A_856 : memref<64xi32, #tpu.memory_space<vmem>>)
      %add3A_859 = arith.constant 1 : i32
      %add3A_860 = arith.addi %add3A_836, %add3A_859 : i32
      %mul3A_861 = arith.constant 64 : i32
      %mul3A_862 = arith.muli %add3A_860, %mul3A_861 : i32
      %add3A_863 = arith.addi %mul3A_3, %mul3A_862 : i32
      %dma_start3A_864 = arith.constant 0 : i32
      %dma_start3A_865 = arith.constant 0 : i32
      %dma_start3A_866 = arith.constant 0 : i32
      %dma_start3A_867 = tpu.memref_slice %arg10[%dma_start3A_864, %dma_start3A_865, %dma_start3A_866] : memref<2x64x128xf32, #tpu.memory_space<vmem>> -> memref<1x64x128xf32, #tpu.memory_space<vmem>>
      %dma_start3A_868 = tpu.memref_squeeze %dma_start3A_867 : memref<1x64x128xf32, #tpu.memory_space<vmem>> -> memref<64x128xf32, #tpu.memory_space<vmem>>
      %dma_start3A_869 = arith.constant 0 : i32
      %dma_start3A_870 = tpu.memref_slice %arg3[%add3A_863, %dma_start3A_869] : memref<320000x128xf32, #tpu.memory_space<hbm>> -> memref<64x128xf32, #tpu.memory_space<hbm>>
      %dma_start3A_871 = arith.constant 0 : i32
      %dma_start3A_872 = arith.constant 0 : i32
      %dma_start3A_873 = tpu.memref_slice %arg10[%dma_start3A_864, %dma_start3A_871, %dma_start3A_872] : memref<2x64x128xf32, #tpu.memory_space<vmem>> -> memref<1x64x128xf32, #tpu.memory_space<vmem>>
      %dma_start3A_874 = tpu.memref_squeeze %dma_start3A_873 : memref<1x64x128xf32, #tpu.memory_space<vmem>> -> memref<64x128xf32, #tpu.memory_space<vmem>>
      %dma_start3A_875 = arith.constant 0 : i32
      %dma_start3A_876 = tpu.memref_slice %arg3[%add3A_863, %dma_start3A_875] : memref<320000x128xf32, #tpu.memory_space<hbm>> -> memref<64x128xf32, #tpu.memory_space<hbm>>
      tpu.enqueue_dma source(%dma_start3A_876 : memref<64x128xf32, #tpu.memory_space<hbm>>) target(%dma_start3A_874 : memref<64x128xf32, #tpu.memory_space<vmem>>) target_semaphore(%arg15 : memref<!tpu.dma_semaphore, #tpu.memory_space<semaphore_mem>>)
      %dma_start3A_877 = arith.constant 0 : i32
      %dma_start3A_878 = arith.constant 0 : i32
      %dma_start3A_879 = arith.constant 0 : i32
      %dma_start3A_880 = arith.constant 0 : i32
      %dma_start3A_881 = tpu.memref_slice %arg11[%dma_start3A_878, %dma_start3A_879, %dma_start3A_880] : memref<2x64x128xf32, #tpu.memory_space<vmem>> -> memref<1x64x128xf32, #tpu.memory_space<vmem>>
      %dma_start3A_882 = tpu.memref_squeeze %dma_start3A_881 : memref<1x64x128xf32, #tpu.memory_space<vmem>> -> memref<64x128xf32, #tpu.memory_space<vmem>>
      %dma_start3A_883 = arith.constant 0 : i32
      %dma_start3A_884 = tpu.memref_slice %arg7[%dma_start3A_877, %dma_start3A_883] : memref<2x64xi32, #tpu.memory_space<vmem>> -> memref<1x64xi32, #tpu.memory_space<vmem>>
      %dma_start3A_885 = tpu.memref_squeeze %dma_start3A_884 : memref<1x64xi32, #tpu.memory_space<vmem>> -> memref<64xi32, #tpu.memory_space<vmem>>
      %dma_start3A_886 = arith.constant 0 : i32
      %dma_start3A_887 = arith.constant 0 : i32
      %dma_start3A_888 = tpu.memref_slice %arg4[%dma_start3A_886, %dma_start3A_887] : memref<10000x128xf32, #tpu.memory_space<hbm>> -> memref<10000x128xf32, #tpu.memory_space<hbm>>
      tpu.enqueue_indirect_dma source(%dma_start3A_888 : memref<10000x128xf32, #tpu.memory_space<hbm>>) target(%dma_start3A_882 : memref<64x128xf32, #tpu.memory_space<vmem>>) offsets(%dma_start3A_885 : memref<64xi32, #tpu.memory_space<vmem>>) semaphore(%arg17 : memref<!tpu.dma_semaphore, #tpu.memory_space<semaphore_mem>>)
      %dma_wait3A_889 = arith.constant 1 : i32
      %dma_wait3A_890 = arith.constant 0 : i32
      %dma_wait3A_891 = arith.constant 0 : i32
      %dma_wait3A_892 = tpu.memref_slice %arg10[%dma_wait3A_889, %dma_wait3A_890, %dma_wait3A_891] : memref<2x64x128xf32, #tpu.memory_space<vmem>> -> memref<1x64x128xf32, #tpu.memory_space<vmem>>
      %dma_wait3A_893 = tpu.memref_squeeze %dma_wait3A_892 : memref<1x64x128xf32, #tpu.memory_space<vmem>> -> memref<64x128xf32, #tpu.memory_space<vmem>>
      %dma_wait3A_894 = arith.constant 0 : i32
      %dma_wait3A_895 = arith.constant 0 : i32
      %dma_wait3A_896 = tpu.memref_slice %arg3[%dma_wait3A_894, %dma_wait3A_895] : memref<320000x128xf32, #tpu.memory_space<hbm>> -> memref<64x128xf32, #tpu.memory_space<hbm>>
      %dma_wait3A_897 = arith.constant 0 : i32
      %dma_wait3A_898 = arith.constant 0 : i32
      %dma_wait3A_899 = tpu.memref_slice %arg10[%dma_wait3A_889, %dma_wait3A_897, %dma_wait3A_898] : memref<2x64x128xf32, #tpu.memory_space<vmem>> -> memref<1x64x128xf32, #tpu.memory_space<vmem>>
      %dma_wait3A_900 = tpu.memref_squeeze %dma_wait3A_899 : memref<1x64x128xf32, #tpu.memory_space<vmem>> -> memref<64x128xf32, #tpu.memory_space<vmem>>
      %dma_wait3A_901 = arith.constant 0 : i32
      %dma_wait3A_902 = arith.constant 0 : i32
      %dma_wait3A_903 = tpu.memref_slice %arg3[%dma_wait3A_901, %dma_wait3A_902] : memref<320000x128xf32, #tpu.memory_space<hbm>> -> memref<64x128xf32, #tpu.memory_space<hbm>>
      tpu.wait_dma2 semaphore(%arg16 : memref<!tpu.dma_semaphore, #tpu.memory_space<semaphore_mem>>) src(%dma_wait3A_903 : memref<64x128xf32, #tpu.memory_space<hbm>>) dst(%dma_wait3A_900 : memref<64x128xf32, #tpu.memory_space<vmem>>)
      %dma_wait3A_904 = arith.constant 1 : i32
      %dma_wait3A_905 = arith.constant 1 : i32
      %dma_wait3A_906 = arith.constant 0 : i32
      %dma_wait3A_907 = arith.constant 0 : i32
      %dma_wait3A_908 = tpu.memref_slice %arg11[%dma_wait3A_905, %dma_wait3A_906, %dma_wait3A_907] : memref<2x64x128xf32, #tpu.memory_space<vmem>> -> memref<1x64x128xf32, #tpu.memory_space<vmem>>
      %dma_wait3A_909 = tpu.memref_squeeze %dma_wait3A_908 : memref<1x64x128xf32, #tpu.memory_space<vmem>> -> memref<64x128xf32, #tpu.memory_space<vmem>>
      %dma_wait3A_910 = arith.constant 0 : i32
      %dma_wait3A_911 = tpu.memref_slice %arg7[%dma_wait3A_904, %dma_wait3A_910] : memref<2x64xi32, #tpu.memory_space<vmem>> -> memref<1x64xi32, #tpu.memory_space<vmem>>
      %dma_wait3A_912 = tpu.memref_squeeze %dma_wait3A_911 : memref<1x64xi32, #tpu.memory_space<vmem>> -> memref<64xi32, #tpu.memory_space<vmem>>
      %dma_wait3A_913 = arith.constant 0 : i32
      %dma_wait3A_914 = arith.constant 0 : i32
      %dma_wait3A_915 = tpu.memref_slice %arg4[%dma_wait3A_913, %dma_wait3A_914] : memref<10000x128xf32, #tpu.memory_space<hbm>> -> memref<10000x128xf32, #tpu.memory_space<hbm>>
      tpu.wait_indirect_dma semaphore(%arg18 : memref<!tpu.dma_semaphore, #tpu.memory_space<semaphore_mem>>) src(%dma_wait3A_915 : memref<10000x128xf32, #tpu.memory_space<hbm>>) dst(%dma_wait3A_909 : memref<64x128xf32, #tpu.memory_space<vmem>>)
      %dma_wait3A_916 = arith.constant 1 : i32
      %dma_wait3A_917 = arith.constant 1 : i32
      %dma_wait3A_918 = arith.constant 0 : i32
      %dma_wait3A_919 = arith.constant 0 : i32
      %dma_wait3A_920 = tpu.memref_slice %arg12[%dma_wait3A_916, %dma_wait3A_918, %dma_wait3A_919] : memref<2x64x128xf32, #tpu.memory_space<vmem>> -> memref<1x32x128xf32, #tpu.memory_space<vmem>>
      %dma_wait3A_921 = tpu.memref_squeeze %dma_wait3A_920 : memref<1x32x128xf32, #tpu.memory_space<vmem>> -> memref<32x128xf32, #tpu.memory_space<vmem>>
      %dma_wait3A_922 = arith.constant 0 : i32
      %dma_wait3A_923 = tpu.memref_slice %arg9[%dma_wait3A_917, %dma_wait3A_922] : memref<2x64xi32, #tpu.memory_space<vmem>> -> memref<1x32xi32, #tpu.memory_space<vmem>>
      %dma_wait3A_924 = tpu.memref_squeeze %dma_wait3A_923 : memref<1x32xi32, #tpu.memory_space<vmem>> -> memref<32xi32, #tpu.memory_space<vmem>>
      %dma_wait3A_925 = arith.constant 0 : i32
      %dma_wait3A_926 = arith.constant 0 : i32
      %dma_wait3A_927 = tpu.memref_slice %arg6[%dma_wait3A_925, %dma_wait3A_926] : memref<10112x128xf32, #tpu.memory_space<vmem_shared>> -> memref<10112x128xf32, #tpu.memory_space<vmem_shared>>
      tpu.wait_indirect_dma semaphore(%arg20 : memref<!tpu.dma_semaphore, #tpu.memory_space<semaphore_mem>>) src(%dma_wait3A_921 : memref<32x128xf32, #tpu.memory_space<vmem>>) dst(%dma_wait3A_927 : memref<10112x128xf32, #tpu.memory_space<vmem_shared>>)
      %scan3A_928 = arith.constant 0 : i32
      %scan3A_929 = arith.constant 0 : i32
      %scan3A_930 = arith.constant 64 : i32
      %scan3A_931 = arith.addi %scan3A_929, %scan3A_930 : i32
      %scan3A_932 = arith.constant 1 : i32
      scf.for %scan3A_993 = %scan3A_929 to %scan3A_931 step %scan3A_932  : i32 {
        %add3A_994 = arith.constant 0 : i32
        %add3A_995 = arith.addi %mul3A_1, %add3A_994 : i32
        %get3A_996 = arith.constant 1 : i32
        %get3A_997 = arith.index_cast %get3A_996 : i32 to index
        %get3A_998 = arith.index_cast %scan3A_993 : i32 to index
        %get3A_999 = arith.index_cast %add3A_995 : i32 to index
        %get3A_1000 = tpu.vector_load %arg10[%get3A_997, %get3A_998, %get3A_999] {strides = array<i32>} : memref<2x64x128xf32, #tpu.memory_space<vmem>>, vector<1x1x16xf32>,
        %get3A_1001 = vector.shape_cast %get3A_1000 : vector<1x1x16xf32> to vector<16xf32>
        %add3A_1002 = arith.constant 1.000000e+00 : f32
        %add3A_1003 = vector.broadcast %add3A_1002 : f32 to vector<16xf32>
        %add3A_1004 = arith.addf %get3A_1001, %add3A_1003 : vector<16xf32>
        %max3A = arith.constant 0.000000e+00 : f32
        %max3A_1005 = vector.broadcast %max3A : f32 to vector<16xf32>
        %max3A_1006 = arith.maximumf %add3A_1004, %max3A_1005 : vector<16xf32>
        %swap3A_1007 = arith.constant 1 : i32
        %swap3A_1008 = arith.index_cast %swap3A_1007 : i32 to index
        %swap3A_1009 = arith.index_cast %scan3A_993 : i32 to index
        %swap3A_1010 = arith.constant 0 : index
        %swap3A_1011 = tpu.vector_load %arg12[%swap3A_1008, %swap3A_1009, %swap3A_1010] {strides = array<i32>} : memref<2x64x128xf32, #tpu.memory_space<vmem>>, vector<1x1x16xf32>,
        %swap3A_1012 = vector.shape_cast %swap3A_1011 : vector<1x1x16xf32> to vector<16xf32>
        %swap3A_1013 = vector.shape_cast %max3A_1006 : vector<16xf32> to vector<1x1x16xf32>
        tpu.vector_store %arg12[%swap3A_1008, %swap3A_1009, %swap3A_1010], %swap3A_1013 {strides = array<i32>} : memref<2x64x128xf32, #tpu.memory_space<vmem>>, vector<1x1x16xf32>,
        %add3A_1014 = arith.constant 0 : i32
        %add3A_1015 = arith.addi %mul3A_1, %add3A_1014 : i32
        %get3A_1016 = arith.constant 1 : i32
        %get3A_1017 = arith.index_cast %get3A_1016 : i32 to index
        %get3A_1018 = arith.index_cast %scan3A_993 : i32 to index
        %get3A_1019 = arith.index_cast %add3A_1015 : i32 to index
        %get3A_1020 = tpu.vector_load %arg11[%get3A_1017, %get3A_1018, %get3A_1019] {strides = array<i32>} : memref<2x64x128xf32, #tpu.memory_space<vmem>>, vector<1x1x16xf32>,
        %get3A_1021 = vector.shape_cast %get3A_1020 : vector<1x1x16xf32> to vector<16xf32>
        %mul3A_1022 = arith.mulf %max3A_1006, %get3A_1021 : vector<16xf32>
        %swap3A_1023 = arith.constant 1 : i32
        %swap3A_1024 = arith.index_cast %swap3A_1023 : i32 to index
        %swap3A_1025 = arith.index_cast %scan3A_993 : i32 to index
        %swap3A_1026 = arith.constant 64 : index
        %swap3A_1027 = tpu.vector_load %arg12[%swap3A_1024, %swap3A_1025, %swap3A_1026] {strides = array<i32>} : memref<2x64x128xf32, #tpu.memory_space<vmem>>, vector<1x1x16xf32>,
        %swap3A_1028 = vector.shape_cast %swap3A_1027 : vector<1x1x16xf32> to vector<16xf32>
        %swap3A_1029 = vector.shape_cast %mul3A_1022 : vector<16xf32> to vector<1x1x16xf32>
        tpu.vector_store %arg12[%swap3A_1024, %swap3A_1025, %swap3A_1026], %swap3A_1029 {strides = array<i32>} : memref<2x64x128xf32, #tpu.memory_space<vmem>>, vector<1x1x16xf32>,
        %add3A_1030 = arith.constant 16 : i32
        %add3A_1031 = arith.addi %mul3A_1, %add3A_1030 : i32
        %get3A_1032 = arith.constant 1 : i32
        %get3A_1033 = arith.index_cast %get3A_1032 : i32 to index
        %get3A_1034 = arith.index_cast %scan3A_993 : i32 to index
        %get3A_1035 = arith.index_cast %add3A_1031 : i32 to index
        %get3A_1036 = tpu.vector_load %arg10[%get3A_1033, %get3A_1034, %get3A_1035] {strides = array<i32>} : memref<2x64x128xf32, #tpu.memory_space<vmem>>, vector<1x1x16xf32>,
        %get3A_1037 = vector.shape_cast %get3A_1036 : vector<1x1x16xf32> to vector<16xf32>
        %add3A_1038 = arith.constant 1.000000e+00 : f32
        %add3A_1039 = vector.broadcast %add3A_1038 : f32 to vector<16xf32>
        %add3A_1040 = arith.addf %get3A_1037, %add3A_1039 : vector<16xf32>
        %max3A_1041 = arith.constant 0.000000e+00 : f32
        %max3A_1042 = vector.broadcast %max3A_1041 : f32 to vector<16xf32>
        %max3A_1043 = arith.maximumf %add3A_1040, %max3A_1042 : vector<16xf32>
        %swap3A_1044 = arith.constant 1 : i32
        %swap3A_1045 = arith.index_cast %swap3A_1044 : i32 to index
        %swap3A_1046 = arith.index_cast %scan3A_993 : i32 to index
        %swap3A_1047 = arith.constant 16 : index
        %swap3A_1048 = tpu.vector_load %arg12[%swap3A_1045, %swap3A_1046, %swap3A_1047] {strides = array<i32>} : memref<2x64x128xf32, #tpu.memory_space<vmem>>, vector<1x1x16xf32>,
        %swap3A_1049 = vector.shape_cast %swap3A_1048 : vector<1x1x16xf32> to vector<16xf32>
        %swap3A_1050 = vector.shape_cast %max3A_1043 : vector<16xf32> to vector<1x1x16xf32>
        tpu.vector_store %arg12[%swap3A_1045, %swap3A_1046, %swap3A_1047], %swap3A_1050 {strides = array<i32>} : memref<2x64x128xf32, #tpu.memory_space<vmem>>, vector<1x1x16xf32>,
        %add3A_1051 = arith.constant 16 : i32
        %add3A_1052 = arith.addi %mul3A_1, %add3A_1051 : i32
        %get3A_1053 = arith.constant 1 : i32
        %get3A_1054 = arith.index_cast %get3A_1053 : i32 to index
        %get3A_1055 = arith.index_cast %scan3A_993 : i32 to index
        %get3A_1056 = arith.index_cast %add3A_1052 : i32 to index
        %get3A_1057 = tpu.vector_load %arg11[%get3A_1054, %get3A_1055, %get3A_1056] {strides = array<i32>} : memref<2x64x128xf32, #tpu.memory_space<vmem>>, vector<1x1x16xf32>,
        %get3A_1058 = vector.shape_cast %get3A_1057 : vector<1x1x16xf32> to vector<16xf32>
        %mul3A_1059 = arith.mulf %max3A_1043, %get3A_1058 : vector<16xf32>
        %swap3A_1060 = arith.constant 1 : i32
        %swap3A_1061 = arith.index_cast %swap3A_1060 : i32 to index
        %swap3A_1062 = arith.index_cast %scan3A_993 : i32 to index
        %swap3A_1063 = arith.constant 80 : index
        %swap3A_1064 = tpu.vector_load %arg12[%swap3A_1061, %swap3A_1062, %swap3A_1063] {strides = array<i32>} : memref<2x64x128xf32, #tpu.memory_space<vmem>>, vector<1x1x16xf32>,
        %swap3A_1065 = vector.shape_cast %swap3A_1064 : vector<1x1x16xf32> to vector<16xf32>
        %swap3A_1066 = vector.shape_cast %mul3A_1059 : vector<16xf32> to vector<1x1x16xf32>
        tpu.vector_store %arg12[%swap3A_1061, %swap3A_1062, %swap3A_1063], %swap3A_1066 {strides = array<i32>} : memref<2x64x128xf32, #tpu.memory_space<vmem>>, vector<1x1x16xf32>,
        %add3A_1067 = arith.constant 32 : i32
        %add3A_1068 = arith.addi %mul3A_1, %add3A_1067 : i32
        %get3A_1069 = arith.constant 1 : i32
        %get3A_1070 = arith.index_cast %get3A_1069 : i32 to index
        %get3A_1071 = arith.index_cast %scan3A_993 : i32 to index
        %get3A_1072 = arith.index_cast %add3A_1068 : i32 to index
        %get3A_1073 = tpu.vector_load %arg10[%get3A_1070, %get3A_1071, %get3A_1072] {strides = array<i32>} : memref<2x64x128xf32, #tpu.memory_space<vmem>>, vector<1x1x16xf32>,
        %get3A_1074 = vector.shape_cast %get3A_1073 : vector<1x1x16xf32> to vector<16xf32>
        %add3A_1075 = arith.constant 1.000000e+00 : f32
        %add3A_1076 = vector.broadcast %add3A_1075 : f32 to vector<16xf32>
        %add3A_1077 = arith.addf %get3A_1074, %add3A_1076 : vector<16xf32>
        %max3A_1078 = arith.constant 0.000000e+00 : f32
        %max3A_1079 = vector.broadcast %max3A_1078 : f32 to vector<16xf32>
        %max3A_1080 = arith.maximumf %add3A_1077, %max3A_1079 : vector<16xf32>
        %swap3A_1081 = arith.constant 1 : i32
        %swap3A_1082 = arith.index_cast %swap3A_1081 : i32 to index
        %swap3A_1083 = arith.index_cast %scan3A_993 : i32 to index
        %swap3A_1084 = arith.constant 32 : index
        %swap3A_1085 = tpu.vector_load %arg12[%swap3A_1082, %swap3A_1083, %swap3A_1084] {strides = array<i32>} : memref<2x64x128xf32, #tpu.memory_space<vmem>>, vector<1x1x16xf32>,
        %swap3A_1086 = vector.shape_cast %swap3A_1085 : vector<1x1x16xf32> to vector<16xf32>
        %swap3A_1087 = vector.shape_cast %max3A_1080 : vector<16xf32> to vector<1x1x16xf32>
        tpu.vector_store %arg12[%swap3A_1082, %swap3A_1083, %swap3A_1084], %swap3A_1087 {strides = array<i32>} : memref<2x64x128xf32, #tpu.memory_space<vmem>>, vector<1x1x16xf32>,
        %add3A_1088 = arith.constant 32 : i32
        %add3A_1089 = arith.addi %mul3A_1, %add3A_1088 : i32
        %get3A_1090 = arith.constant 1 : i32
        %get3A_1091 = arith.index_cast %get3A_1090 : i32 to index
        %get3A_1092 = arith.index_cast %scan3A_993 : i32 to index
        %get3A_1093 = arith.index_cast %add3A_1089 : i32 to index
        %get3A_1094 = tpu.vector_load %arg11[%get3A_1091, %get3A_1092, %get3A_1093] {strides = array<i32>} : memref<2x64x128xf32, #tpu.memory_space<vmem>>, vector<1x1x16xf32>,
        %get3A_1095 = vector.shape_cast %get3A_1094 : vector<1x1x16xf32> to vector<16xf32>
        %mul3A_1096 = arith.mulf %max3A_1080, %get3A_1095 : vector<16xf32>
        %swap3A_1097 = arith.constant 1 : i32
        %swap3A_1098 = arith.index_cast %swap3A_1097 : i32 to index
        %swap3A_1099 = arith.index_cast %scan3A_993 : i32 to index
        %swap3A_1100 = arith.constant 96 : index
        %swap3A_1101 = tpu.vector_load %arg12[%swap3A_1098, %swap3A_1099, %swap3A_1100] {strides = array<i32>} : memref<2x64x128xf32, #tpu.memory_space<vmem>>, vector<1x1x16xf32>,
        %swap3A_1102 = vector.shape_cast %swap3A_1101 : vector<1x1x16xf32> to vector<16xf32>
        %swap3A_1103 = vector.shape_cast %mul3A_1096 : vector<16xf32> to vector<1x1x16xf32>
        tpu.vector_store %arg12[%swap3A_1098, %swap3A_1099, %swap3A_1100], %swap3A_1103 {strides = array<i32>} : memref<2x64x128xf32, #tpu.memory_space<vmem>>, vector<1x1x16xf32>,
        %add3A_1104 = arith.constant 48 : i32
        %add3A_1105 = arith.addi %mul3A_1, %add3A_1104 : i32
        %get3A_1106 = arith.constant 1 : i32
        %get3A_1107 = arith.index_cast %get3A_1106 : i32 to index
        %get3A_1108 = arith.index_cast %scan3A_993 : i32 to index
        %get3A_1109 = arith.index_cast %add3A_1105 : i32 to index
        %get3A_1110 = tpu.vector_load %arg10[%get3A_1107, %get3A_1108, %get3A_1109] {strides = array<i32>} : memref<2x64x128xf32, #tpu.memory_space<vmem>>, vector<1x1x16xf32>,
        %get3A_1111 = vector.shape_cast %get3A_1110 : vector<1x1x16xf32> to vector<16xf32>
        %add3A_1112 = arith.constant 1.000000e+00 : f32
        %add3A_1113 = vector.broadcast %add3A_1112 : f32 to vector<16xf32>
        %add3A_1114 = arith.addf %get3A_1111, %add3A_1113 : vector<16xf32>
        %max3A_1115 = arith.constant 0.000000e+00 : f32
        %max3A_1116 = vector.broadcast %max3A_1115 : f32 to vector<16xf32>
        %max3A_1117 = arith.maximumf %add3A_1114, %max3A_1116 : vector<16xf32>
        %swap3A_1118 = arith.constant 1 : i32
        %swap3A_1119 = arith.index_cast %swap3A_1118 : i32 to index
        %swap3A_1120 = arith.index_cast %scan3A_993 : i32 to index
        %swap3A_1121 = arith.constant 48 : index
        %swap3A_1122 = tpu.vector_load %arg12[%swap3A_1119, %swap3A_1120, %swap3A_1121] {strides = array<i32>} : memref<2x64x128xf32, #tpu.memory_space<vmem>>, vector<1x1x16xf32>,
        %swap3A_1123 = vector.shape_cast %swap3A_1122 : vector<1x1x16xf32> to vector<16xf32>
        %swap3A_1124 = vector.shape_cast %max3A_1117 : vector<16xf32> to vector<1x1x16xf32>
        tpu.vector_store %arg12[%swap3A_1119, %swap3A_1120, %swap3A_1121], %swap3A_1124 {strides = array<i32>} : memref<2x64x128xf32, #tpu.memory_space<vmem>>, vector<1x1x16xf32>,
        %add3A_1125 = arith.constant 48 : i32
        %add3A_1126 = arith.addi %mul3A_1, %add3A_1125 : i32
        %get3A_1127 = arith.constant 1 : i32
        %get3A_1128 = arith.index_cast %get3A_1127 : i32 to index
        %get3A_1129 = arith.index_cast %scan3A_993 : i32 to index
        %get3A_1130 = arith.index_cast %add3A_1126 : i32 to index
        %get3A_1131 = tpu.vector_load %arg11[%get3A_1128, %get3A_1129, %get3A_1130] {strides = array<i32>} : memref<2x64x128xf32, #tpu.memory_space<vmem>>, vector<1x1x16xf32>,
        %get3A_1132 = vector.shape_cast %get3A_1131 : vector<1x1x16xf32> to vector<16xf32>
        %mul3A_1133 = arith.mulf %max3A_1117, %get3A_1132 : vector<16xf32>
        %swap3A_1134 = arith.constant 1 : i32
        %swap3A_1135 = arith.index_cast %swap3A_1134 : i32 to index
        %swap3A_1136 = arith.index_cast %scan3A_993 : i32 to index
        %swap3A_1137 = arith.constant 112 : index
        %swap3A_1138 = tpu.vector_load %arg12[%swap3A_1135, %swap3A_1136, %swap3A_1137] {strides = array<i32>} : memref<2x64x128xf32, #tpu.memory_space<vmem>>, vector<1x1x16xf32>,
        %swap3A_1139 = vector.shape_cast %swap3A_1138 : vector<1x1x16xf32> to vector<16xf32>
        %swap3A_1140 = vector.shape_cast %mul3A_1133 : vector<16xf32> to vector<1x1x16xf32>
        tpu.vector_store %arg12[%swap3A_1135, %swap3A_1136, %swap3A_1137], %swap3A_1140 {strides = array<i32>} : memref<2x64x128xf32, #tpu.memory_space<vmem>>, vector<1x1x16xf32>,
      }
      %scan3A_933 = arith.constant 64 : i32
      %get3A_934 = arith.constant 1 : i32
      %get3A_935 = arith.index_cast %get3A_934 : i32 to index
      %get3A_936 = arith.constant 0 : index
      %get3A_937 = tpu.vector_load %arg8[%get3A_935, %get3A_936] {strides = array<i32>} : memref<2x64xi32, #tpu.memory_space<vmem>>, vector<1x16xi32>,
      %get3A_938 = vector.shape_cast %get3A_937 : vector<1x16xi32> to vector<16xi32>
      %swap3A_939 = arith.constant 1 : i32
      %swap3A_940 = arith.index_cast %swap3A_939 : i32 to index
      %swap3A_941 = arith.constant 0 : index
      %swap3A_942 = tpu.vector_load %arg9[%swap3A_940, %swap3A_941] {strides = array<i32>} : memref<2x64xi32, #tpu.memory_space<vmem>>, vector<1x16xi32>,
      %swap3A_943 = vector.shape_cast %swap3A_942 : vector<1x16xi32> to vector<16xi32>
      %swap3A_944 = vector.shape_cast %get3A_938 : vector<16xi32> to vector<1x16xi32>
      tpu.vector_store %arg9[%swap3A_940, %swap3A_941], %swap3A_944 {strides = array<i32>} : memref<2x64xi32, #tpu.memory_space<vmem>>, vector<1x16xi32>,
      %get3A_945 = arith.constant 1 : i32
      %get3A_946 = arith.index_cast %get3A_945 : i32 to index
      %get3A_947 = arith.constant 16 : index
      %get3A_948 = tpu.vector_load %arg8[%get3A_946, %get3A_947] {strides = array<i32>} : memref<2x64xi32, #tpu.memory_space<vmem>>, vector<1x16xi32>,
      %get3A_949 = vector.shape_cast %get3A_948 : vector<1x16xi32> to vector<16xi32>
      %swap3A_950 = arith.constant 1 : i32
      %swap3A_951 = arith.index_cast %swap3A_950 : i32 to index
      %swap3A_952 = arith.constant 16 : index
      %swap3A_953 = tpu.vector_load %arg9[%swap3A_951, %swap3A_952] {strides = array<i32>} : memref<2x64xi32, #tpu.memory_space<vmem>>, vector<1x16xi32>,
      %swap3A_954 = vector.shape_cast %swap3A_953 : vector<1x16xi32> to vector<16xi32>
      %swap3A_955 = vector.shape_cast %get3A_949 : vector<16xi32> to vector<1x16xi32>
      tpu.vector_store %arg9[%swap3A_951, %swap3A_952], %swap3A_955 {strides = array<i32>} : memref<2x64xi32, #tpu.memory_space<vmem>>, vector<1x16xi32>,
      %dma_start3A_956 = arith.constant 1 : i32
      %dma_start3A_957 = arith.constant 1 : i32
      %dma_start3A_958 = arith.constant 0 : i32
      %dma_start3A_959 = arith.constant 0 : i32
      %dma_start3A_960 = tpu.memref_slice %arg12[%dma_start3A_956, %dma_start3A_958, %dma_start3A_959] : memref<2x64x128xf32, #tpu.memory_space<vmem>> -> memref<1x32x128xf32, #tpu.memory_space<vmem>>
      %dma_start3A_961 = tpu.memref_squeeze %dma_start3A_960 : memref<1x32x128xf32, #tpu.memory_space<vmem>> -> memref<32x128xf32, #tpu.memory_space<vmem>>
      %dma_start3A_962 = arith.constant 0 : i32
      %dma_start3A_963 = tpu.memref_slice %arg9[%dma_start3A_957, %dma_start3A_962] : memref<2x64xi32, #tpu.memory_space<vmem>> -> memref<1x32xi32, #tpu.memory_space<vmem>>
      %dma_start3A_964 = tpu.memref_squeeze %dma_start3A_963 : memref<1x32xi32, #tpu.memory_space<vmem>> -> memref<32xi32, #tpu.memory_space<vmem>>
      %dma_start3A_965 = arith.constant 0 : i32
      %dma_start3A_966 = arith.constant 0 : i32
      %dma_start3A_967 = tpu.memref_slice %arg6[%dma_start3A_965, %dma_start3A_966] : memref<10112x128xf32, #tpu.memory_space<vmem_shared>> -> memref<10112x128xf32, #tpu.memory_space<vmem_shared>>
      tpu.enqueue_indirect_dma source(%dma_start3A_961 : memref<32x128xf32, #tpu.memory_space<vmem>>) target(%dma_start3A_967 : memref<10112x128xf32, #tpu.memory_space<vmem_shared>>) offsets(%dma_start3A_964 : memref<32xi32, #tpu.memory_space<vmem>>) semaphore(%arg20 : memref<!tpu.dma_semaphore, #tpu.memory_space<semaphore_mem>>) {add = true}
      %add3A_968 = arith.constant 2 : i32
      %add3A_969 = arith.addi %add3A_836, %add3A_968 : i32
      %mul3A_970 = arith.constant 64 : i32
      %mul3A_971 = arith.muli %add3A_969, %mul3A_970 : i32
      %add3A_972 = arith.addi %mul3A_3, %mul3A_971 : i32
      %dma_start3A_973 = arith.constant 1 : i32
      %dma_start3A_974 = arith.constant 0 : i32
      %dma_start3A_975 = tpu.memref_slice %arg7[%dma_start3A_973, %dma_start3A_974] : memref<2x64xi32, #tpu.memory_space<vmem>> -> memref<1x64xi32, #tpu.memory_space<vmem>>
      %dma_start3A_976 = tpu.memref_squeeze %dma_start3A_975 : memref<1x64xi32, #tpu.memory_space<vmem>> -> memref<64xi32, #tpu.memory_space<vmem>>
      %dma_start3A_977 = tpu.memref_slice %arg2[%add3A_972] : memref<640000xi32, #tpu.memory_space<hbm>> -> memref<64xi32, #tpu.memory_space<hbm>>
      %dma_start3A_978 = arith.constant 0 : i32
      %dma_start3A_979 = tpu.memref_slice %arg7[%dma_start3A_973, %dma_start3A_978] : memref<2x64xi32, #tpu.memory_space<vmem>> -> memref<1x64xi32, #tpu.memory_space<vmem>>
      %dma_start3A_980 = tpu.memref_squeeze %dma_start3A_979 : memref<1x64xi32, #tpu.memory_space<vmem>> -> memref<64xi32, #tpu.memory_space<vmem>>
      %dma_start3A_981 = tpu.memref_slice %arg2[%add3A_972] : memref<640000xi32, #tpu.memory_space<hbm>> -> memref<64xi32, #tpu.memory_space<hbm>>
      tpu.enqueue_dma source(%dma_start3A_981 : memref<64xi32, #tpu.memory_space<hbm>>) target(%dma_start3A_980 : memref<64xi32, #tpu.memory_space<vmem>>) target_semaphore(%arg14 : memref<!tpu.dma_semaphore, #tpu.memory_space<semaphore_mem>>)
      %add3A_982 = arith.constant 320000 : i32
      %add3A_983 = arith.addi %add3A_982, %add3A_972 : i32
      %dma_start3A_984 = arith.constant 1 : i32
      %dma_start3A_985 = arith.constant 0 : i32
      %dma_start3A_986 = tpu.memref_slice %arg8[%dma_start3A_984, %dma_start3A_985] : memref<2x64xi32, #tpu.memory_space<vmem>> -> memref<1x64xi32, #tpu.memory_space<vmem>>
      %dma_start3A_987 = tpu.memref_squeeze %dma_start3A_986 : memref<1x64xi32, #tpu.memory_space<vmem>> -> memref<64xi32, #tpu.memory_space<vmem>>
      %dma_start3A_988 = tpu.memref_slice %arg2[%add3A_983] : memref<640000xi32, #tpu.memory_space<hbm>> -> memref<64xi32, #tpu.memory_space<hbm>>
      %dma_start3A_989 = arith.constant 0 : i32
      %dma_start3A_990 = tpu.memref_slice %arg8[%dma_start3A_984, %dma_start3A_989] : memref<2x64xi32, #tpu.memory_space<vmem>> -> memref<1x64xi32, #tpu.memory_space<vmem>>
      %dma_start3A_991 = tpu.memref_squeeze %dma_start3A_990 : memref<1x64xi32, #tpu.memory_space<vmem>> -> memref<64xi32, #tpu.memory_space<vmem>>
      %dma_start3A_992 = tpu.memref_slice %arg2[%add3A_983] : memref<640000xi32, #tpu.memory_space<hbm>> -> memref<64xi32, #tpu.memory_space<hbm>>
      tpu.enqueue_dma source(%dma_start3A_992 : memref<64xi32, #tpu.memory_space<hbm>>) target(%dma_start3A_991 : memref<64xi32, #tpu.memory_space<vmem>>) target_semaphore(%arg14 : memref<!tpu.dma_semaphore, #tpu.memory_space<semaphore_mem>>)
    }
    %dma_wait3A_437 = arith.constant 1 : i32
    %dma_wait3A_438 = arith.constant 0 : i32
    %dma_wait3A_439 = tpu.memref_slice %arg7[%dma_wait3A_437, %dma_wait3A_438] : memref<2x64xi32, #tpu.memory_space<vmem>> -> memref<1x64xi32, #tpu.memory_space<vmem>>
    %dma_wait3A_440 = tpu.memref_squeeze %dma_wait3A_439 : memref<1x64xi32, #tpu.memory_space<vmem>> -> memref<64xi32, #tpu.memory_space<vmem>>
    %dma_wait3A_441 = arith.constant 0 : i32
    %dma_wait3A_442 = tpu.memref_slice %arg2[%dma_wait3A_441] : memref<640000xi32, #tpu.memory_space<hbm>> -> memref<64xi32, #tpu.memory_space<hbm>>
    %dma_wait3A_443 = arith.constant 0 : i32
    %dma_wait3A_444 = tpu.memref_slice %arg7[%dma_wait3A_437, %dma_wait3A_443] : memref<2x64xi32, #tpu.memory_space<vmem>> -> memref<1x64xi32, #tpu.memory_space<vmem>>
    %dma_wait3A_445 = tpu.memref_squeeze %dma_wait3A_444 : memref<1x64xi32, #tpu.memory_space<vmem>> -> memref<64xi32, #tpu.memory_space<vmem>>
    %dma_wait3A_446 = arith.constant 0 : i32
    %dma_wait3A_447 = tpu.memref_slice %arg2[%dma_wait3A_446] : memref<640000xi32, #tpu.memory_space<hbm>> -> memref<64xi32, #tpu.memory_space<hbm>>
    tpu.wait_dma2 semaphore(%arg14 : memref<!tpu.dma_semaphore, #tpu.memory_space<semaphore_mem>>) src(%dma_wait3A_447 : memref<64xi32, #tpu.memory_space<hbm>>) dst(%dma_wait3A_445 : memref<64xi32, #tpu.memory_space<vmem>>)
    %dma_wait3A_448 = arith.constant 1 : i32
    %dma_wait3A_449 = arith.constant 0 : i32
    %dma_wait3A_450 = tpu.memref_slice %arg8[%dma_wait3A_448, %dma_wait3A_449] : memref<2x64xi32, #tpu.memory_space<vmem>> -> memref<1x64xi32, #tpu.memory_space<vmem>>
    %dma_wait3A_451 = tpu.memref_squeeze %dma_wait3A_450 : memref<1x64xi32, #tpu.memory_space<vmem>> -> memref<64xi32, #tpu.memory_space<vmem>>
    %dma_wait3A_452 = arith.constant 0 : i32
    %dma_wait3A_453 = tpu.memref_slice %arg2[%dma_wait3A_452] : memref<640000xi32, #tpu.memory_space<hbm>> -> memref<64xi32, #tpu.memory_space<hbm>>
    %dma_wait3A_454 = arith.constant 0 : i32
    %dma_wait3A_455 = tpu.memref_slice %arg8[%dma_wait3A_448, %dma_wait3A_454] : memref<2x64xi32, #tpu.memory_space<vmem>> -> memref<1x64xi32, #tpu.memory_space<vmem>>
    %dma_wait3A_456 = tpu.memref_squeeze %dma_wait3A_455 : memref<1x64xi32, #tpu.memory_space<vmem>> -> memref<64xi32, #tpu.memory_space<vmem>>
    %dma_wait3A_457 = arith.constant 0 : i32
    %dma_wait3A_458 = tpu.memref_slice %arg2[%dma_wait3A_457] : memref<640000xi32, #tpu.memory_space<hbm>> -> memref<64xi32, #tpu.memory_space<hbm>>
    tpu.wait_dma2 semaphore(%arg14 : memref<!tpu.dma_semaphore, #tpu.memory_space<semaphore_mem>>) src(%dma_wait3A_458 : memref<64xi32, #tpu.memory_space<hbm>>) dst(%dma_wait3A_456 : memref<64xi32, #tpu.memory_space<vmem>>)
    %sub3A_459 = arith.constant 1 : i32
    %sub3A_460 = arith.subi %select_n3A, %sub3A_459 : i32
    %mul3A_461 = arith.constant 64 : i32
    %mul3A_462 = arith.muli %sub3A_460, %mul3A_461 : i32
    %add3A_463 = arith.addi %mul3A_3, %mul3A_462 : i32
    %dma_start3A_464 = arith.constant 1 : i32
    %dma_start3A_465 = arith.constant 0 : i32
    %dma_start3A_466 = arith.constant 0 : i32
    %dma_start3A_467 = tpu.memref_slice %arg10[%dma_start3A_464, %dma_start3A_465, %dma_start3A_466] : memref<2x64x128xf32, #tpu.memory_space<vmem>> -> memref<1x64x128xf32, #tpu.memory_space<vmem>>
    %dma_start3A_468 = tpu.memref_squeeze %dma_start3A_467 : memref<1x64x128xf32, #tpu.memory_space<vmem>> -> memref<64x128xf32, #tpu.memory_space<vmem>>
    %dma_start3A_469 = arith.constant 0 : i32
    %dma_start3A_470 = tpu.memref_slice %arg3[%add3A_463, %dma_start3A_469] : memref<320000x128xf32, #tpu.memory_space<hbm>> -> memref<64x128xf32, #tpu.memory_space<hbm>>
    %dma_start3A_471 = arith.constant 0 : i32
    %dma_start3A_472 = arith.constant 0 : i32
    %dma_start3A_473 = tpu.memref_slice %arg10[%dma_start3A_464, %dma_start3A_471, %dma_start3A_472] : memref<2x64x128xf32, #tpu.memory_space<vmem>> -> memref<1x64x128xf32, #tpu.memory_space<vmem>>
    %dma_start3A_474 = tpu.memref_squeeze %dma_start3A_473 : memref<1x64x128xf32, #tpu.memory_space<vmem>> -> memref<64x128xf32, #tpu.memory_space<vmem>>
    %dma_start3A_475 = arith.constant 0 : i32
    %dma_start3A_476 = tpu.memref_slice %arg3[%add3A_463, %dma_start3A_475] : memref<320000x128xf32, #tpu.memory_space<hbm>> -> memref<64x128xf32, #tpu.memory_space<hbm>>
    tpu.enqueue_dma source(%dma_start3A_476 : memref<64x128xf32, #tpu.memory_space<hbm>>) target(%dma_start3A_474 : memref<64x128xf32, #tpu.memory_space<vmem>>) target_semaphore(%arg16 : memref<!tpu.dma_semaphore, #tpu.memory_space<semaphore_mem>>)
    %dma_start3A_477 = arith.constant 1 : i32
    %dma_start3A_478 = arith.constant 1 : i32
    %dma_start3A_479 = arith.constant 0 : i32
    %dma_start3A_480 = arith.constant 0 : i32
    %dma_start3A_481 = tpu.memref_slice %arg11[%dma_start3A_478, %dma_start3A_479, %dma_start3A_480] : memref<2x64x128xf32, #tpu.memory_space<vmem>> -> memref<1x64x128xf32, #tpu.memory_space<vmem>>
    %dma_start3A_482 = tpu.memref_squeeze %dma_start3A_481 : memref<1x64x128xf32, #tpu.memory_space<vmem>> -> memref<64x128xf32, #tpu.memory_space<vmem>>
    %dma_start3A_483 = arith.constant 0 : i32
    %dma_start3A_484 = tpu.memref_slice %arg7[%dma_start3A_477, %dma_start3A_483] : memref<2x64xi32, #tpu.memory_space<vmem>> -> memref<1x64xi32, #tpu.memory_space<vmem>>
    %dma_start3A_485 = tpu.memref_squeeze %dma_start3A_484 : memref<1x64xi32, #tpu.memory_space<vmem>> -> memref<64xi32, #tpu.memory_space<vmem>>
    %dma_start3A_486 = arith.constant 0 : i32
    %dma_start3A_487 = arith.constant 0 : i32
    %dma_start3A_488 = tpu.memref_slice %arg4[%dma_start3A_486, %dma_start3A_487] : memref<10000x128xf32, #tpu.memory_space<hbm>> -> memref<10000x128xf32, #tpu.memory_space<hbm>>
    tpu.enqueue_indirect_dma source(%dma_start3A_488 : memref<10000x128xf32, #tpu.memory_space<hbm>>) target(%dma_start3A_482 : memref<64x128xf32, #tpu.memory_space<vmem>>) offsets(%dma_start3A_485 : memref<64xi32, #tpu.memory_space<vmem>>) semaphore(%arg18 : memref<!tpu.dma_semaphore, #tpu.memory_space<semaphore_mem>>)
    %dma_wait3A_489 = arith.constant 0 : i32
    %dma_wait3A_490 = arith.constant 0 : i32
    %dma_wait3A_491 = arith.constant 0 : i32
    %dma_wait3A_492 = tpu.memref_slice %arg10[%dma_wait3A_489, %dma_wait3A_490, %dma_wait3A_491] : memref<2x64x128xf32, #tpu.memory_space<vmem>> -> memref<1x64x128xf32, #tpu.memory_space<vmem>>
    %dma_wait3A_493 = tpu.memref_squeeze %dma_wait3A_492 : memref<1x64x128xf32, #tpu.memory_space<vmem>> -> memref<64x128xf32, #tpu.memory_space<vmem>>
    %dma_wait3A_494 = arith.constant 0 : i32
    %dma_wait3A_495 = arith.constant 0 : i32
    %dma_wait3A_496 = tpu.memref_slice %arg3[%dma_wait3A_494, %dma_wait3A_495] : memref<320000x128xf32, #tpu.memory_space<hbm>> -> memref<64x128xf32, #tpu.memory_space<hbm>>
    %dma_wait3A_497 = arith.constant 0 : i32
    %dma_wait3A_498 = arith.constant 0 : i32
    %dma_wait3A_499 = tpu.memref_slice %arg10[%dma_wait3A_489, %dma_wait3A_497, %dma_wait3A_498] : memref<2x64x128xf32, #tpu.memory_space<vmem>> -> memref<1x64x128xf32, #tpu.memory_space<vmem>>
    %dma_wait3A_500 = tpu.memref_squeeze %dma_wait3A_499 : memref<1x64x128xf32, #tpu.memory_space<vmem>> -> memref<64x128xf32, #tpu.memory_space<vmem>>
    %dma_wait3A_501 = arith.constant 0 : i32
    %dma_wait3A_502 = arith.constant 0 : i32
    %dma_wait3A_503 = tpu.memref_slice %arg3[%dma_wait3A_501, %dma_wait3A_502] : memref<320000x128xf32, #tpu.memory_space<hbm>> -> memref<64x128xf32, #tpu.memory_space<hbm>>
    tpu.wait_dma2 semaphore(%arg15 : memref<!tpu.dma_semaphore, #tpu.memory_space<semaphore_mem>>) src(%dma_wait3A_503 : memref<64x128xf32, #tpu.memory_space<hbm>>) dst(%dma_wait3A_500 : memref<64x128xf32, #tpu.memory_space<vmem>>)
    %dma_wait3A_504 = arith.constant 0 : i32
    %dma_wait3A_505 = arith.constant 0 : i32
    %dma_wait3A_506 = arith.constant 0 : i32
    %dma_wait3A_507 = arith.constant 0 : i32
    %dma_wait3A_508 = tpu.memref_slice %arg11[%dma_wait3A_505, %dma_wait3A_506, %dma_wait3A_507] : memref<2x64x128xf32, #tpu.memory_space<vmem>> -> memref<1x64x128xf32, #tpu.memory_space<vmem>>
    %dma_wait3A_509 = tpu.memref_squeeze %dma_wait3A_508 : memref<1x64x128xf32, #tpu.memory_space<vmem>> -> memref<64x128xf32, #tpu.memory_space<vmem>>
    %dma_wait3A_510 = arith.constant 0 : i32
    %dma_wait3A_511 = tpu.memref_slice %arg7[%dma_wait3A_504, %dma_wait3A_510] : memref<2x64xi32, #tpu.memory_space<vmem>> -> memref<1x64xi32, #tpu.memory_space<vmem>>
    %dma_wait3A_512 = tpu.memref_squeeze %dma_wait3A_511 : memref<1x64xi32, #tpu.memory_space<vmem>> -> memref<64xi32, #tpu.memory_space<vmem>>
    %dma_wait3A_513 = arith.constant 0 : i32
    %dma_wait3A_514 = arith.constant 0 : i32
    %dma_wait3A_515 = tpu.memref_slice %arg4[%dma_wait3A_513, %dma_wait3A_514] : memref<10000x128xf32, #tpu.memory_space<hbm>> -> memref<10000x128xf32, #tpu.memory_space<hbm>>
    tpu.wait_indirect_dma semaphore(%arg17 : memref<!tpu.dma_semaphore, #tpu.memory_space<semaphore_mem>>) src(%dma_wait3A_515 : memref<10000x128xf32, #tpu.memory_space<hbm>>) dst(%dma_wait3A_509 : memref<64x128xf32, #tpu.memory_space<vmem>>)
    %dma_wait3A_516 = arith.constant 0 : i32
    %dma_wait3A_517 = arith.constant 0 : i32
    %dma_wait3A_518 = arith.constant 0 : i32
    %dma_wait3A_519 = arith.constant 0 : i32
    %dma_wait3A_520 = tpu.memref_slice %arg12[%dma_wait3A_516, %dma_wait3A_518, %dma_wait3A_519] : memref<2x64x128xf32, #tpu.memory_space<vmem>> -> memref<1x32x128xf32, #tpu.memory_space<vmem>>
    %dma_wait3A_521 = tpu.memref_squeeze %dma_wait3A_520 : memref<1x32x128xf32, #tpu.memory_space<vmem>> -> memref<32x128xf32, #tpu.memory_space<vmem>>
    %dma_wait3A_522 = arith.constant 0 : i32
    %dma_wait3A_523 = tpu.memref_slice %arg9[%dma_wait3A_517, %dma_wait3A_522] : memref<2x64xi32, #tpu.memory_space<vmem>> -> memref<1x32xi32, #tpu.memory_space<vmem>>
    %dma_wait3A_524 = tpu.memref_squeeze %dma_wait3A_523 : memref<1x32xi32, #tpu.memory_space<vmem>> -> memref<32xi32, #tpu.memory_space<vmem>>
    %dma_wait3A_525 = arith.constant 0 : i32
    %dma_wait3A_526 = arith.constant 0 : i32
    %dma_wait3A_527 = tpu.memref_slice %arg6[%dma_wait3A_525, %dma_wait3A_526] : memref<10112x128xf32, #tpu.memory_space<vmem_shared>> -> memref<10112x128xf32, #tpu.memory_space<vmem_shared>>
    tpu.wait_indirect_dma semaphore(%arg19 : memref<!tpu.dma_semaphore, #tpu.memory_space<semaphore_mem>>) src(%dma_wait3A_521 : memref<32x128xf32, #tpu.memory_space<vmem>>) dst(%dma_wait3A_527 : memref<10112x128xf32, #tpu.memory_space<vmem_shared>>)
    %scan3A_528 = arith.constant 0 : i32
    %scan3A_529 = arith.constant 0 : i32
    %scan3A_530 = arith.constant 64 : i32
    %scan3A_531 = arith.addi %scan3A_529, %scan3A_530 : i32
    %scan3A_532 = arith.constant 1 : i32
    scf.for %scan3A_672 = %scan3A_529 to %scan3A_531 step %scan3A_532  : i32 {
      %add3A_673 = arith.constant 0 : i32
      %add3A_674 = arith.addi %mul3A_1, %add3A_673 : i32
      %get3A_675 = arith.constant 0 : i32
      %get3A_676 = arith.index_cast %get3A_675 : i32 to index
      %get3A_677 = arith.index_cast %scan3A_672 : i32 to index
      %get3A_678 = arith.index_cast %add3A_674 : i32 to index
      %get3A_679 = tpu.vector_load %arg10[%get3A_676, %get3A_677, %get3A_678] {strides = array<i32>} : memref<2x64x128xf32, #tpu.memory_space<vmem>>, vector<1x1x16xf32>,
      %get3A_680 = vector.shape_cast %get3A_679 : vector<1x1x16xf32> to vector<16xf32>
      %add3A_681 = arith.constant 1.000000e+00 : f32
      %add3A_682 = vector.broadcast %add3A_681 : f32 to vector<16xf32>
      %add3A_683 = arith.addf %get3A_680, %add3A_682 : vector<16xf32>
      %max3A = arith.constant 0.000000e+00 : f32
      %max3A_684 = vector.broadcast %max3A : f32 to vector<16xf32>
      %max3A_685 = arith.maximumf %add3A_683, %max3A_684 : vector<16xf32>
      %swap3A_686 = arith.constant 0 : i32
      %swap3A_687 = arith.index_cast %swap3A_686 : i32 to index
      %swap3A_688 = arith.index_cast %scan3A_672 : i32 to index
      %swap3A_689 = arith.constant 0 : index
      %swap3A_690 = tpu.vector_load %arg12[%swap3A_687, %swap3A_688, %swap3A_689] {strides = array<i32>} : memref<2x64x128xf32, #tpu.memory_space<vmem>>, vector<1x1x16xf32>,
      %swap3A_691 = vector.shape_cast %swap3A_690 : vector<1x1x16xf32> to vector<16xf32>
      %swap3A_692 = vector.shape_cast %max3A_685 : vector<16xf32> to vector<1x1x16xf32>
      tpu.vector_store %arg12[%swap3A_687, %swap3A_688, %swap3A_689], %swap3A_692 {strides = array<i32>} : memref<2x64x128xf32, #tpu.memory_space<vmem>>, vector<1x1x16xf32>,
      %add3A_693 = arith.constant 0 : i32
      %add3A_694 = arith.addi %mul3A_1, %add3A_693 : i32
      %get3A_695 = arith.constant 0 : i32
      %get3A_696 = arith.index_cast %get3A_695 : i32 to index
      %get3A_697 = arith.index_cast %scan3A_672 : i32 to index
      %get3A_698 = arith.index_cast %add3A_694 : i32 to index
      %get3A_699 = tpu.vector_load %arg11[%get3A_696, %get3A_697, %get3A_698] {strides = array<i32>} : memref<2x64x128xf32, #tpu.memory_space<vmem>>, vector<1x1x16xf32>,
      %get3A_700 = vector.shape_cast %get3A_699 : vector<1x1x16xf32> to vector<16xf32>
      %mul3A_701 = arith.mulf %max3A_685, %get3A_700 : vector<16xf32>
      %swap3A_702 = arith.constant 0 : i32
      %swap3A_703 = arith.index_cast %swap3A_702 : i32 to index
      %swap3A_704 = arith.index_cast %scan3A_672 : i32 to index
      %swap3A_705 = arith.constant 64 : index
      %swap3A_706 = tpu.vector_load %arg12[%swap3A_703, %swap3A_704, %swap3A_705] {strides = array<i32>} : memref<2x64x128xf32, #tpu.memory_space<vmem>>, vector<1x1x16xf32>,
      %swap3A_707 = vector.shape_cast %swap3A_706 : vector<1x1x16xf32> to vector<16xf32>
      %swap3A_708 = vector.shape_cast %mul3A_701 : vector<16xf32> to vector<1x1x16xf32>
      tpu.vector_store %arg12[%swap3A_703, %swap3A_704, %swap3A_705], %swap3A_708 {strides = array<i32>} : memref<2x64x128xf32, #tpu.memory_space<vmem>>, vector<1x1x16xf32>,
      %add3A_709 = arith.constant 16 : i32
      %add3A_710 = arith.addi %mul3A_1, %add3A_709 : i32
      %get3A_711 = arith.constant 0 : i32
      %get3A_712 = arith.index_cast %get3A_711 : i32 to index
      %get3A_713 = arith.index_cast %scan3A_672 : i32 to index
      %get3A_714 = arith.index_cast %add3A_710 : i32 to index
      %get3A_715 = tpu.vector_load %arg10[%get3A_712, %get3A_713, %get3A_714] {strides = array<i32>} : memref<2x64x128xf32, #tpu.memory_space<vmem>>, vector<1x1x16xf32>,
      %get3A_716 = vector.shape_cast %get3A_715 : vector<1x1x16xf32> to vector<16xf32>
      %add3A_717 = arith.constant 1.000000e+00 : f32
      %add3A_718 = vector.broadcast %add3A_717 : f32 to vector<16xf32>
      %add3A_719 = arith.addf %get3A_716, %add3A_718 : vector<16xf32>
      %max3A_720 = arith.constant 0.000000e+00 : f32
      %max3A_721 = vector.broadcast %max3A_720 : f32 to vector<16xf32>
      %max3A_722 = arith.maximumf %add3A_719, %max3A_721 : vector<16xf32>
      %swap3A_723 = arith.constant 0 : i32
      %swap3A_724 = arith.index_cast %swap3A_723 : i32 to index
      %swap3A_725 = arith.index_cast %scan3A_672 : i32 to index
      %swap3A_726 = arith.constant 16 : index
      %swap3A_727 = tpu.vector_load %arg12[%swap3A_724, %swap3A_725, %swap3A_726] {strides = array<i32>} : memref<2x64x128xf32, #tpu.memory_space<vmem>>, vector<1x1x16xf32>,
      %swap3A_728 = vector.shape_cast %swap3A_727 : vector<1x1x16xf32> to vector<16xf32>
      %swap3A_729 = vector.shape_cast %max3A_722 : vector<16xf32> to vector<1x1x16xf32>
      tpu.vector_store %arg12[%swap3A_724, %swap3A_725, %swap3A_726], %swap3A_729 {strides = array<i32>} : memref<2x64x128xf32, #tpu.memory_space<vmem>>, vector<1x1x16xf32>,
      %add3A_730 = arith.constant 16 : i32
      %add3A_731 = arith.addi %mul3A_1, %add3A_730 : i32
      %get3A_732 = arith.constant 0 : i32
      %get3A_733 = arith.index_cast %get3A_732 : i32 to index
      %get3A_734 = arith.index_cast %scan3A_672 : i32 to index
      %get3A_735 = arith.index_cast %add3A_731 : i32 to index
      %get3A_736 = tpu.vector_load %arg11[%get3A_733, %get3A_734, %get3A_735] {strides = array<i32>} : memref<2x64x128xf32, #tpu.memory_space<vmem>>, vector<1x1x16xf32>,
      %get3A_737 = vector.shape_cast %get3A_736 : vector<1x1x16xf32> to vector<16xf32>
      %mul3A_738 = arith.mulf %max3A_722, %get3A_737 : vector<16xf32>
      %swap3A_739 = arith.constant 0 : i32
      %swap3A_740 = arith.index_cast %swap3A_739 : i32 to index
      %swap3A_741 = arith.index_cast %scan3A_672 : i32 to index
      %swap3A_742 = arith.constant 80 : index
      %swap3A_743 = tpu.vector_load %arg12[%swap3A_740, %swap3A_741, %swap3A_742] {strides = array<i32>} : memref<2x64x128xf32, #tpu.memory_space<vmem>>, vector<1x1x16xf32>,
      %swap3A_744 = vector.shape_cast %swap3A_743 : vector<1x1x16xf32> to vector<16xf32>
      %swap3A_745 = vector.shape_cast %mul3A_738 : vector<16xf32> to vector<1x1x16xf32>
      tpu.vector_store %arg12[%swap3A_740, %swap3A_741, %swap3A_742], %swap3A_745 {strides = array<i32>} : memref<2x64x128xf32, #tpu.memory_space<vmem>>, vector<1x1x16xf32>,
      %add3A_746 = arith.constant 32 : i32
      %add3A_747 = arith.addi %mul3A_1, %add3A_746 : i32
      %get3A_748 = arith.constant 0 : i32
      %get3A_749 = arith.index_cast %get3A_748 : i32 to index
      %get3A_750 = arith.index_cast %scan3A_672 : i32 to index
      %get3A_751 = arith.index_cast %add3A_747 : i32 to index
      %get3A_752 = tpu.vector_load %arg10[%get3A_749, %get3A_750, %get3A_751] {strides = array<i32>} : memref<2x64x128xf32, #tpu.memory_space<vmem>>, vector<1x1x16xf32>,
      %get3A_753 = vector.shape_cast %get3A_752 : vector<1x1x16xf32> to vector<16xf32>
      %add3A_754 = arith.constant 1.000000e+00 : f32
      %add3A_755 = vector.broadcast %add3A_754 : f32 to vector<16xf32>
      %add3A_756 = arith.addf %get3A_753, %add3A_755 : vector<16xf32>
      %max3A_757 = arith.constant 0.000000e+00 : f32
      %max3A_758 = vector.broadcast %max3A_757 : f32 to vector<16xf32>
      %max3A_759 = arith.maximumf %add3A_756, %max3A_758 : vector<16xf32>
      %swap3A_760 = arith.constant 0 : i32
      %swap3A_761 = arith.index_cast %swap3A_760 : i32 to index
      %swap3A_762 = arith.index_cast %scan3A_672 : i32 to index
      %swap3A_763 = arith.constant 32 : index
      %swap3A_764 = tpu.vector_load %arg12[%swap3A_761, %swap3A_762, %swap3A_763] {strides = array<i32>} : memref<2x64x128xf32, #tpu.memory_space<vmem>>, vector<1x1x16xf32>,
      %swap3A_765 = vector.shape_cast %swap3A_764 : vector<1x1x16xf32> to vector<16xf32>
      %swap3A_766 = vector.shape_cast %max3A_759 : vector<16xf32> to vector<1x1x16xf32>
      tpu.vector_store %arg12[%swap3A_761, %swap3A_762, %swap3A_763], %swap3A_766 {strides = array<i32>} : memref<2x64x128xf32, #tpu.memory_space<vmem>>, vector<1x1x16xf32>,
      %add3A_767 = arith.constant 32 : i32
      %add3A_768 = arith.addi %mul3A_1, %add3A_767 : i32
      %get3A_769 = arith.constant 0 : i32
      %get3A_770 = arith.index_cast %get3A_769 : i32 to index
      %get3A_771 = arith.index_cast %scan3A_672 : i32 to index
      %get3A_772 = arith.index_cast %add3A_768 : i32 to index
      %get3A_773 = tpu.vector_load %arg11[%get3A_770, %get3A_771, %get3A_772] {strides = array<i32>} : memref<2x64x128xf32, #tpu.memory_space<vmem>>, vector<1x1x16xf32>,
      %get3A_774 = vector.shape_cast %get3A_773 : vector<1x1x16xf32> to vector<16xf32>
      %mul3A_775 = arith.mulf %max3A_759, %get3A_774 : vector<16xf32>
      %swap3A_776 = arith.constant 0 : i32
      %swap3A_777 = arith.index_cast %swap3A_776 : i32 to index
      %swap3A_778 = arith.index_cast %scan3A_672 : i32 to index
      %swap3A_779 = arith.constant 96 : index
      %swap3A_780 = tpu.vector_load %arg12[%swap3A_777, %swap3A_778, %swap3A_779] {strides = array<i32>} : memref<2x64x128xf32, #tpu.memory_space<vmem>>, vector<1x1x16xf32>,
      %swap3A_781 = vector.shape_cast %swap3A_780 : vector<1x1x16xf32> to vector<16xf32>
      %swap3A_782 = vector.shape_cast %mul3A_775 : vector<16xf32> to vector<1x1x16xf32>
      tpu.vector_store %arg12[%swap3A_777, %swap3A_778, %swap3A_779], %swap3A_782 {strides = array<i32>} : memref<2x64x128xf32, #tpu.memory_space<vmem>>, vector<1x1x16xf32>,
      %add3A_783 = arith.constant 48 : i32
      %add3A_784 = arith.addi %mul3A_1, %add3A_783 : i32
      %get3A_785 = arith.constant 0 : i32
      %get3A_786 = arith.index_cast %get3A_785 : i32 to index
      %get3A_787 = arith.index_cast %scan3A_672 : i32 to index
      %get3A_788 = arith.index_cast %add3A_784 : i32 to index
      %get3A_789 = tpu.vector_load %arg10[%get3A_786, %get3A_787, %get3A_788] {strides = array<i32>} : memref<2x64x128xf32, #tpu.memory_space<vmem>>, vector<1x1x16xf32>,
      %get3A_790 = vector.shape_cast %get3A_789 : vector<1x1x16xf32> to vector<16xf32>
      %add3A_791 = arith.constant 1.000000e+00 : f32
      %add3A_792 = vector.broadcast %add3A_791 : f32 to vector<16xf32>
      %add3A_793 = arith.addf %get3A_790, %add3A_792 : vector<16xf32>
      %max3A_794 = arith.constant 0.000000e+00 : f32
      %max3A_795 = vector.broadcast %max3A_794 : f32 to vector<16xf32>
      %max3A_796 = arith.maximumf %add3A_793, %max3A_795 : vector<16xf32>
      %swap3A_797 = arith.constant 0 : i32
      %swap3A_798 = arith.index_cast %swap3A_797 : i32 to index
      %swap3A_799 = arith.index_cast %scan3A_672 : i32 to index
      %swap3A_800 = arith.constant 48 : index
      %swap3A_801 = tpu.vector_load %arg12[%swap3A_798, %swap3A_799, %swap3A_800] {strides = array<i32>} : memref<2x64x128xf32, #tpu.memory_space<vmem>>, vector<1x1x16xf32>,
      %swap3A_802 = vector.shape_cast %swap3A_801 : vector<1x1x16xf32> to vector<16xf32>
      %swap3A_803 = vector.shape_cast %max3A_796 : vector<16xf32> to vector<1x1x16xf32>
      tpu.vector_store %arg12[%swap3A_798, %swap3A_799, %swap3A_800], %swap3A_803 {strides = array<i32>} : memref<2x64x128xf32, #tpu.memory_space<vmem>>, vector<1x1x16xf32>,
      %add3A_804 = arith.constant 48 : i32
      %add3A_805 = arith.addi %mul3A_1, %add3A_804 : i32
      %get3A_806 = arith.constant 0 : i32
      %get3A_807 = arith.index_cast %get3A_806 : i32 to index
      %get3A_808 = arith.index_cast %scan3A_672 : i32 to index
      %get3A_809 = arith.index_cast %add3A_805 : i32 to index
      %get3A_810 = tpu.vector_load %arg11[%get3A_807, %get3A_808, %get3A_809] {strides = array<i32>} : memref<2x64x128xf32, #tpu.memory_space<vmem>>, vector<1x1x16xf32>,
      %get3A_811 = vector.shape_cast %get3A_810 : vector<1x1x16xf32> to vector<16xf32>
      %mul3A_812 = arith.mulf %max3A_796, %get3A_811 : vector<16xf32>
      %swap3A_813 = arith.constant 0 : i32
      %swap3A_814 = arith.index_cast %swap3A_813 : i32 to index
      %swap3A_815 = arith.index_cast %scan3A_672 : i32 to index
      %swap3A_816 = arith.constant 112 : index
      %swap3A_817 = tpu.vector_load %arg12[%swap3A_814, %swap3A_815, %swap3A_816] {strides = array<i32>} : memref<2x64x128xf32, #tpu.memory_space<vmem>>, vector<1x1x16xf32>,
      %swap3A_818 = vector.shape_cast %swap3A_817 : vector<1x1x16xf32> to vector<16xf32>
      %swap3A_819 = vector.shape_cast %mul3A_812 : vector<16xf32> to vector<1x1x16xf32>
      tpu.vector_store %arg12[%swap3A_814, %swap3A_815, %swap3A_816], %swap3A_819 {strides = array<i32>} : memref<2x64x128xf32, #tpu.memory_space<vmem>>, vector<1x1x16xf32>,
    }
    %scan3A_533 = arith.constant 64 : i32
    %get3A_534 = arith.constant 0 : i32
    %get3A_535 = arith.index_cast %get3A_534 : i32 to index
    %get3A_536 = arith.constant 0 : index
    %get3A_537 = tpu.vector_load %arg8[%get3A_535, %get3A_536] {strides = array<i32>} : memref<2x64xi32, #tpu.memory_space<vmem>>, vector<1x16xi32>,
    %get3A_538 = vector.shape_cast %get3A_537 : vector<1x16xi32> to vector<16xi32>
    %swap3A_539 = arith.constant 0 : i32
    %swap3A_540 = arith.index_cast %swap3A_539 : i32 to index
    %swap3A_541 = arith.constant 0 : index
    %swap3A_542 = tpu.vector_load %arg9[%swap3A_540, %swap3A_541] {strides = array<i32>} : memref<2x64xi32, #tpu.memory_space<vmem>>, vector<1x16xi32>,
    %swap3A_543 = vector.shape_cast %swap3A_542 : vector<1x16xi32> to vector<16xi32>
    %swap3A_544 = vector.shape_cast %get3A_538 : vector<16xi32> to vector<1x16xi32>
    tpu.vector_store %arg9[%swap3A_540, %swap3A_541], %swap3A_544 {strides = array<i32>} : memref<2x64xi32, #tpu.memory_space<vmem>>, vector<1x16xi32>,
    %get3A_545 = arith.constant 0 : i32
    %get3A_546 = arith.index_cast %get3A_545 : i32 to index
    %get3A_547 = arith.constant 16 : index
    %get3A_548 = tpu.vector_load %arg8[%get3A_546, %get3A_547] {strides = array<i32>} : memref<2x64xi32, #tpu.memory_space<vmem>>, vector<1x16xi32>,
    %get3A_549 = vector.shape_cast %get3A_548 : vector<1x16xi32> to vector<16xi32>
    %swap3A_550 = arith.constant 0 : i32
    %swap3A_551 = arith.index_cast %swap3A_550 : i32 to index
    %swap3A_552 = arith.constant 16 : index
    %swap3A_553 = tpu.vector_load %arg9[%swap3A_551, %swap3A_552] {strides = array<i32>} : memref<2x64xi32, #tpu.memory_space<vmem>>, vector<1x16xi32>,
    %swap3A_554 = vector.shape_cast %swap3A_553 : vector<1x16xi32> to vector<16xi32>
    %swap3A_555 = vector.shape_cast %get3A_549 : vector<16xi32> to vector<1x16xi32>
    tpu.vector_store %arg9[%swap3A_551, %swap3A_552], %swap3A_555 {strides = array<i32>} : memref<2x64xi32, #tpu.memory_space<vmem>>, vector<1x16xi32>,
    %dma_start3A_556 = arith.constant 0 : i32
    %dma_start3A_557 = arith.constant 0 : i32
    %dma_start3A_558 = arith.constant 0 : i32
    %dma_start3A_559 = arith.constant 0 : i32
    %dma_start3A_560 = tpu.memref_slice %arg12[%dma_start3A_556, %dma_start3A_558, %dma_start3A_559] : memref<2x64x128xf32, #tpu.memory_space<vmem>> -> memref<1x32x128xf32, #tpu.memory_space<vmem>>
    %dma_start3A_561 = tpu.memref_squeeze %dma_start3A_560 : memref<1x32x128xf32, #tpu.memory_space<vmem>> -> memref<32x128xf32, #tpu.memory_space<vmem>>
    %dma_start3A_562 = arith.constant 0 : i32
    %dma_start3A_563 = tpu.memref_slice %arg9[%dma_start3A_557, %dma_start3A_562] : memref<2x64xi32, #tpu.memory_space<vmem>> -> memref<1x32xi32, #tpu.memory_space<vmem>>
    %dma_start3A_564 = tpu.memref_squeeze %dma_start3A_563 : memref<1x32xi32, #tpu.memory_space<vmem>> -> memref<32xi32, #tpu.memory_space<vmem>>
    %dma_start3A_565 = arith.constant 0 : i32
    %dma_start3A_566 = arith.constant 0 : i32
    %dma_start3A_567 = tpu.memref_slice %arg6[%dma_start3A_565, %dma_start3A_566] : memref<10112x128xf32, #tpu.memory_space<vmem_shared>> -> memref<10112x128xf32, #tpu.memory_space<vmem_shared>>
    tpu.enqueue_indirect_dma source(%dma_start3A_561 : memref<32x128xf32, #tpu.memory_space<vmem>>) target(%dma_start3A_567 : memref<10112x128xf32, #tpu.memory_space<vmem_shared>>) offsets(%dma_start3A_564 : memref<32xi32, #tpu.memory_space<vmem>>) semaphore(%arg19 : memref<!tpu.dma_semaphore, #tpu.memory_space<semaphore_mem>>) {add = true}
    %dma_wait3A_568 = arith.constant 1 : i32
    %dma_wait3A_569 = arith.constant 0 : i32
    %dma_wait3A_570 = arith.constant 0 : i32
    %dma_wait3A_571 = tpu.memref_slice %arg10[%dma_wait3A_568, %dma_wait3A_569, %dma_wait3A_570] : memref<2x64x128xf32, #tpu.memory_space<vmem>> -> memref<1x64x128xf32, #tpu.memory_space<vmem>>
    %dma_wait3A_572 = tpu.memref_squeeze %dma_wait3A_571 : memref<1x64x128xf32, #tpu.memory_space<vmem>> -> memref<64x128xf32, #tpu.memory_space<vmem>>
    %dma_wait3A_573 = arith.constant 0 : i32
    %dma_wait3A_574 = arith.constant 0 : i32
    %dma_wait3A_575 = tpu.memref_slice %arg3[%dma_wait3A_573, %dma_wait3A_574] : memref<320000x128xf32, #tpu.memory_space<hbm>> -> memref<64x128xf32, #tpu.memory_space<hbm>>
    %dma_wait3A_576 = arith.constant 0 : i32
    %dma_wait3A_577 = arith.constant 0 : i32
    %dma_wait3A_578 = tpu.memref_slice %arg10[%dma_wait3A_568, %dma_wait3A_576, %dma_wait3A_577] : memref<2x64x128xf32, #tpu.memory_space<vmem>> -> memref<1x64x128xf32, #tpu.memory_space<vmem>>
    %dma_wait3A_579 = tpu.memref_squeeze %dma_wait3A_578 : memref<1x64x128xf32, #tpu.memory_space<vmem>> -> memref<64x128xf32, #tpu.memory_space<vmem>>
    %dma_wait3A_580 = arith.constant 0 : i32
    %dma_wait3A_581 = arith.constant 0 : i32
    %dma_wait3A_582 = tpu.memref_slice %arg3[%dma_wait3A_580, %dma_wait3A_581] : memref<320000x128xf32, #tpu.memory_space<hbm>> -> memref<64x128xf32, #tpu.memory_space<hbm>>
    tpu.wait_dma2 semaphore(%arg16 : memref<!tpu.dma_semaphore, #tpu.memory_space<semaphore_mem>>) src(%dma_wait3A_582 : memref<64x128xf32, #tpu.memory_space<hbm>>) dst(%dma_wait3A_579 : memref<64x128xf32, #tpu.memory_space<vmem>>)
    %dma_wait3A_583 = arith.constant 1 : i32
    %dma_wait3A_584 = arith.constant 1 : i32
    %dma_wait3A_585 = arith.constant 0 : i32
    %dma_wait3A_586 = arith.constant 0 : i32
    %dma_wait3A_587 = tpu.memref_slice %arg11[%dma_wait3A_584, %dma_wait3A_585, %dma_wait3A_586] : memref<2x64x128xf32, #tpu.memory_space<vmem>> -> memref<1x64x128xf32, #tpu.memory_space<vmem>>
    %dma_wait3A_588 = tpu.memref_squeeze %dma_wait3A_587 : memref<1x64x128xf32, #tpu.memory_space<vmem>> -> memref<64x128xf32, #tpu.memory_space<vmem>>
    %dma_wait3A_589 = arith.constant 0 : i32
    %dma_wait3A_590 = tpu.memref_slice %arg7[%dma_wait3A_583, %dma_wait3A_589] : memref<2x64xi32, #tpu.memory_space<vmem>> -> memref<1x64xi32, #tpu.memory_space<vmem>>
    %dma_wait3A_591 = tpu.memref_squeeze %dma_wait3A_590 : memref<1x64xi32, #tpu.memory_space<vmem>> -> memref<64xi32, #tpu.memory_space<vmem>>
    %dma_wait3A_592 = arith.constant 0 : i32
    %dma_wait3A_593 = arith.constant 0 : i32
    %dma_wait3A_594 = tpu.memref_slice %arg4[%dma_wait3A_592, %dma_wait3A_593] : memref<10000x128xf32, #tpu.memory_space<hbm>> -> memref<10000x128xf32, #tpu.memory_space<hbm>>
    tpu.wait_indirect_dma semaphore(%arg18 : memref<!tpu.dma_semaphore, #tpu.memory_space<semaphore_mem>>) src(%dma_wait3A_594 : memref<10000x128xf32, #tpu.memory_space<hbm>>) dst(%dma_wait3A_588 : memref<64x128xf32, #tpu.memory_space<vmem>>)
    %dma_wait3A_595 = arith.constant 1 : i32
    %dma_wait3A_596 = arith.constant 1 : i32
    %dma_wait3A_597 = arith.constant 0 : i32
    %dma_wait3A_598 = arith.constant 0 : i32
    %dma_wait3A_599 = tpu.memref_slice %arg12[%dma_wait3A_595, %dma_wait3A_597, %dma_wait3A_598] : memref<2x64x128xf32, #tpu.memory_space<vmem>> -> memref<1x32x128xf32, #tpu.memory_space<vmem>>
    %dma_wait3A_600 = tpu.memref_squeeze %dma_wait3A_599 : memref<1x32x128xf32, #tpu.memory_space<vmem>> -> memref<32x128xf32, #tpu.memory_space<vmem>>
    %dma_wait3A_601 = arith.constant 0 : i32
    %dma_wait3A_602 = tpu.memref_slice %arg9[%dma_wait3A_596, %dma_wait3A_601] : memref<2x64xi32, #tpu.memory_space<vmem>> -> memref<1x32xi32, #tpu.memory_space<vmem>>
    %dma_wait3A_603 = tpu.memref_squeeze %dma_wait3A_602 : memref<1x32xi32, #tpu.memory_space<vmem>> -> memref<32xi32, #tpu.memory_space<vmem>>
    %dma_wait3A_604 = arith.constant 0 : i32
    %dma_wait3A_605 = arith.constant 0 : i32
    %dma_wait3A_606 = tpu.memref_slice %arg6[%dma_wait3A_604, %dma_wait3A_605] : memref<10112x128xf32, #tpu.memory_space<vmem_shared>> -> memref<10112x128xf32, #tpu.memory_space<vmem_shared>>
    tpu.wait_indirect_dma semaphore(%arg20 : memref<!tpu.dma_semaphore, #tpu.memory_space<semaphore_mem>>) src(%dma_wait3A_600 : memref<32x128xf32, #tpu.memory_space<vmem>>) dst(%dma_wait3A_606 : memref<10112x128xf32, #tpu.memory_space<vmem_shared>>)
    %scan3A_607 = arith.constant 0 : i32
    %scan3A_608 = arith.constant 0 : i32
    %scan3A_609 = arith.constant 64 : i32
    %scan3A_610 = arith.addi %scan3A_608, %scan3A_609 : i32
    %scan3A_611 = arith.constant 1 : i32
    scf.for %scan3A_672 = %scan3A_608 to %scan3A_610 step %scan3A_611  : i32 {
      %add3A_673 = arith.constant 0 : i32
      %add3A_674 = arith.addi %mul3A_1, %add3A_673 : i32
      %get3A_675 = arith.constant 1 : i32
      %get3A_676 = arith.index_cast %get3A_675 : i32 to index
      %get3A_677 = arith.index_cast %scan3A_672 : i32 to index
      %get3A_678 = arith.index_cast %add3A_674 : i32 to index
      %get3A_679 = tpu.vector_load %arg10[%get3A_676, %get3A_677, %get3A_678] {strides = array<i32>} : memref<2x64x128xf32, #tpu.memory_space<vmem>>, vector<1x1x16xf32>,
      %get3A_680 = vector.shape_cast %get3A_679 : vector<1x1x16xf32> to vector<16xf32>
      %add3A_681 = arith.constant 1.000000e+00 : f32
      %add3A_682 = vector.broadcast %add3A_681 : f32 to vector<16xf32>
      %add3A_683 = arith.addf %get3A_680, %add3A_682 : vector<16xf32>
      %max3A = arith.constant 0.000000e+00 : f32
      %max3A_684 = vector.broadcast %max3A : f32 to vector<16xf32>
      %max3A_685 = arith.maximumf %add3A_683, %max3A_684 : vector<16xf32>
      %swap3A_686 = arith.constant 1 : i32
      %swap3A_687 = arith.index_cast %swap3A_686 : i32 to index
      %swap3A_688 = arith.index_cast %scan3A_672 : i32 to index
      %swap3A_689 = arith.constant 0 : index
      %swap3A_690 = tpu.vector_load %arg12[%swap3A_687, %swap3A_688, %swap3A_689] {strides = array<i32>} : memref<2x64x128xf32, #tpu.memory_space<vmem>>, vector<1x1x16xf32>,
      %swap3A_691 = vector.shape_cast %swap3A_690 : vector<1x1x16xf32> to vector<16xf32>
      %swap3A_692 = vector.shape_cast %max3A_685 : vector<16xf32> to vector<1x1x16xf32>
      tpu.vector_store %arg12[%swap3A_687, %swap3A_688, %swap3A_689], %swap3A_692 {strides = array<i32>} : memref<2x64x128xf32, #tpu.memory_space<vmem>>, vector<1x1x16xf32>,
      %add3A_693 = arith.constant 0 : i32
      %add3A_694 = arith.addi %mul3A_1, %add3A_693 : i32
      %get3A_695 = arith.constant 1 : i32
      %get3A_696 = arith.index_cast %get3A_695 : i32 to index
      %get3A_697 = arith.index_cast %scan3A_672 : i32 to index
      %get3A_698 = arith.index_cast %add3A_694 : i32 to index
      %get3A_699 = tpu.vector_load %arg11[%get3A_696, %get3A_697, %get3A_698] {strides = array<i32>} : memref<2x64x128xf32, #tpu.memory_space<vmem>>, vector<1x1x16xf32>,
      %get3A_700 = vector.shape_cast %get3A_699 : vector<1x1x16xf32> to vector<16xf32>
      %mul3A_701 = arith.mulf %max3A_685, %get3A_700 : vector<16xf32>
      %swap3A_702 = arith.constant 1 : i32
      %swap3A_703 = arith.index_cast %swap3A_702 : i32 to index
      %swap3A_704 = arith.index_cast %scan3A_672 : i32 to index
      %swap3A_705 = arith.constant 64 : index
      %swap3A_706 = tpu.vector_load %arg12[%swap3A_703, %swap3A_704, %swap3A_705] {strides = array<i32>} : memref<2x64x128xf32, #tpu.memory_space<vmem>>, vector<1x1x16xf32>,
      %swap3A_707 = vector.shape_cast %swap3A_706 : vector<1x1x16xf32> to vector<16xf32>
      %swap3A_708 = vector.shape_cast %mul3A_701 : vector<16xf32> to vector<1x1x16xf32>
      tpu.vector_store %arg12[%swap3A_703, %swap3A_704, %swap3A_705], %swap3A_708 {strides = array<i32>} : memref<2x64x128xf32, #tpu.memory_space<vmem>>, vector<1x1x16xf32>,
      %add3A_709 = arith.constant 16 : i32
      %add3A_710 = arith.addi %mul3A_1, %add3A_709 : i32
      %get3A_711 = arith.constant 1 : i32
      %get3A_712 = arith.index_cast %get3A_711 : i32 to index
      %get3A_713 = arith.index_cast %scan3A_672 : i32 to index
      %get3A_714 = arith.index_cast %add3A_710 : i32 to index
      %get3A_715 = tpu.vector_load %arg10[%get3A_712, %get3A_713, %get3A_714] {strides = array<i32>} : memref<2x64x128xf32, #tpu.memory_space<vmem>>, vector<1x1x16xf32>,
      %get3A_716 = vector.shape_cast %get3A_715 : vector<1x1x16xf32> to vector<16xf32>
      %add3A_717 = arith.constant 1.000000e+00 : f32
      %add3A_718 = vector.broadcast %add3A_717 : f32 to vector<16xf32>
      %add3A_719 = arith.addf %get3A_716, %add3A_718 : vector<16xf32>
      %max3A_720 = arith.constant 0.000000e+00 : f32
      %max3A_721 = vector.broadcast %max3A_720 : f32 to vector<16xf32>
      %max3A_722 = arith.maximumf %add3A_719, %max3A_721 : vector<16xf32>
      %swap3A_723 = arith.constant 1 : i32
      %swap3A_724 = arith.index_cast %swap3A_723 : i32 to index
      %swap3A_725 = arith.index_cast %scan3A_672 : i32 to index
      %swap3A_726 = arith.constant 16 : index
      %swap3A_727 = tpu.vector_load %arg12[%swap3A_724, %swap3A_725, %swap3A_726] {strides = array<i32>} : memref<2x64x128xf32, #tpu.memory_space<vmem>>, vector<1x1x16xf32>,
      %swap3A_728 = vector.shape_cast %swap3A_727 : vector<1x1x16xf32> to vector<16xf32>
      %swap3A_729 = vector.shape_cast %max3A_722 : vector<16xf32> to vector<1x1x16xf32>
      tpu.vector_store %arg12[%swap3A_724, %swap3A_725, %swap3A_726], %swap3A_729 {strides = array<i32>} : memref<2x64x128xf32, #tpu.memory_space<vmem>>, vector<1x1x16xf32>,
      %add3A_730 = arith.constant 16 : i32
      %add3A_731 = arith.addi %mul3A_1, %add3A_730 : i32
      %get3A_732 = arith.constant 1 : i32
      %get3A_733 = arith.index_cast %get3A_732 : i32 to index
      %get3A_734 = arith.index_cast %scan3A_672 : i32 to index
      %get3A_735 = arith.index_cast %add3A_731 : i32 to index
      %get3A_736 = tpu.vector_load %arg11[%get3A_733, %get3A_734, %get3A_735] {strides = array<i32>} : memref<2x64x128xf32, #tpu.memory_space<vmem>>, vector<1x1x16xf32>,
      %get3A_737 = vector.shape_cast %get3A_736 : vector<1x1x16xf32> to vector<16xf32>
      %mul3A_738 = arith.mulf %max3A_722, %get3A_737 : vector<16xf32>
      %swap3A_739 = arith.constant 1 : i32
      %swap3A_740 = arith.index_cast %swap3A_739 : i32 to index
      %swap3A_741 = arith.index_cast %scan3A_672 : i32 to index
      %swap3A_742 = arith.constant 80 : index
      %swap3A_743 = tpu.vector_load %arg12[%swap3A_740, %swap3A_741, %swap3A_742] {strides = array<i32>} : memref<2x64x128xf32, #tpu.memory_space<vmem>>, vector<1x1x16xf32>,
      %swap3A_744 = vector.shape_cast %swap3A_743 : vector<1x1x16xf32> to vector<16xf32>
      %swap3A_745 = vector.shape_cast %mul3A_738 : vector<16xf32> to vector<1x1x16xf32>
      tpu.vector_store %arg12[%swap3A_740, %swap3A_741, %swap3A_742], %swap3A_745 {strides = array<i32>} : memref<2x64x128xf32, #tpu.memory_space<vmem>>, vector<1x1x16xf32>,
      %add3A_746 = arith.constant 32 : i32
      %add3A_747 = arith.addi %mul3A_1, %add3A_746 : i32
      %get3A_748 = arith.constant 1 : i32
      %get3A_749 = arith.index_cast %get3A_748 : i32 to index
      %get3A_750 = arith.index_cast %scan3A_672 : i32 to index
      %get3A_751 = arith.index_cast %add3A_747 : i32 to index
      %get3A_752 = tpu.vector_load %arg10[%get3A_749, %get3A_750, %get3A_751] {strides = array<i32>} : memref<2x64x128xf32, #tpu.memory_space<vmem>>, vector<1x1x16xf32>,
      %get3A_753 = vector.shape_cast %get3A_752 : vector<1x1x16xf32> to vector<16xf32>
      %add3A_754 = arith.constant 1.000000e+00 : f32
      %add3A_755 = vector.broadcast %add3A_754 : f32 to vector<16xf32>
      %add3A_756 = arith.addf %get3A_753, %add3A_755 : vector<16xf32>
      %max3A_757 = arith.constant 0.000000e+00 : f32
      %max3A_758 = vector.broadcast %max3A_757 : f32 to vector<16xf32>
      %max3A_759 = arith.maximumf %add3A_756, %max3A_758 : vector<16xf32>
      %swap3A_760 = arith.constant 1 : i32
      %swap3A_761 = arith.index_cast %swap3A_760 : i32 to index
      %swap3A_762 = arith.index_cast %scan3A_672 : i32 to index
      %swap3A_763 = arith.constant 32 : index
      %swap3A_764 = tpu.vector_load %arg12[%swap3A_761, %swap3A_762, %swap3A_763] {strides = array<i32>} : memref<2x64x128xf32, #tpu.memory_space<vmem>>, vector<1x1x16xf32>,
      %swap3A_765 = vector.shape_cast %swap3A_764 : vector<1x1x16xf32> to vector<16xf32>
      %swap3A_766 = vector.shape_cast %max3A_759 : vector<16xf32> to vector<1x1x16xf32>
      tpu.vector_store %arg12[%swap3A_761, %swap3A_762, %swap3A_763], %swap3A_766 {strides = array<i32>} : memref<2x64x128xf32, #tpu.memory_space<vmem>>, vector<1x1x16xf32>,
      %add3A_767 = arith.constant 32 : i32
      %add3A_768 = arith.addi %mul3A_1, %add3A_767 : i32
      %get3A_769 = arith.constant 1 : i32
      %get3A_770 = arith.index_cast %get3A_769 : i32 to index
      %get3A_771 = arith.index_cast %scan3A_672 : i32 to index
      %get3A_772 = arith.index_cast %add3A_768 : i32 to index
      %get3A_773 = tpu.vector_load %arg11[%get3A_770, %get3A_771, %get3A_772] {strides = array<i32>} : memref<2x64x128xf32, #tpu.memory_space<vmem>>, vector<1x1x16xf32>,
      %get3A_774 = vector.shape_cast %get3A_773 : vector<1x1x16xf32> to vector<16xf32>
      %mul3A_775 = arith.mulf %max3A_759, %get3A_774 : vector<16xf32>
      %swap3A_776 = arith.constant 1 : i32
      %swap3A_777 = arith.index_cast %swap3A_776 : i32 to index
      %swap3A_778 = arith.index_cast %scan3A_672 : i32 to index
      %swap3A_779 = arith.constant 96 : index
      %swap3A_780 = tpu.vector_load %arg12[%swap3A_777, %swap3A_778, %swap3A_779] {strides = array<i32>} : memref<2x64x128xf32, #tpu.memory_space<vmem>>, vector<1x1x16xf32>,
      %swap3A_781 = vector.shape_cast %swap3A_780 : vector<1x1x16xf32> to vector<16xf32>
      %swap3A_782 = vector.shape_cast %mul3A_775 : vector<16xf32> to vector<1x1x16xf32>
      tpu.vector_store %arg12[%swap3A_777, %swap3A_778, %swap3A_779], %swap3A_782 {strides = array<i32>} : memref<2x64x128xf32, #tpu.memory_space<vmem>>, vector<1x1x16xf32>,
      %add3A_783 = arith.constant 48 : i32
      %add3A_784 = arith.addi %mul3A_1, %add3A_783 : i32
      %get3A_785 = arith.constant 1 : i32
      %get3A_786 = arith.index_cast %get3A_785 : i32 to index
      %get3A_787 = arith.index_cast %scan3A_672 : i32 to index
      %get3A_788 = arith.index_cast %add3A_784 : i32 to index
      %get3A_789 = tpu.vector_load %arg10[%get3A_786, %get3A_787, %get3A_788] {strides = array<i32>} : memref<2x64x128xf32, #tpu.memory_space<vmem>>, vector<1x1x16xf32>,
      %get3A_790 = vector.shape_cast %get3A_789 : vector<1x1x16xf32> to vector<16xf32>
      %add3A_791 = arith.constant 1.000000e+00 : f32
      %add3A_792 = vector.broadcast %add3A_791 : f32 to vector<16xf32>
      %add3A_793 = arith.addf %get3A_790, %add3A_792 : vector<16xf32>
      %max3A_794 = arith.constant 0.000000e+00 : f32
      %max3A_795 = vector.broadcast %max3A_794 : f32 to vector<16xf32>
      %max3A_796 = arith.maximumf %add3A_793, %max3A_795 : vector<16xf32>
      %swap3A_797 = arith.constant 1 : i32
      %swap3A_798 = arith.index_cast %swap3A_797 : i32 to index
      %swap3A_799 = arith.index_cast %scan3A_672 : i32 to index
      %swap3A_800 = arith.constant 48 : index
      %swap3A_801 = tpu.vector_load %arg12[%swap3A_798, %swap3A_799, %swap3A_800] {strides = array<i32>} : memref<2x64x128xf32, #tpu.memory_space<vmem>>, vector<1x1x16xf32>,
      %swap3A_802 = vector.shape_cast %swap3A_801 : vector<1x1x16xf32> to vector<16xf32>
      %swap3A_803 = vector.shape_cast %max3A_796 : vector<16xf32> to vector<1x1x16xf32>
      tpu.vector_store %arg12[%swap3A_798, %swap3A_799, %swap3A_800], %swap3A_803 {strides = array<i32>} : memref<2x64x128xf32, #tpu.memory_space<vmem>>, vector<1x1x16xf32>,
      %add3A_804 = arith.constant 48 : i32
      %add3A_805 = arith.addi %mul3A_1, %add3A_804 : i32
      %get3A_806 = arith.constant 1 : i32
      %get3A_807 = arith.index_cast %get3A_806 : i32 to index
      %get3A_808 = arith.index_cast %scan3A_672 : i32 to index
      %get3A_809 = arith.index_cast %add3A_805 : i32 to index
      %get3A_810 = tpu.vector_load %arg11[%get3A_807, %get3A_808, %get3A_809] {strides = array<i32>} : memref<2x64x128xf32, #tpu.memory_space<vmem>>, vector<1x1x16xf32>,
      %get3A_811 = vector.shape_cast %get3A_810 : vector<1x1x16xf32> to vector<16xf32>
      %mul3A_812 = arith.mulf %max3A_796, %get3A_811 : vector<16xf32>
      %swap3A_813 = arith.constant 1 : i32
      %swap3A_814 = arith.index_cast %swap3A_813 : i32 to index
      %swap3A_815 = arith.index_cast %scan3A_672 : i32 to index
      %swap3A_816 = arith.constant 112 : index
      %swap3A_817 = tpu.vector_load %arg12[%swap3A_814, %swap3A_815, %swap3A_816] {strides = array<i32>} : memref<2x64x128xf32, #tpu.memory_space<vmem>>, vector<1x1x16xf32>,
      %swap3A_818 = vector.shape_cast %swap3A_817 : vector<1x1x16xf32> to vector<16xf32>
      %swap3A_819 = vector.shape_cast %mul3A_812 : vector<16xf32> to vector<1x1x16xf32>
      tpu.vector_store %arg12[%swap3A_814, %swap3A_815, %swap3A_816], %swap3A_819 {strides = array<i32>} : memref<2x64x128xf32, #tpu.memory_space<vmem>>, vector<1x1x16xf32>,
    }
    %scan3A_612 = arith.constant 64 : i32
    %get3A_613 = arith.constant 1 : i32
    %get3A_614 = arith.index_cast %get3A_613 : i32 to index
    %get3A_615 = arith.constant 0 : index
    %get3A_616 = tpu.vector_load %arg8[%get3A_614, %get3A_615] {strides = array<i32>} : memref<2x64xi32, #tpu.memory_space<vmem>>, vector<1x16xi32>,
    %get3A_617 = vector.shape_cast %get3A_616 : vector<1x16xi32> to vector<16xi32>
    %swap3A_618 = arith.constant 1 : i32
    %swap3A_619 = arith.index_cast %swap3A_618 : i32 to index
    %swap3A_620 = arith.constant 0 : index
    %swap3A_621 = tpu.vector_load %arg9[%swap3A_619, %swap3A_620] {strides = array<i32>} : memref<2x64xi32, #tpu.memory_space<vmem>>, vector<1x16xi32>,
    %swap3A_622 = vector.shape_cast %swap3A_621 : vector<1x16xi32> to vector<16xi32>
    %swap3A_623 = vector.shape_cast %get3A_617 : vector<16xi32> to vector<1x16xi32>
    tpu.vector_store %arg9[%swap3A_619, %swap3A_620], %swap3A_623 {strides = array<i32>} : memref<2x64xi32, #tpu.memory_space<vmem>>, vector<1x16xi32>,
    %get3A_624 = arith.constant 1 : i32
    %get3A_625 = arith.index_cast %get3A_624 : i32 to index
    %get3A_626 = arith.constant 16 : index
    %get3A_627 = tpu.vector_load %arg8[%get3A_625, %get3A_626] {strides = array<i32>} : memref<2x64xi32, #tpu.memory_space<vmem>>, vector<1x16xi32>,
    %get3A_628 = vector.shape_cast %get3A_627 : vector<1x16xi32> to vector<16xi32>
    %swap3A_629 = arith.constant 1 : i32
    %swap3A_630 = arith.index_cast %swap3A_629 : i32 to index
    %swap3A_631 = arith.constant 16 : index
    %swap3A_632 = tpu.vector_load %arg9[%swap3A_630, %swap3A_631] {strides = array<i32>} : memref<2x64xi32, #tpu.memory_space<vmem>>, vector<1x16xi32>,
    %swap3A_633 = vector.shape_cast %swap3A_632 : vector<1x16xi32> to vector<16xi32>
    %swap3A_634 = vector.shape_cast %get3A_628 : vector<16xi32> to vector<1x16xi32>
    tpu.vector_store %arg9[%swap3A_630, %swap3A_631], %swap3A_634 {strides = array<i32>} : memref<2x64xi32, #tpu.memory_space<vmem>>, vector<1x16xi32>,
    %dma_start3A_635 = arith.constant 1 : i32
    %dma_start3A_636 = arith.constant 1 : i32
    %dma_start3A_637 = arith.constant 0 : i32
    %dma_start3A_638 = arith.constant 0 : i32
    %dma_start3A_639 = tpu.memref_slice %arg12[%dma_start3A_635, %dma_start3A_637, %dma_start3A_638] : memref<2x64x128xf32, #tpu.memory_space<vmem>> -> memref<1x32x128xf32, #tpu.memory_space<vmem>>
    %dma_start3A_640 = tpu.memref_squeeze %dma_start3A_639 : memref<1x32x128xf32, #tpu.memory_space<vmem>> -> memref<32x128xf32, #tpu.memory_space<vmem>>
    %dma_start3A_641 = arith.constant 0 : i32
    %dma_start3A_642 = tpu.memref_slice %arg9[%dma_start3A_636, %dma_start3A_641] : memref<2x64xi32, #tpu.memory_space<vmem>> -> memref<1x32xi32, #tpu.memory_space<vmem>>
    %dma_start3A_643 = tpu.memref_squeeze %dma_start3A_642 : memref<1x32xi32, #tpu.memory_space<vmem>> -> memref<32xi32, #tpu.memory_space<vmem>>
    %dma_start3A_644 = arith.constant 0 : i32
    %dma_start3A_645 = arith.constant 0 : i32
    %dma_start3A_646 = tpu.memref_slice %arg6[%dma_start3A_644, %dma_start3A_645] : memref<10112x128xf32, #tpu.memory_space<vmem_shared>> -> memref<10112x128xf32, #tpu.memory_space<vmem_shared>>
    tpu.enqueue_indirect_dma source(%dma_start3A_640 : memref<32x128xf32, #tpu.memory_space<vmem>>) target(%dma_start3A_646 : memref<10112x128xf32, #tpu.memory_space<vmem_shared>>) offsets(%dma_start3A_643 : memref<32xi32, #tpu.memory_space<vmem>>) semaphore(%arg20 : memref<!tpu.dma_semaphore, #tpu.memory_space<semaphore_mem>>) {add = true}
    %dma_wait3A_647 = arith.constant 0 : i32
    %dma_wait3A_648 = arith.constant 0 : i32
    %dma_wait3A_649 = arith.constant 0 : i32
    %dma_wait3A_650 = arith.constant 0 : i32
    %dma_wait3A_651 = tpu.memref_slice %arg12[%dma_wait3A_647, %dma_wait3A_649, %dma_wait3A_650] : memref<2x64x128xf32, #tpu.memory_space<vmem>> -> memref<1x32x128xf32, #tpu.memory_space<vmem>>
    %dma_wait3A_652 = tpu.memref_squeeze %dma_wait3A_651 : memref<1x32x128xf32, #tpu.memory_space<vmem>> -> memref<32x128xf32, #tpu.memory_space<vmem>>
    %dma_wait3A_653 = arith.constant 0 : i32
    %dma_wait3A_654 = tpu.memref_slice %arg9[%dma_wait3A_648, %dma_wait3A_653] : memref<2x64xi32, #tpu.memory_space<vmem>> -> memref<1x32xi32, #tpu.memory_space<vmem>>
    %dma_wait3A_655 = tpu.memref_squeeze %dma_wait3A_654 : memref<1x32xi32, #tpu.memory_space<vmem>> -> memref<32xi32, #tpu.memory_space<vmem>>
    %dma_wait3A_656 = arith.constant 0 : i32
    %dma_wait3A_657 = arith.constant 0 : i32
    %dma_wait3A_658 = tpu.memref_slice %arg6[%dma_wait3A_656, %dma_wait3A_657] : memref<10112x128xf32, #tpu.memory_space<vmem_shared>> -> memref<10112x128xf32, #tpu.memory_space<vmem_shared>>
    tpu.wait_indirect_dma semaphore(%arg19 : memref<!tpu.dma_semaphore, #tpu.memory_space<semaphore_mem>>) src(%dma_wait3A_652 : memref<32x128xf32, #tpu.memory_space<vmem>>) dst(%dma_wait3A_658 : memref<10112x128xf32, #tpu.memory_space<vmem_shared>>)
    %dma_wait3A_659 = arith.constant 1 : i32
    %dma_wait3A_660 = arith.constant 1 : i32
    %dma_wait3A_661 = arith.constant 0 : i32
    %dma_wait3A_662 = arith.constant 0 : i32
    %dma_wait3A_663 = tpu.memref_slice %arg12[%dma_wait3A_659, %dma_wait3A_661, %dma_wait3A_662] : memref<2x64x128xf32, #tpu.memory_space<vmem>> -> memref<1x32x128xf32, #tpu.memory_space<vmem>>
    %dma_wait3A_664 = tpu.memref_squeeze %dma_wait3A_663 : memref<1x32x128xf32, #tpu.memory_space<vmem>> -> memref<32x128xf32, #tpu.memory_space<vmem>>
    %dma_wait3A_665 = arith.constant 0 : i32
    %dma_wait3A_666 = tpu.memref_slice %arg9[%dma_wait3A_660, %dma_wait3A_665] : memref<2x64xi32, #tpu.memory_space<vmem>> -> memref<1x32xi32, #tpu.memory_space<vmem>>
    %dma_wait3A_667 = tpu.memref_squeeze %dma_wait3A_666 : memref<1x32xi32, #tpu.memory_space<vmem>> -> memref<32xi32, #tpu.memory_space<vmem>>
    %dma_wait3A_668 = arith.constant 0 : i32
    %dma_wait3A_669 = arith.constant 0 : i32
    %dma_wait3A_670 = tpu.memref_slice %arg6[%dma_wait3A_668, %dma_wait3A_669] : memref<10112x128xf32, #tpu.memory_space<vmem_shared>> -> memref<10112x128xf32, #tpu.memory_space<vmem_shared>>
    tpu.wait_indirect_dma semaphore(%arg20 : memref<!tpu.dma_semaphore, #tpu.memory_space<semaphore_mem>>) src(%dma_wait3A_664 : memref<32x128xf32, #tpu.memory_space<vmem>>) dst(%dma_wait3A_670 : memref<10112x128xf32, #tpu.memory_space<vmem_shared>>)
    %barrier3A_671 = arith.constant 0 : index
    tpu.barrier barrier_id(%barrier3A_671)
    "tpu.region"() ({
      %run_scoped3A_672 = tpu.sem_alloc : memref<!tpu.dma_semaphore, #tpu.memory_space<semaphore_mem>>
      %dma_start3A_673 = arith.constant 0 : i32
      %dma_start3A_674 = tpu.memref_slice %arg5[%arg0, %mul3A_12, %dma_start3A_673] : memref<2x10112x128xf32, #tpu.memory_space<hbm>> -> memref<1x632x128xf32, #tpu.memory_space<hbm>>
      %dma_start3A_675 = tpu.memref_squeeze %dma_start3A_674 : memref<1x632x128xf32, #tpu.memory_space<hbm>> -> memref<632x128xf32, #tpu.memory_space<hbm>>
      %dma_start3A_676 = arith.constant 0 : i32
      %dma_start3A_677 = tpu.memref_slice %arg6[%mul3A_12, %dma_start3A_676] : memref<10112x128xf32, #tpu.memory_space<vmem_shared>> -> memref<632x128xf32, #tpu.memory_space<vmem_shared>>
      tpu.enqueue_dma source(%dma_start3A_677 : memref<632x128xf32, #tpu.memory_space<vmem_shared>>) target(%dma_start3A_675 : memref<632x128xf32, #tpu.memory_space<hbm>>) target_semaphore(%run_scoped3A_672 : memref<!tpu.dma_semaphore, #tpu.memory_space<semaphore_mem>>)
      %dma_wait3A_678 = arith.constant 0 : i32
      %dma_wait3A_679 = tpu.memref_slice %arg5[%arg0, %mul3A_12, %dma_wait3A_678] : memref<2x10112x128xf32, #tpu.memory_space<hbm>> -> memref<1x632x128xf32, #tpu.memory_space<hbm>>
      %dma_wait3A_680 = tpu.memref_squeeze %dma_wait3A_679 : memref<1x632x128xf32, #tpu.memory_space<hbm>> -> memref<632x128xf32, #tpu.memory_space<hbm>>
      %dma_wait3A_681 = arith.constant 0 : i32
      %dma_wait3A_682 = tpu.memref_slice %arg6[%mul3A_12, %dma_wait3A_681] : memref<10112x128xf32, #tpu.memory_space<vmem_shared>> -> memref<632x128xf32, #tpu.memory_space<vmem_shared>>
      tpu.wait_dma2 semaphore(%run_scoped3A_672 : memref<!tpu.dma_semaphore, #tpu.memory_space<semaphore_mem>>) src(%dma_wait3A_682 : memref<632x128xf32, #tpu.memory_space<vmem_shared>>) dst(%dma_wait3A_680 : memref<632x128xf32, #tpu.memory_space<hbm>>)
      tpu.yield
    }) : () -> ()
    return
  }
}

module attributes {stable_mosaic.version = 14 : i64} {
  func.func @_h_body(%arg0: i32, %arg1: memref<2000x128xf32, #tpu.memory_space<vmem>>, %arg2: memref<2000x1xf32, #tpu.memory_space<vmem>>, %arg3: memref<2000x128xf32, #tpu.memory_space<vmem>>) attributes {dimension_semantics = [#tpu.dimension_semantics<arbitrary>], iteration_bounds = array<i64: 5>, scalar_prefetch = 0 : i64, scratch_operands = 0 : i64, tpu.core_type = #tpu.core_type<tc>, window_params = [{transform_indices = @transform_0, window_bounds = array<i64: 2000, 128>}, {transform_indices = @transform_1, window_bounds = array<i64: 2000, 1>}, {transform_indices = @transform_2, window_bounds = array<i64: 2000, 128>}]} {
    %get3A = arith.constant 0 : index
    %get3A_0 = arith.constant 0 : index
    %get3A_1 = vector.load %arg2[%get3A, %get3A_0] : memref<2000x1xf32, #tpu.memory_space<vmem>>, vector<2000x1xf32>
    %gt3A = arith.constant 0.000000e+00 : f32
    %gt3A_2 = vector.broadcast %gt3A : f32 to vector<2000x1xf32>
    %gt3A_3 = arith.cmpf ogt, %get3A_1, %gt3A_2 : vector<2000x1xf32>
    %max3A = arith.constant 1.000000e-30 : f32
    %max3A_4 = vector.broadcast %max3A : f32 to vector<2000x1xf32>
    %max3A_5 = arith.maximumf %get3A_1, %max3A_4 : vector<2000x1xf32>
    %rsqrt3A = math.rsqrt %max3A_5 : vector<2000x1xf32>
    %jit3A = arith.constant 0.000000e+00 : f32
    %broadcast_in_dim3A = vector.broadcast %jit3A : f32 to vector<2000x1xf32>
    %select_n3A = arith.select %gt3A_3, %rsqrt3A, %broadcast_in_dim3A : vector<2000x1xi1>, vector<2000x1xf32>
    %get3A_6 = arith.constant 0 : index
    %get3A_7 = arith.constant 0 : index
    %get3A_8 = vector.load %arg1[%get3A_6, %get3A_7] : memref<2000x128xf32, #tpu.memory_space<vmem>>, vector<2000x128xf32>
    %mul3A = vector.broadcast %select_n3A : vector<2000x1xf32> to vector<2000x128xf32>
    %mul3A_9 = arith.mulf %get3A_8, %mul3A : vector<2000x128xf32>
    %swap3A = arith.constant 0 : index
    %swap3A_10 = arith.constant 0 : index
    %swap3A_11 = vector.load %arg3[%swap3A, %swap3A_10] : memref<2000x128xf32, #tpu.memory_space<vmem>>, vector<2000x128xf32>
    tpu.vector_store %arg3[%swap3A, %swap3A_10], %mul3A_9 {strides = array<i32>} : memref<2000x128xf32, #tpu.memory_space<vmem>>, vector<2000x128xf32>,
    return
  }
  func.func @transform_0(%arg0: i32) -> (i32, i32) {
    %c0_i32 = arith.constant 0 : i32
    %c0_i32_0 = arith.constant 0 : i32
    return %arg0, %c0_i32 : i32, i32
  }
  func.func @transform_1(%arg0: i32) -> (i32, i32) {
    %c0_i32 = arith.constant 0 : i32
    %c0_i32_0 = arith.constant 0 : i32
    return %arg0, %c0_i32 : i32, i32
  }
  func.func @transform_2(%arg0: i32) -> (i32, i32) {
    %c0_i32 = arith.constant 0 : i32
    %c0_i32_0 = arith.constant 0 : i32
    return %arg0, %c0_i32 : i32, i32
  }
}

module attributes {stable_mosaic.version = 14 : i64} {
  func.func @_out_body(%arg0: i32, %arg1: memref<2x2000x128xf32, #tpu.memory_space<vmem>>, %arg2: memref<2000x1xf32, #tpu.memory_space<vmem>>, %arg3: memref<128x128xf32, #tpu.memory_space<vmem>>, %arg4: memref<1x128xf32, #tpu.memory_space<vmem>>, %arg5: memref<2000x128xf32, #tpu.memory_space<vmem>>) attributes {dimension_semantics = [#tpu.dimension_semantics<arbitrary>], iteration_bounds = array<i64: 5>, scalar_prefetch = 0 : i64, scratch_operands = 0 : i64, tpu.core_type = #tpu.core_type<tc>, window_params = [{transform_indices = @transform_0, window_bounds = array<i64: 2, 2000, 128>}, {transform_indices = @transform_1, window_bounds = array<i64: 2000, 1>}, {pipeline_mode = #tpu.pipeline_mode<synchronous>, transform_indices = @transform_2, window_bounds = array<i64: 128, 128>}, {pipeline_mode = #tpu.pipeline_mode<synchronous>, transform_indices = @transform_3, window_bounds = array<i64: 1, 128>}, {transform_indices = @transform_4, window_bounds = array<i64: 2000, 128>}]} {
    %get3A = arith.constant 0 : index
    %get3A_0 = arith.constant 0 : index
    %get3A_1 = arith.constant 0 : index
    %get3A_2 = vector.load %arg1[%get3A, %get3A_0, %get3A_1] : memref<2x2000x128xf32, #tpu.memory_space<vmem>>, vector<1x2000x64xf32>
    %get3A_3 = vector.shape_cast %get3A_2 : vector<1x2000x64xf32> to vector<2000x64xf32>
    %get3A_4 = arith.constant 1 : index
    %get3A_5 = arith.constant 0 : index
    %get3A_6 = arith.constant 0 : index
    %get3A_7 = vector.load %arg1[%get3A_4, %get3A_5, %get3A_6] : memref<2x2000x128xf32, #tpu.memory_space<vmem>>, vector<1x2000x64xf32>
    %get3A_8 = vector.shape_cast %get3A_7 : vector<1x2000x64xf32> to vector<2000x64xf32>
    %concatenate3A = tpu.concatenate %get3A_3, %get3A_8 in 1 : vector<2000x64xf32>, vector<2000x64xf32> -> vector<2000x128xf32>
    %get3A_9 = arith.constant 0 : index
    %get3A_10 = arith.constant 0 : index
    %get3A_11 = arith.constant 64 : index
    %get3A_12 = vector.load %arg1[%get3A_9, %get3A_10, %get3A_11] : memref<2x2000x128xf32, #tpu.memory_space<vmem>>, vector<1x2000x64xf32>
    %get3A_13 = vector.shape_cast %get3A_12 : vector<1x2000x64xf32> to vector<2000x64xf32>
    %get3A_14 = arith.constant 1 : index
    %get3A_15 = arith.constant 0 : index
    %get3A_16 = arith.constant 64 : index
    %get3A_17 = vector.load %arg1[%get3A_14, %get3A_15, %get3A_16] : memref<2x2000x128xf32, #tpu.memory_space<vmem>>, vector<1x2000x64xf32>
    %get3A_18 = vector.shape_cast %get3A_17 : vector<1x2000x64xf32> to vector<2000x64xf32>
    %concatenate3A_19 = tpu.concatenate %get3A_13, %get3A_18 in 1 : vector<2000x64xf32>, vector<2000x64xf32> -> vector<2000x128xf32>
    %get3A_20 = arith.constant 0 : index
    %get3A_21 = arith.constant 0 : index
    %get3A_22 = vector.load %arg2[%get3A_20, %get3A_21] : memref<2000x1xf32, #tpu.memory_space<vmem>>, vector<2000x1xf32>
    %gt3A = arith.constant 0.000000e+00 : f32
    %gt3A_23 = vector.broadcast %gt3A : f32 to vector<2000x128xf32>
    %gt3A_24 = arith.cmpf ogt, %concatenate3A, %gt3A_23 : vector<2000x128xf32>
    %sqrt3A = math.sqrt %get3A_22 : vector<2000x1xf32>
    %gt3A_25 = arith.constant 0.000000e+00 : f32
    %gt3A_26 = vector.broadcast %gt3A_25 : f32 to vector<2000x128xf32>
    %gt3A_27 = arith.cmpf ogt, %concatenate3A, %gt3A_26 : vector<2000x128xf32>
    %jit3A = arith.constant 1.000000e+00 : f32
    %broadcast_in_dim3A = vector.broadcast %jit3A : f32 to vector<2000x128xf32>
    %select_n3A = arith.select %gt3A_27, %concatenate3A, %broadcast_in_dim3A : vector<2000x128xi1>, vector<2000x128xf32>
    %div3A = vector.broadcast %sqrt3A : vector<2000x1xf32> to vector<2000x128xf32>
    %div3A_28 = arith.divf %div3A, %select_n3A : vector<2000x128xf32>
    %jit3A_29 = arith.constant 0.000000e+00 : f32
    %broadcast_in_dim3A_30 = vector.broadcast %jit3A_29 : f32 to vector<2000x128xf32>
    %select_n3A_31 = arith.select %gt3A_24, %div3A_28, %broadcast_in_dim3A_30 : vector<2000x128xi1>, vector<2000x128xf32>
    %mul3A = arith.mulf %select_n3A_31, %concatenate3A_19 : vector<2000x128xf32>
    %get3A_32 = arith.constant 0 : index
    %get3A_33 = arith.constant 0 : index
    %get3A_34 = vector.load %arg3[%get3A_32, %get3A_33] : memref<128x128xf32, #tpu.memory_space<vmem>>, vector<128x128xf32>
    %dot_general3A = arith.constant dense<0.000000e+00> : vector<2000x128xf32>
    %dot_general3A_35 = tpu.matmul %mul3A, %get3A_34, %dot_general3A {dimension_numbers = #tpu.dot_dimension_numbers<[1], [0], [0], [1], [0, 0, 1, 1], [], []>, transpose_lhs_hint = false} : vector<2000x128xf32>, vector<128x128xf32>, vector<2000x128xf32> -> vector<2000x128xf32>
    %get3A_36 = arith.constant 0 : index
    %get3A_37 = arith.constant 0 : index
    %get3A_38 = vector.load %arg4[%get3A_36, %get3A_37] : memref<1x128xf32, #tpu.memory_space<vmem>>, vector<1x128xf32>
    %add3A = vector.broadcast %get3A_38 : vector<1x128xf32> to vector<2000x128xf32>
    %add3A_39 = arith.addf %dot_general3A_35, %add3A : vector<2000x128xf32>
    %swap3A = arith.constant 0 : index
    %swap3A_40 = arith.constant 0 : index
    %swap3A_41 = vector.load %arg5[%swap3A, %swap3A_40] : memref<2000x128xf32, #tpu.memory_space<vmem>>, vector<2000x128xf32>
    tpu.vector_store %arg5[%swap3A, %swap3A_40], %add3A_39 {strides = array<i32>} : memref<2000x128xf32, #tpu.memory_space<vmem>>, vector<2000x128xf32>,
    return
  }
  func.func @transform_0(%arg0: i32) -> (i32, i32, i32) {
    %c0_i32 = arith.constant 0 : i32
    %c0_i32_0 = arith.constant 0 : i32
    %c0_i32_1 = arith.constant 0 : i32
    return %c0_i32, %arg0, %c0_i32_0 : i32, i32, i32
  }
  func.func @transform_1(%arg0: i32) -> (i32, i32) {
    %c0_i32 = arith.constant 0 : i32
    %c0_i32_0 = arith.constant 0 : i32
    return %arg0, %c0_i32 : i32, i32
  }
  func.func @transform_2(%arg0: i32) -> (i32, i32) {
    %c0_i32 = arith.constant 0 : i32
    %c0_i32_0 = arith.constant 0 : i32
    %c0_i32_1 = arith.constant 0 : i32
    return %c0_i32, %c0_i32_0 : i32, i32
  }
  func.func @transform_3(%arg0: i32) -> (i32, i32) {
    %c0_i32 = arith.constant 0 : i32
    %c0_i32_0 = arith.constant 0 : i32
    %c0_i32_1 = arith.constant 0 : i32
    return %c0_i32, %c0_i32_0 : i32, i32
  }
  func.func @transform_4(%arg0: i32) -> (i32, i32) {
    %c0_i32 = arith.constant 0 : i32
    %c0_i32_0 = arith.constant 0 : i32
    return %arg0, %c0_i32 : i32, i32
  }
}

</mosaic_0001>

<sc_bundles>
// kernel: kernel.6.cloned.1.call-start
scs
__scs_entry_jumppad:
0x0: {  	(pc) =	sbr.rel $0x88, $3  }
0x1: {  	(tag) =	ssettag $0x0;
	lr =	simm.s32 $0x1  }
0x2: {  	[smem:$0x3F9C] =	sst lr;
	_ =	strace $0xD0000000  }
0x3: {  	_ = 	snop  }
0x4: {  	_ = 	snop  }
0x5: {  	_ = 	snop  }
0x6: {  	_ = 	snop  }
0x7: {  	_ = 	snop  }
__scs_overlays_trampoline_lowered:
0x8: {  	[smem:$0x3FAB] =	sst s0  }
0x9: {  	[smem:$0x3FAC] =	sst s1  }
0xa: {  	[smem:$0x3FAD] =	sst s2  }
0xb: {  	[smem:$0x3FAE] =	sst s3  }
0xc: {  	[smem:$0x3FAF] =	sst s4  }
0xd: {  	[smem:$0x3FB0] =	sst s5  }
0xe: {  	[smem:$0x3FB1] =	sst s6  }
0xf: {  	[smem:$0x3FB2] =	sst s7  }
0x10: {  	[smem:$0x3FB3] =	sst s8  }
0x11: {  	[smem:$0x3FB4] =	sst s9;
	s0 =	simm.s32 @!p0 $0x0  }
0x12: {  	s1 =	sld [smem:$0x3F9A];
	s0 =	simm.s32 @p0 $0x1  }
0x13: {  	[smem:$0x3FB5] =	sst s0;
	s0 =	simm.s32 @!p1 $0x0  }
0x14: {  	s2 =	sld [smem:$0x3F99];
	s0 =	simm.s32 @p1 $0x1  }
0x15: {  	[smem:$0x3FB6] =	sst s0;
	s0 =	simm.s32 @!p2 $0x0  }
0x16: {  	s3 =	sld [smem:$0x3FDB];
	s0 =	simm.s32 @p2 $0x1  }
0x17: {  	s4 =	simm.s32 $0x1BF5;
	[smem:$0x3FB8] =	sst s0  }
0x18: {  	s0 =	sld [smem:$0x3F9B];
	_ =	swait.ge [sflag:s4], $0x0  }
0x19: {  	s7 =	sld [smem:$0x3F9C]  }
0x1a: {  	s8 =	sadd.s32 $0xFFFFE003, lr  }
0x1b: {  	s9 =	sadd.s32 $0xFFFFFEF7, lr;
	s5 =	simm.s32 $0xFFFFFFFF;
	p2 =	slt.u32 s8, $0xFFFFF086  }
0x1c: {  	p1 =	slt.u32 s9, $0xF7A;
	s5 =	simm.s32 @!p2 $0x0  }
0x1d: {  	s5 =	simm.s32 @p1 $0x1;
	p0 =	seq.s32 s7, s2  }
0x1e: {  	s7 =	smul.u32 @!p0 $0xF7A, s2;
	p2 =	seq.s32 @!p0 s5, $0x0  }
0x1f: {  	s9 =	smul.u32 $0xF7A, s1;
	s8 =	simm.s32 @!p0 $0x1BF5;
	p2 =	por !p2, p0  }
0x20: {  	[sflag:s8] =	ssyncset.s32 @!p0 $0xFFFFF086;
	s6 =	sadd.s32 @!p0 s3, s7;
	s7 =	simm.s32 @!p0 $0x108  }
0x21: {  	s3 =	sadd.s32 s3, s9;
	s6 =	sadd.s32 @!p0 $0x88, s6;
	s7 =	simm.s32 @p2 $0x1082  }
0x22: {  	[simem:s7], [sflag:s8] =	dma.local @!p0 [hbm:s6], $0xF7A  }
0x23: {  	s9 =	sor.u32 $0xD0000000, s2;
	s6 =	simm.s32 $0x108;
	_ =	swait.ge @!p0 [sflag:s8], $0x0  }
0x24: {  	s3 =	sadd.s32 $0x88, s3;
	s6 =	simm.s32 @!p1 $0x1082;
	[sflag:s4] =	ssyncset.s32 $0xFFFFF086  }
0x25: {  	[simem:s6], [sflag:s4] =	dma.local [hbm:s3], $0xF7A  }
0x26: {  	[smem:$0x3F9C] =	sst s1;
	(tag) =	ssettag s2;
	_ =	strace s9  }
0x27: {  	s1 =	sld [smem:$0x3FAC]  }
0x28: {  	s2 =	sld [smem:$0x3FAD]  }
0x29: {  	s4 =	sld [smem:$0x3FAF]  }
0x2a: {  	p0 =	seq.s32 s5, $0x0;
	s5 =	sld [smem:$0x3FB0]  }
0x2b: {  	s6 =	sld [smem:$0x3FB1]  }
0x2c: {  	s7 =	sld [smem:$0x3FB2]  }
0x2d: {  	s3 =	simm.s32 $0x108;
	s8 =	sld [smem:$0x3FB3]  }
0x2e: {  	s3 =	simm.s32 @!p0 $0x1082;
	s9 =	sld [smem:$0x3FB4]  }
0x2f: {  	lr =	sadd.s32 s0, s3;
	s0 =	sld [smem:$0x3FAB]  }
0x30: {  	s3 =	sld [smem:$0x3FAE]  }
0x31: {  	[smem:$0x3FB7] =	sst s10  }
0x32: {  	s10 =	sld [smem:$0x3FB5];
	_ =	sdelay $0x3  }
0x33: {  	p0 =	seq.s32 s10, $0x1;
	s10 =	sld [smem:$0x3FB7];
	_ =	sdelay $0x3  }
0x34: {  	[smem:$0x3FB7] =	sst s10  }
0x35: {  	s10 =	sld [smem:$0x3FB6];
	_ =	sdelay $0x3  }
0x36: {  	p1 =	seq.s32 s10, $0x1;
	s10 =	sld [smem:$0x3FB7];
	_ =	sdelay $0x3  }
0x37: {  	[smem:$0x3FB7] =	sst s10  }
0x38: {  	s10 =	sld [smem:$0x3FB8]  }
0x39: {  	_ = 	snop;
	(pc) =	sbr.ind lr, $3  }
0x3a: {  	_ = 	snop  }
0x3b: {  	_ = 	snop  }
0x3c: {  	p2 =	seq.s32 s10, $0x1;
	s10 =	sld [smem:$0x3FB7]  }
0x3d: {  	_ =	shalt  }
0x3e: {  	_ =	shalt  }
0x3f: {  	_ =	shalt  }
0x40: {  	_ =	shalt  }
0x41: {  	_ =	shalt  }
0x42: {  	_ =	shalt  }
0x43: {  	_ =	shalt  }
0x44: {  	_ =	shalt  }
0x45: {  	_ =	shalt  }
0x46: {  	_ =	shalt  }
0x47: {  	_ =	shalt  }
0x48: {  	_ =	shalt  }
0x49: {  	_ =	shalt  }
0x4a: {  	_ =	shalt  }
0x4b: {  	_ =	shalt  }
0x4c: {  	_ =	shalt  }
0x4d: {  	_ =	shalt  }
0x4e: {  	_ =	shalt  }
0x4f: {  	_ =	shalt  }
0x50: {  	_ =	shalt  }
0x51: {  	_ =	shalt  }
0x52: {  	_ =	shalt  }
0x53: {  	_ =	shalt  }
0x54: {  	_ =	shalt  }
0x55: {  	_ =	shalt  }
0x56: {  	_ =	shalt  }
0x57: {  	_ =	shalt  }
0x58: {  	_ =	shalt  }
0x59: {  	_ =	shalt  }
0x5a: {  	_ =	shalt  }
0x5b: {  	_ =	shalt  }
0x5c: {  	_ =	shalt  }
0x5d: {  	_ =	shalt  }
0x5e: {  	_ =	shalt  }
0x5f: {  	_ =	shalt  }
0x60: {  	_ =	shalt  }
0x61: {  	_ =	shalt  }
0x62: {  	_ =	shalt  }
0x63: {  	_ =	shalt  }
0x64: {  	_ =	shalt  }
0x65: {  	_ =	shalt  }
0x66: {  	_ =	shalt  }
0x67: {  	_ =	shalt  }
0x68: {  	_ =	shalt  }
0x69: {  	_ =	shalt  }
0x6a: {  	_ =	shalt  }
0x6b: {  	_ =	shalt  }
0x6c: {  	_ =	shalt  }
0x6d: {  	_ =	shalt  }
0x6e: {  	_ =	shalt  }
0x6f: {  	_ =	shalt  }
0x70: {  	_ =	shalt  }
0x71: {  	_ =	shalt  }
0x72: {  	_ =	shalt  }
0x73: {  	_ =	shalt  }
0x74: {  	_ =	shalt  }
0x75: {  	_ =	shalt  }
0x76: {  	_ =	shalt  }
0x77: {  	_ =	shalt  }
0x78: {  	_ =	shalt  }
0x79: {  	_ =	shalt  }
0x7a: {  	_ =	shalt  }
0x7b: {  	_ =	shalt  }
0x7c: {  	_ =	shalt  }
0x7d: {  	_ =	shalt  }
0x7e: {  	_ =	shalt  }
0x7f: {  	_ =	shalt  }
0x80: {  	_ =	shalt  }
0x81: {  	_ =	shalt  }
0x82: {  	_ =	shalt  }
0x83: {  	_ =	shalt  }
0x84: {  	_ =	shalt  }
0x85: {  	_ =	shalt  }
0x86: {  	_ =	shalt  }
0x87: {  	_ =	shalt  }
.Lfunc_end0:
.L_simem_size_0:
called_computation_lowered:
.L_overlay_start_0:
0x88: {  	s2 =	sld [smem:$0x3FD9]  }
0x89: {  	s3 =	sld [smem:$0x3FFE];
	_ =	sdelay $0x1  }
0x8a: {  	s1 =	srdreg.scid  }
0x8b: {  	s0 =	sand.u32 $0x1, s1  }
0x8c: {  	s17 =	sshll.u32 s0, $0xA;
	s2 =	sadd.s32 s3, s2  }
0x8d: {  	s2 =	sadd.s32 s2, s17  }
0x8e: {  	[smem:$0x3FC3] =	sst s2  }
0x8f: {  	_ = 	snop  }
0x90: {  	s2 =	sld [smem:$0x3FD0];
	(tm) =	ssettm $0x1  }
0x91: {  	s18 =	sld [smem:$0x3FFB];
	_ =	sdelay $0x3  }
0x92: {  	_ =	strace s18  }
0x93: {  	s3 =	sld [smem:$0x3FFC];
	_ =	sdelay $0x3  }
0x94: {  	_ =	strace s3  }
0x95: {  	s3 =	sld [smem:$0x3FFD];
	_ =	sdelay $0x3  }
0x96: {  	_ =	strace s3  }
0x97: {  	_ =	strace $0x8FFFFFFF  }
0x98: {  	s19 =	sld [smem:$0x3FDB];
	_ =	sdelay $0x1  }
0x99: {  	s4 =	simm.s32 $_scs_section_size  }
0x9a: {  	s5 =	simm.s32 $_size__tile_overlayer_lowered;
	s6 =	simm.s32 $_tile_overlayer_lowered  }
0x9b: {  	s22 =	simm.s32 $0x1BFF;
	s21 =	sshll.u32 s6, $0x1;
	s3 =	sadd.s32 s4, s19  }
0x9c: {  	s7 =	simm.s32 $0x0;
	s20 =	sshll.u32 s5, $0x1;
	s5 =	sadd.s32 s21, s3  }
0x9d: {  	[timem:s7], [sflag:s22] =	dma.local [hbm:s5], s20  }
0x9e: {  	_ =	swait.ge [sflag:s22], s20  }
0x9f: {  	s4 =	ssub.s32 $0x0, s20;
	[sflag:s22] =	ssyncset.done $0x0  }
0xa0: {  	[sflag:s22] =	ssyncadd.s32 s4;
	_ =	sdelay $0x1  }
0xa1: {  	s23 =	simm.s32 $0x1B8B  }
0xa2: {  	_ =	swait.ge [sflag:s23], $0x1  }
0xa3: {  	[sflag:s23] =	ssyncset.done $0x0  }
0xa4: {  	s25 =	simm.s32 $0x1B8E;
	s24 =	sld [smem:$0x3FFE];
	[sflag:s23] =	ssyncadd.s32 $0xFFFFFFFF  }
0xa5: {  	s26 =	simm.s32 $execute0_lowered;
	[smem:$0x3FD2] =	sst s25  }
0xa6: {  	s5 =	sshll.u32 s26, $0x1;
	_ =	strace $0x80000046;
	[dreg:$0x1] =	wrdreg $0xFFFFFFFF  }
0xa7: {  	s28 =	simm.s32 $_size_execute0_lowered;
	s3 =	sadd.s32 s3, s5;
	[dreg:$0x0] =	wrdreg $0x0  }
0xa8: {  	s5 =	sshll.u32 s28, $0x1;
	[dreg:$0x2] =	wrdreg s3  }
0xa9: {  	[dreg:$0x3] =	wrdreg s5  }
0xaa: {  	[dreg:$0x4] =	wrdreg $0xC0  }
0xab: {  	_ =	task [dreg:s7], $0x5FFFF  }
0xac: {  	[dreg:$0x1] =	wrdreg $0xFFFFFFFF  }
0xad: {  	[dreg:$0x0] =	wrdreg $0x60  }
0xae: {  	[dreg:$0x2] =	wrdreg s24  }
0xaf: {  	[dreg:$0x3] =	wrdreg s2  }
0xb0: {  	[dreg:$0x4] =	wrdreg $0x0  }
0xb1: {  	[dreg:$0x5] =	wrdreg $0x9  }
0xb2: {  	_ =	task.clear_ibuf [dreg:s7], $0x6FFFF;
	_ =	strace $0x90000046  }
0xb3: {  	s29 =	simm.s32 $0x9;
	_ =	strace $0x80000048  }
0xb4: {  	_ =	swait.ge [sflag:s29], $0x1  }
0xb5: {  	[sflag:s29] =	ssyncadd.s32 $0xFFFFFFFF  }
0xb6: {  	_ =	strace $0x90000048  }
0xb7: {  	_ =	sfence  }
0xb8: {  	s30 =	sld [smem:$0x0];
	_ =	sdelay $0x2  }
0xb9: {  	s31 =	sshll.u32 s1, $0xD;
	s1 =	sshrl.u32 s1, $0x2  }
0xba: {  	s3 =	sand.u32 $0x4000, s31;
	s1 =	sadd.s32 s1, s30  }
0xbb: {  	s0 =	sor.u32 s3, s0;
	s1 =	sshll.u32 s1, $0x11  }
0xbc: {  	s0 =	sor.u32 s1, s0  }
0xbd: {  	s0 =	sadd.s32 $0x8F2B, s0  }
0xbe: {  	[sflag:s0] =	ssyncadd.remote.s32 $0x1  }
0xbf: {  	_ =	sfence.sel $0xFFFF  }
0xc0: {  	[dreg:$0x0] =	wrdreg $0xFFFFFFFF;
	(pc) =	sbr.abs _section_cstart, $3  }
0xc1: {  	[dreg:$0x1] =	wrdreg $0xFFFFFFFF  }
0xc2: {  	_ =	task.clear_ibuf [dreg:s7], $0x2FFFF;
	_ =	strace $0x9FFFFFFF  }
0xc3: {  	(tm) =	ssettm $0x7FFFFFFF  }
tec
execute0_lowered:
.L_overlay_start_1:
0x0: {  	(tag) =	ssettag $0x1  }
0x1: {  	s4 =	rddreg [dreg:$0x0]  }
0x2: {  	s6 =	rddreg [dreg:$0x1];
	s0 =	srdreg.scid  }
0x3: {  	s2 =	rddreg [dreg:$0x2];
	s1 =	stileid.u32;
	s3 =	simm.s32 $0x0  }
0x4: {  	s11 =	simm.s32 $0x50;
	s12 =	simm.s32 $0x5380;
	s13 =	simm.s32 $0x5480  }
0x5: {  	s14 =	simm.s32 $0x5400;
	s15 =	simm.s32 $0x1;
	s16 =	simm.s32 $0x2  }
0x6: {  	s5 =	sand.u32 $0x1, s0;
	s0 =	rddreg [dreg:$0x3];
	s8 =	smul.u32 $0x4E20, s1  }
0x7: {  	s19 =	simm.s32 $0x0;
	[smem:$0x7FF] =	sst s3;
	s9 =	smul.u32 $0x280, s1  }
0x8: {  	s17 =	sshll.u32 s1, $0x6;
	s7 =	smul.u32 $0x4E200, s5;
	s29 =	ssub.s32 $0x2, s5  }
0x9: {  	s5 =	smul.u32 $0x2800, s5;
	_ =	strace $0x80000047;
	s10 =	sshrl.u32 s29, $0x1  }
0xa: {  	s17 =	sor.u32 $0x1C03, s17;
	s7 =	sadd.s32 s8, s7;
	s8 =	ssub.s32 s29, s10  }
0xb: {  	s30 =	sadd.s32 s9, s5;
	s10 =	simm.s32 $0x500;
	s7 =	sshrl.u32 s7, $0x3  }
0xc: {  	s31 =	sshrl.u32 s30, $0x3;
	s7 =	sadd.s32 s7, s4;
	s4 =	sadd.s32 s9, s2  }
0xd: {  	s6 =	sadd.s32 s6, s31;
	s9 =	simm.s32 $0x3;
	s5 =	sadd.s32 $0x1A00, s7  }
0xe: {  	v0 =	vimm.f32 $0.0e+00;
	v1 =	vimm.f32 $1.000000000e+00;
	s7 =	smax.u32 s8, $0x1;
	s8 =	simm.s32 $0x280;
	s18 =	sshrl.u32 s4, $0x3  }
.LBB2_1:
0xf: {  	[tilespmem:$0x280] =	vst v0  }
0x10: {  	[tilespmem:$0x290] =	vst v0  }
0x11: {  	[tilespmem:$0x2A0] =	vst v0  }
0x12: {  	[tilespmem:$0x2B0] =	vst v0  }
0x13: {  	[tilespmem:$0x2C0] =	vst v0  }
0x14: {  	[tilespmem:$0x2D0] =	vst v0  }
0x15: {  	[tilespmem:$0x2E0] =	vst v0  }
0x16: {  	[tilespmem:$0x2F0] =	vst v0  }
0x17: {  	[tilespmem:$0x300] =	vst v0  }
0x18: {  	[tilespmem:$0x310] =	vst v0  }
0x19: {  	[tilespmem:$0x320] =	vst v0  }
0x1a: {  	[tilespmem:$0x330] =	vst v0  }
0x1b: {  	[tilespmem:$0x340] =	vst v0  }
0x1c: {  	[tilespmem:$0x350] =	vst v0  }
0x1d: {  	[tilespmem:$0x360] =	vst v0  }
0x1e: {  	[tilespmem:$0x370] =	vst v0  }
0x1f: {  	[tilespmem:$0x380] =	vst v0  }
0x20: {  	[tilespmem:$0x390] =	vst v0  }
0x21: {  	[tilespmem:$0x3A0] =	vst v0  }
0x22: {  	[tilespmem:$0x3B0] =	vst v0  }
0x23: {  	[tilespmem:$0x3C0] =	vst v0  }
0x24: {  	[tilespmem:$0x3D0] =	vst v0  }
0x25: {  	[tilespmem:$0x3E0] =	vst v0  }
0x26: {  	[tilespmem:$0x3F0] =	vst v0  }
0x27: {  	[tilespmem:$0x400] =	vst v0  }
0x28: {  	[tilespmem:$0x410] =	vst v0  }
0x29: {  	[tilespmem:$0x420] =	vst v0  }
0x2a: {  	[tilespmem:$0x430] =	vst v0  }
0x2b: {  	[tilespmem:$0x440] =	vst v0  }
0x2c: {  	[tilespmem:$0x450] =	vst v0  }
0x2d: {  	[tilespmem:$0x460] =	vst v0  }
0x2e: {  	[tilespmem:$0x470] =	vst v0  }
0x2f: {  	[tilespmem:$0x480] =	vst v0  }
0x30: {  	[tilespmem:$0x490] =	vst v0  }
0x31: {  	[tilespmem:$0x4A0] =	vst v0  }
0x32: {  	[tilespmem:$0x4B0] =	vst v0  }
0x33: {  	[tilespmem:$0x4C0] =	vst v0  }
0x34: {  	[tilespmem:$0x4D0] =	vst v0  }
0x35: {  	[tilespmem:$0x4E0] =	vst v0  }
0x36: {  	[tilespmem:$0x4F0] =	vst v0  }
0x37: {  	[tilespmem:$0x5480] =	vst v1  }
0x38: {  	[tilespmem:$0x5490] =	vst v1  }
0x39: {  	[tilespmem:$0x54A0] =	vst v1  }
0x3a: {  	[tilespmem:$0x54B0] =	vst v1  }
0x3b: {  	[tilespmem:$0x54C0] =	vst v1  }
0x3c: {  	[spmem:s4] =	stream.linear.scatter [tilespmem:s8], [sflag:$0x3], $0x280, $0x38;
	[tilespmem:$0x5500] =	vst v63  }
0x3d: {  	_ =	swait.ge [sflag:s9], $0x280  }
0x3e: {  	[sflag:s9] =	ssyncset.done $0x0  }
0x3f: {  	[sflag:s9] =	ssyncadd.s32 $0xFFFFFD80  }
0x40: {  	[bflag:$0x0] =	sbarrier.arrive $0xFFFF  }
0x41: {  	[tilespmem:s10], [sflag:$0x3] =	stream.linear.gather [hbm4b:s5+s3], $0x4E20, $0x38;
	[tilespmem:$0x5500] =	vst v63  }
0x42: {  	_ =	swait.ge [sflag:s9], $0x4E20  }
0x43: {  	[sflag:s9] =	ssyncset.done $0x0  }
0x44: {  	[sflag:s9] =	ssyncadd.s32 $0xFFFFB1E0  }
0x45: {  	v2 =	vld [tilespmem:$0x500]  }
0x46: {  	v3 =	vld [tilespmem:$0x510]  }
0x47: {  	v4 =	vld [tilespmem:$0x520]  }
0x48: {  	v5 =	vld [tilespmem:$0x530]  }
0x49: {  	v6 =	vld [tilespmem:$0x540]  }
0x4a: {  	[tilespmem:$0x5380] =	vst v2  }
0x4b: {  	[tilespmem:$0x5390] =	vst v3  }
0x4c: {  	[tilespmem:$0x53A0] =	vst v4  }
0x4d: {  	[tilespmem:$0x53B0] =	vst v5  }
0x4e: {  	[tilespmem:$0x53C0] =	vst v6  }
0x4f: {  	[spmem:s2] =	stream.indirect.scatter.add.f32 [tilespmem:s13], [sflag:$0x1], $0x1, s12, s11, $0xb8;
	[tilespmem:$0x5500] =	vst v63  }
0x50: {  	v2 =	vld [tilespmem:$0x550]  }
0x51: {  	v3 =	vld [tilespmem:$0x560]  }
0x52: {  	v61 =	vld [tilespmem:$0x570]  }
0x53: {  	v62 =	vld [tilespmem:$0x580]  }
0x54: {  	v63 =	vld [tilespmem:$0x590]  }
0x55: {  	[tilespmem:$0x5400] =	vst v2  }
0x56: {  	[tilespmem:$0x5410] =	vst v3  }
0x57: {  	[tilespmem:$0x5420] =	vst v61  }
0x58: {  	[tilespmem:$0x5430] =	vst v62  }
0x59: {  	[tilespmem:$0x5440] =	vst v63  }
0x5a: {  	[spmem:s2] =	stream.indirect.scatter.add.f32 [tilespmem:s13], [sflag:$0x2], $0x1, s14, s11, $0xb8;
	[tilespmem:$0x5500] =	vst v63  }
0x5b: {  	_ =	swait.ge [sflag:s15], $0x50  }
0x5c: {  	[sflag:s15] =	ssyncset.done $0x0  }
0x5d: {  	s20 =	simm.s32 $0x5A0;
	[sflag:s15] =	ssyncadd.s32 $0xFFFFFFB0  }
0x5e: {  	v2 =	vld [tilespmem:s20+$0x0];
	_ =	sdelay $0x4  }
0x5f: {  	[tilespmem:$0x5380] =	vst v2  }
0x60: {  	v2 =	vld [tilespmem:s20+$0x10];
	_ =	sdelay $0x4  }
0x61: {  	[tilespmem:$0x5390] =	vst v2  }
0x62: {  	v2 =	vld [tilespmem:s20+$0x20];
	_ =	sdelay $0x4  }
0x63: {  	[tilespmem:$0x53A0] =	vst v2  }
0x64: {  	v2 =	vld [tilespmem:s20+$0x30];
	_ =	sdelay $0x4  }
0x65: {  	[tilespmem:$0x53B0] =	vst v2  }
0x66: {  	v2 =	vld [tilespmem:s20+$0x40];
	_ =	sdelay $0x4  }
0x67: {  	[tilespmem:$0x53C0] =	vst v2  }
0x68: {  	[spmem:s2] =	stream.indirect.scatter.add.f32 [tilespmem:s13], [sflag:$0x1], $0x1, s12, s11, $0xb8;
	[tilespmem:$0x5500] =	vst v63  }
0x69: {  	_ =	swait.ge [sflag:s16], $0x50  }
0x6a: {  	[sflag:s16] =	ssyncset.done $0x0  }
0x6b: {  	[sflag:s16] =	ssyncadd.s32 $0xFFFFFFB0  }
0x6c: {  	v2 =	vld [tilespmem:s20+$0x50];
	_ =	sdelay $0x4  }
0x6d: {  	[tilespmem:$0x5400] =	vst v2  }
0x6e: {  	v2 =	vld [tilespmem:s20+$0x60];
	_ =	sdelay $0x4  }
0x6f: {  	[tilespmem:$0x5410] =	vst v2  }
0x70: {  	v2 =	vld [tilespmem:s20+$0x70];
	_ =	sdelay $0x3  }
0x71: {  	s21 =	simm.s32 $0xA0  }
0x72: {  	s21 =	sand.u32 $0x7FE0, s21;
	[tilespmem:$0x5420] =	vst v2  }
0x73: {  	v2 =	vld [tilespmem:s21+$0x580];
	_ =	sdelay $0x4  }
0x74: {  	[tilespmem:$0x5430] =	vst v2  }
0x75: {  	v2 =	vld [tilespmem:s20+$0x90];
	_ =	sdelay $0x4  }
0x76: {  	s21 =	simm.s32 $0x640;
	s20 =	simm.s32 $0x140;
	[tilespmem:$0x5440] =	vst v2  }
.LBB2_2:
0x77: {  	[spmem:s2] =	stream.indirect.scatter.add.f32 [tilespmem:s13], [sflag:$0x2], $0x1, s14, s11, $0xb8;
	[tilespmem:$0x5500] =	vst v63  }
0x78: {  	s22 =	smov.u32 s20  }
0x79: {  	p0 =	sne.s32 s20, $0x4D80;
	s20 =	sadd.s32 $0xA0, s20;
	_ =	swait.ge [sflag:s15], $0x50  }
0x7a: {  	[sflag:s15] =	ssyncset.done $0x0  }
0x7b: {  	[sflag:s15] =	ssyncadd.s32 $0xFFFFFFB0  }
0x7c: {  	v2 =	vld [tilespmem:s21+$0x0];
	_ =	sdelay $0x4  }
0x7d: {  	[tilespmem:$0x5380] =	vst v2  }
0x7e: {  	v2 =	vld [tilespmem:s21+$0x10];
	_ =	sdelay $0x4  }
0x7f: {  	[tilespmem:$0x5390] =	vst v2  }
0x80: {  	v2 =	vld [tilespmem:s21+$0x20];
	_ =	sdelay $0x4  }
0x81: {  	[tilespmem:$0x53A0] =	vst v2  }
0x82: {  	v2 =	vld [tilespmem:s21+$0x30];
	_ =	sdelay $0x4  }
0x83: {  	[tilespmem:$0x53B0] =	vst v2  }
0x84: {  	v2 =	vld [tilespmem:s21+$0x40];
	_ =	sdelay $0x4  }
0x85: {  	[tilespmem:$0x53C0] =	vst v2  }
0x86: {  	[spmem:s2] =	stream.indirect.scatter.add.f32 [tilespmem:s13], [sflag:$0x1], $0x1, s12, s11, $0xb8;
	[tilespmem:$0x5500] =	vst v63  }
0x87: {  	_ =	swait.ge [sflag:s16], $0x50  }
0x88: {  	[sflag:s16] =	ssyncset.done $0x0  }
0x89: {  	[sflag:s16] =	ssyncadd.s32 $0xFFFFFFB0  }
0x8a: {  	v2 =	vld [tilespmem:s21+$0x50];
	_ =	sdelay $0x4  }
0x8b: {  	[tilespmem:$0x5400] =	vst v2  }
0x8c: {  	v2 =	vld [tilespmem:s21+$0x60];
	_ =	sdelay $0x4  }
0x8d: {  	[tilespmem:$0x5410] =	vst v2  }
0x8e: {  	v2 =	vld [tilespmem:s21+$0x70];
	_ =	sdelay $0x4  }
0x8f: {  	s22 =	sand.u32 $0x7FE0, s22;
	[tilespmem:$0x5420] =	vst v2  }
0x90: {  	v2 =	vld [tilespmem:s22+$0x580];
	_ =	sdelay $0x4  }
0x91: {  	[tilespmem:$0x5430] =	vst v2  }
0x92: {  	v2 =	vld [tilespmem:s21+$0x90]  }
.Ltmp0:
0x93: {  	(pc) =	sbr.rel @p0 .LBB2_2-.Ltmp0, $2  }
0x94: {  	_ =	sdelay $0x2  }
0x95: {  	s21 =	sadd.s32 $0xA0, s21;
	[tilespmem:$0x5440] =	vst v2  }
0x96: {  	[spmem:s2] =	stream.indirect.scatter.add.f32 [tilespmem:s13], [sflag:$0x2], $0x1, s14, s11, $0xb8;
	[tilespmem:$0x5500] =	vst v63  }
0x97: {  	_ =	swait.ge [sflag:s15], $0x50  }
0x98: {  	[sflag:s15] =	ssyncset.done $0x0  }
0x99: {  	[sflag:s15] =	ssyncadd.s32 $0xFFFFFFB0  }
0x9a: {  	_ =	swait.ge [sflag:s16], $0x50  }
0x9b: {  	s19 =	sadd.s32 $0x1, s19;
	[sflag:s16] =	ssyncset.done $0x0  }
0x9c: {  	p0 =	sne.s32 s19, s7;
	[sflag:s16] =	ssyncadd.s32 $0xFFFFFFB0  }
.Ltmp1:
0x9d: {  	[bflag:$0x0] =	sbarrier.arrive $0xFFFF;
	(pc) =	sbr.rel @p0 .LBB2_1-.Ltmp1, $4  }
0x9e: {  	[hbm:s6], [sflag:s17] =	dma.local [spmem:s18], $0x50  }
0x9f: {  	_ =	swait.ge [sflag:s9], $0x50  }
0xa0: {  	[sflag:s9] =	ssyncset.done $0x0  }
0xa1: {  	[sflag:s9] =	ssyncadd.s32 $0xFFFFFFB0  }
0xa2: {  	_ =	sfence.sel $0x180000  }
0xa3: {  	[bflag:$0x0] =	sbarrier.arrive $0xFFFF  }
0xa4: {  	p0 =	sne.s32 s1, $0x0;
	_ =	strace $0x90000047  }
0xa5: {  	s0 =	sadd.s32 @!p0 $0x100000, s0;
	[bflag:$0x2] =	sbarrier.arrive $0xFFFF  }
0xa6: {  	[sflag:s0] =	ssyncadd.tile.s32 @!p0 $0x1;
	_ =	shalt  }
.Lfunc_end2:
_tile_overlayer_lowered:
.L_overlay_start_2:
0xa7: {  	(tag) =	ssettag $0x2  }
0xa8: {  	s0 =	rddreg [dreg:$0x0];
	s2 =	stileid.u32  }
0xa9: {  	s1 =	rddreg [dreg:$0x1];
	p0 =	sne.s32 s2, $0x0  }
0xaa: {  	s3 =	rddreg [dreg:$0x2];
	[bflag:$0x3] =	sbarrier.arrive $0xFFFF;
	s2 =	simm.s32 @!p0 $0x1C03  }
0xab: {  	[timem:s3], [sflag:s2] =	dma.local @!p0 [hbm:s0], s1  }
0xac: {  	s0 =	simm.s32 @!p0 $0x3  }
0xad: {  	_ =	swait.ge @!p0 [sflag:s0], s1  }
0xae: {  	s1 =	ssub.s32 @!p0 $0x0, s1;
	[sflag:s0] =	ssyncset.done @!p0 $0x0  }
0xaf: {  	[sflag:s0] =	ssyncadd.s32 @!p0 s1  }
0xb0: {  	[bflag:$0x3] =	sbarrier.arrive $0xFFFF  }
0xb1: {  	_ =	shalt  }

// kernel: kernel.9.cloned.1.call-start
scs
__scs_entry_jumppad:
0x0: {  	(pc) =	sbr.rel $0x88, $3  }
0x1: {  	(tag) =	ssettag $0x0;
	lr =	simm.s32 $0x1  }
0x2: {  	[smem:$0x3F9C] =	sst lr;
	_ =	strace $0xD0000000  }
0x3: {  	_ = 	snop  }
0x4: {  	_ = 	snop  }
0x5: {  	_ = 	snop  }
0x6: {  	_ = 	snop  }
0x7: {  	_ = 	snop  }
__scs_overlays_trampoline_lowered:
0x8: {  	[smem:$0x3FAB] =	sst s0  }
0x9: {  	[smem:$0x3FAC] =	sst s1  }
0xa: {  	[smem:$0x3FAD] =	sst s2  }
0xb: {  	[smem:$0x3FAE] =	sst s3  }
0xc: {  	[smem:$0x3FAF] =	sst s4  }
0xd: {  	[smem:$0x3FB0] =	sst s5  }
0xe: {  	[smem:$0x3FB1] =	sst s6  }
0xf: {  	[smem:$0x3FB2] =	sst s7  }
0x10: {  	[smem:$0x3FB3] =	sst s8  }
0x11: {  	[smem:$0x3FB4] =	sst s9;
	s0 =	simm.s32 @!p0 $0x0  }
0x12: {  	s1 =	sld [smem:$0x3F9A];
	s0 =	simm.s32 @p0 $0x1  }
0x13: {  	[smem:$0x3FB5] =	sst s0;
	s0 =	simm.s32 @!p1 $0x0  }
0x14: {  	s2 =	sld [smem:$0x3F99];
	s0 =	simm.s32 @p1 $0x1  }
0x15: {  	[smem:$0x3FB6] =	sst s0;
	s0 =	simm.s32 @!p2 $0x0  }
0x16: {  	s3 =	sld [smem:$0x3FDB];
	s0 =	simm.s32 @p2 $0x1  }
0x17: {  	s4 =	simm.s32 $0x1BF5;
	[smem:$0x3FB8] =	sst s0  }
0x18: {  	s0 =	sld [smem:$0x3F9B];
	_ =	swait.ge [sflag:s4], $0x0  }
0x19: {  	s7 =	sld [smem:$0x3F9C]  }
0x1a: {  	s8 =	sadd.s32 $0xFFFFE003, lr  }
0x1b: {  	s9 =	sadd.s32 $0xFFFFFEF7, lr;
	s5 =	simm.s32 $0xFFFFFFFF;
	p2 =	slt.u32 s8, $0xFFFFF086  }
0x1c: {  	p1 =	slt.u32 s9, $0xF7A;
	s5 =	simm.s32 @!p2 $0x0  }
0x1d: {  	s5 =	simm.s32 @p1 $0x1;
	p0 =	seq.s32 s7, s2  }
0x1e: {  	s7 =	smul.u32 @!p0 $0xF7A, s2;
	p2 =	seq.s32 @!p0 s5, $0x0  }
0x1f: {  	s9 =	smul.u32 $0xF7A, s1;
	s8 =	simm.s32 @!p0 $0x1BF5;
	p2 =	por !p2, p0  }
0x20: {  	[sflag:s8] =	ssyncset.s32 @!p0 $0xFFFFF086;
	s6 =	sadd.s32 @!p0 s3, s7;
	s7 =	simm.s32 @!p0 $0x108  }
0x21: {  	s3 =	sadd.s32 s3, s9;
	s6 =	sadd.s32 @!p0 $0x88, s6;
	s7 =	simm.s32 @p2 $0x1082  }
0x22: {  	[simem:s7], [sflag:s8] =	dma.local @!p0 [hbm:s6], $0xF7A  }
0x23: {  	s9 =	sor.u32 $0xD0000000, s2;
	s6 =	simm.s32 $0x108;
	_ =	swait.ge @!p0 [sflag:s8], $0x0  }
0x24: {  	s3 =	sadd.s32 $0x88, s3;
	s6 =	simm.s32 @!p1 $0x1082;
	[sflag:s4] =	ssyncset.s32 $0xFFFFF086  }
0x25: {  	[simem:s6], [sflag:s4] =	dma.local [hbm:s3], $0xF7A  }
0x26: {  	[smem:$0x3F9C] =	sst s1;
	(tag) =	ssettag s2;
	_ =	strace s9  }
0x27: {  	s1 =	sld [smem:$0x3FAC]  }
0x28: {  	s2 =	sld [smem:$0x3FAD]  }
0x29: {  	s4 =	sld [smem:$0x3FAF]  }
0x2a: {  	p0 =	seq.s32 s5, $0x0;
	s5 =	sld [smem:$0x3FB0]  }
0x2b: {  	s6 =	sld [smem:$0x3FB1]  }
0x2c: {  	s7 =	sld [smem:$0x3FB2]  }
0x2d: {  	s3 =	simm.s32 $0x108;
	s8 =	sld [smem:$0x3FB3]  }
0x2e: {  	s3 =	simm.s32 @!p0 $0x1082;
	s9 =	sld [smem:$0x3FB4]  }
0x2f: {  	lr =	sadd.s32 s0, s3;
	s0 =	sld [smem:$0x3FAB]  }
0x30: {  	s3 =	sld [smem:$0x3FAE]  }
0x31: {  	[smem:$0x3FB7] =	sst s10  }
0x32: {  	s10 =	sld [smem:$0x3FB5];
	_ =	sdelay $0x3  }
0x33: {  	p0 =	seq.s32 s10, $0x1;
	s10 =	sld [smem:$0x3FB7];
	_ =	sdelay $0x3  }
0x34: {  	[smem:$0x3FB7] =	sst s10  }
0x35: {  	s10 =	sld [smem:$0x3FB6];
	_ =	sdelay $0x3  }
0x36: {  	p1 =	seq.s32 s10, $0x1;
	s10 =	sld [smem:$0x3FB7];
	_ =	sdelay $0x3  }
0x37: {  	[smem:$0x3FB7] =	sst s10  }
0x38: {  	s10 =	sld [smem:$0x3FB8]  }
0x39: {  	_ = 	snop;
	(pc) =	sbr.ind lr, $3  }
0x3a: {  	_ = 	snop  }
0x3b: {  	_ = 	snop  }
0x3c: {  	p2 =	seq.s32 s10, $0x1;
	s10 =	sld [smem:$0x3FB7]  }
0x3d: {  	_ =	shalt  }
0x3e: {  	_ =	shalt  }
0x3f: {  	_ =	shalt  }
0x40: {  	_ =	shalt  }
0x41: {  	_ =	shalt  }
0x42: {  	_ =	shalt  }
0x43: {  	_ =	shalt  }
0x44: {  	_ =	shalt  }
0x45: {  	_ =	shalt  }
0x46: {  	_ =	shalt  }
0x47: {  	_ =	shalt  }
0x48: {  	_ =	shalt  }
0x49: {  	_ =	shalt  }
0x4a: {  	_ =	shalt  }
0x4b: {  	_ =	shalt  }
0x4c: {  	_ =	shalt  }
0x4d: {  	_ =	shalt  }
0x4e: {  	_ =	shalt  }
0x4f: {  	_ =	shalt  }
0x50: {  	_ =	shalt  }
0x51: {  	_ =	shalt  }
0x52: {  	_ =	shalt  }
0x53: {  	_ =	shalt  }
0x54: {  	_ =	shalt  }
0x55: {  	_ =	shalt  }
0x56: {  	_ =	shalt  }
0x57: {  	_ =	shalt  }
0x58: {  	_ =	shalt  }
0x59: {  	_ =	shalt  }
0x5a: {  	_ =	shalt  }
0x5b: {  	_ =	shalt  }
0x5c: {  	_ =	shalt  }
0x5d: {  	_ =	shalt  }
0x5e: {  	_ =	shalt  }
0x5f: {  	_ =	shalt  }
0x60: {  	_ =	shalt  }
0x61: {  	_ =	shalt  }
0x62: {  	_ =	shalt  }
0x63: {  	_ =	shalt  }
0x64: {  	_ =	shalt  }
0x65: {  	_ =	shalt  }
0x66: {  	_ =	shalt  }
0x67: {  	_ =	shalt  }
0x68: {  	_ =	shalt  }
0x69: {  	_ =	shalt  }
0x6a: {  	_ =	shalt  }
0x6b: {  	_ =	shalt  }
0x6c: {  	_ =	shalt  }
0x6d: {  	_ =	shalt  }
0x6e: {  	_ =	shalt  }
0x6f: {  	_ =	shalt  }
0x70: {  	_ =	shalt  }
0x71: {  	_ =	shalt  }
0x72: {  	_ =	shalt  }
0x73: {  	_ =	shalt  }
0x74: {  	_ =	shalt  }
0x75: {  	_ =	shalt  }
0x76: {  	_ =	shalt  }
0x77: {  	_ =	shalt  }
0x78: {  	_ =	shalt  }
0x79: {  	_ =	shalt  }
0x7a: {  	_ =	shalt  }
0x7b: {  	_ =	shalt  }
0x7c: {  	_ =	shalt  }
0x7d: {  	_ =	shalt  }
0x7e: {  	_ =	shalt  }
0x7f: {  	_ =	shalt  }
0x80: {  	_ =	shalt  }
0x81: {  	_ =	shalt  }
0x82: {  	_ =	shalt  }
0x83: {  	_ =	shalt  }
0x84: {  	_ =	shalt  }
0x85: {  	_ =	shalt  }
0x86: {  	_ =	shalt  }
0x87: {  	_ =	shalt  }
.Lfunc_end0:
.L_simem_size_0:
called_computation.1_lowered:
.L_overlay_start_0:
0x88: {  	s2 =	sld [smem:$0x3FD9]  }
0x89: {  	s3 =	sld [smem:$0x3FFE];
	_ =	sdelay $0x1  }
0x8a: {  	s1 =	srdreg.scid  }
0x8b: {  	s0 =	sand.u32 $0x1, s1  }
0x8c: {  	s17 =	sshll.u32 s0, $0xA;
	s2 =	sadd.s32 s3, s2  }
0x8d: {  	s2 =	sadd.s32 s2, s17  }
0x8e: {  	[smem:$0x3FC3] =	sst s2  }
0x8f: {  	_ = 	snop  }
0x90: {  	s2 =	sld [smem:$0x3FC7]  }
0x91: {  	s18 =	sld [smem:$0x3FD0];
	(tm) =	ssettm $0x1  }
0x92: {  	s4 =	sld [smem:$0x3FFB];
	_ =	sdelay $0x3  }
0x93: {  	_ =	strace s4  }
0x94: {  	s4 =	sld [smem:$0x3FFC];
	_ =	sdelay $0x3  }
0x95: {  	_ =	strace s4  }
0x96: {  	s4 =	sld [smem:$0x3FFD];
	_ =	sdelay $0x3  }
0x97: {  	_ =	strace s4  }
0x98: {  	_ =	strace $0x8FFFFFFF  }
0x99: {  	s19 =	sld [smem:$0x3FDB];
	_ =	sdelay $0x1  }
0x9a: {  	s5 =	simm.s32 $_scs_section_size  }
0x9b: {  	s6 =	simm.s32 $_size__tile_overlayer_lowered;
	s7 =	simm.s32 $_tile_overlayer_lowered  }
0x9c: {  	s22 =	simm.s32 $0x1BFF;
	s21 =	sshll.u32 s7, $0x1;
	s4 =	sadd.s32 s5, s19  }
0x9d: {  	s8 =	simm.s32 $0x0;
	s20 =	sshll.u32 s6, $0x1;
	s6 =	sadd.s32 s21, s4  }
0x9e: {  	[timem:s8], [sflag:s22] =	dma.local [hbm:s6], s20  }
0x9f: {  	_ =	swait.ge [sflag:s22], s20  }
0xa0: {  	s5 =	ssub.s32 $0x0, s20;
	[sflag:s22] =	ssyncset.done $0x0  }
0xa1: {  	[sflag:s22] =	ssyncadd.s32 s5;
	_ =	sdelay $0x1  }
0xa2: {  	s23 =	simm.s32 $0x1B8B  }
0xa3: {  	_ =	swait.ge [sflag:s23], $0x1  }
0xa4: {  	[sflag:s23] =	ssyncset.done $0x0  }
0xa5: {  	s25 =	simm.s32 $0x1B8E;
	s24 =	sld [smem:$0x3FFE];
	[sflag:s23] =	ssyncadd.s32 $0xFFFFFFFF  }
0xa6: {  	s26 =	simm.s32 $execute0_lowered;
	[smem:$0x3FD2] =	sst s25  }
0xa7: {  	s6 =	sshll.u32 s26, $0x1;
	_ =	strace $0x80000049;
	[dreg:$0x1] =	wrdreg $0xFFFFFFFF  }
0xa8: {  	s28 =	simm.s32 $_size_execute0_lowered;
	s4 =	sadd.s32 s4, s6;
	[dreg:$0x0] =	wrdreg $0x0  }
0xa9: {  	s6 =	sshll.u32 s28, $0x1;
	[dreg:$0x2] =	wrdreg s4  }
0xaa: {  	[dreg:$0x3] =	wrdreg s6  }
0xab: {  	[dreg:$0x4] =	wrdreg $0xC0  }
0xac: {  	_ =	task [dreg:s8], $0x5FFFF  }
0xad: {  	[dreg:$0x1] =	wrdreg $0xFFFFFFFF  }
0xae: {  	[dreg:$0x0] =	wrdreg $0x60  }
0xaf: {  	[dreg:$0x2] =	wrdreg s24  }
0xb0: {  	[dreg:$0x3] =	wrdreg s2  }
0xb1: {  	[dreg:$0x4] =	wrdreg s18  }
0xb2: {  	[dreg:$0x5] =	wrdreg $0x0  }
0xb3: {  	[dreg:$0x6] =	wrdreg $0x9  }
0xb4: {  	_ =	task.clear_ibuf [dreg:s8], $0x7FFFF;
	_ =	strace $0x90000049  }
0xb5: {  	s29 =	simm.s32 $0x9;
	_ =	strace $0x8000004B  }
0xb6: {  	_ =	swait.ge [sflag:s29], $0x1  }
0xb7: {  	[sflag:s29] =	ssyncadd.s32 $0xFFFFFFFF  }
0xb8: {  	_ =	strace $0x9000004B  }
0xb9: {  	_ =	sfence  }
0xba: {  	s30 =	sld [smem:$0x0];
	_ =	sdelay $0x2  }
0xbb: {  	s31 =	sshll.u32 s1, $0xD;
	s1 =	sshrl.u32 s1, $0x2  }
0xbc: {  	s3 =	sand.u32 $0x4000, s31;
	s1 =	sadd.s32 s1, s30  }
0xbd: {  	s0 =	sor.u32 s3, s0;
	s1 =	sshll.u32 s1, $0x11  }
0xbe: {  	s0 =	sor.u32 s1, s0  }
0xbf: {  	s0 =	sadd.s32 $0x8F2B, s0  }
0xc0: {  	[sflag:s0] =	ssyncadd.remote.s32 $0x1  }
0xc1: {  	_ =	sfence.sel $0xFFFF  }
0xc2: {  	[dreg:$0x0] =	wrdreg $0xFFFFFFFF;
	(pc) =	sbr.abs _section_cstart, $3  }
0xc3: {  	[dreg:$0x1] =	wrdreg $0xFFFFFFFF  }
0xc4: {  	_ =	task.clear_ibuf [dreg:s8], $0x2FFFF;
	_ =	strace $0x9FFFFFFF  }
0xc5: {  	(tm) =	ssettm $0x7FFFFFFF  }
tec
execute0_lowered:
.L_overlay_start_1:
0x0: {  	(tag) =	ssettag $0x1  }
0x1: {  	s1 =	rddreg [dreg:$0x0]  }
0x2: {  	s0 =	rddreg [dreg:$0x1]  }
0x3: {  	s3 =	rddreg [dreg:$0x2]  }
0x4: {  	s2 =	srdreg.scid;
	s13 =	stileid.u32  }
0x5: {  	s4 =	rddreg [dreg:$0x3];
	s5 =	simm.s32 $0x0;
	s7 =	smul.u32 $0x13C00, s13  }
0x6: {  	s10 =	simm.s32 $0x140;
	s30 =	simm.s32 $0x3;
	s9 =	smul.u32 $0x4F000, s13  }
0x7: {  	s31 =	simm.s32 $0x5;
	s29 =	simm.s32 $0x13D00;
	s28 =	smul.u32 $0x4E00, s13  }
0x8: {  	s2 =	sand.u32 $0x1, s2;
	p0 =	seq.s32 s13, $0xF;
	s13 =	smul.u32 $0x4E000, s13  }
0x9: {  	[smem:$0x7FF] =	sst s5;
	s6 =	smul.u32 $0x13C000, s2;
	s8 =	ssub.s32 $0x2, s2  }
0xa: {  	_ =	strace $0x8000004A;
	s10 =	simm.s32 @!p0 $0x138;
	s26 =	sshrl.u32 s8, $0x1  }
0xb: {  	s9 =	sshrl.u32 s9, $0x2;
	s11 =	sshrl.u32 s28, $0x3;
	s14 =	sor.u32 $0x80, s28  }
0xc: {  	s20 =	sshll.u32 s10, $0xA;
	s10 =	sshrl.u32 s10, $0x1;
	s6 =	sadd.s32 s7, s6  }
0xd: {  	s23 =	sadd.s32 s9, s4;
	s18 =	sshrl.u32 s14, $0x3;
	s19 =	sshll.u32 s14, $0x4  }
0xe: {  	s7 =	sshrl.u32 s6, $0x3;
	s6 =	sadd.s32 $0x1A00, s1;
	s9 =	sadd.s32 $0x2000, s23  }
0xf: {  	s21 =	sadd.s32 s0, s19;
	s19 =	sadd.s32 $0x10000, s23;
	[dreg:$0x5] =	wrdreg s23  }
0x10: {  	s1 =	sadd.s32 s7, s1;
	s7 =	ssub.s32 s8, s26;
	[dreg:$0x6] =	wrdreg s9  }
0x11: {  	s9 =	sor.u32 $0x40, s28;
	s16 =	sadd.s32 s6, s11;
	[dreg:$0xc] =	wrdreg s21  }
0x12: {  	s26 =	sshll.u32 s2, $0x6;
	s21 =	sadd.s32 $0xFFFFFFFE, s10;
	s2 =	sadd.s32 $0x6000, s23  }
0x13: {  	s8 =	sadd.s32 $0x8000, s23;
	[dreg:$0x16] =	wrdreg s19;
	s19 =	simm.s32 $0x13C80  }
0x14: {  	s12 =	sshrl.u32 s9, $0x3;
	s17 =	sshll.u32 s9, $0x4;
	[dreg:$0x11] =	wrdreg s2  }
0x15: {  	s1 =	sadd.s32 $0x15A00, s1;
	s25 =	smax.u32 s7, $0x1;
	[dreg:$0x12] =	wrdreg s8  }
0x16: {  	s7 =	sor.u32 $0x13F20, s26;
	s10 =	sor.u32 $0x17F20, s26;
	[dreg:$0x7] =	wrdreg s16  }
0x17: {  	s2 =	simm.s32 $0x13E00;
	s8 =	simm.s32 $0x4;
	[dreg:$0xe] =	wrdreg s1  }
0x18: {  	s15 =	sadd.s32 s6, s12;
	s11 =	sadd.s32 s0, s17;
	[dreg:$0xf] =	wrdreg s25  }
0x19: {  	s17 =	sor.u32 $0xC0, s28;
	s28 =	sadd.s32 $0x4000, s23;
	[dreg:$0x8] =	wrdreg s15  }
0x1a: {  	s12 =	sadd.s32 $0xC000, s23;
	s25 =	sadd.s32 $0x9C50, s16;
	[dreg:$0xa] =	wrdreg s11  }
0x1b: {  	s1 =	simm.s32 $0x20;
	v1 =	vmov s10;
	s10 =	simm.s32 $0x1DF00;
	[dreg:$0x10] =	wrdreg s28  }
0x1c: {  	v0 =	vmov s7;
	s7 =	simm.s32 $0x7;
	s15 =	sadd.s32 s0, s13;
	[dreg:$0x14] =	wrdreg s12  }
0x1d: {  	s11 =	sadd.s32 s6, s18;
	s18 =	sor.u32 $0x15F00, s26;
	[dreg:$0x1a] =	wrdreg s25  }
0x1e: {  	s13 =	sadd.s32 $0xE000, s23;
	s28 =	sadd.s32 $0x9C58, s16;
	[dreg:$0xb] =	wrdreg s11  }
0x1f: {  	s25 =	simm.s32 $0x9;
	s12 =	simm.s32 $0x13E80;
	[dreg:$0x9] =	wrdreg s15  }
0x20: {  	s22 =	sadd.s32 s20, s15;
	s15 =	sor.u32 $0x19F00, s26;
	[dreg:$0x15] =	wrdreg s13  }
0x21: {  	s11 =	sadd.s32 $0xA000, s23;
	s20 =	sadd.s32 $0x12000, s23;
	[dreg:$0x1c] =	wrdreg s28  }
0x22: {  	s26 =	sadd.s32 $0x18, s16;
	s13 =	simm.s32 $0x1BF00;
	[dreg:$0x13] =	wrdreg s11  }
0x23: {  	v2 =	vmov s18;
	s24 =	sadd.s32 $0xFFFFFC00, s22;
	[dreg:$0x17] =	wrdreg s20;
	s22 =	sadd.s32 $0x9C40, s16  }
0x24: {  	[dreg:$0x1b] =	wrdreg s26;
	s26 =	simm.s32 $0x2;
	s11 =	simm.s32 $0x6  }
0x25: {  	v3 =	vmov s15;
	s15 =	simm.s32 $0x8;
	s20 =	simm.s32 $0x0;
	[dreg:$0xd] =	wrdreg s24  }
0x26: {  	[dreg:$0x18] =	wrdreg s22;
	s24 =	sadd.s32 $0x9C48, s16;
	s16 =	simm.s32 $0x13C00  }
0x27: {  	v4 =	vimm.f32 $0.0e+00;
	s22 =	simm.s32 $0x1;
	[dreg:$0x19] =	wrdreg s24;
	s24 =	simm.s32 $0x40  }
.LBB2_1:
0x28: {  	[dreg:$0x1d] =	wrdreg s20;
	s18 =	simm.s32 $0x0;
	s20 =	simm.s32 $0x200  }
.LBB2_2:
0x29: {  	p0 =	sne.s32 s20, $0x7E00;
	[tilespmem:s18+$0x1BF70] =	vst v4  }
0x2a: {  	[tilespmem:s18+$0x1BF00] =	vst v4  }
0x2b: {  	[tilespmem:s18+$0x1BF10] =	vst v4  }
.Ltmp0:
0x2c: {  	[tilespmem:s18+$0x1BF20] =	vst v4;
	(pc) =	sbr.rel @p0 .LBB2_2-.Ltmp0, $4  }
0x2d: {  	[tilespmem:s18+$0x1BF30] =	vst v4  }
0x2e: {  	[tilespmem:s18+$0x1BF40] =	vst v4  }
0x2f: {  	[tilespmem:s18+$0x1BF50] =	vst v4  }
0x30: {  	[tilespmem:s18+$0x1BF60] =	vst v4;
	s18 =	sshra.s32 s20, $0x2;
	s20 =	sadd.s32 $0x200, s20  }
0x31: {  	[tilespmem:s18+$0x1BF70] =	vst v4  }
0x32: {  	[tilespmem:s18+$0x1BF00] =	vst v4  }
0x33: {  	[tilespmem:s18+$0x1BF10] =	vst v4  }
0x34: {  	[tilespmem:s18+$0x1BF20] =	vst v4  }
0x35: {  	[tilespmem:s18+$0x1BF30] =	vst v4  }
0x36: {  	[tilespmem:s18+$0x1BF40] =	vst v4  }
0x37: {  	[tilespmem:s18+$0x1BF50] =	vst v4  }
0x38: {  	[tilespmem:s18+$0x1BF60] =	vst v4  }
0x39: {  	[spmem:s23] =	stream.linear.scatter [tilespmem:s13], [sflag:$0x9], $0x2000, $0x38;
	[tilespmem:$0x1FF00] =	vst v63  }
0x3a: {  	_ =	swait.ge [sflag:s25], $0x2000  }
0x3b: {  	[sflag:s25] =	ssyncset.done $0x0  }
0x3c: {  	s28 =	rddreg [dreg:$0x6];
	[sflag:s25] =	ssyncadd.s32 $0xFFFFE000  }
0x3d: {  	[spmem:s28] =	stream.linear.scatter [tilespmem:s13], [sflag:$0x9], $0x2000, $0x38;
	[tilespmem:$0x1FF00] =	vst v63  }
0x3e: {  	_ =	swait.ge [sflag:s25], $0x2000  }
0x3f: {  	[sflag:s25] =	ssyncset.done $0x0  }
0x40: {  	s20 =	rddreg [dreg:$0x10];
	[sflag:s25] =	ssyncadd.s32 $0xFFFFE000  }
0x41: {  	[spmem:s20] =	stream.linear.scatter [tilespmem:s13], [sflag:$0x9], $0x2000, $0x38;
	[tilespmem:$0x1FF00] =	vst v63  }
0x42: {  	_ =	swait.ge [sflag:s25], $0x2000  }
0x43: {  	[sflag:s25] =	ssyncset.done $0x0  }
0x44: {  	s23 =	rddreg [dreg:$0x11];
	[sflag:s25] =	ssyncadd.s32 $0xFFFFE000  }
0x45: {  	[spmem:s23] =	stream.linear.scatter [tilespmem:s13], [sflag:$0x9], $0x2000, $0x38;
	[tilespmem:$0x1FF00] =	vst v63  }
0x46: {  	_ =	swait.ge [sflag:s25], $0x2000  }
0x47: {  	[sflag:s25] =	ssyncset.done $0x0  }
0x48: {  	s28 =	rddreg [dreg:$0x12];
	[sflag:s25] =	ssyncadd.s32 $0xFFFFE000  }
0x49: {  	[spmem:s28] =	stream.linear.scatter [tilespmem:s13], [sflag:$0x9], $0x2000, $0x38;
	[tilespmem:$0x1FF00] =	vst v63  }
0x4a: {  	_ =	swait.ge [sflag:s25], $0x2000  }
0x4b: {  	[sflag:s25] =	ssyncset.done $0x0  }
0x4c: {  	s20 =	rddreg [dreg:$0x13];
	[sflag:s25] =	ssyncadd.s32 $0xFFFFE000  }
0x4d: {  	[spmem:s20] =	stream.linear.scatter [tilespmem:s13], [sflag:$0x9], $0x2000, $0x38;
	[tilespmem:$0x1FF00] =	vst v63  }
0x4e: {  	_ =	swait.ge [sflag:s25], $0x2000  }
0x4f: {  	[sflag:s25] =	ssyncset.done $0x0  }
0x50: {  	s23 =	rddreg [dreg:$0x14];
	[sflag:s25] =	ssyncadd.s32 $0xFFFFE000  }
0x51: {  	[spmem:s23] =	stream.linear.scatter [tilespmem:s13], [sflag:$0x9], $0x2000, $0x38;
	[tilespmem:$0x1FF00] =	vst v63  }
0x52: {  	_ =	swait.ge [sflag:s25], $0x2000  }
0x53: {  	[sflag:s25] =	ssyncset.done $0x0  }
0x54: {  	s28 =	rddreg [dreg:$0x15];
	[sflag:s25] =	ssyncadd.s32 $0xFFFFE000  }
0x55: {  	[spmem:s28] =	stream.linear.scatter [tilespmem:s13], [sflag:$0x9], $0x2000, $0x38;
	[tilespmem:$0x1FF00] =	vst v63  }
0x56: {  	_ =	swait.ge [sflag:s25], $0x2000  }
0x57: {  	[sflag:s25] =	ssyncset.done $0x0  }
0x58: {  	s20 =	rddreg [dreg:$0x16];
	[sflag:s25] =	ssyncadd.s32 $0xFFFFE000  }
0x59: {  	[spmem:s20] =	stream.linear.scatter [tilespmem:s13], [sflag:$0x9], $0x2000, $0x38;
	[tilespmem:$0x1FF00] =	vst v63  }
0x5a: {  	_ =	swait.ge [sflag:s25], $0x2000  }
0x5b: {  	[sflag:s25] =	ssyncset.done $0x0  }
0x5c: {  	s23 =	rddreg [dreg:$0x17];
	[sflag:s25] =	ssyncadd.s32 $0xFFFFE000  }
0x5d: {  	[spmem:s23] =	stream.linear.scatter [tilespmem:s13], [sflag:$0x9], $0x1C00, $0x38;
	[tilespmem:$0x1FF00] =	vst v63  }
0x5e: {  	_ =	swait.ge [sflag:s25], $0x1C00  }
0x5f: {  	[sflag:s25] =	ssyncset.done $0x0  }
0x60: {  	[sflag:s25] =	ssyncadd.s32 $0xFFFFE400  }
0x61: {  	[bflag:$0x0] =	sbarrier.arrive $0xFFFF  }
0x62: {  	s18 =	simm.s32 $0x0;
	s20 =	rddreg [dreg:$0x7]  }
0x63: {  	[tilespmem:s16], [sflag:$0x1] =	stream.linear.gather [hbm4b:s20+s18], $0x40, $0x38;
	[tilespmem:$0x1FF00] =	vst v63  }
0x64: {  	s23 =	simm.s32 $0x13D00;
	s28 =	rddreg [dreg:$0x18]  }
0x65: {  	[tilespmem:s23], [sflag:$0x1] =	stream.linear.gather [hbm4b:s28+s18], $0x40, $0x38;
	[tilespmem:$0x1FF00] =	vst v63  }
0x66: {  	s25 =	rddreg [dreg:$0x8]  }
0x67: {  	[tilespmem:s19], [sflag:$0x2] =	stream.linear.gather [hbm4b:s25+s18], $0x40, $0x38;
	[tilespmem:$0x1FF00] =	vst v63  }
0x68: {  	s28 =	rddreg [dreg:$0x19];
	s23 =	simm.s32 $0x13D80  }
0x69: {  	[tilespmem:s23], [sflag:$0x2] =	stream.linear.gather [hbm4b:s28+s18], $0x40, $0x38;
	[tilespmem:$0x1FF00] =	vst v63  }
0x6a: {  	_ =	swait.ge [sflag:s22], $0x40  }
0x6b: {  	[sflag:s22] =	ssyncset.done $0x0  }
0x6c: {  	[sflag:s22] =	ssyncadd.s32 $0xFFFFFFC0  }
0x6d: {  	_ =	swait.ge [sflag:s22], $0x40  }
0x6e: {  	[sflag:s22] =	ssyncset.done $0x0  }
0x6f: {  	s23 =	simm.s32 $0x13F00;
	s28 =	rddreg [dreg:$0x9];
	[sflag:s22] =	ssyncadd.s32 $0xFFFFFFC0  }
0x70: {  	[tilespmem:s23], [sflag:$0x3] =	stream.linear.gather [hbm4b:s28+s18], $0x2000, $0x38;
	[tilespmem:$0x1FF00] =	vst v63  }
0x71: {  	s25 =	simm.s32 $0x17F00  }
0x72: {  	[tilespmem:s25], [sflag:$0x5] =	stream.indirect.gather [hbm4b:s3+s24], $0x80, s16, s24, $0xb8;
	[tilespmem:$0x1FF00] =	vst v63  }
0x73: {  	_ =	swait.ge [sflag:s26], $0x40  }
0x74: {  	[sflag:s26] =	ssyncset.done $0x0  }
0x75: {  	[sflag:s26] =	ssyncadd.s32 $0xFFFFFFC0  }
0x76: {  	_ =	swait.ge [sflag:s26], $0x40  }
0x77: {  	[sflag:s26] =	ssyncset.done $0x0  }
0x78: {  	s23 =	simm.s32 $0x15F00;
	s28 =	rddreg [dreg:$0xa];
	[sflag:s26] =	ssyncadd.s32 $0xFFFFFFC0  }
0x79: {  	[tilespmem:s23], [sflag:$0x4] =	stream.linear.gather [hbm4b:s28+s18], $0x2000, $0x38;
	[tilespmem:$0x1FF00] =	vst v63  }
0x7a: {  	s28 =	simm.s32 $0x19F00  }
0x7b: {  	[tilespmem:s28], [sflag:$0x6] =	stream.indirect.gather [hbm4b:s3+s24], $0x80, s19, s24, $0xb8;
	[tilespmem:$0x1FF00] =	vst v63  }
0x7c: {  	_ =	swait.ge [sflag:s30], $0x2000  }
0x7d: {  	[sflag:s30] =	ssyncset.done $0x0  }
0x7e: {  	[sflag:s30] =	ssyncadd.s32 $0xFFFFE000  }
0x7f: {  	_ =	swait.ge [sflag:s31], $0x2000  }
0x80: {  	[sflag:s31] =	ssyncset.done $0x0  }
0x81: {  	s20 =	simm.s32 $0x200;
	s18 =	simm.s32 $0x0;
	[sflag:s31] =	ssyncadd.s32 $0xFFFFE000  }
.LBB2_4:
0x82: {  	p0 =	sne.s32 s20, $0x7E00;
	v5 =	vld.idx.msk [tilespmem:v0+s18+$0xFFFFFFE0 ss:$0x1], $0xffff;
	_ =	sdelay $0x5  }
0x83: {  	v5 =	vadd.f32 $1.000000000e+00, v5;
	_ =	sdelay $0x1  }
0x84: {  	v5 =	vmax.f32 v5, $0.0e+00  }
0x85: {  	[tilespmem:s18+$0x1BF00] =	vst v5  }
0x86: {  	v6 =	vld.idx.msk [tilespmem:v1+s18+$0xFFFFFFE0 ss:$0x1], $0xffff;
	_ =	sdelay $0x5  }
0x87: {  	v5 =	vmul.f32 v6, v5;
	_ =	sdelay $0x1  }
0x88: {  	[tilespmem:s18+$0x1BF40] =	vst v5  }
0x89: {  	v5 =	vld.idx.msk [tilespmem:v0+s18+$0xFFFFFFF0 ss:$0x1], $0xffff;
	_ =	sdelay $0x5  }
0x8a: {  	v5 =	vadd.f32 $1.000000000e+00, v5;
	_ =	sdelay $0x1  }
0x8b: {  	v5 =	vmax.f32 v5, $0.0e+00  }
0x8c: {  	[tilespmem:s18+$0x1BF10] =	vst v5  }
0x8d: {  	v6 =	vld.idx.msk [tilespmem:v1+s18+$0xFFFFFFF0 ss:$0x1], $0xffff;
	_ =	sdelay $0x5  }
0x8e: {  	v5 =	vmul.f32 v6, v5;
	_ =	sdelay $0x1  }
0x8f: {  	[tilespmem:s18+$0x1BF50] =	vst v5  }
0x90: {  	v5 =	vld.idx.msk [tilespmem:v0+s18+$0x0 ss:$0x1], $0xffff;
	_ =	sdelay $0x5  }
0x91: {  	v5 =	vadd.f32 $1.000000000e+00, v5;
	_ =	sdelay $0x1  }
0x92: {  	v5 =	vmax.f32 v5, $0.0e+00  }
0x93: {  	[tilespmem:s18+$0x1BF20] =	vst v5  }
0x94: {  	v6 =	vld.idx.msk [tilespmem:v1+s18+$0x0 ss:$0x1], $0xffff;
	_ =	sdelay $0x5  }
0x95: {  	v5 =	vmul.f32 v6, v5;
	_ =	sdelay $0x1  }
0x96: {  	[tilespmem:s18+$0x1BF60] =	vst v5  }
0x97: {  	v5 =	vld.idx.msk [tilespmem:v0+s18+$0x10 ss:$0x1], $0xffff;
	_ =	sdelay $0x5  }
0x98: {  	v5 =	vadd.f32 $1.000000000e+00, v5;
	_ =	sdelay $0x1  }
0x99: {  	v5 =	vmax.f32 v5, $0.0e+00  }
0x9a: {  	[tilespmem:s18+$0x1BF30] =	vst v5  }
0x9b: {  	v6 =	vld.idx.msk [tilespmem:v1+s18+$0x10 ss:$0x1], $0xffff;
	_ =	sdelay $0x3  }
.Ltmp1:
0x9c: {  	(pc) =	sbr.rel @p0 .LBB2_4-.Ltmp1, $3  }
0x9d: {  	_ = 	snop  }
0x9e: {  	v5 =	vmul.f32 v6, v5;
	_ =	sdelay $0x1  }
0x9f: {  	[tilespmem:s18+$0x1BF70] =	vst v5;
	s18 =	sshra.s32 s20, $0x2;
	s20 =	sadd.s32 $0x200, s20  }
0xa0: {  	_ =	sdelay $0x3  }
0xa1: {  	v5 =	vld.idx.msk [tilespmem:v0+s18+$0xFFFFFFE0 ss:$0x1], $0xffff;
	_ =	sdelay $0x4  }
0xa2: {  	v5 =	vadd.f32 $1.000000000e+00, v5;
	_ =	sdelay $0x1  }
0xa3: {  	v5 =	vmax.f32 v5, $0.0e+00  }
0xa4: {  	[tilespmem:s18+$0x1BF00] =	vst v5  }
0xa5: {  	v6 =	vld.idx.msk [tilespmem:v1+s18+$0xFFFFFFE0 ss:$0x1], $0xffff;
	_ =	sdelay $0x4  }
0xa6: {  	v5 =	vmul.f32 v6, v5;
	_ =	sdelay $0x1  }
0xa7: {  	[tilespmem:s18+$0x1BF40] =	vst v5  }
0xa8: {  	v5 =	vld.idx.msk [tilespmem:v0+s18+$0xFFFFFFF0 ss:$0x1], $0xffff;
	_ =	sdelay $0x4  }
0xa9: {  	v5 =	vadd.f32 $1.000000000e+00, v5;
	_ =	sdelay $0x1  }
0xaa: {  	v5 =	vmax.f32 v5, $0.0e+00  }
0xab: {  	[tilespmem:s18+$0x1BF10] =	vst v5  }
0xac: {  	v6 =	vld.idx.msk [tilespmem:v1+s18+$0xFFFFFFF0 ss:$0x1], $0xffff;
	_ =	sdelay $0x4  }
0xad: {  	v5 =	vmul.f32 v6, v5;
	_ =	sdelay $0x1  }
0xae: {  	[tilespmem:s18+$0x1BF50] =	vst v5  }
0xaf: {  	v5 =	vld.idx.msk [tilespmem:v0+s18+$0x0 ss:$0x1], $0xffff;
	_ =	sdelay $0x4  }
0xb0: {  	v5 =	vadd.f32 $1.000000000e+00, v5;
	_ =	sdelay $0x1  }
0xb1: {  	v5 =	vmax.f32 v5, $0.0e+00  }
0xb2: {  	[tilespmem:s18+$0x1BF20] =	vst v5  }
0xb3: {  	v6 =	vld.idx.msk [tilespmem:v1+s18+$0x0 ss:$0x1], $0xffff;
	_ =	sdelay $0x4  }
0xb4: {  	v5 =	vmul.f32 v6, v5;
	_ =	sdelay $0x1  }
0xb5: {  	[tilespmem:s18+$0x1BF60] =	vst v5  }
0xb6: {  	v5 =	vld.idx.msk [tilespmem:v0+s18+$0x10 ss:$0x1], $0xffff;
	_ =	sdelay $0x4  }
0xb7: {  	v5 =	vadd.f32 $1.000000000e+00, v5;
	_ =	sdelay $0x1  }
0xb8: {  	v5 =	vmax.f32 v5, $0.0e+00  }
0xb9: {  	[tilespmem:s18+$0x1BF30] =	vst v5  }
0xba: {  	v6 =	vld.idx.msk [tilespmem:v1+s18+$0x10 ss:$0x1], $0xffff;
	_ =	sdelay $0x4  }
0xbb: {  	v5 =	vmul.f32 v6, v5;
	_ =	sdelay $0x1  }
0xbc: {  	[tilespmem:s18+$0x1BF70] =	vst v5  }
0xbd: {  	v5 =	vld [tilespmem:$0x13D00]  }
0xbe: {  	v6 =	vld [tilespmem:$0x13D10];
	_ =	sdelay $0x3  }
0xbf: {  	[tilespmem:$0x13E00] =	vst v5  }
0xc0: {  	[tilespmem:$0x13E10] =	vst v6  }
0xc1: {  	[spmem:s4] =	stream.indirect.scatter.add.f32 [tilespmem:s13], [sflag:$0x7], $0x80, s2, s1, $0xb8;
	[tilespmem:$0x1FF00] =	vst v63  }
0xc2: {  	s20 =	rddreg [dreg:$0xb];
	s18 =	simm.s32 $0x0  }
0xc3: {  	[tilespmem:s16], [sflag:$0x1] =	stream.linear.gather [hbm4b:s20+s18], $0x40, $0x38;
	[tilespmem:$0x1FF00] =	vst v63  }
0xc4: {  	s28 =	rddreg [dreg:$0x1a];
	s23 =	simm.s32 $0x13D00  }
0xc5: {  	[tilespmem:s23], [sflag:$0x1] =	stream.linear.gather [hbm4b:s28+s18], $0x40, $0x38;
	[tilespmem:$0x1FF00] =	vst v63  }
0xc6: {  	_ =	swait.ge [sflag:s22], $0x40  }
0xc7: {  	[sflag:s22] =	ssyncset.done $0x0  }
0xc8: {  	[sflag:s22] =	ssyncadd.s32 $0xFFFFFFC0  }
0xc9: {  	_ =	swait.ge [sflag:s22], $0x40  }
0xca: {  	[sflag:s22] =	ssyncset.done $0x0  }
0xcb: {  	s25 =	simm.s32 $0x13F00;
	s23 =	rddreg [dreg:$0xc];
	[sflag:s22] =	ssyncadd.s32 $0xFFFFFFC0  }
0xcc: {  	[tilespmem:s25], [sflag:$0x3] =	stream.linear.gather [hbm4b:s23+s18], $0x2000, $0x38;
	[tilespmem:$0x1FF00] =	vst v63  }
0xcd: {  	s28 =	simm.s32 $0x17F00  }
0xce: {  	[tilespmem:s28], [sflag:$0x5] =	stream.indirect.gather [hbm4b:s3+s24], $0x80, s16, s24, $0xb8;
	[tilespmem:$0x1FF00] =	vst v63  }
0xcf: {  	_ =	swait.ge [sflag:s8], $0x2000  }
0xd0: {  	[sflag:s8] =	ssyncset.done $0x0  }
0xd1: {  	[sflag:s8] =	ssyncadd.s32 $0xFFFFE000  }
0xd2: {  	_ =	swait.ge [sflag:s11], $0x2000  }
0xd3: {  	[sflag:s11] =	ssyncset.done $0x0  }
0xd4: {  	s20 =	simm.s32 $0x200;
	s18 =	simm.s32 $0x0;
	[sflag:s11] =	ssyncadd.s32 $0xFFFFE000  }
.LBB2_6:
0xd5: {  	p0 =	sne.s32 s20, $0x7E00;
	v5 =	vld.idx.msk [tilespmem:v2+s18+$0x0 ss:$0x1], $0xffff;
	_ =	sdelay $0x5  }
0xd6: {  	v5 =	vadd.f32 $1.000000000e+00, v5;
	_ =	sdelay $0x1  }
0xd7: {  	v5 =	vmax.f32 v5, $0.0e+00  }
0xd8: {  	[tilespmem:s18+$0x1DF00] =	vst v5  }
0xd9: {  	v6 =	vld.idx.msk [tilespmem:v3+s18+$0x0 ss:$0x1], $0xffff;
	_ =	sdelay $0x5  }
0xda: {  	v5 =	vmul.f32 v6, v5;
	_ =	sdelay $0x1  }
0xdb: {  	[tilespmem:s18+$0x1DF40] =	vst v5  }
0xdc: {  	v5 =	vld.idx.msk [tilespmem:v2+s18+$0x10 ss:$0x1], $0xffff;
	_ =	sdelay $0x5  }
0xdd: {  	v5 =	vadd.f32 $1.000000000e+00, v5;
	_ =	sdelay $0x1  }
0xde: {  	v5 =	vmax.f32 v5, $0.0e+00  }
0xdf: {  	[tilespmem:s18+$0x1DF10] =	vst v5  }
0xe0: {  	v6 =	vld.idx.msk [tilespmem:v3+s18+$0x10 ss:$0x1], $0xffff;
	_ =	sdelay $0x5  }
0xe1: {  	v5 =	vmul.f32 v6, v5;
	_ =	sdelay $0x1  }
0xe2: {  	[tilespmem:s18+$0x1DF50] =	vst v5  }
0xe3: {  	v5 =	vld.idx.msk [tilespmem:v2+s18+$0x20 ss:$0x1], $0xffff;
	_ =	sdelay $0x5  }
0xe4: {  	v5 =	vadd.f32 $1.000000000e+00, v5;
	_ =	sdelay $0x1  }
0xe5: {  	v5 =	vmax.f32 v5, $0.0e+00  }
0xe6: {  	[tilespmem:s18+$0x1DF20] =	vst v5  }
0xe7: {  	v6 =	vld.idx.msk [tilespmem:v3+s18+$0x20 ss:$0x1], $0xffff;
	_ =	sdelay $0x5  }
0xe8: {  	v5 =	vmul.f32 v6, v5;
	_ =	sdelay $0x1  }
0xe9: {  	[tilespmem:s18+$0x1DF60] =	vst v5  }
0xea: {  	v5 =	vld.idx.msk [tilespmem:v2+s18+$0x30 ss:$0x1], $0xffff;
	_ =	sdelay $0x5  }
0xeb: {  	v5 =	vadd.f32 $1.000000000e+00, v5;
	_ =	sdelay $0x1  }
0xec: {  	v5 =	vmax.f32 v5, $0.0e+00  }
0xed: {  	[tilespmem:s18+$0x1DF30] =	vst v5  }
0xee: {  	v6 =	vld.idx.msk [tilespmem:v3+s18+$0x30 ss:$0x1], $0xffff;
	_ =	sdelay $0x3  }
.Ltmp2:
0xef: {  	(pc) =	sbr.rel @p0 .LBB2_6-.Ltmp2, $3  }
0xf0: {  	_ = 	snop  }
0xf1: {  	v5 =	vmul.f32 v6, v5;
	_ =	sdelay $0x1  }
0xf2: {  	[tilespmem:s18+$0x1DF70] =	vst v5;
	s18 =	sshra.s32 s20, $0x2;
	s20 =	sadd.s32 $0x200, s20  }
0xf3: {  	_ =	sdelay $0x3  }
0xf4: {  	v5 =	vld.idx.msk [tilespmem:v2+s18+$0x0 ss:$0x1], $0xffff;
	_ =	sdelay $0x4  }
0xf5: {  	v5 =	vadd.f32 $1.000000000e+00, v5;
	_ =	sdelay $0x1  }
0xf6: {  	v5 =	vmax.f32 v5, $0.0e+00  }
0xf7: {  	[tilespmem:s18+$0x1DF00] =	vst v5  }
0xf8: {  	v6 =	vld.idx.msk [tilespmem:v3+s18+$0x0 ss:$0x1], $0xffff;
	_ =	sdelay $0x4  }
0xf9: {  	v5 =	vmul.f32 v6, v5;
	_ =	sdelay $0x1  }
0xfa: {  	[tilespmem:s18+$0x1DF40] =	vst v5  }
0xfb: {  	v5 =	vld.idx.msk [tilespmem:v2+s18+$0x10 ss:$0x1], $0xffff;
	_ =	sdelay $0x4  }
0xfc: {  	v5 =	vadd.f32 $1.000000000e+00, v5;
	_ =	sdelay $0x1  }
0xfd: {  	v5 =	vmax.f32 v5, $0.0e+00  }
0xfe: {  	[tilespmem:s18+$0x1DF10] =	vst v5  }
0xff: {  	v6 =	vld.idx.msk [tilespmem:v3+s18+$0x10 ss:$0x1], $0xffff;
	_ =	sdelay $0x4  }
0x100: {  	v5 =	vmul.f32 v6, v5;
	_ =	sdelay $0x1  }
0x101: {  	[tilespmem:s18+$0x1DF50] =	vst v5  }
0x102: {  	v5 =	vld.idx.msk [tilespmem:v2+s18+$0x20 ss:$0x1], $0xffff;
	_ =	sdelay $0x4  }
0x103: {  	v5 =	vadd.f32 $1.000000000e+00, v5;
	_ =	sdelay $0x1  }
0x104: {  	v5 =	vmax.f32 v5, $0.0e+00  }
0x105: {  	[tilespmem:s18+$0x1DF20] =	vst v5  }
0x106: {  	v6 =	vld.idx.msk [tilespmem:v3+s18+$0x20 ss:$0x1], $0xffff;
	_ =	sdelay $0x4  }
0x107: {  	v5 =	vmul.f32 v6, v5;
	_ =	sdelay $0x1  }
0x108: {  	[tilespmem:s18+$0x1DF60] =	vst v5  }
0x109: {  	v5 =	vld.idx.msk [tilespmem:v2+s18+$0x30 ss:$0x1], $0xffff;
	_ =	sdelay $0x4  }
0x10a: {  	v5 =	vadd.f32 $1.000000000e+00, v5;
	_ =	sdelay $0x1  }
0x10b: {  	v5 =	vmax.f32 v5, $0.0e+00  }
0x10c: {  	[tilespmem:s18+$0x1DF30] =	vst v5  }
0x10d: {  	v6 =	vld.idx.msk [tilespmem:v3+s18+$0x30 ss:$0x1], $0xffff;
	_ =	sdelay $0x4  }
0x10e: {  	v5 =	vmul.f32 v6, v5;
	_ =	sdelay $0x1  }
0x10f: {  	[tilespmem:s18+$0x1DF70] =	vst v5  }
0x110: {  	v5 =	vld [tilespmem:$0x13D80]  }
0x111: {  	v6 =	vld [tilespmem:$0x13D90];
	_ =	sdelay $0x3  }
0x112: {  	[tilespmem:$0x13E80] =	vst v5  }
0x113: {  	[tilespmem:$0x13E90] =	vst v6  }
0x114: {  	[spmem:s4] =	stream.indirect.scatter.add.f32 [tilespmem:s10], [sflag:$0x8], $0x80, s12, s1, $0xb8;
	[tilespmem:$0x1FF00] =	vst v63  }
0x115: {  	s25 =	rddreg [dreg:$0x1b]  }
0x116: {  	[tilespmem:s19], [sflag:$0x2] =	stream.linear.gather [hbm4b:s25+s5], $0x40, $0x38;
	[tilespmem:$0x1FF00] =	vst v63  }
0x117: {  	s28 =	rddreg [dreg:$0x1c];
	s20 =	simm.s32 $0x13D80;
	s18 =	simm.s32 $0x1  }
0x118: {  	[tilespmem:s20], [sflag:$0x2] =	stream.linear.gather [hbm4b:s28+s5], $0x40, $0x38;
	[tilespmem:$0x1FF00] =	vst v63  }
.LBB2_8:
0x119: {  	_ =	swait.ge [sflag:s26], $0x40  }
0x11a: {  	[sflag:s26] =	ssyncset.done $0x0  }
0x11b: {  	s20 =	sshll.u32 s18, $0x7;
	[sflag:s26] =	ssyncadd.s32 $0xFFFFFFC0  }
0x11c: {  	s23 =	sadd.s32 s20, s9;
	_ =	swait.ge [sflag:s26], $0x40  }
0x11d: {  	s25 =	simm.s32 $0x0;
	s23 =	sshll.u32 s23, $0x4;
	[sflag:s26] =	ssyncset.done $0x0  }
0x11e: {  	s28 =	simm.s32 $0x15F00;
	s23 =	sadd.s32 s0, s23;
	[sflag:s26] =	ssyncadd.s32 $0xFFFFFFC0  }
0x11f: {  	[tilespmem:s28], [sflag:$0x4] =	stream.linear.gather [hbm4b:s23+s25], $0x2000, $0x38;
	[tilespmem:$0x1FF00] =	vst v63  }
0x120: {  	s28 =	simm.s32 $0x19F00  }
0x121: {  	[tilespmem:s28], [sflag:$0x6] =	stream.indirect.gather [hbm4b:s3+s24], $0x80, s19, s24, $0xb8;
	[tilespmem:$0x1FF00] =	vst v63  }
0x122: {  	_ =	swait.ge [sflag:s30], $0x2000  }
0x123: {  	[sflag:s30] =	ssyncset.done $0x0  }
0x124: {  	[sflag:s30] =	ssyncadd.s32 $0xFFFFE000  }
0x125: {  	_ =	swait.ge [sflag:s31], $0x2000  }
0x126: {  	[sflag:s31] =	ssyncset.done $0x0  }
0x127: {  	[sflag:s31] =	ssyncadd.s32 $0xFFFFE000  }
0x128: {  	_ =	swait.ge [sflag:s7], $0x1000  }
0x129: {  	[sflag:s7] =	ssyncset.done $0x0  }
0x12a: {  	s23 =	simm.s32 $0x0;
	s25 =	simm.s32 $0x200;
	[sflag:s7] =	ssyncadd.s32 $0xFFFFF000  }
.LBB2_9:
0x12b: {  	p0 =	sne.s32 s25, $0x7E00;
	v5 =	vld.idx.msk [tilespmem:v0+s23+$0xFFFFFFE0 ss:$0x1], $0xffff;
	_ =	sdelay $0x5  }
0x12c: {  	v5 =	vadd.f32 $1.000000000e+00, v5;
	_ =	sdelay $0x1  }
0x12d: {  	v5 =	vmax.f32 v5, $0.0e+00  }
0x12e: {  	[tilespmem:s23+$0x1BF00] =	vst v5  }
0x12f: {  	v6 =	vld.idx.msk [tilespmem:v1+s23+$0xFFFFFFE0 ss:$0x1], $0xffff;
	_ =	sdelay $0x5  }
0x130: {  	v5 =	vmul.f32 v6, v5;
	_ =	sdelay $0x1  }
0x131: {  	[tilespmem:s23+$0x1BF40] =	vst v5  }
0x132: {  	v5 =	vld.idx.msk [tilespmem:v0+s23+$0xFFFFFFF0 ss:$0x1], $0xffff;
	_ =	sdelay $0x5  }
0x133: {  	v5 =	vadd.f32 $1.000000000e+00, v5;
	_ =	sdelay $0x1  }
0x134: {  	v5 =	vmax.f32 v5, $0.0e+00  }
0x135: {  	[tilespmem:s23+$0x1BF10] =	vst v5  }
0x136: {  	v6 =	vld.idx.msk [tilespmem:v1+s23+$0xFFFFFFF0 ss:$0x1], $0xffff;
	_ =	sdelay $0x5  }
0x137: {  	v5 =	vmul.f32 v6, v5;
	_ =	sdelay $0x1  }
0x138: {  	[tilespmem:s23+$0x1BF50] =	vst v5  }
0x139: {  	v5 =	vld.idx.msk [tilespmem:v0+s23+$0x0 ss:$0x1], $0xffff;
	_ =	sdelay $0x5  }
0x13a: {  	v5 =	vadd.f32 $1.000000000e+00, v5;
	_ =	sdelay $0x1  }
0x13b: {  	v5 =	vmax.f32 v5, $0.0e+00  }
0x13c: {  	[tilespmem:s23+$0x1BF20] =	vst v5  }
0x13d: {  	v6 =	vld.idx.msk [tilespmem:v1+s23+$0x0 ss:$0x1], $0xffff;
	_ =	sdelay $0x5  }
0x13e: {  	v5 =	vmul.f32 v6, v5;
	_ =	sdelay $0x1  }
0x13f: {  	[tilespmem:s23+$0x1BF60] =	vst v5  }
0x140: {  	v5 =	vld.idx.msk [tilespmem:v0+s23+$0x10 ss:$0x1], $0xffff;
	_ =	sdelay $0x5  }
0x141: {  	v5 =	vadd.f32 $1.000000000e+00, v5;
	_ =	sdelay $0x1  }
0x142: {  	v5 =	vmax.f32 v5, $0.0e+00  }
0x143: {  	[tilespmem:s23+$0x1BF30] =	vst v5  }
0x144: {  	v6 =	vld.idx.msk [tilespmem:v1+s23+$0x10 ss:$0x1], $0xffff;
	_ =	sdelay $0x3  }
.Ltmp3:
0x145: {  	(pc) =	sbr.rel @p0 .LBB2_9-.Ltmp3, $3  }
0x146: {  	_ = 	snop  }
0x147: {  	v5 =	vmul.f32 v6, v5;
	_ =	sdelay $0x1  }
0x148: {  	[tilespmem:s23+$0x1BF70] =	vst v5;
	s23 =	sshra.s32 s25, $0x2;
	s25 =	sadd.s32 $0x200, s25  }
0x149: {  	_ =	sdelay $0x3  }
0x14a: {  	v5 =	vld.idx.msk [tilespmem:v0+s23+$0xFFFFFFE0 ss:$0x1], $0xffff;
	_ =	sdelay $0x4  }
0x14b: {  	v5 =	vadd.f32 $1.000000000e+00, v5;
	_ =	sdelay $0x1  }
0x14c: {  	v5 =	vmax.f32 v5, $0.0e+00  }
0x14d: {  	[tilespmem:s23+$0x1BF00] =	vst v5  }
0x14e: {  	v6 =	vld.idx.msk [tilespmem:v1+s23+$0xFFFFFFE0 ss:$0x1], $0xffff;
	_ =	sdelay $0x4  }
0x14f: {  	v5 =	vmul.f32 v6, v5;
	_ =	sdelay $0x1  }
0x150: {  	[tilespmem:s23+$0x1BF40] =	vst v5  }
0x151: {  	v5 =	vld.idx.msk [tilespmem:v0+s23+$0xFFFFFFF0 ss:$0x1], $0xffff;
	_ =	sdelay $0x4  }
0x152: {  	v5 =	vadd.f32 $1.000000000e+00, v5;
	_ =	sdelay $0x1  }
0x153: {  	v5 =	vmax.f32 v5, $0.0e+00  }
0x154: {  	[tilespmem:s23+$0x1BF10] =	vst v5  }
0x155: {  	v6 =	vld.idx.msk [tilespmem:v1+s23+$0xFFFFFFF0 ss:$0x1], $0xffff;
	_ =	sdelay $0x4  }
0x156: {  	v5 =	vmul.f32 v6, v5;
	_ =	sdelay $0x1  }
0x157: {  	[tilespmem:s23+$0x1BF50] =	vst v5  }
0x158: {  	v5 =	vld.idx.msk [tilespmem:v0+s23+$0x0 ss:$0x1], $0xffff;
	_ =	sdelay $0x4  }
0x159: {  	v5 =	vadd.f32 $1.000000000e+00, v5;
	_ =	sdelay $0x1  }
0x15a: {  	v5 =	vmax.f32 v5, $0.0e+00  }
0x15b: {  	[tilespmem:s23+$0x1BF20] =	vst v5  }
0x15c: {  	v6 =	vld.idx.msk [tilespmem:v1+s23+$0x0 ss:$0x1], $0xffff;
	_ =	sdelay $0x4  }
0x15d: {  	v5 =	vmul.f32 v6, v5;
	_ =	sdelay $0x1  }
0x15e: {  	[tilespmem:s23+$0x1BF60] =	vst v5  }
0x15f: {  	v5 =	vld.idx.msk [tilespmem:v0+s23+$0x10 ss:$0x1], $0xffff;
	_ =	sdelay $0x4  }
0x160: {  	v5 =	vadd.f32 $1.000000000e+00, v5;
	_ =	sdelay $0x1  }
0x161: {  	v5 =	vmax.f32 v5, $0.0e+00  }
0x162: {  	[tilespmem:s23+$0x1BF30] =	vst v5  }
0x163: {  	v6 =	vld.idx.msk [tilespmem:v1+s23+$0x10 ss:$0x1], $0xffff;
	_ =	sdelay $0x4  }
0x164: {  	v5 =	vmul.f32 v6, v5;
	_ =	sdelay $0x1  }
0x165: {  	[tilespmem:s23+$0x1BF70] =	vst v5  }
0x166: {  	v5 =	vld [tilespmem:$0x13D00]  }
0x167: {  	v6 =	vld [tilespmem:$0x13D10];
	_ =	sdelay $0x3  }
0x168: {  	s23 =	sadd.s32 s20, s14;
	[tilespmem:$0x13E00] =	vst v5  }
0x169: {  	s25 =	sshrl.u32 s23, $0x3;
	[tilespmem:$0x13E10] =	vst v6  }
0x16a: {  	[spmem:s4] =	stream.indirect.scatter.add.f32 [tilespmem:s13], [sflag:$0x7], $0x80, s2, s1, $0xb8;
	[tilespmem:$0x1FF00] =	vst v63  }
0x16b: {  	s28 =	simm.s32 $0x0;
	s25 =	sadd.s32 s6, s25  }
0x16c: {  	[tilespmem:s16], [sflag:$0x1] =	stream.linear.gather [hbm4b:s25+s28], $0x40, $0x38;
	[tilespmem:$0x1FF00] =	vst v63  }
0x16d: {  	s25 =	sadd.s32 $0x9C40, s25  }
0x16e: {  	[tilespmem:s29], [sflag:$0x1] =	stream.linear.gather [hbm4b:s25+s28], $0x40, $0x38;
	[tilespmem:$0x1FF00] =	vst v63  }
0x16f: {  	_ =	swait.ge [sflag:s22], $0x40  }
0x170: {  	[sflag:s22] =	ssyncset.done $0x0  }
0x171: {  	[sflag:s22] =	ssyncadd.s32 $0xFFFFFFC0  }
0x172: {  	_ =	swait.ge [sflag:s22], $0x40  }
0x173: {  	s23 =	sshll.u32 s23, $0x4;
	[sflag:s22] =	ssyncset.done $0x0  }
0x174: {  	s23 =	sadd.s32 s0, s23;
	s25 =	simm.s32 $0x13F00;
	[sflag:s22] =	ssyncadd.s32 $0xFFFFFFC0  }
0x175: {  	[tilespmem:s25], [sflag:$0x3] =	stream.linear.gather [hbm4b:s23+s28], $0x2000, $0x38;
	[tilespmem:$0x1FF00] =	vst v63  }
0x176: {  	s28 =	simm.s32 $0x17F00  }
0x177: {  	[tilespmem:s28], [sflag:$0x5] =	stream.indirect.gather [hbm4b:s3+s24], $0x80, s16, s24, $0xb8;
	[tilespmem:$0x1FF00] =	vst v63  }
0x178: {  	_ =	swait.ge [sflag:s8], $0x2000  }
0x179: {  	[sflag:s8] =	ssyncset.done $0x0  }
0x17a: {  	[sflag:s8] =	ssyncadd.s32 $0xFFFFE000  }
0x17b: {  	_ =	swait.ge [sflag:s11], $0x2000  }
0x17c: {  	[sflag:s11] =	ssyncset.done $0x0  }
0x17d: {  	[sflag:s11] =	ssyncadd.s32 $0xFFFFE000  }
0x17e: {  	_ =	swait.ge [sflag:s15], $0x1000  }
0x17f: {  	[sflag:s15] =	ssyncset.done $0x0  }
0x180: {  	s23 =	simm.s32 $0x0;
	s25 =	simm.s32 $0x200;
	[sflag:s15] =	ssyncadd.s32 $0xFFFFF000  }
.LBB2_11:
0x181: {  	p0 =	sne.s32 s25, $0x7E00;
	v5 =	vld.idx.msk [tilespmem:v2+s23+$0x0 ss:$0x1], $0xffff;
	_ =	sdelay $0x5  }
0x182: {  	v5 =	vadd.f32 $1.000000000e+00, v5;
	_ =	sdelay $0x1  }
0x183: {  	v5 =	vmax.f32 v5, $0.0e+00  }
0x184: {  	[tilespmem:s23+$0x1DF00] =	vst v5  }
0x185: {  	v6 =	vld.idx.msk [tilespmem:v3+s23+$0x0 ss:$0x1], $0xffff;
	_ =	sdelay $0x5  }
0x186: {  	v5 =	vmul.f32 v6, v5;
	_ =	sdelay $0x1  }
0x187: {  	[tilespmem:s23+$0x1DF40] =	vst v5  }
0x188: {  	v5 =	vld.idx.msk [tilespmem:v2+s23+$0x10 ss:$0x1], $0xffff;
	_ =	sdelay $0x5  }
0x189: {  	v5 =	vadd.f32 $1.000000000e+00, v5;
	_ =	sdelay $0x1  }
0x18a: {  	v5 =	vmax.f32 v5, $0.0e+00  }
0x18b: {  	[tilespmem:s23+$0x1DF10] =	vst v5  }
0x18c: {  	v6 =	vld.idx.msk [tilespmem:v3+s23+$0x10 ss:$0x1], $0xffff;
	_ =	sdelay $0x5  }
0x18d: {  	v5 =	vmul.f32 v6, v5;
	_ =	sdelay $0x1  }
0x18e: {  	[tilespmem:s23+$0x1DF50] =	vst v5  }
0x18f: {  	v5 =	vld.idx.msk [tilespmem:v2+s23+$0x20 ss:$0x1], $0xffff;
	_ =	sdelay $0x5  }
0x190: {  	v5 =	vadd.f32 $1.000000000e+00, v5;
	_ =	sdelay $0x1  }
0x191: {  	v5 =	vmax.f32 v5, $0.0e+00  }
0x192: {  	[tilespmem:s23+$0x1DF20] =	vst v5  }
0x193: {  	v6 =	vld.idx.msk [tilespmem:v3+s23+$0x20 ss:$0x1], $0xffff;
	_ =	sdelay $0x5  }
0x194: {  	v5 =	vmul.f32 v6, v5;
	_ =	sdelay $0x1  }
0x195: {  	[tilespmem:s23+$0x1DF60] =	vst v5  }
0x196: {  	v5 =	vld.idx.msk [tilespmem:v2+s23+$0x30 ss:$0x1], $0xffff;
	_ =	sdelay $0x5  }
0x197: {  	v5 =	vadd.f32 $1.000000000e+00, v5;
	_ =	sdelay $0x1  }
0x198: {  	v5 =	vmax.f32 v5, $0.0e+00  }
0x199: {  	[tilespmem:s23+$0x1DF30] =	vst v5  }
0x19a: {  	v6 =	vld.idx.msk [tilespmem:v3+s23+$0x30 ss:$0x1], $0xffff;
	_ =	sdelay $0x3  }
.Ltmp4:
0x19b: {  	(pc) =	sbr.rel @p0 .LBB2_11-.Ltmp4, $3  }
0x19c: {  	_ = 	snop  }
0x19d: {  	v5 =	vmul.f32 v6, v5;
	_ =	sdelay $0x1  }
0x19e: {  	[tilespmem:s23+$0x1DF70] =	vst v5;
	s23 =	sshra.s32 s25, $0x2;
	s25 =	sadd.s32 $0x200, s25  }
0x19f: {  	_ =	sdelay $0x3  }
0x1a0: {  	v5 =	vld.idx.msk [tilespmem:v2+s23+$0x0 ss:$0x1], $0xffff;
	_ =	sdelay $0x4  }
0x1a1: {  	v5 =	vadd.f32 $1.000000000e+00, v5;
	_ =	sdelay $0x1  }
0x1a2: {  	v5 =	vmax.f32 v5, $0.0e+00  }
0x1a3: {  	[tilespmem:s23+$0x1DF00] =	vst v5  }
0x1a4: {  	v6 =	vld.idx.msk [tilespmem:v3+s23+$0x0 ss:$0x1], $0xffff;
	_ =	sdelay $0x4  }
0x1a5: {  	v5 =	vmul.f32 v6, v5;
	_ =	sdelay $0x1  }
0x1a6: {  	[tilespmem:s23+$0x1DF40] =	vst v5  }
0x1a7: {  	v5 =	vld.idx.msk [tilespmem:v2+s23+$0x10 ss:$0x1], $0xffff;
	_ =	sdelay $0x4  }
0x1a8: {  	v5 =	vadd.f32 $1.000000000e+00, v5;
	_ =	sdelay $0x1  }
0x1a9: {  	v5 =	vmax.f32 v5, $0.0e+00  }
0x1aa: {  	[tilespmem:s23+$0x1DF10] =	vst v5  }
0x1ab: {  	v6 =	vld.idx.msk [tilespmem:v3+s23+$0x10 ss:$0x1], $0xffff;
	_ =	sdelay $0x4  }
0x1ac: {  	v5 =	vmul.f32 v6, v5;
	_ =	sdelay $0x1  }
0x1ad: {  	[tilespmem:s23+$0x1DF50] =	vst v5  }
0x1ae: {  	v5 =	vld.idx.msk [tilespmem:v2+s23+$0x20 ss:$0x1], $0xffff;
	_ =	sdelay $0x4  }
0x1af: {  	v5 =	vadd.f32 $1.000000000e+00, v5;
	_ =	sdelay $0x1  }
0x1b0: {  	v5 =	vmax.f32 v5, $0.0e+00  }
0x1b1: {  	[tilespmem:s23+$0x1DF20] =	vst v5  }
0x1b2: {  	v6 =	vld.idx.msk [tilespmem:v3+s23+$0x20 ss:$0x1], $0xffff;
	_ =	sdelay $0x4  }
0x1b3: {  	v5 =	vmul.f32 v6, v5;
	_ =	sdelay $0x1  }
0x1b4: {  	[tilespmem:s23+$0x1DF60] =	vst v5  }
0x1b5: {  	v5 =	vld.idx.msk [tilespmem:v2+s23+$0x30 ss:$0x1], $0xffff;
	_ =	sdelay $0x4  }
0x1b6: {  	v5 =	vadd.f32 $1.000000000e+00, v5;
	_ =	sdelay $0x1  }
0x1b7: {  	v5 =	vmax.f32 v5, $0.0e+00  }
0x1b8: {  	[tilespmem:s23+$0x1DF30] =	vst v5  }
0x1b9: {  	v6 =	vld.idx.msk [tilespmem:v3+s23+$0x30 ss:$0x1], $0xffff;
	_ =	sdelay $0x4  }
0x1ba: {  	v5 =	vmul.f32 v6, v5;
	_ =	sdelay $0x1  }
0x1bb: {  	[tilespmem:s23+$0x1DF70] =	vst v5  }
0x1bc: {  	v5 =	vld [tilespmem:$0x13D80]  }
0x1bd: {  	v6 =	vld [tilespmem:$0x13D90];
	_ =	sdelay $0x3  }
0x1be: {  	[tilespmem:$0x13E80] =	vst v5  }
0x1bf: {  	s20 =	sadd.s32 s20, s17;
	p0 =	sne.s32 s18, s21;
	[tilespmem:$0x13E90] =	vst v6  }
0x1c0: {  	[spmem:s4] =	stream.indirect.scatter.add.f32 [tilespmem:s10], [sflag:$0x8], $0x80, s12, s1, $0xb8;
	[tilespmem:$0x1FF00] =	vst v63  }
.Ltmp5:
0x1c1: {  	s20 =	sshrl.u32 s20, $0x3;
	(pc) =	sbr.rel @p0 .LBB2_8-.Ltmp5, $4  }
0x1c2: {  	s28 =	sadd.s32 $0x1, s18;
	s20 =	sadd.s32 s6, s20  }
0x1c3: {  	[tilespmem:s19], [sflag:$0x2] =	stream.linear.gather [hbm4b:s20+s5], $0x40, $0x38;
	[tilespmem:$0x1FF00] =	vst v63  }
0x1c4: {  	s25 =	simm.s32 $0x13D80;
	s18 =	smov.u32 s28;
	s20 =	sadd.s32 $0x9C40, s20  }
0x1c5: {  	[tilespmem:s25], [sflag:$0x2] =	stream.linear.gather [hbm4b:s20+s5], $0x40, $0x38;
	[tilespmem:$0x1FF00] =	vst v63  }
0x1c6: {  	_ =	swait.ge [sflag:s26], $0x40  }
0x1c7: {  	[sflag:s26] =	ssyncset.done $0x0  }
0x1c8: {  	[sflag:s26] =	ssyncadd.s32 $0xFFFFFFC0  }
0x1c9: {  	_ =	swait.ge [sflag:s26], $0x40  }
0x1ca: {  	s18 =	simm.s32 $0x0;
	[sflag:s26] =	ssyncset.done $0x0  }
0x1cb: {  	s23 =	simm.s32 $0x15F00;
	s20 =	rddreg [dreg:$0xd];
	[sflag:s26] =	ssyncadd.s32 $0xFFFFFFC0  }
0x1cc: {  	[tilespmem:s23], [sflag:$0x4] =	stream.linear.gather [hbm4b:s20+s18], $0x2000, $0x38;
	[tilespmem:$0x1FF00] =	vst v63  }
0x1cd: {  	s28 =	simm.s32 $0x19F00  }
0x1ce: {  	[tilespmem:s28], [sflag:$0x6] =	stream.indirect.gather [hbm4b:s3+s24], $0x80, s19, s24, $0xb8;
	[tilespmem:$0x1FF00] =	vst v63  }
0x1cf: {  	_ =	swait.ge [sflag:s30], $0x2000  }
0x1d0: {  	[sflag:s30] =	ssyncset.done $0x0  }
0x1d1: {  	[sflag:s30] =	ssyncadd.s32 $0xFFFFE000  }
0x1d2: {  	_ =	swait.ge [sflag:s31], $0x2000  }
0x1d3: {  	[sflag:s31] =	ssyncset.done $0x0  }
0x1d4: {  	[sflag:s31] =	ssyncadd.s32 $0xFFFFE000  }
0x1d5: {  	_ =	swait.ge [sflag:s7], $0x1000  }
0x1d6: {  	[sflag:s7] =	ssyncset.done $0x0  }
0x1d7: {  	s18 =	simm.s32 $0x0;
	s20 =	simm.s32 $0x200;
	[sflag:s7] =	ssyncadd.s32 $0xFFFFF000  }
.LBB2_14:
0x1d8: {  	p0 =	sne.s32 s20, $0x7E00;
	v5 =	vld.idx.msk [tilespmem:v0+s18+$0xFFFFFFE0 ss:$0x1], $0xffff;
	_ =	sdelay $0x5  }
0x1d9: {  	v5 =	vadd.f32 $1.000000000e+00, v5;
	_ =	sdelay $0x1  }
0x1da: {  	v5 =	vmax.f32 v5, $0.0e+00  }
0x1db: {  	[tilespmem:s18+$0x1BF00] =	vst v5  }
0x1dc: {  	v6 =	vld.idx.msk [tilespmem:v1+s18+$0xFFFFFFE0 ss:$0x1], $0xffff;
	_ =	sdelay $0x5  }
0x1dd: {  	v5 =	vmul.f32 v6, v5;
	_ =	sdelay $0x1  }
0x1de: {  	[tilespmem:s18+$0x1BF40] =	vst v5  }
0x1df: {  	v5 =	vld.idx.msk [tilespmem:v0+s18+$0xFFFFFFF0 ss:$0x1], $0xffff;
	_ =	sdelay $0x5  }
0x1e0: {  	v5 =	vadd.f32 $1.000000000e+00, v5;
	_ =	sdelay $0x1  }
0x1e1: {  	v5 =	vmax.f32 v5, $0.0e+00  }
0x1e2: {  	[tilespmem:s18+$0x1BF10] =	vst v5  }
0x1e3: {  	v6 =	vld.idx.msk [tilespmem:v1+s18+$0xFFFFFFF0 ss:$0x1], $0xffff;
	_ =	sdelay $0x5  }
0x1e4: {  	v5 =	vmul.f32 v6, v5;
	_ =	sdelay $0x1  }
0x1e5: {  	[tilespmem:s18+$0x1BF50] =	vst v5  }
0x1e6: {  	v5 =	vld.idx.msk [tilespmem:v0+s18+$0x0 ss:$0x1], $0xffff;
	_ =	sdelay $0x5  }
0x1e7: {  	v5 =	vadd.f32 $1.000000000e+00, v5;
	_ =	sdelay $0x1  }
0x1e8: {  	v5 =	vmax.f32 v5, $0.0e+00  }
0x1e9: {  	[tilespmem:s18+$0x1BF20] =	vst v5  }
0x1ea: {  	v6 =	vld.idx.msk [tilespmem:v1+s18+$0x0 ss:$0x1], $0xffff;
	_ =	sdelay $0x5  }
0x1eb: {  	v5 =	vmul.f32 v6, v5;
	_ =	sdelay $0x1  }
0x1ec: {  	[tilespmem:s18+$0x1BF60] =	vst v5  }
0x1ed: {  	v5 =	vld.idx.msk [tilespmem:v0+s18+$0x10 ss:$0x1], $0xffff;
	_ =	sdelay $0x5  }
0x1ee: {  	v5 =	vadd.f32 $1.000000000e+00, v5;
	_ =	sdelay $0x1  }
0x1ef: {  	v5 =	vmax.f32 v5, $0.0e+00  }
0x1f0: {  	[tilespmem:s18+$0x1BF30] =	vst v5  }
0x1f1: {  	v6 =	vld.idx.msk [tilespmem:v1+s18+$0x10 ss:$0x1], $0xffff;
	_ =	sdelay $0x3  }
.Ltmp6:
0x1f2: {  	(pc) =	sbr.rel @p0 .LBB2_14-.Ltmp6, $3  }
0x1f3: {  	_ = 	snop  }
0x1f4: {  	v5 =	vmul.f32 v6, v5;
	_ =	sdelay $0x1  }
0x1f5: {  	[tilespmem:s18+$0x1BF70] =	vst v5;
	s18 =	sshra.s32 s20, $0x2;
	s20 =	sadd.s32 $0x200, s20  }
0x1f6: {  	_ =	sdelay $0x3  }
0x1f7: {  	v5 =	vld.idx.msk [tilespmem:v0+s18+$0xFFFFFFE0 ss:$0x1], $0xffff;
	_ =	sdelay $0x4  }
0x1f8: {  	v5 =	vadd.f32 $1.000000000e+00, v5;
	_ =	sdelay $0x1  }
0x1f9: {  	v5 =	vmax.f32 v5, $0.0e+00  }
0x1fa: {  	[tilespmem:s18+$0x1BF00] =	vst v5  }
0x1fb: {  	v6 =	vld.idx.msk [tilespmem:v1+s18+$0xFFFFFFE0 ss:$0x1], $0xffff;
	_ =	sdelay $0x4  }
0x1fc: {  	v5 =	vmul.f32 v6, v5;
	_ =	sdelay $0x1  }
0x1fd: {  	[tilespmem:s18+$0x1BF40] =	vst v5  }
0x1fe: {  	v5 =	vld.idx.msk [tilespmem:v0+s18+$0xFFFFFFF0 ss:$0x1], $0xffff;
	_ =	sdelay $0x4  }
0x1ff: {  	v5 =	vadd.f32 $1.000000000e+00, v5;
	_ =	sdelay $0x1  }
0x200: {  	v5 =	vmax.f32 v5, $0.0e+00  }
0x201: {  	[tilespmem:s18+$0x1BF10] =	vst v5  }
0x202: {  	v6 =	vld.idx.msk [tilespmem:v1+s18+$0xFFFFFFF0 ss:$0x1], $0xffff;
	_ =	sdelay $0x4  }
0x203: {  	v5 =	vmul.f32 v6, v5;
	_ =	sdelay $0x1  }
0x204: {  	[tilespmem:s18+$0x1BF50] =	vst v5  }
0x205: {  	v5 =	vld.idx.msk [tilespmem:v0+s18+$0x0 ss:$0x1], $0xffff;
	_ =	sdelay $0x4  }
0x206: {  	v5 =	vadd.f32 $1.000000000e+00, v5;
	_ =	sdelay $0x1  }
0x207: {  	v5 =	vmax.f32 v5, $0.0e+00  }
0x208: {  	[tilespmem:s18+$0x1BF20] =	vst v5  }
0x209: {  	v6 =	vld.idx.msk [tilespmem:v1+s18+$0x0 ss:$0x1], $0xffff;
	_ =	sdelay $0x4  }
0x20a: {  	v5 =	vmul.f32 v6, v5;
	_ =	sdelay $0x1  }
0x20b: {  	[tilespmem:s18+$0x1BF60] =	vst v5  }
0x20c: {  	v5 =	vld.idx.msk [tilespmem:v0+s18+$0x10 ss:$0x1], $0xffff;
	_ =	sdelay $0x4  }
0x20d: {  	v5 =	vadd.f32 $1.000000000e+00, v5;
	_ =	sdelay $0x1  }
0x20e: {  	v5 =	vmax.f32 v5, $0.0e+00  }
0x20f: {  	[tilespmem:s18+$0x1BF30] =	vst v5  }
0x210: {  	v6 =	vld.idx.msk [tilespmem:v1+s18+$0x10 ss:$0x1], $0xffff;
	_ =	sdelay $0x4  }
0x211: {  	v5 =	vmul.f32 v6, v5;
	_ =	sdelay $0x1  }
0x212: {  	[tilespmem:s18+$0x1BF70] =	vst v5  }
0x213: {  	v5 =	vld [tilespmem:$0x13D00]  }
0x214: {  	v6 =	vld [tilespmem:$0x13D10];
	_ =	sdelay $0x3  }
0x215: {  	[tilespmem:$0x13E00] =	vst v5  }
0x216: {  	[tilespmem:$0x13E10] =	vst v6  }
0x217: {  	[spmem:s4] =	stream.indirect.scatter.add.f32 [tilespmem:s13], [sflag:$0x7], $0x80, s2, s1, $0xb8;
	[tilespmem:$0x1FF00] =	vst v63  }
0x218: {  	_ =	swait.ge [sflag:s8], $0x2000  }
0x219: {  	[sflag:s8] =	ssyncset.done $0x0  }
0x21a: {  	[sflag:s8] =	ssyncadd.s32 $0xFFFFE000  }
0x21b: {  	_ =	swait.ge [sflag:s11], $0x2000  }
0x21c: {  	[sflag:s11] =	ssyncset.done $0x0  }
0x21d: {  	[sflag:s11] =	ssyncadd.s32 $0xFFFFE000  }
0x21e: {  	_ =	swait.ge [sflag:s15], $0x1000  }
0x21f: {  	s20 =	simm.s32 $0x200;
	[sflag:s15] =	ssyncset.done $0x0  }
0x220: {  	s18 =	simm.s32 $0x0;
	s23 =	rddreg [dreg:$0x5];
	[sflag:s15] =	ssyncadd.s32 $0xFFFFF000  }
.LBB2_16:
0x221: {  	p0 =	sne.s32 s20, $0x7E00;
	v5 =	vld.idx.msk [tilespmem:v2+s18+$0x0 ss:$0x1], $0xffff;
	_ =	sdelay $0x5  }
0x222: {  	v5 =	vadd.f32 $1.000000000e+00, v5;
	_ =	sdelay $0x1  }
0x223: {  	v5 =	vmax.f32 v5, $0.0e+00  }
0x224: {  	[tilespmem:s18+$0x1DF00] =	vst v5  }
0x225: {  	v6 =	vld.idx.msk [tilespmem:v3+s18+$0x0 ss:$0x1], $0xffff;
	_ =	sdelay $0x5  }
0x226: {  	v5 =	vmul.f32 v6, v5;
	_ =	sdelay $0x1  }
0x227: {  	[tilespmem:s18+$0x1DF40] =	vst v5  }
0x228: {  	v5 =	vld.idx.msk [tilespmem:v2+s18+$0x10 ss:$0x1], $0xffff;
	_ =	sdelay $0x5  }
0x229: {  	v5 =	vadd.f32 $1.000000000e+00, v5;
	_ =	sdelay $0x1  }
0x22a: {  	v5 =	vmax.f32 v5, $0.0e+00  }
0x22b: {  	[tilespmem:s18+$0x1DF10] =	vst v5  }
0x22c: {  	v6 =	vld.idx.msk [tilespmem:v3+s18+$0x10 ss:$0x1], $0xffff;
	_ =	sdelay $0x5  }
0x22d: {  	v5 =	vmul.f32 v6, v5;
	_ =	sdelay $0x1  }
0x22e: {  	[tilespmem:s18+$0x1DF50] =	vst v5  }
0x22f: {  	v5 =	vld.idx.msk [tilespmem:v2+s18+$0x20 ss:$0x1], $0xffff;
	_ =	sdelay $0x5  }
0x230: {  	v5 =	vadd.f32 $1.000000000e+00, v5;
	_ =	sdelay $0x1  }
0x231: {  	v5 =	vmax.f32 v5, $0.0e+00  }
0x232: {  	[tilespmem:s18+$0x1DF20] =	vst v5  }
0x233: {  	v6 =	vld.idx.msk [tilespmem:v3+s18+$0x20 ss:$0x1], $0xffff;
	_ =	sdelay $0x5  }
0x234: {  	v5 =	vmul.f32 v6, v5;
	_ =	sdelay $0x1  }
0x235: {  	[tilespmem:s18+$0x1DF60] =	vst v5  }
0x236: {  	v5 =	vld.idx.msk [tilespmem:v2+s18+$0x30 ss:$0x1], $0xffff;
	_ =	sdelay $0x5  }
0x237: {  	v5 =	vadd.f32 $1.000000000e+00, v5;
	_ =	sdelay $0x1  }
0x238: {  	v5 =	vmax.f32 v5, $0.0e+00  }
0x239: {  	[tilespmem:s18+$0x1DF30] =	vst v5  }
0x23a: {  	v6 =	vld.idx.msk [tilespmem:v3+s18+$0x30 ss:$0x1], $0xffff;
	_ =	sdelay $0x3  }
.Ltmp7:
0x23b: {  	(pc) =	sbr.rel @p0 .LBB2_16-.Ltmp7, $3  }
0x23c: {  	_ = 	snop  }
0x23d: {  	v5 =	vmul.f32 v6, v5;
	_ =	sdelay $0x1  }
0x23e: {  	[tilespmem:s18+$0x1DF70] =	vst v5;
	s18 =	sshra.s32 s20, $0x2;
	s20 =	sadd.s32 $0x200, s20  }
0x23f: {  	_ =	sdelay $0x3  }
0x240: {  	v5 =	vld.idx.msk [tilespmem:v2+s18+$0x0 ss:$0x1], $0xffff;
	_ =	sdelay $0x4  }
0x241: {  	v5 =	vadd.f32 $1.000000000e+00, v5;
	_ =	sdelay $0x1  }
0x242: {  	v5 =	vmax.f32 v5, $0.0e+00  }
0x243: {  	[tilespmem:s18+$0x1DF00] =	vst v5  }
0x244: {  	v6 =	vld.idx.msk [tilespmem:v3+s18+$0x0 ss:$0x1], $0xffff;
	_ =	sdelay $0x4  }
0x245: {  	v5 =	vmul.f32 v6, v5;
	_ =	sdelay $0x1  }
0x246: {  	[tilespmem:s18+$0x1DF40] =	vst v5  }
0x247: {  	v5 =	vld.idx.msk [tilespmem:v2+s18+$0x10 ss:$0x1], $0xffff;
	_ =	sdelay $0x4  }
0x248: {  	v5 =	vadd.f32 $1.000000000e+00, v5;
	_ =	sdelay $0x1  }
0x249: {  	v5 =	vmax.f32 v5, $0.0e+00  }
0x24a: {  	[tilespmem:s18+$0x1DF10] =	vst v5  }
0x24b: {  	v6 =	vld.idx.msk [tilespmem:v3+s18+$0x10 ss:$0x1], $0xffff;
	_ =	sdelay $0x4  }
0x24c: {  	v5 =	vmul.f32 v6, v5;
	_ =	sdelay $0x1  }
0x24d: {  	[tilespmem:s18+$0x1DF50] =	vst v5  }
0x24e: {  	v5 =	vld.idx.msk [tilespmem:v2+s18+$0x20 ss:$0x1], $0xffff;
	_ =	sdelay $0x4  }
0x24f: {  	v5 =	vadd.f32 $1.000000000e+00, v5;
	_ =	sdelay $0x1  }
0x250: {  	v5 =	vmax.f32 v5, $0.0e+00  }
0x251: {  	[tilespmem:s18+$0x1DF20] =	vst v5  }
0x252: {  	v6 =	vld.idx.msk [tilespmem:v3+s18+$0x20 ss:$0x1], $0xffff;
	_ =	sdelay $0x4  }
0x253: {  	v5 =	vmul.f32 v6, v5;
	_ =	sdelay $0x1  }
0x254: {  	[tilespmem:s18+$0x1DF60] =	vst v5  }
0x255: {  	v5 =	vld.idx.msk [tilespmem:v2+s18+$0x30 ss:$0x1], $0xffff;
	_ =	sdelay $0x4  }
0x256: {  	v5 =	vadd.f32 $1.000000000e+00, v5;
	_ =	sdelay $0x1  }
0x257: {  	v5 =	vmax.f32 v5, $0.0e+00  }
0x258: {  	[tilespmem:s18+$0x1DF30] =	vst v5  }
0x259: {  	v6 =	vld.idx.msk [tilespmem:v3+s18+$0x30 ss:$0x1], $0xffff;
	_ =	sdelay $0x4  }
0x25a: {  	v5 =	vmul.f32 v6, v5;
	_ =	sdelay $0x1  }
0x25b: {  	[tilespmem:s18+$0x1DF70] =	vst v5  }
0x25c: {  	v5 =	vld [tilespmem:$0x13D80]  }
0x25d: {  	v6 =	vld [tilespmem:$0x13D90];
	_ =	sdelay $0x3  }
0x25e: {  	[tilespmem:$0x13E80] =	vst v5  }
0x25f: {  	[tilespmem:$0x13E90] =	vst v6  }
0x260: {  	[spmem:s4] =	stream.indirect.scatter.add.f32 [tilespmem:s10], [sflag:$0x8], $0x80, s12, s1, $0xb8;
	[tilespmem:$0x1FF00] =	vst v63  }
0x261: {  	_ =	swait.ge [sflag:s7], $0x1000  }
0x262: {  	[sflag:s7] =	ssyncset.done $0x0  }
0x263: {  	[sflag:s7] =	ssyncadd.s32 $0xFFFFF000  }
0x264: {  	_ =	swait.ge [sflag:s15], $0x1000  }
0x265: {  	[sflag:s15] =	ssyncset.done $0x0  }
0x266: {  	s28 =	stileid.u32;
	[sflag:s15] =	ssyncadd.s32 $0xFFFFF000  }
0x267: {  	s18 =	sshll.u32 s28, $0x6;
	[bflag:$0x0] =	sbarrier.arrive $0xFFFF  }
0x268: {  	s20 =	sshrl.u32 s23, $0x3;
	s18 =	sor.u32 $0x1C09, s18;
	s25 =	rddreg [dreg:$0xe]  }
0x269: {  	[hbm:s25], [sflag:s18] =	dma.local [spmem:s20], $0x2780  }
0x26a: {  	s25 =	simm.s32 $0x9  }
0x26b: {  	_ =	swait.ge [sflag:s25], $0x2780  }
0x26c: {  	s18 =	rddreg [dreg:$0x1d]  }
0x26d: {  	s28 =	rddreg [dreg:$0xf];
	s20 =	sadd.s32 $0x1, s18  }
0x26e: {  	p0 =	sne.s32 s20, s28  }
.Ltmp8:
0x26f: {  	_ = 	snop;
	(pc) =	sbr.rel @p0 .LBB2_1-.Ltmp8, $3  }
0x270: {  	_ =	sdelay $0x1  }
0x271: {  	[sflag:s25] =	ssyncset.done $0x0  }
0x272: {  	[sflag:s25] =	ssyncadd.s32 $0xFFFFD880  }
0x273: {  	_ =	sfence.sel $0x180000  }
0x274: {  	[bflag:$0x0] =	sbarrier.arrive $0xFFFF  }
0x275: {  	_ =	strace $0x9000004A  }
0x276: {  	s0 =	stileid.u32;
	[bflag:$0x2] =	sbarrier.arrive $0xFFFF  }
0x277: {  	p0 =	sne.s32 s0, $0x0;
	s0 =	rddreg [dreg:$0x4]  }
0x278: {  	s0 =	sadd.s32 @!p0 $0x100000, s0  }
0x279: {  	[sflag:s0] =	ssyncadd.tile.s32 @!p0 $0x1;
	_ =	shalt  }
.Lfunc_end2:
_tile_overlayer_lowered:
.L_overlay_start_2:
0x27a: {  	(tag) =	ssettag $0x2  }
0x27b: {  	s0 =	rddreg [dreg:$0x0];
	s2 =	stileid.u32  }
0x27c: {  	s1 =	rddreg [dreg:$0x1];
	p0 =	sne.s32 s2, $0x0  }
0x27d: {  	s3 =	rddreg [dreg:$0x2];
	[bflag:$0x3] =	sbarrier.arrive $0xFFFF;
	s2 =	simm.s32 @!p0 $0x1C09  }
0x27e: {  	[timem:s3], [sflag:s2] =	dma.local @!p0 [hbm:s0], s1  }
0x27f: {  	s0 =	simm.s32 @!p0 $0x9  }
0x280: {  	_ =	swait.ge @!p0 [sflag:s0], s1  }
0x281: {  	s1 =	ssub.s32 @!p0 $0x0, s1;
	[sflag:s0] =	ssyncset.done @!p0 $0x0  }
0x282: {  	[sflag:s0] =	ssyncadd.s32 @!p0 s1  }
0x283: {  	[bflag:$0x3] =	sbarrier.arrive $0xFFFF  }
0x284: {  	_ =	shalt  }

</sc_bundles>
